<compile_context>
chip_gen: v7x
topology: tpu7x:2x2x1
jax: 0.10.2.dev20260603
libtpu: 0.0.44.dev20260713+nightly
codegen_flags: <defaults>
</compile_context>

<pallas_src>
import functools

import jax
import jax.numpy as jnp
from jax import lax
from jax.experimental import pallas as pl
from jax.experimental.pallas import tpu as pltpu
from jax.experimental.pallas import tpu_sc as plsc

NC = 2
NS = 16
NT = NC * NS
L = 16
IB = 8192


def _matmul_t_kernel(h_ref, w_ref, ei_ref, o_ref, pk_ref, *, n_pad,
                     pad_rows, pad_val):
  r = jnp.dot(h_ref[...], w_ref[...], preferred_element_type=jnp.float32)
  rt = r.T
  o_ref[...] = jnp.concatenate(
      [rt, jnp.zeros((rt.shape[0], n_pad - rt.shape[1]), rt.dtype)], axis=1)
  p = ei_ref[0] | (ei_ref[1] << 16)
  pk_ref[...] = jnp.concatenate(
      [p, jnp.full((pad_rows, p.shape[1]), pad_val, p.dtype)], axis=0)


def _transpose_out_kernel(p_ref, o_ref, *, n):
  o_ref[...] = p_ref[:, :n].T


def _make_hop(n_pad, nch, d):
  cpt = d // NT
  nv = n_pad // L
  mesh = plsc.VectorSubcoreMesh(core_axis_name="c", subcore_axis_name="s")

  @functools.partial(
      pl.kernel,
      mesh=mesh,
      compiler_params=pltpu.CompilerParams(needs_layout_passes=False),
      out_type=jax.ShapeDtypeStruct((d * n_pad,), jnp.float32),
      scratch_types=[
          pltpu.VMEM((cpt * n_pad,), jnp.float32),
          pltpu.VMEM((cpt * n_pad,), jnp.float32),
          pltpu.VMEM((n_pad,), jnp.float32),
          [pltpu.VMEM((IB,), jnp.int32) for _ in range(2)],
          [pltpu.SemaphoreType.DMA for _ in range(2)],
      ],
  )
  def hop(xt_hbm, pk_hbm, nrm_hbm, out_hbm,
          xc_v, acc_v, nrm_v, idx_v, sems):
    c = lax.axis_index("c")
    s = lax.axis_index("s")
    base = (c * NS + s) * cpt * n_pad

    pltpu.sync_copy(xt_hbm.at[pl.ds(base, cpt * n_pad)], xc_v)
    pltpu.sync_copy(nrm_hbm, nrm_v)

    def zero(ref):
      @plsc.parallel_loop(0, cpt * n_pad // L, unroll=16)
      def _(i):
        ref[pl.ds(i * L, L)] = jnp.zeros((L,), jnp.float32)

    zero(acc_v)

    def scale(ref, sq):
      @plsc.parallel_loop(0, nv, unroll=16)
      def _(i):
        f = nrm_v[pl.ds(i * L, L)]
        if sq:
          f = f * f
        for col in range(cpt):
          o = col * n_pad + i * L
          ref[pl.ds(o, L)] = ref[pl.ds(o, L)] * f

    def packcols(ref, sq):
      for j in range(cpt // 2):
        @plsc.parallel_loop(0, nv, unroll=16)
        def _(i, j=j):
          f = nrm_v[pl.ds(i * L, L)]
          if sq:
            f = f * f
          a = ref[pl.ds(2 * j * n_pad + i * L, L)] * f
          b = ref[pl.ds((2 * j + 1) * n_pad + i * L, L)] * f
          packed = plsc.pack(a, b, format=plsc.PackFormat.INTERLEAVED)
          ref[pl.ds(j * n_pad + i * L, L)] = plsc.bitcast(
              packed, jnp.float32)

    def istart(k, b):
      pltpu.async_copy(pk_hbm.at[pl.ds(k * IB, IB)], idx_v[b], sems[b])

    def iwait(k, b):
      pltpu.make_async_copy(pk_hbm.at[pl.ds(k * IB, IB)], idx_v[b],
                            sems[b]).wait()

    def edge_sweep(src_ref, dst_ref):
      def process(b):
        @plsc.parallel_loop(0, IB // L, unroll=64)
        def _(g):
          p = idx_v[b][pl.ds(g * L, L)]
          si = p & 0xFFFF
          di = lax.shift_right_logical(p, 16)
          for pc in range(cpt // 2):
            v = plsc.load_gather(src_ref, [si + pc * n_pad])
            a, bb = plsc.unpack(plsc.bitcast(v, jnp.bfloat16),
                                format=plsc.PackFormat.INTERLEAVED)
            plsc.addupdate_scatter(dst_ref, [di + 2 * pc * n_pad], a)
            plsc.addupdate_scatter(dst_ref, [di + (2 * pc + 1) * n_pad], bb)

      istart(0, 0)
      istart(1, 1)

      def pair(jj, carry):
        k0 = 2 * jj
        iwait(k0, 0)
        process(0)

        @pl.when(k0 + 2 < nch)
        def _():
          istart(k0 + 2, 0)

        iwait(k0 + 1, 1)
        process(1)

        @pl.when(k0 + 3 < nch)
        def _():
          istart(k0 + 3, 1)

        return carry

      lax.fori_loop(0, nch // 2, pair, 0, unroll=False)

    packcols(xc_v, sq=False)
    edge_sweep(xc_v, acc_v)
    packcols(acc_v, sq=True)
    zero(xc_v)
    edge_sweep(acc_v, xc_v)
    scale(xc_v, sq=False)

    pltpu.sync_copy(xc_v, out_hbm.at[pl.ds(base, cpt * n_pad)])

  return hop


def kernel(h, W, norm, edge_index):
  n, d_in = h.shape
  d = W.shape[1]
  e = edge_index.shape[1]

  nch = -(-e // IB)
  nch = nch + (nch % 2)
  e_pad = nch * IB
  n_pad = -(-(n + 1) // 8) * 8
  cpt = d // NT

  er = e // 128
  er_pad = e_pad // 128
  nrm = jnp.pad(norm.reshape(n), (0, n_pad - n))

  matmul_t = pl.pallas_call(
      functools.partial(_matmul_t_kernel, n_pad=n_pad, pad_rows=er_pad - er,
                        pad_val=n << 16),
      out_shape=(jax.ShapeDtypeStruct((d, n_pad), jnp.float32),
                 jax.ShapeDtypeStruct((er_pad, 128), jnp.int32)),
  )

  transpose_out = pl.pallas_call(
      functools.partial(_transpose_out_kernel, n=n),
      out_shape=jax.ShapeDtypeStruct((n, d), jnp.float32),
  )

  hop = _make_hop(n_pad, nch, d)

  x, packed = matmul_t(h, W, edge_index.reshape(2, er, 128))
  p = hop(x.reshape(d * n_pad), packed.reshape(e_pad), nrm)
  return transpose_out(p.reshape(d, n_pad))

# --- scband reference (transcript-rebuilt; emitter-appended) ---
"""Pipeline reference for scband-sgclayer-10531259810063 (READ-ONLY COPY).

The authoritative reference and input builder live on the scoring server;
editing this copy changes nothing except your own understanding.
"""

import jax, jax.numpy as jnp
import numpy as np

N = 10000
E = 320000
D_IN = 128
D_OUT = 128
K = 2

def setup_inputs(seed: int = 0):
    key = jax.random.key(seed)
    k1, k2, k3, k4 = jax.random.split(key, 4)
    h = jax.random.normal(k1, (N, D_IN), dtype=jnp.float32)
    edge_index = jax.random.randint(k2, (2, E), 0, N, dtype=jnp.int32)
    norm = jax.random.uniform(k3, (N, 1), dtype=jnp.float32)
    stdv = 1.0 / np.sqrt(D_OUT)
    W = jax.random.uniform(k4, (D_IN, D_OUT), minval=-stdv, maxval=stdv, dtype=jnp.float32)
    return {"h": h, "W": W, "norm": norm, "edge_index": edge_index}

def reference(h, W, norm, edge_index):
    # h = h @ weight
    h = jnp.matmul(h, W)
    src = edge_index[0]
    dst = edge_index[1]
    for _ in range(K):
        # symmetric normalization (pre)
        h = h * norm
        # update_all(copy_src, sum): gather source features along edges, scatter-add to dst
        m = jnp.take(h, src, axis=0)
        h = jax.ops.segment_sum(m, dst, num_segments=N)
        # symmetric normalization (post)
        h = h * norm
    return h

if __name__ == "__main__":
    import jax
    _d = setup_inputs()
    print(jax.jit(kernel)(*tuple(_d.values())))

</pallas_src>

<mosaic_0001>
#map = affine_map<(d0, d1) -> (0)>
module attributes {stable_mosaic.version = 14 : i64} {
  func.func @hop(%arg0: i32, %arg1: i32, %arg2: memref<1281024xf32, #tpu.memory_space<hbm>>, %arg3: memref<327680xi32, #tpu.memory_space<hbm>>, %arg4: memref<10008xf32, #tpu.memory_space<hbm>>, %arg5: memref<1281024xf32, #tpu.memory_space<hbm>>, %arg6: memref<40032xf32, #tpu.memory_space<vmem>>, %arg7: memref<40032xf32, #tpu.memory_space<vmem>>, %arg8: memref<10008xf32, #tpu.memory_space<vmem>>, %arg9: memref<8192xi32, #tpu.memory_space<vmem>>, %arg10: memref<8192xi32, #tpu.memory_space<vmem>>, %arg11: memref<!tpu.dma_semaphore, #tpu.memory_space<semaphore_mem>>, %arg12: memref<!tpu.dma_semaphore, #tpu.memory_space<semaphore_mem>>) attributes {dimension_semantics = [#tpu.dimension_semantics<core_parallel>, #tpu.dimension_semantics<subcore_parallel>], iteration_bounds = array<i64: 2, 16>, scalar_prefetch = 0 : i64, scratch_operands = 7 : i64, tpu.core_type = #tpu.core_type<sc_vector_subcore>, window_params = [{transform_indices = #map}, {transform_indices = #map}, {transform_indices = #map}, {transform_indices = #map}]} {
    %mul3A = arith.constant 16 : i32
    %mul3A_0 = arith.muli %arg0, %mul3A : i32
    %add3A = arith.addi %mul3A_0, %arg1 : i32
    %mul3A_1 = arith.constant 4 : i32
    %mul3A_2 = arith.muli %add3A, %mul3A_1 : i32
    %mul3A_3 = arith.constant 10008 : i32
    %mul3A_4 = arith.muli %mul3A_2, %mul3A_3 : i32
    "tpu.region"() ({
      %run_scoped3A = tpu.sem_alloc : memref<!tpu.dma_semaphore, #tpu.memory_space<semaphore_mem>>
      %dma_start3A_51 = tpu.memref_slice %arg2[%mul3A_4] : memref<1281024xf32, #tpu.memory_space<hbm>> -> memref<40032xf32, #tpu.memory_space<hbm>>
      %dma_start3A_52 = tpu.memref_slice %arg2[%mul3A_4] : memref<1281024xf32, #tpu.memory_space<hbm>> -> memref<40032xf32, #tpu.memory_space<hbm>>
      tpu.enqueue_dma source(%dma_start3A_52 : memref<40032xf32, #tpu.memory_space<hbm>>) target(%arg6 : memref<40032xf32, #tpu.memory_space<vmem>>) target_semaphore(%run_scoped3A : memref<!tpu.dma_semaphore, #tpu.memory_space<semaphore_mem>>)
      %dma_wait3A = tpu.memref_slice %arg2[%mul3A_4] : memref<1281024xf32, #tpu.memory_space<hbm>> -> memref<40032xf32, #tpu.memory_space<hbm>>
      %dma_wait3A_53 = tpu.memref_slice %arg2[%mul3A_4] : memref<1281024xf32, #tpu.memory_space<hbm>> -> memref<40032xf32, #tpu.memory_space<hbm>>
      tpu.wait_dma2 semaphore(%run_scoped3A : memref<!tpu.dma_semaphore, #tpu.memory_space<semaphore_mem>>) src(%dma_wait3A_53 : memref<40032xf32, #tpu.memory_space<hbm>>) dst(%arg6 : memref<40032xf32, #tpu.memory_space<vmem>>)
      tpu.yield
    }) : () -> ()
    "tpu.region"() ({
      %run_scoped3A = tpu.sem_alloc : memref<!tpu.dma_semaphore, #tpu.memory_space<semaphore_mem>>
      tpu.enqueue_dma source(%arg4 : memref<10008xf32, #tpu.memory_space<hbm>>) target(%arg8 : memref<10008xf32, #tpu.memory_space<vmem>>) target_semaphore(%run_scoped3A : memref<!tpu.dma_semaphore, #tpu.memory_space<semaphore_mem>>)
      tpu.wait_dma2 semaphore(%run_scoped3A : memref<!tpu.dma_semaphore, #tpu.memory_space<semaphore_mem>>) src(%arg4 : memref<10008xf32, #tpu.memory_space<hbm>>) dst(%arg8 : memref<10008xf32, #tpu.memory_space<vmem>>)
      tpu.yield
    }) : () -> ()
    %parallel_loop3A = arith.constant 0 : i32
    %parallel_loop3A_5 = arith.constant 2502 : i32
    %parallel_loop3A_6 = arith.constant 1 : i32
    scf.for %parallel_loop3A_51 = %parallel_loop3A to %parallel_loop3A_5 step %parallel_loop3A_6  : i32 {
      %parallel_loop3A_52 = arith.constant 0.000000e+00 : f32
      %parallel_loop3A_53 = vector.broadcast %parallel_loop3A_52 : f32 to vector<16xf32>
      %parallel_loop3A_54 = arith.constant 16 : i32
      %parallel_loop3A_55 = arith.muli %parallel_loop3A_51, %parallel_loop3A_54 : i32
      %parallel_loop3A_56 = arith.index_cast %parallel_loop3A_55 : i32 to index
      %parallel_loop3A_57 = tpu.vector_load %arg7[%parallel_loop3A_56] {strides = array<i32>} : memref<40032xf32, #tpu.memory_space<vmem>>, vector<16xf32>,
      tpu.vector_store %arg7[%parallel_loop3A_56], %parallel_loop3A_53 {strides = array<i32>} : memref<40032xf32, #tpu.memory_space<vmem>>, vector<16xf32>,
    } {sc.loop_unroll_factor = 16 : i64, sc.parallel_access}
    %parallel_loop3A_7 = arith.constant 0 : i32
    %parallel_loop3A_8 = arith.constant 625 : i32
    %parallel_loop3A_9 = arith.constant 1 : i32
    scf.for %parallel_loop3A_51 = %parallel_loop3A_7 to %parallel_loop3A_8 step %parallel_loop3A_9  : i32 {
      %parallel_loop3A_52 = arith.constant 16 : i32
      %parallel_loop3A_53 = arith.muli %parallel_loop3A_51, %parallel_loop3A_52 : i32
      %parallel_loop3A_54 = arith.index_cast %parallel_loop3A_53 : i32 to index
      %parallel_loop3A_55 = tpu.vector_load %arg8[%parallel_loop3A_54] {strides = array<i32>} : memref<10008xf32, #tpu.memory_space<vmem>>, vector<16xf32>,
      %parallel_loop3A_56 = arith.constant 16 : i32
      %parallel_loop3A_57 = arith.muli %parallel_loop3A_51, %parallel_loop3A_56 : i32
      %parallel_loop3A_58 = arith.constant 0 : i32
      %parallel_loop3A_59 = arith.addi %parallel_loop3A_58, %parallel_loop3A_57 : i32
      %parallel_loop3A_60 = arith.index_cast %parallel_loop3A_59 : i32 to index
      %parallel_loop3A_61 = tpu.vector_load %arg6[%parallel_loop3A_60] {strides = array<i32>} : memref<40032xf32, #tpu.memory_space<vmem>>, vector<16xf32>,
      %parallel_loop3A_62 = arith.mulf %parallel_loop3A_61, %parallel_loop3A_55 : vector<16xf32>
      %parallel_loop3A_63 = arith.constant 16 : i32
      %parallel_loop3A_64 = arith.muli %parallel_loop3A_51, %parallel_loop3A_63 : i32
      %parallel_loop3A_65 = arith.constant 10008 : i32
      %parallel_loop3A_66 = arith.addi %parallel_loop3A_65, %parallel_loop3A_64 : i32
      %parallel_loop3A_67 = arith.index_cast %parallel_loop3A_66 : i32 to index
      %parallel_loop3A_68 = tpu.vector_load %arg6[%parallel_loop3A_67] {strides = array<i32>} : memref<40032xf32, #tpu.memory_space<vmem>>, vector<16xf32>,
      %parallel_loop3A_69 = arith.mulf %parallel_loop3A_68, %parallel_loop3A_55 : vector<16xf32>
      %parallel_loop3A_70 = tpu.pack_subelements %parallel_loop3A_62, %parallel_loop3A_69 {pack_format = #tpu.pack_format<interleaved>, positions = array<i32: 0, 1>} : vector<16xf32>, vector<16xf32> -> vector<32xbf16>
      %parallel_loop3A_71 = vector.bitcast %parallel_loop3A_70 : vector<32xbf16> to vector<16xf32>
      %parallel_loop3A_72 = arith.constant 16 : i32
      %parallel_loop3A_73 = arith.muli %parallel_loop3A_51, %parallel_loop3A_72 : i32
      %parallel_loop3A_74 = arith.constant 0 : i32
      %parallel_loop3A_75 = arith.addi %parallel_loop3A_74, %parallel_loop3A_73 : i32
      %parallel_loop3A_76 = arith.index_cast %parallel_loop3A_75 : i32 to index
      %parallel_loop3A_77 = tpu.vector_load %arg6[%parallel_loop3A_76] {strides = array<i32>} : memref<40032xf32, #tpu.memory_space<vmem>>, vector<16xf32>,
      tpu.vector_store %arg6[%parallel_loop3A_76], %parallel_loop3A_71 {strides = array<i32>} : memref<40032xf32, #tpu.memory_space<vmem>>, vector<16xf32>,
    } {sc.loop_unroll_factor = 16 : i64, sc.parallel_access}
    %parallel_loop3A_10 = arith.constant 0 : i32
    %parallel_loop3A_11 = arith.constant 625 : i32
    %parallel_loop3A_12 = arith.constant 1 : i32
    scf.for %parallel_loop3A_51 = %parallel_loop3A_10 to %parallel_loop3A_11 step %parallel_loop3A_12  : i32 {
      %parallel_loop3A_52 = arith.constant 16 : i32
      %parallel_loop3A_53 = arith.muli %parallel_loop3A_51, %parallel_loop3A_52 : i32
      %parallel_loop3A_54 = arith.index_cast %parallel_loop3A_53 : i32 to index
      %parallel_loop3A_55 = tpu.vector_load %arg8[%parallel_loop3A_54] {strides = array<i32>} : memref<10008xf32, #tpu.memory_space<vmem>>, vector<16xf32>,
      %parallel_loop3A_56 = arith.constant 16 : i32
      %parallel_loop3A_57 = arith.muli %parallel_loop3A_51, %parallel_loop3A_56 : i32
      %parallel_loop3A_58 = arith.constant 20016 : i32
      %parallel_loop3A_59 = arith.addi %parallel_loop3A_58, %parallel_loop3A_57 : i32
      %parallel_loop3A_60 = arith.index_cast %parallel_loop3A_59 : i32 to index
      %parallel_loop3A_61 = tpu.vector_load %arg6[%parallel_loop3A_60] {strides = array<i32>} : memref<40032xf32, #tpu.memory_space<vmem>>, vector<16xf32>,
      %parallel_loop3A_62 = arith.mulf %parallel_loop3A_61, %parallel_loop3A_55 : vector<16xf32>
      %parallel_loop3A_63 = arith.constant 16 : i32
      %parallel_loop3A_64 = arith.muli %parallel_loop3A_51, %parallel_loop3A_63 : i32
      %parallel_loop3A_65 = arith.constant 30024 : i32
      %parallel_loop3A_66 = arith.addi %parallel_loop3A_65, %parallel_loop3A_64 : i32
      %parallel_loop3A_67 = arith.index_cast %parallel_loop3A_66 : i32 to index
      %parallel_loop3A_68 = tpu.vector_load %arg6[%parallel_loop3A_67] {strides = array<i32>} : memref<40032xf32, #tpu.memory_space<vmem>>, vector<16xf32>,
      %parallel_loop3A_69 = arith.mulf %parallel_loop3A_68, %parallel_loop3A_55 : vector<16xf32>
      %parallel_loop3A_70 = tpu.pack_subelements %parallel_loop3A_62, %parallel_loop3A_69 {pack_format = #tpu.pack_format<interleaved>, positions = array<i32: 0, 1>} : vector<16xf32>, vector<16xf32> -> vector<32xbf16>
      %parallel_loop3A_71 = vector.bitcast %parallel_loop3A_70 : vector<32xbf16> to vector<16xf32>
      %parallel_loop3A_72 = arith.constant 16 : i32
      %parallel_loop3A_73 = arith.muli %parallel_loop3A_51, %parallel_loop3A_72 : i32
      %parallel_loop3A_74 = arith.constant 10008 : i32
      %parallel_loop3A_75 = arith.addi %parallel_loop3A_74, %parallel_loop3A_73 : i32
      %parallel_loop3A_76 = arith.index_cast %parallel_loop3A_75 : i32 to index
      %parallel_loop3A_77 = tpu.vector_load %arg6[%parallel_loop3A_76] {strides = array<i32>} : memref<40032xf32, #tpu.memory_space<vmem>>, vector<16xf32>,
      tpu.vector_store %arg6[%parallel_loop3A_76], %parallel_loop3A_71 {strides = array<i32>} : memref<40032xf32, #tpu.memory_space<vmem>>, vector<16xf32>,
    } {sc.loop_unroll_factor = 16 : i64, sc.parallel_access}
    %dma_start3A = arith.constant 0 : i32
    %dma_start3A_13 = tpu.memref_slice %arg3[%dma_start3A] : memref<327680xi32, #tpu.memory_space<hbm>> -> memref<8192xi32, #tpu.memory_space<hbm>>
    %dma_start3A_14 = arith.constant 0 : i32
    %dma_start3A_15 = tpu.memref_slice %arg3[%dma_start3A_14] : memref<327680xi32, #tpu.memory_space<hbm>> -> memref<8192xi32, #tpu.memory_space<hbm>>
    tpu.enqueue_dma source(%dma_start3A_15 : memref<8192xi32, #tpu.memory_space<hbm>>) target(%arg9 : memref<8192xi32, #tpu.memory_space<vmem>>) target_semaphore(%arg11 : memref<!tpu.dma_semaphore, #tpu.memory_space<semaphore_mem>>)
    %dma_start3A_16 = arith.constant 8192 : i32
    %dma_start3A_17 = tpu.memref_slice %arg3[%dma_start3A_16] : memref<327680xi32, #tpu.memory_space<hbm>> -> memref<8192xi32, #tpu.memory_space<hbm>>
    %dma_start3A_18 = arith.constant 8192 : i32
    %dma_start3A_19 = tpu.memref_slice %arg3[%dma_start3A_18] : memref<327680xi32, #tpu.memory_space<hbm>> -> memref<8192xi32, #tpu.memory_space<hbm>>
    tpu.enqueue_dma source(%dma_start3A_19 : memref<8192xi32, #tpu.memory_space<hbm>>) target(%arg10 : memref<8192xi32, #tpu.memory_space<vmem>>) target_semaphore(%arg12 : memref<!tpu.dma_semaphore, #tpu.memory_space<semaphore_mem>>)
    %scan3A = arith.constant 0 : i32
    %scan3A_20 = arith.constant 0 : i32
    %scan3A_21 = arith.constant 20 : i32
    %scan3A_22 = arith.addi %scan3A_20, %scan3A_21 : i32
    %scan3A_23 = arith.constant 1 : i32
    scf.for %scan3A_51 = %scan3A_20 to %scan3A_22 step %scan3A_23  : i32 {
      %mul3A_52 = arith.constant 2 : i32
      %mul3A_53 = arith.muli %mul3A_52, %scan3A_51 : i32
      %mul3A_54 = arith.constant 8192 : i32
      %mul3A_55 = arith.muli %mul3A_53, %mul3A_54 : i32
      %dma_wait3A = tpu.memref_slice %arg3[%mul3A_55] : memref<327680xi32, #tpu.memory_space<hbm>> -> memref<8192xi32, #tpu.memory_space<hbm>>
      %dma_wait3A_56 = tpu.memref_slice %arg3[%mul3A_55] : memref<327680xi32, #tpu.memory_space<hbm>> -> memref<8192xi32, #tpu.memory_space<hbm>>
      tpu.wait_dma2 semaphore(%arg11 : memref<!tpu.dma_semaphore, #tpu.memory_space<semaphore_mem>>) src(%dma_wait3A_56 : memref<8192xi32, #tpu.memory_space<hbm>>) dst(%arg9 : memref<8192xi32, #tpu.memory_space<vmem>>)
      %parallel_loop3A_57 = arith.constant 0 : i32
      %parallel_loop3A_58 = arith.constant 512 : i32
      %parallel_loop3A_59 = arith.constant 1 : i32
      scf.for %parallel_loop3A_80 = %parallel_loop3A_57 to %parallel_loop3A_58 step %parallel_loop3A_59  : i32 {
        %parallel_loop3A_81 = arith.constant 16 : i32
        %parallel_loop3A_82 = arith.muli %parallel_loop3A_80, %parallel_loop3A_81 : i32
        %parallel_loop3A_83 = arith.index_cast %parallel_loop3A_82 : i32 to index
        %parallel_loop3A_84 = tpu.vector_load %arg9[%parallel_loop3A_83] {strides = array<i32>} : memref<8192xi32, #tpu.memory_space<vmem>>, vector<16xi32>,
        %parallel_loop3A_85 = arith.constant 65535 : i32
        %parallel_loop3A_86 = vector.broadcast %parallel_loop3A_85 : i32 to vector<16xi32>
        %parallel_loop3A_87 = arith.andi %parallel_loop3A_84, %parallel_loop3A_86 : vector<16xi32>
        %parallel_loop3A_88 = arith.constant 16 : i32
        %parallel_loop3A_89 = vector.broadcast %parallel_loop3A_88 : i32 to vector<16xi32>
        %parallel_loop3A_90 = arith.shrui %parallel_loop3A_84, %parallel_loop3A_89 : vector<16xi32>
        %parallel_loop3A_91 = arith.constant 0 : i32
        %parallel_loop3A_92 = vector.broadcast %parallel_loop3A_91 : i32 to vector<16xi32>
        %parallel_loop3A_93 = arith.addi %parallel_loop3A_87, %parallel_loop3A_92 : vector<16xi32>
        %parallel_loop3A_94 = tpu.vector_load_idx %arg6[%parallel_loop3A_93] : memref<40032xf32, #tpu.memory_space<vmem>>[vector<16xi32>], vector<16xf32>,
        %parallel_loop3A_95 = vector.bitcast %parallel_loop3A_94 : vector<16xf32> to vector<32xbf16>
        %parallel_loop3A_96 = tpu.unpack_subelements %parallel_loop3A_95, 0 {pack_format = #tpu.pack_format<interleaved>} : vector<32xbf16> -> vector<16xf32>
        %parallel_loop3A_97 = tpu.unpack_subelements %parallel_loop3A_95, 1 {pack_format = #tpu.pack_format<interleaved>} : vector<32xbf16> -> vector<16xf32>
        %parallel_loop3A_98 = arith.constant 0 : i32
        %parallel_loop3A_99 = vector.broadcast %parallel_loop3A_98 : i32 to vector<16xi32>
        %parallel_loop3A_100 = arith.addi %parallel_loop3A_90, %parallel_loop3A_99 : vector<16xi32>
        tpu.vector_store_idx %arg7[%parallel_loop3A_100], %parallel_loop3A_96 {add = true} : memref<40032xf32, #tpu.memory_space<vmem>>[vector<16xi32>], vector<16xf32>,
        %parallel_loop3A_101 = arith.constant 10008 : i32
        %parallel_loop3A_102 = vector.broadcast %parallel_loop3A_101 : i32 to vector<16xi32>
        %parallel_loop3A_103 = arith.addi %parallel_loop3A_90, %parallel_loop3A_102 : vector<16xi32>
        tpu.vector_store_idx %arg7[%parallel_loop3A_103], %parallel_loop3A_97 {add = true} : memref<40032xf32, #tpu.memory_space<vmem>>[vector<16xi32>], vector<16xf32>,
        %parallel_loop3A_104 = arith.constant 10008 : i32
        %parallel_loop3A_105 = vector.broadcast %parallel_loop3A_104 : i32 to vector<16xi32>
        %parallel_loop3A_106 = arith.addi %parallel_loop3A_87, %parallel_loop3A_105 : vector<16xi32>
        %parallel_loop3A_107 = tpu.vector_load_idx %arg6[%parallel_loop3A_106] : memref<40032xf32, #tpu.memory_space<vmem>>[vector<16xi32>], vector<16xf32>,
        %parallel_loop3A_108 = vector.bitcast %parallel_loop3A_107 : vector<16xf32> to vector<32xbf16>
        %parallel_loop3A_109 = tpu.unpack_subelements %parallel_loop3A_108, 0 {pack_format = #tpu.pack_format<interleaved>} : vector<32xbf16> -> vector<16xf32>
        %parallel_loop3A_110 = tpu.unpack_subelements %parallel_loop3A_108, 1 {pack_format = #tpu.pack_format<interleaved>} : vector<32xbf16> -> vector<16xf32>
        %parallel_loop3A_111 = arith.constant 20016 : i32
        %parallel_loop3A_112 = vector.broadcast %parallel_loop3A_111 : i32 to vector<16xi32>
        %parallel_loop3A_113 = arith.addi %parallel_loop3A_90, %parallel_loop3A_112 : vector<16xi32>
        tpu.vector_store_idx %arg7[%parallel_loop3A_113], %parallel_loop3A_109 {add = true} : memref<40032xf32, #tpu.memory_space<vmem>>[vector<16xi32>], vector<16xf32>,
        %parallel_loop3A_114 = arith.constant 30024 : i32
        %parallel_loop3A_115 = vector.broadcast %parallel_loop3A_114 : i32 to vector<16xi32>
        %parallel_loop3A_116 = arith.addi %parallel_loop3A_90, %parallel_loop3A_115 : vector<16xi32>
        tpu.vector_store_idx %arg7[%parallel_loop3A_116], %parallel_loop3A_110 {add = true} : memref<40032xf32, #tpu.memory_space<vmem>>[vector<16xi32>], vector<16xf32>,
      } {sc.loop_unroll_factor = 64 : i64, sc.parallel_access}
      %add3A_60 = arith.constant 2 : i32
      %add3A_61 = arith.addi %mul3A_53, %add3A_60 : i32
      %lt3A = arith.constant 40 : i32
      %lt3A_62 = arith.cmpi slt, %add3A_61, %lt3A : i32
      %convert_element_type3A = arith.extui %lt3A_62 : i1 to i32
      %cond3A = arith.constant 0 : i32
      %cond3A_63 = arith.cmpi ne, %convert_element_type3A, %cond3A : i32
      scf.if %cond3A_63 {
        %add3A_80 = arith.constant 2 : i32
        %add3A_81 = arith.addi %mul3A_53, %add3A_80 : i32
        %mul3A_82 = arith.constant 8192 : i32
        %mul3A_83 = arith.muli %add3A_81, %mul3A_82 : i32
        %dma_start3A_84 = tpu.memref_slice %arg3[%mul3A_83] : memref<327680xi32, #tpu.memory_space<hbm>> -> memref<8192xi32, #tpu.memory_space<hbm>>
        %dma_start3A_85 = tpu.memref_slice %arg3[%mul3A_83] : memref<327680xi32, #tpu.memory_space<hbm>> -> memref<8192xi32, #tpu.memory_space<hbm>>
        tpu.enqueue_dma source(%dma_start3A_85 : memref<8192xi32, #tpu.memory_space<hbm>>) target(%arg9 : memref<8192xi32, #tpu.memory_space<vmem>>) target_semaphore(%arg11 : memref<!tpu.dma_semaphore, #tpu.memory_space<semaphore_mem>>)
      } else {
      }
      %add3A_64 = arith.constant 1 : i32
      %add3A_65 = arith.addi %mul3A_53, %add3A_64 : i32
      %mul3A_66 = arith.constant 8192 : i32
      %mul3A_67 = arith.muli %add3A_65, %mul3A_66 : i32
      %dma_wait3A_68 = tpu.memref_slice %arg3[%mul3A_67] : memref<327680xi32, #tpu.memory_space<hbm>> -> memref<8192xi32, #tpu.memory_space<hbm>>
      %dma_wait3A_69 = tpu.memref_slice %arg3[%mul3A_67] : memref<327680xi32, #tpu.memory_space<hbm>> -> memref<8192xi32, #tpu.memory_space<hbm>>
      tpu.wait_dma2 semaphore(%arg12 : memref<!tpu.dma_semaphore, #tpu.memory_space<semaphore_mem>>) src(%dma_wait3A_69 : memref<8192xi32, #tpu.memory_space<hbm>>) dst(%arg10 : memref<8192xi32, #tpu.memory_space<vmem>>)
      %parallel_loop3A_70 = arith.constant 0 : i32
      %parallel_loop3A_71 = arith.constant 512 : i32
      %parallel_loop3A_72 = arith.constant 1 : i32
      scf.for %parallel_loop3A_80 = %parallel_loop3A_70 to %parallel_loop3A_71 step %parallel_loop3A_72  : i32 {
        %parallel_loop3A_81 = arith.constant 16 : i32
        %parallel_loop3A_82 = arith.muli %parallel_loop3A_80, %parallel_loop3A_81 : i32
        %parallel_loop3A_83 = arith.index_cast %parallel_loop3A_82 : i32 to index
        %parallel_loop3A_84 = tpu.vector_load %arg10[%parallel_loop3A_83] {strides = array<i32>} : memref<8192xi32, #tpu.memory_space<vmem>>, vector<16xi32>,
        %parallel_loop3A_85 = arith.constant 65535 : i32
        %parallel_loop3A_86 = vector.broadcast %parallel_loop3A_85 : i32 to vector<16xi32>
        %parallel_loop3A_87 = arith.andi %parallel_loop3A_84, %parallel_loop3A_86 : vector<16xi32>
        %parallel_loop3A_88 = arith.constant 16 : i32
        %parallel_loop3A_89 = vector.broadcast %parallel_loop3A_88 : i32 to vector<16xi32>
        %parallel_loop3A_90 = arith.shrui %parallel_loop3A_84, %parallel_loop3A_89 : vector<16xi32>
        %parallel_loop3A_91 = arith.constant 0 : i32
        %parallel_loop3A_92 = vector.broadcast %parallel_loop3A_91 : i32 to vector<16xi32>
        %parallel_loop3A_93 = arith.addi %parallel_loop3A_87, %parallel_loop3A_92 : vector<16xi32>
        %parallel_loop3A_94 = tpu.vector_load_idx %arg6[%parallel_loop3A_93] : memref<40032xf32, #tpu.memory_space<vmem>>[vector<16xi32>], vector<16xf32>,
        %parallel_loop3A_95 = vector.bitcast %parallel_loop3A_94 : vector<16xf32> to vector<32xbf16>
        %parallel_loop3A_96 = tpu.unpack_subelements %parallel_loop3A_95, 0 {pack_format = #tpu.pack_format<interleaved>} : vector<32xbf16> -> vector<16xf32>
        %parallel_loop3A_97 = tpu.unpack_subelements %parallel_loop3A_95, 1 {pack_format = #tpu.pack_format<interleaved>} : vector<32xbf16> -> vector<16xf32>
        %parallel_loop3A_98 = arith.constant 0 : i32
        %parallel_loop3A_99 = vector.broadcast %parallel_loop3A_98 : i32 to vector<16xi32>
        %parallel_loop3A_100 = arith.addi %parallel_loop3A_90, %parallel_loop3A_99 : vector<16xi32>
        tpu.vector_store_idx %arg7[%parallel_loop3A_100], %parallel_loop3A_96 {add = true} : memref<40032xf32, #tpu.memory_space<vmem>>[vector<16xi32>], vector<16xf32>,
        %parallel_loop3A_101 = arith.constant 10008 : i32
        %parallel_loop3A_102 = vector.broadcast %parallel_loop3A_101 : i32 to vector<16xi32>
        %parallel_loop3A_103 = arith.addi %parallel_loop3A_90, %parallel_loop3A_102 : vector<16xi32>
        tpu.vector_store_idx %arg7[%parallel_loop3A_103], %parallel_loop3A_97 {add = true} : memref<40032xf32, #tpu.memory_space<vmem>>[vector<16xi32>], vector<16xf32>,
        %parallel_loop3A_104 = arith.constant 10008 : i32
        %parallel_loop3A_105 = vector.broadcast %parallel_loop3A_104 : i32 to vector<16xi32>
        %parallel_loop3A_106 = arith.addi %parallel_loop3A_87, %parallel_loop3A_105 : vector<16xi32>
        %parallel_loop3A_107 = tpu.vector_load_idx %arg6[%parallel_loop3A_106] : memref<40032xf32, #tpu.memory_space<vmem>>[vector<16xi32>], vector<16xf32>,
        %parallel_loop3A_108 = vector.bitcast %parallel_loop3A_107 : vector<16xf32> to vector<32xbf16>
        %parallel_loop3A_109 = tpu.unpack_subelements %parallel_loop3A_108, 0 {pack_format = #tpu.pack_format<interleaved>} : vector<32xbf16> -> vector<16xf32>
        %parallel_loop3A_110 = tpu.unpack_subelements %parallel_loop3A_108, 1 {pack_format = #tpu.pack_format<interleaved>} : vector<32xbf16> -> vector<16xf32>
        %parallel_loop3A_111 = arith.constant 20016 : i32
        %parallel_loop3A_112 = vector.broadcast %parallel_loop3A_111 : i32 to vector<16xi32>
        %parallel_loop3A_113 = arith.addi %parallel_loop3A_90, %parallel_loop3A_112 : vector<16xi32>
        tpu.vector_store_idx %arg7[%parallel_loop3A_113], %parallel_loop3A_109 {add = true} : memref<40032xf32, #tpu.memory_space<vmem>>[vector<16xi32>], vector<16xf32>,
        %parallel_loop3A_114 = arith.constant 30024 : i32
        %parallel_loop3A_115 = vector.broadcast %parallel_loop3A_114 : i32 to vector<16xi32>
        %parallel_loop3A_116 = arith.addi %parallel_loop3A_90, %parallel_loop3A_115 : vector<16xi32>
        tpu.vector_store_idx %arg7[%parallel_loop3A_116], %parallel_loop3A_110 {add = true} : memref<40032xf32, #tpu.memory_space<vmem>>[vector<16xi32>], vector<16xf32>,
      } {sc.loop_unroll_factor = 64 : i64, sc.parallel_access}
      %add3A_73 = arith.constant 3 : i32
      %add3A_74 = arith.addi %mul3A_53, %add3A_73 : i32
      %lt3A_75 = arith.constant 40 : i32
      %lt3A_76 = arith.cmpi slt, %add3A_74, %lt3A_75 : i32
      %convert_element_type3A_77 = arith.extui %lt3A_76 : i1 to i32
      %cond3A_78 = arith.constant 0 : i32
      %cond3A_79 = arith.cmpi ne, %convert_element_type3A_77, %cond3A_78 : i32
      scf.if %cond3A_79 {
        %add3A_80 = arith.constant 3 : i32
        %add3A_81 = arith.addi %mul3A_53, %add3A_80 : i32
        %mul3A_82 = arith.constant 8192 : i32
        %mul3A_83 = arith.muli %add3A_81, %mul3A_82 : i32
        %dma_start3A_84 = tpu.memref_slice %arg3[%mul3A_83] : memref<327680xi32, #tpu.memory_space<hbm>> -> memref<8192xi32, #tpu.memory_space<hbm>>
        %dma_start3A_85 = tpu.memref_slice %arg3[%mul3A_83] : memref<327680xi32, #tpu.memory_space<hbm>> -> memref<8192xi32, #tpu.memory_space<hbm>>
        tpu.enqueue_dma source(%dma_start3A_85 : memref<8192xi32, #tpu.memory_space<hbm>>) target(%arg10 : memref<8192xi32, #tpu.memory_space<vmem>>) target_semaphore(%arg12 : memref<!tpu.dma_semaphore, #tpu.memory_space<semaphore_mem>>)
      } else {
      }
    }
    %scan3A_24 = arith.constant 20 : i32
    %parallel_loop3A_25 = arith.constant 0 : i32
    %parallel_loop3A_26 = arith.constant 625 : i32
    %parallel_loop3A_27 = arith.constant 1 : i32
    scf.for %parallel_loop3A_51 = %parallel_loop3A_25 to %parallel_loop3A_26 step %parallel_loop3A_27  : i32 {
      %parallel_loop3A_52 = arith.constant 16 : i32
      %parallel_loop3A_53 = arith.muli %parallel_loop3A_51, %parallel_loop3A_52 : i32
      %parallel_loop3A_54 = arith.index_cast %parallel_loop3A_53 : i32 to index
      %parallel_loop3A_55 = tpu.vector_load %arg8[%parallel_loop3A_54] {strides = array<i32>} : memref<10008xf32, #tpu.memory_space<vmem>>, vector<16xf32>,
      %parallel_loop3A_56 = arith.mulf %parallel_loop3A_55, %parallel_loop3A_55 : vector<16xf32>
      %parallel_loop3A_57 = arith.constant 16 : i32
      %parallel_loop3A_58 = arith.muli %parallel_loop3A_51, %parallel_loop3A_57 : i32
      %parallel_loop3A_59 = arith.constant 0 : i32
      %parallel_loop3A_60 = arith.addi %parallel_loop3A_59, %parallel_loop3A_58 : i32
      %parallel_loop3A_61 = arith.index_cast %parallel_loop3A_60 : i32 to index
      %parallel_loop3A_62 = tpu.vector_load %arg7[%parallel_loop3A_61] {strides = array<i32>} : memref<40032xf32, #tpu.memory_space<vmem>>, vector<16xf32>,
      %parallel_loop3A_63 = arith.mulf %parallel_loop3A_62, %parallel_loop3A_56 : vector<16xf32>
      %parallel_loop3A_64 = arith.constant 16 : i32
      %parallel_loop3A_65 = arith.muli %parallel_loop3A_51, %parallel_loop3A_64 : i32
      %parallel_loop3A_66 = arith.constant 10008 : i32
      %parallel_loop3A_67 = arith.addi %parallel_loop3A_66, %parallel_loop3A_65 : i32
      %parallel_loop3A_68 = arith.index_cast %parallel_loop3A_67 : i32 to index
      %parallel_loop3A_69 = tpu.vector_load %arg7[%parallel_loop3A_68] {strides = array<i32>} : memref<40032xf32, #tpu.memory_space<vmem>>, vector<16xf32>,
      %parallel_loop3A_70 = arith.mulf %parallel_loop3A_69, %parallel_loop3A_56 : vector<16xf32>
      %parallel_loop3A_71 = tpu.pack_subelements %parallel_loop3A_63, %parallel_loop3A_70 {pack_format = #tpu.pack_format<interleaved>, positions = array<i32: 0, 1>} : vector<16xf32>, vector<16xf32> -> vector<32xbf16>
      %parallel_loop3A_72 = vector.bitcast %parallel_loop3A_71 : vector<32xbf16> to vector<16xf32>
      %parallel_loop3A_73 = arith.constant 16 : i32
      %parallel_loop3A_74 = arith.muli %parallel_loop3A_51, %parallel_loop3A_73 : i32
      %parallel_loop3A_75 = arith.constant 0 : i32
      %parallel_loop3A_76 = arith.addi %parallel_loop3A_75, %parallel_loop3A_74 : i32
      %parallel_loop3A_77 = arith.index_cast %parallel_loop3A_76 : i32 to index
      %parallel_loop3A_78 = tpu.vector_load %arg7[%parallel_loop3A_77] {strides = array<i32>} : memref<40032xf32, #tpu.memory_space<vmem>>, vector<16xf32>,
      tpu.vector_store %arg7[%parallel_loop3A_77], %parallel_loop3A_72 {strides = array<i32>} : memref<40032xf32, #tpu.memory_space<vmem>>, vector<16xf32>,
    } {sc.loop_unroll_factor = 16 : i64, sc.parallel_access}
    %parallel_loop3A_28 = arith.constant 0 : i32
    %parallel_loop3A_29 = arith.constant 625 : i32
    %parallel_loop3A_30 = arith.constant 1 : i32
    scf.for %parallel_loop3A_51 = %parallel_loop3A_28 to %parallel_loop3A_29 step %parallel_loop3A_30  : i32 {
      %parallel_loop3A_52 = arith.constant 16 : i32
      %parallel_loop3A_53 = arith.muli %parallel_loop3A_51, %parallel_loop3A_52 : i32
      %parallel_loop3A_54 = arith.index_cast %parallel_loop3A_53 : i32 to index
      %parallel_loop3A_55 = tpu.vector_load %arg8[%parallel_loop3A_54] {strides = array<i32>} : memref<10008xf32, #tpu.memory_space<vmem>>, vector<16xf32>,
      %parallel_loop3A_56 = arith.mulf %parallel_loop3A_55, %parallel_loop3A_55 : vector<16xf32>
      %parallel_loop3A_57 = arith.constant 16 : i32
      %parallel_loop3A_58 = arith.muli %parallel_loop3A_51, %parallel_loop3A_57 : i32
      %parallel_loop3A_59 = arith.constant 20016 : i32
      %parallel_loop3A_60 = arith.addi %parallel_loop3A_59, %parallel_loop3A_58 : i32
      %parallel_loop3A_61 = arith.index_cast %parallel_loop3A_60 : i32 to index
      %parallel_loop3A_62 = tpu.vector_load %arg7[%parallel_loop3A_61] {strides = array<i32>} : memref<40032xf32, #tpu.memory_space<vmem>>, vector<16xf32>,
      %parallel_loop3A_63 = arith.mulf %parallel_loop3A_62, %parallel_loop3A_56 : vector<16xf32>
      %parallel_loop3A_64 = arith.constant 16 : i32
      %parallel_loop3A_65 = arith.muli %parallel_loop3A_51, %parallel_loop3A_64 : i32
      %parallel_loop3A_66 = arith.constant 30024 : i32
      %parallel_loop3A_67 = arith.addi %parallel_loop3A_66, %parallel_loop3A_65 : i32
      %parallel_loop3A_68 = arith.index_cast %parallel_loop3A_67 : i32 to index
      %parallel_loop3A_69 = tpu.vector_load %arg7[%parallel_loop3A_68] {strides = array<i32>} : memref<40032xf32, #tpu.memory_space<vmem>>, vector<16xf32>,
      %parallel_loop3A_70 = arith.mulf %parallel_loop3A_69, %parallel_loop3A_56 : vector<16xf32>
      %parallel_loop3A_71 = tpu.pack_subelements %parallel_loop3A_63, %parallel_loop3A_70 {pack_format = #tpu.pack_format<interleaved>, positions = array<i32: 0, 1>} : vector<16xf32>, vector<16xf32> -> vector<32xbf16>
      %parallel_loop3A_72 = vector.bitcast %parallel_loop3A_71 : vector<32xbf16> to vector<16xf32>
      %parallel_loop3A_73 = arith.constant 16 : i32
      %parallel_loop3A_74 = arith.muli %parallel_loop3A_51, %parallel_loop3A_73 : i32
      %parallel_loop3A_75 = arith.constant 10008 : i32
      %parallel_loop3A_76 = arith.addi %parallel_loop3A_75, %parallel_loop3A_74 : i32
      %parallel_loop3A_77 = arith.index_cast %parallel_loop3A_76 : i32 to index
      %parallel_loop3A_78 = tpu.vector_load %arg7[%parallel_loop3A_77] {strides = array<i32>} : memref<40032xf32, #tpu.memory_space<vmem>>, vector<16xf32>,
      tpu.vector_store %arg7[%parallel_loop3A_77], %parallel_loop3A_72 {strides = array<i32>} : memref<40032xf32, #tpu.memory_space<vmem>>, vector<16xf32>,
    } {sc.loop_unroll_factor = 16 : i64, sc.parallel_access}
    %parallel_loop3A_31 = arith.constant 0 : i32
    %parallel_loop3A_32 = arith.constant 2502 : i32
    %parallel_loop3A_33 = arith.constant 1 : i32
    scf.for %parallel_loop3A_51 = %parallel_loop3A_31 to %parallel_loop3A_32 step %parallel_loop3A_33  : i32 {
      %parallel_loop3A_52 = arith.constant 0.000000e+00 : f32
      %parallel_loop3A_53 = vector.broadcast %parallel_loop3A_52 : f32 to vector<16xf32>
      %parallel_loop3A_54 = arith.constant 16 : i32
      %parallel_loop3A_55 = arith.muli %parallel_loop3A_51, %parallel_loop3A_54 : i32
      %parallel_loop3A_56 = arith.index_cast %parallel_loop3A_55 : i32 to index
      %parallel_loop3A_57 = tpu.vector_load %arg6[%parallel_loop3A_56] {strides = array<i32>} : memref<40032xf32, #tpu.memory_space<vmem>>, vector<16xf32>,
      tpu.vector_store %arg6[%parallel_loop3A_56], %parallel_loop3A_53 {strides = array<i32>} : memref<40032xf32, #tpu.memory_space<vmem>>, vector<16xf32>,
    } {sc.loop_unroll_factor = 16 : i64, sc.parallel_access}
    %dma_start3A_34 = arith.constant 0 : i32
    %dma_start3A_35 = tpu.memref_slice %arg3[%dma_start3A_34] : memref<327680xi32, #tpu.memory_space<hbm>> -> memref<8192xi32, #tpu.memory_space<hbm>>
    %dma_start3A_36 = arith.constant 0 : i32
    %dma_start3A_37 = tpu.memref_slice %arg3[%dma_start3A_36] : memref<327680xi32, #tpu.memory_space<hbm>> -> memref<8192xi32, #tpu.memory_space<hbm>>
    tpu.enqueue_dma source(%dma_start3A_37 : memref<8192xi32, #tpu.memory_space<hbm>>) target(%arg9 : memref<8192xi32, #tpu.memory_space<vmem>>) target_semaphore(%arg11 : memref<!tpu.dma_semaphore, #tpu.memory_space<semaphore_mem>>)
    %dma_start3A_38 = arith.constant 8192 : i32
    %dma_start3A_39 = tpu.memref_slice %arg3[%dma_start3A_38] : memref<327680xi32, #tpu.memory_space<hbm>> -> memref<8192xi32, #tpu.memory_space<hbm>>
    %dma_start3A_40 = arith.constant 8192 : i32
    %dma_start3A_41 = tpu.memref_slice %arg3[%dma_start3A_40] : memref<327680xi32, #tpu.memory_space<hbm>> -> memref<8192xi32, #tpu.memory_space<hbm>>
    tpu.enqueue_dma source(%dma_start3A_41 : memref<8192xi32, #tpu.memory_space<hbm>>) target(%arg10 : memref<8192xi32, #tpu.memory_space<vmem>>) target_semaphore(%arg12 : memref<!tpu.dma_semaphore, #tpu.memory_space<semaphore_mem>>)
    %scan3A_42 = arith.constant 0 : i32
    %scan3A_43 = arith.constant 0 : i32
    %scan3A_44 = arith.constant 20 : i32
    %scan3A_45 = arith.addi %scan3A_43, %scan3A_44 : i32
    %scan3A_46 = arith.constant 1 : i32
    scf.for %scan3A_51 = %scan3A_43 to %scan3A_45 step %scan3A_46  : i32 {
      %mul3A_52 = arith.constant 2 : i32
      %mul3A_53 = arith.muli %mul3A_52, %scan3A_51 : i32
      %mul3A_54 = arith.constant 8192 : i32
      %mul3A_55 = arith.muli %mul3A_53, %mul3A_54 : i32
      %dma_wait3A = tpu.memref_slice %arg3[%mul3A_55] : memref<327680xi32, #tpu.memory_space<hbm>> -> memref<8192xi32, #tpu.memory_space<hbm>>
      %dma_wait3A_56 = tpu.memref_slice %arg3[%mul3A_55] : memref<327680xi32, #tpu.memory_space<hbm>> -> memref<8192xi32, #tpu.memory_space<hbm>>
      tpu.wait_dma2 semaphore(%arg11 : memref<!tpu.dma_semaphore, #tpu.memory_space<semaphore_mem>>) src(%dma_wait3A_56 : memref<8192xi32, #tpu.memory_space<hbm>>) dst(%arg9 : memref<8192xi32, #tpu.memory_space<vmem>>)
      %parallel_loop3A_57 = arith.constant 0 : i32
      %parallel_loop3A_58 = arith.constant 512 : i32
      %parallel_loop3A_59 = arith.constant 1 : i32
      scf.for %parallel_loop3A_80 = %parallel_loop3A_57 to %parallel_loop3A_58 step %parallel_loop3A_59  : i32 {
        %parallel_loop3A_81 = arith.constant 16 : i32
        %parallel_loop3A_82 = arith.muli %parallel_loop3A_80, %parallel_loop3A_81 : i32
        %parallel_loop3A_83 = arith.index_cast %parallel_loop3A_82 : i32 to index
        %parallel_loop3A_84 = tpu.vector_load %arg9[%parallel_loop3A_83] {strides = array<i32>} : memref<8192xi32, #tpu.memory_space<vmem>>, vector<16xi32>,
        %parallel_loop3A_85 = arith.constant 65535 : i32
        %parallel_loop3A_86 = vector.broadcast %parallel_loop3A_85 : i32 to vector<16xi32>
        %parallel_loop3A_87 = arith.andi %parallel_loop3A_84, %parallel_loop3A_86 : vector<16xi32>
        %parallel_loop3A_88 = arith.constant 16 : i32
        %parallel_loop3A_89 = vector.broadcast %parallel_loop3A_88 : i32 to vector<16xi32>
        %parallel_loop3A_90 = arith.shrui %parallel_loop3A_84, %parallel_loop3A_89 : vector<16xi32>
        %parallel_loop3A_91 = arith.constant 0 : i32
        %parallel_loop3A_92 = vector.broadcast %parallel_loop3A_91 : i32 to vector<16xi32>
        %parallel_loop3A_93 = arith.addi %parallel_loop3A_87, %parallel_loop3A_92 : vector<16xi32>
        %parallel_loop3A_94 = tpu.vector_load_idx %arg7[%parallel_loop3A_93] : memref<40032xf32, #tpu.memory_space<vmem>>[vector<16xi32>], vector<16xf32>,
        %parallel_loop3A_95 = vector.bitcast %parallel_loop3A_94 : vector<16xf32> to vector<32xbf16>
        %parallel_loop3A_96 = tpu.unpack_subelements %parallel_loop3A_95, 0 {pack_format = #tpu.pack_format<interleaved>} : vector<32xbf16> -> vector<16xf32>
        %parallel_loop3A_97 = tpu.unpack_subelements %parallel_loop3A_95, 1 {pack_format = #tpu.pack_format<interleaved>} : vector<32xbf16> -> vector<16xf32>
        %parallel_loop3A_98 = arith.constant 0 : i32
        %parallel_loop3A_99 = vector.broadcast %parallel_loop3A_98 : i32 to vector<16xi32>
        %parallel_loop3A_100 = arith.addi %parallel_loop3A_90, %parallel_loop3A_99 : vector<16xi32>
        tpu.vector_store_idx %arg6[%parallel_loop3A_100], %parallel_loop3A_96 {add = true} : memref<40032xf32, #tpu.memory_space<vmem>>[vector<16xi32>], vector<16xf32>,
        %parallel_loop3A_101 = arith.constant 10008 : i32
        %parallel_loop3A_102 = vector.broadcast %parallel_loop3A_101 : i32 to vector<16xi32>
        %parallel_loop3A_103 = arith.addi %parallel_loop3A_90, %parallel_loop3A_102 : vector<16xi32>
        tpu.vector_store_idx %arg6[%parallel_loop3A_103], %parallel_loop3A_97 {add = true} : memref<40032xf32, #tpu.memory_space<vmem>>[vector<16xi32>], vector<16xf32>,
        %parallel_loop3A_104 = arith.constant 10008 : i32
        %parallel_loop3A_105 = vector.broadcast %parallel_loop3A_104 : i32 to vector<16xi32>
        %parallel_loop3A_106 = arith.addi %parallel_loop3A_87, %parallel_loop3A_105 : vector<16xi32>
        %parallel_loop3A_107 = tpu.vector_load_idx %arg7[%parallel_loop3A_106] : memref<40032xf32, #tpu.memory_space<vmem>>[vector<16xi32>], vector<16xf32>,
        %parallel_loop3A_108 = vector.bitcast %parallel_loop3A_107 : vector<16xf32> to vector<32xbf16>
        %parallel_loop3A_109 = tpu.unpack_subelements %parallel_loop3A_108, 0 {pack_format = #tpu.pack_format<interleaved>} : vector<32xbf16> -> vector<16xf32>
        %parallel_loop3A_110 = tpu.unpack_subelements %parallel_loop3A_108, 1 {pack_format = #tpu.pack_format<interleaved>} : vector<32xbf16> -> vector<16xf32>
        %parallel_loop3A_111 = arith.constant 20016 : i32
        %parallel_loop3A_112 = vector.broadcast %parallel_loop3A_111 : i32 to vector<16xi32>
        %parallel_loop3A_113 = arith.addi %parallel_loop3A_90, %parallel_loop3A_112 : vector<16xi32>
        tpu.vector_store_idx %arg6[%parallel_loop3A_113], %parallel_loop3A_109 {add = true} : memref<40032xf32, #tpu.memory_space<vmem>>[vector<16xi32>], vector<16xf32>,
        %parallel_loop3A_114 = arith.constant 30024 : i32
        %parallel_loop3A_115 = vector.broadcast %parallel_loop3A_114 : i32 to vector<16xi32>
        %parallel_loop3A_116 = arith.addi %parallel_loop3A_90, %parallel_loop3A_115 : vector<16xi32>
        tpu.vector_store_idx %arg6[%parallel_loop3A_116], %parallel_loop3A_110 {add = true} : memref<40032xf32, #tpu.memory_space<vmem>>[vector<16xi32>], vector<16xf32>,
      } {sc.loop_unroll_factor = 64 : i64, sc.parallel_access}
      %add3A_60 = arith.constant 2 : i32
      %add3A_61 = arith.addi %mul3A_53, %add3A_60 : i32
      %lt3A = arith.constant 40 : i32
      %lt3A_62 = arith.cmpi slt, %add3A_61, %lt3A : i32
      %convert_element_type3A = arith.extui %lt3A_62 : i1 to i32
      %cond3A = arith.constant 0 : i32
      %cond3A_63 = arith.cmpi ne, %convert_element_type3A, %cond3A : i32
      scf.if %cond3A_63 {
        %add3A_80 = arith.constant 2 : i32
        %add3A_81 = arith.addi %mul3A_53, %add3A_80 : i32
        %mul3A_82 = arith.constant 8192 : i32
        %mul3A_83 = arith.muli %add3A_81, %mul3A_82 : i32
        %dma_start3A_84 = tpu.memref_slice %arg3[%mul3A_83] : memref<327680xi32, #tpu.memory_space<hbm>> -> memref<8192xi32, #tpu.memory_space<hbm>>
        %dma_start3A_85 = tpu.memref_slice %arg3[%mul3A_83] : memref<327680xi32, #tpu.memory_space<hbm>> -> memref<8192xi32, #tpu.memory_space<hbm>>
        tpu.enqueue_dma source(%dma_start3A_85 : memref<8192xi32, #tpu.memory_space<hbm>>) target(%arg9 : memref<8192xi32, #tpu.memory_space<vmem>>) target_semaphore(%arg11 : memref<!tpu.dma_semaphore, #tpu.memory_space<semaphore_mem>>)
      } else {
      }
      %add3A_64 = arith.constant 1 : i32
      %add3A_65 = arith.addi %mul3A_53, %add3A_64 : i32
      %mul3A_66 = arith.constant 8192 : i32
      %mul3A_67 = arith.muli %add3A_65, %mul3A_66 : i32
      %dma_wait3A_68 = tpu.memref_slice %arg3[%mul3A_67] : memref<327680xi32, #tpu.memory_space<hbm>> -> memref<8192xi32, #tpu.memory_space<hbm>>
      %dma_wait3A_69 = tpu.memref_slice %arg3[%mul3A_67] : memref<327680xi32, #tpu.memory_space<hbm>> -> memref<8192xi32, #tpu.memory_space<hbm>>
      tpu.wait_dma2 semaphore(%arg12 : memref<!tpu.dma_semaphore, #tpu.memory_space<semaphore_mem>>) src(%dma_wait3A_69 : memref<8192xi32, #tpu.memory_space<hbm>>) dst(%arg10 : memref<8192xi32, #tpu.memory_space<vmem>>)
      %parallel_loop3A_70 = arith.constant 0 : i32
      %parallel_loop3A_71 = arith.constant 512 : i32
      %parallel_loop3A_72 = arith.constant 1 : i32
      scf.for %parallel_loop3A_80 = %parallel_loop3A_70 to %parallel_loop3A_71 step %parallel_loop3A_72  : i32 {
        %parallel_loop3A_81 = arith.constant 16 : i32
        %parallel_loop3A_82 = arith.muli %parallel_loop3A_80, %parallel_loop3A_81 : i32
        %parallel_loop3A_83 = arith.index_cast %parallel_loop3A_82 : i32 to index
        %parallel_loop3A_84 = tpu.vector_load %arg10[%parallel_loop3A_83] {strides = array<i32>} : memref<8192xi32, #tpu.memory_space<vmem>>, vector<16xi32>,
        %parallel_loop3A_85 = arith.constant 65535 : i32
        %parallel_loop3A_86 = vector.broadcast %parallel_loop3A_85 : i32 to vector<16xi32>
        %parallel_loop3A_87 = arith.andi %parallel_loop3A_84, %parallel_loop3A_86 : vector<16xi32>
        %parallel_loop3A_88 = arith.constant 16 : i32
        %parallel_loop3A_89 = vector.broadcast %parallel_loop3A_88 : i32 to vector<16xi32>
        %parallel_loop3A_90 = arith.shrui %parallel_loop3A_84, %parallel_loop3A_89 : vector<16xi32>
        %parallel_loop3A_91 = arith.constant 0 : i32
        %parallel_loop3A_92 = vector.broadcast %parallel_loop3A_91 : i32 to vector<16xi32>
        %parallel_loop3A_93 = arith.addi %parallel_loop3A_87, %parallel_loop3A_92 : vector<16xi32>
        %parallel_loop3A_94 = tpu.vector_load_idx %arg7[%parallel_loop3A_93] : memref<40032xf32, #tpu.memory_space<vmem>>[vector<16xi32>], vector<16xf32>,
        %parallel_loop3A_95 = vector.bitcast %parallel_loop3A_94 : vector<16xf32> to vector<32xbf16>
        %parallel_loop3A_96 = tpu.unpack_subelements %parallel_loop3A_95, 0 {pack_format = #tpu.pack_format<interleaved>} : vector<32xbf16> -> vector<16xf32>
        %parallel_loop3A_97 = tpu.unpack_subelements %parallel_loop3A_95, 1 {pack_format = #tpu.pack_format<interleaved>} : vector<32xbf16> -> vector<16xf32>
        %parallel_loop3A_98 = arith.constant 0 : i32
        %parallel_loop3A_99 = vector.broadcast %parallel_loop3A_98 : i32 to vector<16xi32>
        %parallel_loop3A_100 = arith.addi %parallel_loop3A_90, %parallel_loop3A_99 : vector<16xi32>
        tpu.vector_store_idx %arg6[%parallel_loop3A_100], %parallel_loop3A_96 {add = true} : memref<40032xf32, #tpu.memory_space<vmem>>[vector<16xi32>], vector<16xf32>,
        %parallel_loop3A_101 = arith.constant 10008 : i32
        %parallel_loop3A_102 = vector.broadcast %parallel_loop3A_101 : i32 to vector<16xi32>
        %parallel_loop3A_103 = arith.addi %parallel_loop3A_90, %parallel_loop3A_102 : vector<16xi32>
        tpu.vector_store_idx %arg6[%parallel_loop3A_103], %parallel_loop3A_97 {add = true} : memref<40032xf32, #tpu.memory_space<vmem>>[vector<16xi32>], vector<16xf32>,
        %parallel_loop3A_104 = arith.constant 10008 : i32
        %parallel_loop3A_105 = vector.broadcast %parallel_loop3A_104 : i32 to vector<16xi32>
        %parallel_loop3A_106 = arith.addi %parallel_loop3A_87, %parallel_loop3A_105 : vector<16xi32>
        %parallel_loop3A_107 = tpu.vector_load_idx %arg7[%parallel_loop3A_106] : memref<40032xf32, #tpu.memory_space<vmem>>[vector<16xi32>], vector<16xf32>,
        %parallel_loop3A_108 = vector.bitcast %parallel_loop3A_107 : vector<16xf32> to vector<32xbf16>
        %parallel_loop3A_109 = tpu.unpack_subelements %parallel_loop3A_108, 0 {pack_format = #tpu.pack_format<interleaved>} : vector<32xbf16> -> vector<16xf32>
        %parallel_loop3A_110 = tpu.unpack_subelements %parallel_loop3A_108, 1 {pack_format = #tpu.pack_format<interleaved>} : vector<32xbf16> -> vector<16xf32>
        %parallel_loop3A_111 = arith.constant 20016 : i32
        %parallel_loop3A_112 = vector.broadcast %parallel_loop3A_111 : i32 to vector<16xi32>
        %parallel_loop3A_113 = arith.addi %parallel_loop3A_90, %parallel_loop3A_112 : vector<16xi32>
        tpu.vector_store_idx %arg6[%parallel_loop3A_113], %parallel_loop3A_109 {add = true} : memref<40032xf32, #tpu.memory_space<vmem>>[vector<16xi32>], vector<16xf32>,
        %parallel_loop3A_114 = arith.constant 30024 : i32
        %parallel_loop3A_115 = vector.broadcast %parallel_loop3A_114 : i32 to vector<16xi32>
        %parallel_loop3A_116 = arith.addi %parallel_loop3A_90, %parallel_loop3A_115 : vector<16xi32>
        tpu.vector_store_idx %arg6[%parallel_loop3A_116], %parallel_loop3A_110 {add = true} : memref<40032xf32, #tpu.memory_space<vmem>>[vector<16xi32>], vector<16xf32>,
      } {sc.loop_unroll_factor = 64 : i64, sc.parallel_access}
      %add3A_73 = arith.constant 3 : i32
      %add3A_74 = arith.addi %mul3A_53, %add3A_73 : i32
      %lt3A_75 = arith.constant 40 : i32
      %lt3A_76 = arith.cmpi slt, %add3A_74, %lt3A_75 : i32
      %convert_element_type3A_77 = arith.extui %lt3A_76 : i1 to i32
      %cond3A_78 = arith.constant 0 : i32
      %cond3A_79 = arith.cmpi ne, %convert_element_type3A_77, %cond3A_78 : i32
      scf.if %cond3A_79 {
        %add3A_80 = arith.constant 3 : i32
        %add3A_81 = arith.addi %mul3A_53, %add3A_80 : i32
        %mul3A_82 = arith.constant 8192 : i32
        %mul3A_83 = arith.muli %add3A_81, %mul3A_82 : i32
        %dma_start3A_84 = tpu.memref_slice %arg3[%mul3A_83] : memref<327680xi32, #tpu.memory_space<hbm>> -> memref<8192xi32, #tpu.memory_space<hbm>>
        %dma_start3A_85 = tpu.memref_slice %arg3[%mul3A_83] : memref<327680xi32, #tpu.memory_space<hbm>> -> memref<8192xi32, #tpu.memory_space<hbm>>
        tpu.enqueue_dma source(%dma_start3A_85 : memref<8192xi32, #tpu.memory_space<hbm>>) target(%arg10 : memref<8192xi32, #tpu.memory_space<vmem>>) target_semaphore(%arg12 : memref<!tpu.dma_semaphore, #tpu.memory_space<semaphore_mem>>)
      } else {
      }
    }
    %scan3A_47 = arith.constant 20 : i32
    %parallel_loop3A_48 = arith.constant 0 : i32
    %parallel_loop3A_49 = arith.constant 625 : i32
    %parallel_loop3A_50 = arith.constant 1 : i32
    scf.for %parallel_loop3A_51 = %parallel_loop3A_48 to %parallel_loop3A_49 step %parallel_loop3A_50  : i32 {
      %parallel_loop3A_52 = arith.constant 16 : i32
      %parallel_loop3A_53 = arith.muli %parallel_loop3A_51, %parallel_loop3A_52 : i32
      %parallel_loop3A_54 = arith.index_cast %parallel_loop3A_53 : i32 to index
      %parallel_loop3A_55 = tpu.vector_load %arg8[%parallel_loop3A_54] {strides = array<i32>} : memref<10008xf32, #tpu.memory_space<vmem>>, vector<16xf32>,
      %parallel_loop3A_56 = arith.constant 16 : i32
      %parallel_loop3A_57 = arith.muli %parallel_loop3A_51, %parallel_loop3A_56 : i32
      %parallel_loop3A_58 = arith.constant 0 : i32
      %parallel_loop3A_59 = arith.addi %parallel_loop3A_58, %parallel_loop3A_57 : i32
      %parallel_loop3A_60 = arith.index_cast %parallel_loop3A_59 : i32 to index
      %parallel_loop3A_61 = tpu.vector_load %arg6[%parallel_loop3A_60] {strides = array<i32>} : memref<40032xf32, #tpu.memory_space<vmem>>, vector<16xf32>,
      %parallel_loop3A_62 = arith.mulf %parallel_loop3A_61, %parallel_loop3A_55 : vector<16xf32>
      %parallel_loop3A_63 = arith.index_cast %parallel_loop3A_59 : i32 to index
      %parallel_loop3A_64 = tpu.vector_load %arg6[%parallel_loop3A_63] {strides = array<i32>} : memref<40032xf32, #tpu.memory_space<vmem>>, vector<16xf32>,
      tpu.vector_store %arg6[%parallel_loop3A_63], %parallel_loop3A_62 {strides = array<i32>} : memref<40032xf32, #tpu.memory_space<vmem>>, vector<16xf32>,
      %parallel_loop3A_65 = arith.constant 16 : i32
      %parallel_loop3A_66 = arith.muli %parallel_loop3A_51, %parallel_loop3A_65 : i32
      %parallel_loop3A_67 = arith.constant 10008 : i32
      %parallel_loop3A_68 = arith.addi %parallel_loop3A_67, %parallel_loop3A_66 : i32
      %parallel_loop3A_69 = arith.index_cast %parallel_loop3A_68 : i32 to index
      %parallel_loop3A_70 = tpu.vector_load %arg6[%parallel_loop3A_69] {strides = array<i32>} : memref<40032xf32, #tpu.memory_space<vmem>>, vector<16xf32>,
      %parallel_loop3A_71 = arith.mulf %parallel_loop3A_70, %parallel_loop3A_55 : vector<16xf32>
      %parallel_loop3A_72 = arith.index_cast %parallel_loop3A_68 : i32 to index
      %parallel_loop3A_73 = tpu.vector_load %arg6[%parallel_loop3A_72] {strides = array<i32>} : memref<40032xf32, #tpu.memory_space<vmem>>, vector<16xf32>,
      tpu.vector_store %arg6[%parallel_loop3A_72], %parallel_loop3A_71 {strides = array<i32>} : memref<40032xf32, #tpu.memory_space<vmem>>, vector<16xf32>,
      %parallel_loop3A_74 = arith.constant 16 : i32
      %parallel_loop3A_75 = arith.muli %parallel_loop3A_51, %parallel_loop3A_74 : i32
      %parallel_loop3A_76 = arith.constant 20016 : i32
      %parallel_loop3A_77 = arith.addi %parallel_loop3A_76, %parallel_loop3A_75 : i32
      %parallel_loop3A_78 = arith.index_cast %parallel_loop3A_77 : i32 to index
      %parallel_loop3A_79 = tpu.vector_load %arg6[%parallel_loop3A_78] {strides = array<i32>} : memref<40032xf32, #tpu.memory_space<vmem>>, vector<16xf32>,
      %parallel_loop3A_80 = arith.mulf %parallel_loop3A_79, %parallel_loop3A_55 : vector<16xf32>
      %parallel_loop3A_81 = arith.index_cast %parallel_loop3A_77 : i32 to index
      %parallel_loop3A_82 = tpu.vector_load %arg6[%parallel_loop3A_81] {strides = array<i32>} : memref<40032xf32, #tpu.memory_space<vmem>>, vector<16xf32>,
      tpu.vector_store %arg6[%parallel_loop3A_81], %parallel_loop3A_80 {strides = array<i32>} : memref<40032xf32, #tpu.memory_space<vmem>>, vector<16xf32>,
      %parallel_loop3A_83 = arith.constant 16 : i32
      %parallel_loop3A_84 = arith.muli %parallel_loop3A_51, %parallel_loop3A_83 : i32
      %parallel_loop3A_85 = arith.constant 30024 : i32
      %parallel_loop3A_86 = arith.addi %parallel_loop3A_85, %parallel_loop3A_84 : i32
      %parallel_loop3A_87 = arith.index_cast %parallel_loop3A_86 : i32 to index
      %parallel_loop3A_88 = tpu.vector_load %arg6[%parallel_loop3A_87] {strides = array<i32>} : memref<40032xf32, #tpu.memory_space<vmem>>, vector<16xf32>,
      %parallel_loop3A_89 = arith.mulf %parallel_loop3A_88, %parallel_loop3A_55 : vector<16xf32>
      %parallel_loop3A_90 = arith.index_cast %parallel_loop3A_86 : i32 to index
      %parallel_loop3A_91 = tpu.vector_load %arg6[%parallel_loop3A_90] {strides = array<i32>} : memref<40032xf32, #tpu.memory_space<vmem>>, vector<16xf32>,
      tpu.vector_store %arg6[%parallel_loop3A_90], %parallel_loop3A_89 {strides = array<i32>} : memref<40032xf32, #tpu.memory_space<vmem>>, vector<16xf32>,
    } {sc.loop_unroll_factor = 16 : i64, sc.parallel_access}
    "tpu.region"() ({
      %run_scoped3A = tpu.sem_alloc : memref<!tpu.dma_semaphore, #tpu.memory_space<semaphore_mem>>
      %dma_start3A_51 = tpu.memref_slice %arg5[%mul3A_4] : memref<1281024xf32, #tpu.memory_space<hbm>> -> memref<40032xf32, #tpu.memory_space<hbm>>
      %dma_start3A_52 = tpu.memref_slice %arg5[%mul3A_4] : memref<1281024xf32, #tpu.memory_space<hbm>> -> memref<40032xf32, #tpu.memory_space<hbm>>
      tpu.enqueue_dma source(%arg6 : memref<40032xf32, #tpu.memory_space<vmem>>) target(%dma_start3A_52 : memref<40032xf32, #tpu.memory_space<hbm>>) target_semaphore(%run_scoped3A : memref<!tpu.dma_semaphore, #tpu.memory_space<semaphore_mem>>)
      %dma_wait3A = tpu.memref_slice %arg5[%mul3A_4] : memref<1281024xf32, #tpu.memory_space<hbm>> -> memref<40032xf32, #tpu.memory_space<hbm>>
      %dma_wait3A_53 = tpu.memref_slice %arg5[%mul3A_4] : memref<1281024xf32, #tpu.memory_space<hbm>> -> memref<40032xf32, #tpu.memory_space<hbm>>
      tpu.wait_dma2 semaphore(%run_scoped3A : memref<!tpu.dma_semaphore, #tpu.memory_space<semaphore_mem>>) src(%arg6 : memref<40032xf32, #tpu.memory_space<vmem>>) dst(%dma_wait3A_53 : memref<40032xf32, #tpu.memory_space<hbm>>)
      tpu.yield
    }) : () -> ()
    return
  }
}

module attributes {stable_mosaic.version = 14 : i64} {
  func.func @_matmul_t_kernel(%arg0: memref<10000x128xf32, #tpu.memory_space<vmem>>, %arg1: memref<128x128xf32, #tpu.memory_space<vmem>>, %arg2: memref<2x2500x128xi32, #tpu.memory_space<vmem>>, %arg3: memref<128x10008xf32, #tpu.memory_space<vmem>>, %arg4: memref<2560x128xi32, #tpu.memory_space<vmem>>) attributes {dimension_semantics = [], scalar_prefetch = 0 : i64, scratch_operands = 0 : i64, tpu.core_type = #tpu.core_type<tc>} {
    %get3A = arith.constant 0 : index
    %get3A_0 = arith.constant 0 : index
    %get3A_1 = vector.load %arg0[%get3A, %get3A_0] : memref<10000x128xf32, #tpu.memory_space<vmem>>, vector<10000x128xf32>
    %get3A_2 = arith.constant 0 : index
    %get3A_3 = arith.constant 0 : index
    %get3A_4 = vector.load %arg1[%get3A_2, %get3A_3] : memref<128x128xf32, #tpu.memory_space<vmem>>, vector<128x128xf32>
    %dot_general3A = arith.constant dense<0.000000e+00> : vector<10000x128xf32>
    %dot_general3A_5 = tpu.matmul %get3A_1, %get3A_4, %dot_general3A {dimension_numbers = #tpu.dot_dimension_numbers<[1], [0], [0], [1], [0, 0, 1, 1], [], []>, transpose_lhs_hint = false} : vector<10000x128xf32>, vector<128x128xf32>, vector<10000x128xf32> -> vector<10000x128xf32>
    %transpose3A = tpu.transpose %dot_general3A_5, [1, 0] : vector<10000x128xf32> -> vector<128x10000xf32>
    %broadcast_in_dim3A = arith.constant 0.000000e+00 : f32
    %broadcast_in_dim3A_6 = vector.broadcast %broadcast_in_dim3A : f32 to vector<128x8xf32>
    %concatenate3A = tpu.concatenate %transpose3A, %broadcast_in_dim3A_6 in 1 : vector<128x10000xf32>, vector<128x8xf32> -> vector<128x10008xf32>
    %swap3A = arith.constant 0 : index
    %swap3A_7 = arith.constant 0 : index
    %swap3A_8 = vector.load %arg3[%swap3A, %swap3A_7] : memref<128x10008xf32, #tpu.memory_space<vmem>>, vector<128x10008xf32>
    tpu.vector_store %arg3[%swap3A, %swap3A_7], %concatenate3A {strides = array<i32>} : memref<128x10008xf32, #tpu.memory_space<vmem>>, vector<128x10008xf32>,
    %get3A_9 = arith.constant 0 : index
    %get3A_10 = arith.constant 0 : index
    %get3A_11 = arith.constant 0 : index
    %get3A_12 = vector.load %arg2[%get3A_9, %get3A_10, %get3A_11] : memref<2x2500x128xi32, #tpu.memory_space<vmem>>, vector<1x2500x128xi32>
    %get3A_13 = vector.shape_cast %get3A_12 : vector<1x2500x128xi32> to vector<2500x128xi32>
    %get3A_14 = arith.constant 1 : index
    %get3A_15 = arith.constant 0 : index
    %get3A_16 = arith.constant 0 : index
    %get3A_17 = vector.load %arg2[%get3A_14, %get3A_15, %get3A_16] : memref<2x2500x128xi32, #tpu.memory_space<vmem>>, vector<1x2500x128xi32>
    %get3A_18 = vector.shape_cast %get3A_17 : vector<1x2500x128xi32> to vector<2500x128xi32>
    %shift_left3A = arith.constant 16 : i32
    %shift_left3A_19 = vector.broadcast %shift_left3A : i32 to vector<2500x128xi32>
    %shift_left3A_20 = arith.shli %get3A_18, %shift_left3A_19 : vector<2500x128xi32>
    %or3A = arith.ori %get3A_13, %shift_left3A_20 : vector<2500x128xi32>
    %broadcast_in_dim3A_21 = arith.constant 655360000 : i32
    %broadcast_in_dim3A_22 = vector.broadcast %broadcast_in_dim3A_21 : i32 to vector<60x128xi32>
    %concatenate3A_23 = tpu.concatenate %or3A, %broadcast_in_dim3A_22 in 0 : vector<2500x128xi32>, vector<60x128xi32> -> vector<2560x128xi32>
    %swap3A_24 = arith.constant 0 : index
    %swap3A_25 = arith.constant 0 : index
    %swap3A_26 = vector.load %arg4[%swap3A_24, %swap3A_25] : memref<2560x128xi32, #tpu.memory_space<vmem>>, vector<2560x128xi32>
    tpu.vector_store %arg4[%swap3A_24, %swap3A_25], %concatenate3A_23 {strides = array<i32>} : memref<2560x128xi32, #tpu.memory_space<vmem>>, vector<2560x128xi32>,
    return
  }
}

module attributes {stable_mosaic.version = 14 : i64} {
  func.func @_transpose_out_kernel(%arg0: memref<128x10008xf32, #tpu.memory_space<vmem>>, %arg1: memref<10000x128xf32, #tpu.memory_space<vmem>>) attributes {dimension_semantics = [], scalar_prefetch = 0 : i64, scratch_operands = 0 : i64, tpu.core_type = #tpu.core_type<tc>} {
    %get3A = arith.constant 0 : index
    %get3A_0 = arith.constant 0 : index
    %get3A_1 = vector.load %arg0[%get3A, %get3A_0] : memref<128x10008xf32, #tpu.memory_space<vmem>>, vector<128x10000xf32>
    %transpose3A = tpu.transpose %get3A_1, [1, 0] : vector<128x10000xf32> -> vector<10000x128xf32>
    %swap3A = arith.constant 0 : index
    %swap3A_2 = arith.constant 0 : index
    %swap3A_3 = vector.load %arg1[%swap3A, %swap3A_2] : memref<10000x128xf32, #tpu.memory_space<vmem>>, vector<10000x128xf32>
    tpu.vector_store %arg1[%swap3A, %swap3A_2], %transpose3A {strides = array<i32>} : memref<10000x128xf32, #tpu.memory_space<vmem>>, vector<10000x128xf32>,
    return
  }
}

</mosaic_0001>

<sc_bundles>
// kernel: kernel.5.cloned.1.call-start
scs
__scs_entry_jumppad:
0x0: {  	(pc) =	sbr.rel $0x88, $3  }
0x1: {  	(tag) =	ssettag $0x0;
	lr =	simm.s32 $0x1  }
0x2: {  	[smem:$0x3F9D] =	sst lr;
	_ =	strace $0xD0000000  }
0x3: {  	_ = 	snop  }
0x4: {  	_ = 	snop  }
0x5: {  	_ = 	snop  }
0x6: {  	_ = 	snop  }
0x7: {  	_ = 	snop  }
__scs_overlays_trampoline_lowered:
0x8: {  	[smem:$0x3FAC] =	sst s0  }
0x9: {  	[smem:$0x3FAD] =	sst s1  }
0xa: {  	[smem:$0x3FAE] =	sst s2  }
0xb: {  	[smem:$0x3FAF] =	sst s3  }
0xc: {  	[smem:$0x3FB0] =	sst s4  }
0xd: {  	[smem:$0x3FB1] =	sst s5  }
0xe: {  	[smem:$0x3FB2] =	sst s6  }
0xf: {  	[smem:$0x3FB3] =	sst s7  }
0x10: {  	[smem:$0x3FB4] =	sst s8  }
0x11: {  	[smem:$0x3FB5] =	sst s9;
	s0 =	simm.s32 @!p0 $0x0  }
0x12: {  	s1 =	sld [smem:$0x3F9B];
	s0 =	simm.s32 @p0 $0x1  }
0x13: {  	[smem:$0x3FB6] =	sst s0;
	s0 =	simm.s32 @!p1 $0x0  }
0x14: {  	s2 =	sld [smem:$0x3F9A];
	s0 =	simm.s32 @p1 $0x1  }
0x15: {  	[smem:$0x3FB7] =	sst s0;
	s0 =	simm.s32 @!p2 $0x0  }
0x16: {  	s3 =	sld [smem:$0x3FDB];
	s0 =	simm.s32 @p2 $0x1  }
0x17: {  	s4 =	simm.s32 $0x1BF5;
	[smem:$0x3FB9] =	sst s0  }
0x18: {  	s0 =	sld [smem:$0x3F9C];
	_ =	swait.ge [sflag:s4], $0x0  }
0x19: {  	s7 =	sld [smem:$0x3F9D]  }
0x1a: {  	s8 =	sadd.s32 $0xFFFFE003, lr  }
0x1b: {  	s9 =	sadd.s32 $0xFFFFFEF7, lr;
	s5 =	simm.s32 $0xFFFFFFFF;
	p2 =	slt.u32 s8, $0xFFFFF086  }
0x1c: {  	p1 =	slt.u32 s9, $0xF7A;
	s5 =	simm.s32 @!p2 $0x0  }
0x1d: {  	s5 =	simm.s32 @p1 $0x1;
	p0 =	seq.s32 s7, s2  }
0x1e: {  	s7 =	smul.u32 @!p0 $0xF7A, s2;
	p2 =	seq.s32 @!p0 s5, $0x0  }
0x1f: {  	s9 =	smul.u32 $0xF7A, s1;
	s8 =	simm.s32 @!p0 $0x1BF5;
	p2 =	por !p2, p0  }
0x20: {  	[sflag:s8] =	ssyncset.s32 @!p0 $0xFFFFF086;
	s6 =	sadd.s32 @!p0 s3, s7;
	s7 =	simm.s32 @!p0 $0x108  }
0x21: {  	s3 =	sadd.s32 s3, s9;
	s6 =	sadd.s32 @!p0 $0x88, s6;
	s7 =	simm.s32 @p2 $0x1082  }
0x22: {  	[simem:s7], [sflag:s8] =	dma.local @!p0 [hbm:s6], $0xF7A  }
0x23: {  	s9 =	sor.u32 $0xD0000000, s2;
	s6 =	simm.s32 $0x108;
	_ =	swait.ge @!p0 [sflag:s8], $0x0  }
0x24: {  	s3 =	sadd.s32 $0x88, s3;
	s6 =	simm.s32 @!p1 $0x1082;
	[sflag:s4] =	ssyncset.s32 $0xFFFFF086  }
0x25: {  	[simem:s6], [sflag:s4] =	dma.local [hbm:s3], $0xF7A  }
0x26: {  	[smem:$0x3F9D] =	sst s1;
	(tag) =	ssettag s2;
	_ =	strace s9  }
0x27: {  	s1 =	sld [smem:$0x3FAD]  }
0x28: {  	s2 =	sld [smem:$0x3FAE]  }
0x29: {  	s4 =	sld [smem:$0x3FB0]  }
0x2a: {  	p0 =	seq.s32 s5, $0x0;
	s5 =	sld [smem:$0x3FB1]  }
0x2b: {  	s6 =	sld [smem:$0x3FB2]  }
0x2c: {  	s7 =	sld [smem:$0x3FB3]  }
0x2d: {  	s3 =	simm.s32 $0x108;
	s8 =	sld [smem:$0x3FB4]  }
0x2e: {  	s3 =	simm.s32 @!p0 $0x1082;
	s9 =	sld [smem:$0x3FB5]  }
0x2f: {  	lr =	sadd.s32 s0, s3;
	s0 =	sld [smem:$0x3FAC]  }
0x30: {  	s3 =	sld [smem:$0x3FAF]  }
0x31: {  	[smem:$0x3FB8] =	sst s10  }
0x32: {  	s10 =	sld [smem:$0x3FB6];
	_ =	sdelay $0x3  }
0x33: {  	p0 =	seq.s32 s10, $0x1;
	s10 =	sld [smem:$0x3FB8];
	_ =	sdelay $0x3  }
0x34: {  	[smem:$0x3FB8] =	sst s10  }
0x35: {  	s10 =	sld [smem:$0x3FB7];
	_ =	sdelay $0x3  }
0x36: {  	p1 =	seq.s32 s10, $0x1;
	s10 =	sld [smem:$0x3FB8];
	_ =	sdelay $0x3  }
0x37: {  	[smem:$0x3FB8] =	sst s10  }
0x38: {  	s10 =	sld [smem:$0x3FB9]  }
0x39: {  	_ = 	snop;
	(pc) =	sbr.ind lr, $3  }
0x3a: {  	_ = 	snop  }
0x3b: {  	_ = 	snop  }
0x3c: {  	p2 =	seq.s32 s10, $0x1;
	s10 =	sld [smem:$0x3FB8]  }
0x3d: {  	_ =	shalt  }
0x3e: {  	_ =	shalt  }
0x3f: {  	_ =	shalt  }
0x40: {  	_ =	shalt  }
0x41: {  	_ =	shalt  }
0x42: {  	_ =	shalt  }
0x43: {  	_ =	shalt  }
0x44: {  	_ =	shalt  }
0x45: {  	_ =	shalt  }
0x46: {  	_ =	shalt  }
0x47: {  	_ =	shalt  }
0x48: {  	_ =	shalt  }
0x49: {  	_ =	shalt  }
0x4a: {  	_ =	shalt  }
0x4b: {  	_ =	shalt  }
0x4c: {  	_ =	shalt  }
0x4d: {  	_ =	shalt  }
0x4e: {  	_ =	shalt  }
0x4f: {  	_ =	shalt  }
0x50: {  	_ =	shalt  }
0x51: {  	_ =	shalt  }
0x52: {  	_ =	shalt  }
0x53: {  	_ =	shalt  }
0x54: {  	_ =	shalt  }
0x55: {  	_ =	shalt  }
0x56: {  	_ =	shalt  }
0x57: {  	_ =	shalt  }
0x58: {  	_ =	shalt  }
0x59: {  	_ =	shalt  }
0x5a: {  	_ =	shalt  }
0x5b: {  	_ =	shalt  }
0x5c: {  	_ =	shalt  }
0x5d: {  	_ =	shalt  }
0x5e: {  	_ =	shalt  }
0x5f: {  	_ =	shalt  }
0x60: {  	_ =	shalt  }
0x61: {  	_ =	shalt  }
0x62: {  	_ =	shalt  }
0x63: {  	_ =	shalt  }
0x64: {  	_ =	shalt  }
0x65: {  	_ =	shalt  }
0x66: {  	_ =	shalt  }
0x67: {  	_ =	shalt  }
0x68: {  	_ =	shalt  }
0x69: {  	_ =	shalt  }
0x6a: {  	_ =	shalt  }
0x6b: {  	_ =	shalt  }
0x6c: {  	_ =	shalt  }
0x6d: {  	_ =	shalt  }
0x6e: {  	_ =	shalt  }
0x6f: {  	_ =	shalt  }
0x70: {  	_ =	shalt  }
0x71: {  	_ =	shalt  }
0x72: {  	_ =	shalt  }
0x73: {  	_ =	shalt  }
0x74: {  	_ =	shalt  }
0x75: {  	_ =	shalt  }
0x76: {  	_ =	shalt  }
0x77: {  	_ =	shalt  }
0x78: {  	_ =	shalt  }
0x79: {  	_ =	shalt  }
0x7a: {  	_ =	shalt  }
0x7b: {  	_ =	shalt  }
0x7c: {  	_ =	shalt  }
0x7d: {  	_ =	shalt  }
0x7e: {  	_ =	shalt  }
0x7f: {  	_ =	shalt  }
0x80: {  	_ =	shalt  }
0x81: {  	_ =	shalt  }
0x82: {  	_ =	shalt  }
0x83: {  	_ =	shalt  }
0x84: {  	_ =	shalt  }
0x85: {  	_ =	shalt  }
0x86: {  	_ =	shalt  }
0x87: {  	_ =	shalt  }
.Lfunc_end0:
.L_simem_size_0:
called_computation_lowered:
.L_overlay_start_0:
0x88: {  	s2 =	sld [smem:$0x3FD9]  }
0x89: {  	s3 =	sld [smem:$0x3FFE];
	_ =	sdelay $0x1  }
0x8a: {  	s1 =	srdreg.scid  }
0x8b: {  	s0 =	sand.u32 $0x1, s1  }
0x8c: {  	s17 =	sshll.u32 s0, $0xA;
	s2 =	sadd.s32 s3, s2  }
0x8d: {  	s2 =	sadd.s32 s2, s17  }
0x8e: {  	[smem:$0x3FC4] =	sst s2  }
0x8f: {  	_ = 	snop  }
0x90: {  	s2 =	sld [smem:$0x3FD0];
	(tm) =	ssettm $0x1  }
0x91: {  	s18 =	sld [smem:$0x3FFB];
	_ =	sdelay $0x3  }
0x92: {  	_ =	strace s18  }
0x93: {  	s3 =	sld [smem:$0x3FFC];
	_ =	sdelay $0x3  }
0x94: {  	_ =	strace s3  }
0x95: {  	s3 =	sld [smem:$0x3FFD];
	_ =	sdelay $0x3  }
0x96: {  	_ =	strace s3  }
0x97: {  	_ =	strace $0x8FFFFFFF  }
0x98: {  	s19 =	sld [smem:$0x3FDB];
	_ =	sdelay $0x1  }
0x99: {  	s4 =	simm.s32 $_scs_section_size  }
0x9a: {  	s5 =	simm.s32 $_size__tile_overlayer_lowered;
	s6 =	simm.s32 $_tile_overlayer_lowered  }
0x9b: {  	s22 =	simm.s32 $0x1BFF;
	s21 =	sshll.u32 s6, $0x1;
	s3 =	sadd.s32 s4, s19  }
0x9c: {  	s7 =	simm.s32 $0x0;
	s20 =	sshll.u32 s5, $0x1;
	s5 =	sadd.s32 s21, s3  }
0x9d: {  	[timem:s7], [sflag:s22] =	dma.local [hbm:s5], s20  }
0x9e: {  	_ =	swait.ge [sflag:s22], s20  }
0x9f: {  	s4 =	ssub.s32 $0x0, s20;
	[sflag:s22] =	ssyncset.done $0x0  }
0xa0: {  	[sflag:s22] =	ssyncadd.s32 s4;
	_ =	sdelay $0x1  }
0xa1: {  	s23 =	simm.s32 $0x1B8B  }
0xa2: {  	_ =	swait.ge [sflag:s23], $0x1  }
0xa3: {  	[sflag:s23] =	ssyncset.done $0x0  }
0xa4: {  	s25 =	simm.s32 $0x1B8E;
	s24 =	sld [smem:$0x3FFE];
	[sflag:s23] =	ssyncadd.s32 $0xFFFFFFFF  }
0xa5: {  	s26 =	simm.s32 $execute0_lowered;
	[smem:$0x3FD2] =	sst s25  }
0xa6: {  	s5 =	sshll.u32 s26, $0x1;
	_ =	strace $0x80000046;
	[dreg:$0x1] =	wrdreg $0xFFFFFFFF  }
0xa7: {  	s28 =	simm.s32 $_size_execute0_lowered;
	s3 =	sadd.s32 s3, s5;
	[dreg:$0x0] =	wrdreg $0x0  }
0xa8: {  	s5 =	sshll.u32 s28, $0x1;
	[dreg:$0x2] =	wrdreg s3  }
0xa9: {  	[dreg:$0x3] =	wrdreg s5  }
0xaa: {  	[dreg:$0x4] =	wrdreg $0xC0  }
0xab: {  	_ =	task [dreg:s7], $0x5FFFF  }
0xac: {  	[dreg:$0x1] =	wrdreg $0xFFFFFFFF  }
0xad: {  	[dreg:$0x0] =	wrdreg $0x60  }
0xae: {  	[dreg:$0x2] =	wrdreg s24  }
0xaf: {  	[dreg:$0x3] =	wrdreg s2  }
0xb0: {  	[dreg:$0x4] =	wrdreg $0x9  }
0xb1: {  	_ =	task.clear_ibuf [dreg:s7], $0x5FFFF;
	_ =	strace $0x90000046  }
0xb2: {  	s29 =	simm.s32 $0x9;
	_ =	strace $0x80000048  }
0xb3: {  	_ =	swait.ge [sflag:s29], $0x1  }
0xb4: {  	[sflag:s29] =	ssyncadd.s32 $0xFFFFFFFF  }
0xb5: {  	_ =	strace $0x90000048  }
0xb6: {  	_ =	sfence  }
0xb7: {  	s30 =	sld [smem:$0x0];
	_ =	sdelay $0x2  }
0xb8: {  	s31 =	sshll.u32 s1, $0xD;
	s1 =	sshrl.u32 s1, $0x2  }
0xb9: {  	s3 =	sand.u32 $0x4000, s31;
	s1 =	sadd.s32 s1, s30  }
0xba: {  	s0 =	sor.u32 s3, s0;
	s1 =	sshll.u32 s1, $0x11  }
0xbb: {  	s0 =	sor.u32 s1, s0  }
0xbc: {  	s0 =	sadd.s32 $0x8F2B, s0  }
0xbd: {  	[sflag:s0] =	ssyncadd.remote.s32 $0x1  }
0xbe: {  	_ =	sfence.sel $0xFFFF  }
0xbf: {  	[dreg:$0x0] =	wrdreg $0xFFFFFFFF;
	(pc) =	sbr.abs _section_cstart, $3  }
0xc0: {  	[dreg:$0x1] =	wrdreg $0xFFFFFFFF  }
0xc1: {  	_ =	task.clear_ibuf [dreg:s7], $0x2FFFF;
	_ =	strace $0x9FFFFFFF  }
0xc2: {  	(tm) =	ssettm $0x7FFFFFFF  }
0xc3: {  	_ =	shalt  }
tec
execute0_lowered:
.L_overlay_start_1:
0x0: {  	(tag) =	ssettag $0x1  }
0x1: {  	s0 =	srdreg.scid;
	s5 =	rddreg [dreg:$0x0]  }
0x2: {  	s2 =	rddreg [dreg:$0x1];
	s1 =	stileid.u32  }
0x3: {  	s3 =	simm.s32 $0x0;
	s11 =	simm.s32 $0x3;
	s12 =	simm.s32 $0x13900  }
0x4: {  	s13 =	simm.s32 $0x16080;
	s14 =	simm.s32 $0x18080;
	s15 =	simm.s32 $0x1  }
0x5: {  	s16 =	simm.s32 $0x9C80;
	s17 =	simm.s32 $0x2;
	s4 =	sand.u32 $0x1, s0  }
0x6: {  	s18 =	simm.s32 $0x0;
	s0 =	rddreg [dreg:$0x2];
	s6 =	sshll.u32 s4, $0x4  }
0x7: {  	[smem:$0x7FF] =	sst s3;
	s7 =	ssub.s32 $0x2, s4;
	s6 =	sor.u32 s1, s6  }
0x8: {  	s8 =	sadd.s32 $0xC00, s2;
	s31 =	sshrl.u32 s7, $0x1;
	s6 =	smul.u32 $0x138C, s6  }
0x9: {  	_ =	strace $0x80000047;
	s4 =	sadd.s32 $0x27C00, s5;
	s10 =	ssub.s32 s7, s31  }
0xa: {  	s7 =	sadd.s32 $0x800, s2;
	s10 =	smax.u32 s10, $0x1;
	s9 =	sadd.s32 s6, s5  }
0xb: {  	v0 =	vimm.f32 $0.0e+00;
	s6 =	sadd.s32 $0x400, s2;
	s5 =	sadd.s32 $0xA00, s9;
	s9 =	sadd.s32 $0x28200, s9  }
.LBB2_1:
0xc: {  	[tilespmem:s3], [sflag:$0x3] =	stream.linear.gather [hbm4b:s5+s3], $0x9C60, $0x38;
	[tilespmem:$0x1A080] =	vst v63  }
0xd: {  	_ =	swait.ge [sflag:s11], $0x9C60  }
0xe: {  	[sflag:s11] =	ssyncset.done $0x0  }
0xf: {  	[sflag:s11] =	ssyncadd.s32 $0xFFFF63A0  }
0x10: {  	[tilespmem:s12], [sflag:$0x3] =	stream.linear.gather [hbm4b:s4+s3], $0x2780, $0x38;
	[tilespmem:$0x1A080] =	vst v63  }
0x11: {  	_ =	swait.ge [sflag:s11], $0x2780  }
0x12: {  	[sflag:s11] =	ssyncset.done $0x0  }
0x13: {  	s19 =	simm.s32 $0x9D00;
	[sflag:s11] =	ssyncadd.s32 $0xFFFFD880  }
0x14: {  	[tilespmem:s19+$0xFFFFFF80] =	vst v0  }
0x15: {  	[tilespmem:s19+$0x70] =	vst v0  }
0x16: {  	[tilespmem:s19+$0x60] =	vst v0  }
0x17: {  	[tilespmem:s19+$0x50] =	vst v0  }
0x18: {  	[tilespmem:s19+$0x40] =	vst v0  }
0x19: {  	[tilespmem:s19+$0x30] =	vst v0  }
0x1a: {  	[tilespmem:s19+$0x20] =	vst v0  }
0x1b: {  	[tilespmem:s19+$0x10] =	vst v0  }
0x1c: {  	[tilespmem:s19+$0x0] =	vst v0  }
0x1d: {  	[tilespmem:s19+$0xFFFFFFF0] =	vst v0  }
0x1e: {  	[tilespmem:s19+$0xFFFFFFE0] =	vst v0  }
0x1f: {  	[tilespmem:s19+$0xFFFFFFD0] =	vst v0  }
0x20: {  	[tilespmem:s19+$0xFFFFFFC0] =	vst v0  }
0x21: {  	[tilespmem:s19+$0xFFFFFFB0] =	vst v0  }
0x22: {  	s20 =	simm.s32 $0x0;
	[tilespmem:s19+$0xFFFFFFA0] =	vst v0  }
.LBB2_2:
0x23: {  	s20 =	sadd.s32 $0x10, s20;
	[tilespmem:s19+$0xFFFFFF90] =	vst v0;
	s19 =	sadd.s32 $0x100, s19  }
0x24: {  	[tilespmem:s19+$0xFFFFFF80] =	vst v0;
	p0 =	slt.u32 s20, $0x9B0  }
0x25: {  	[tilespmem:s19+$0x70] =	vst v0  }
0x26: {  	[tilespmem:s19+$0x60] =	vst v0  }
0x27: {  	[tilespmem:s19+$0x50] =	vst v0  }
0x28: {  	[tilespmem:s19+$0x40] =	vst v0  }
0x29: {  	[tilespmem:s19+$0x30] =	vst v0  }
0x2a: {  	[tilespmem:s19+$0x20] =	vst v0  }
0x2b: {  	[tilespmem:s19+$0x10] =	vst v0  }
0x2c: {  	[tilespmem:s19+$0x0] =	vst v0  }
0x2d: {  	[tilespmem:s19+$0xFFFFFFF0] =	vst v0  }
.Ltmp0:
0x2e: {  	[tilespmem:s19+$0xFFFFFFE0] =	vst v0;
	(pc) =	sbr.rel @p0 .LBB2_2-.Ltmp0, $4  }
0x2f: {  	[tilespmem:s19+$0xFFFFFFD0] =	vst v0  }
0x30: {  	[tilespmem:s19+$0xFFFFFFC0] =	vst v0  }
0x31: {  	[tilespmem:s19+$0xFFFFFFB0] =	vst v0  }
0x32: {  	[tilespmem:s19+$0xFFFFFFA0] =	vst v0  }
0x33: {  	[tilespmem:s19+$0xFFFFFF90] =	vst v0;
	s19 =	simm.s32 $0x0;
	s20 =	simm.s32 $0x0  }
.LBB2_4:
0x34: {  	p0 =	sne.s32 s20, $0x140  }
.Ltmp1:
0x35: {  	_ = 	snop;
	(pc) =	sbr.rel @p0 .LBB2_4-.Ltmp1, $3  }
0x36: {  	_ =	sdelay $0x1  }
0x37: {  	s21 =	sshra.s32 s20, $0x2  }
0x38: {  	s20 =	sadd.s32 $0x40, s20;
	[tilespmem:s21+$0x13880] =	vst v0  }
0x39: {  	v4 =	vld [tilespmem:s19+$0xF0]  }
0x3a: {  	v5 =	vld [tilespmem:s19+$0x2808]  }
0x3b: {  	v2 =	vld [tilespmem:s19+$0x0]  }
0x3c: {  	v1 =	vld [tilespmem:s19+$0x2718]  }
0x3d: {  	v7 =	vld [tilespmem:s19+$0x10]  }
0x3e: {  	v8 =	vld [tilespmem:s19+$0x2728]  }
0x3f: {  	v10 =	vld [tilespmem:s19+$0x20]  }
0x40: {  	v11 =	vld [tilespmem:s19+$0x2738]  }
0x41: {  	v13 =	vld [tilespmem:s19+$0x30]  }
0x42: {  	v14 =	vld [tilespmem:s19+$0x2748]  }
0x43: {  	v16 =	vld [tilespmem:s19+$0x40]  }
0x44: {  	v17 =	vld [tilespmem:s19+$0x2758]  }
0x45: {  	v19 =	vld [tilespmem:s19+$0x50]  }
0x46: {  	v20 =	vld [tilespmem:s19+$0x2768]  }
0x47: {  	v22 =	vld [tilespmem:s19+$0x60]  }
0x48: {  	v23 =	vld [tilespmem:s19+$0x2778]  }
0x49: {  	v25 =	vld [tilespmem:s19+$0x70]  }
0x4a: {  	v26 =	vld [tilespmem:s19+$0x2788]  }
0x4b: {  	v28 =	vld [tilespmem:s19+$0x80]  }
0x4c: {  	v29 =	vld [tilespmem:s19+$0x2798]  }
0x4d: {  	v31 =	vld [tilespmem:s19+$0x90]  }
0x4e: {  	v32 =	vld [tilespmem:s19+$0x27A8]  }
0x4f: {  	v58 =	vld [tilespmem:s19+$0x27C8]  }
0x50: {  	v60 =	vld [tilespmem:s19+$0xC0]  }
0x51: {  	s21 =	simm.s32 $0x13980;
	v61 =	vld [tilespmem:s19+$0x27D8]  }
0x52: {  	v3 =	vld [tilespmem:s21+$0x70]  }
0x53: {  	v6 =	vld [tilespmem:s21+$0xFFFFFF90]  }
0x54: {  	v9 =	vld [tilespmem:s21+$0xFFFFFFA0]  }
0x55: {  	v12 =	vld [tilespmem:s21+$0xFFFFFFB0]  }
0x56: {  	v15 =	vld [tilespmem:s21+$0xFFFFFFC0]  }
0x57: {  	v18 =	vld [tilespmem:s21+$0xFFFFFFD0]  }
0x58: {  	v21 =	vld [tilespmem:s21+$0xFFFFFFE0]  }
0x59: {  	v24 =	vld [tilespmem:s21+$0xFFFFFFF0]  }
0x5a: {  	v27 =	vld [tilespmem:s21+$0x0];
	v4 =	vmul.f32 v4, v3;
	v3 =	vmul.f32 v5, v3  }
0x5b: {  	v30 =	vld [tilespmem:s21+$0x10];
	v7 =	vmul.f32 v7, v6;
	v6 =	vmul.f32 v8, v6  }
0x5c: {  	v33 =	vld [tilespmem:s21+$0x20];
	v3 =	vpack.i.f32.bf16 v3, v4;
	v4 =	vmul.f32 v10, v9;
	v9 =	vmul.f32 v11, v9  }
0x5d: {  	v5 =	vld [tilespmem:s19+$0xA0];
	[tilespmem:s19+$0xF0] =	vst v3;
	v3 =	vpack.i.f32.bf16 v6, v7;
	v6 =	vmul.f32 v13, v12;
	v7 =	vmul.f32 v14, v12  }
0x5e: {  	v8 =	vld [tilespmem:s19+$0x27B8];
	[tilespmem:s19+$0x10] =	vst v3;
	v3 =	vpack.i.f32.bf16 v9, v4;
	v4 =	vmul.f32 v16, v15;
	v9 =	vmul.f32 v17, v15  }
0x5f: {  	v10 =	vld [tilespmem:s21+$0x30];
	[tilespmem:s19+$0x20] =	vst v3;
	v3 =	vpack.i.f32.bf16 v7, v6;
	v6 =	vmul.f32 v19, v18;
	v7 =	vmul.f32 v20, v18  }
0x60: {  	v11 =	vld [tilespmem:s19+$0xB0];
	[tilespmem:s19+$0x30] =	vst v3;
	v3 =	vpack.i.f32.bf16 v9, v4;
	v4 =	vmul.f32 v22, v21;
	v9 =	vmul.f32 v23, v21  }
0x61: {  	v59 =	vld [tilespmem:s21+$0x40];
	[tilespmem:s19+$0x40] =	vst v3;
	v3 =	vpack.i.f32.bf16 v7, v6;
	v6 =	vmul.f32 v25, v24;
	v7 =	vmul.f32 v26, v24  }
0x62: {  	v63 =	vld [tilespmem:s19+$0xD0];
	v62 =	vmul.f32 v29, v27;
	[tilespmem:s19+$0x50] =	vst v3;
	v4 =	vpack.i.f32.bf16 v9, v4;
	v9 =	vmul.f32 v28, v27  }
0x63: {  	v3 =	vld [tilespmem:s21+$0x50];
	[tilespmem:s19+$0x60] =	vst v4;
	v4 =	vpack.i.f32.bf16 v7, v6;
	v6 =	vmul.f32 v31, v30;
	v7 =	vmul.f32 v32, v30  }
0x64: {  	v8 =	vmul.f32 v8, v33;
	[tilespmem:s19+$0x70] =	vst v4;
	v4 =	vpack.i.f32.bf16 v62, v9;
	v9 =	vmul.f32 v5, v33;
	v5 =	vld [tilespmem:s19+$0x27E8]  }
0x65: {  	[tilespmem:s19+$0x80] =	vst v4;
	v6 =	vpack.i.f32.bf16 v7, v6;
	v7 =	vmul.f32 v11, v10;
	v10 =	vmul.f32 v58, v10;
	v4 =	vld [tilespmem:s21+$0x60]  }
0x66: {  	v11 =	vmul.f32 v61, v59;
	[tilespmem:s19+$0x90] =	vst v6;
	v6 =	vpack.i.f32.bf16 v8, v9;
	v9 =	vmul.f32 v60, v59;
	v8 =	vld [tilespmem:s19+$0xE0]  }
0x67: {  	[tilespmem:s19+$0xA0] =	vst v6;
	v6 =	vpack.i.f32.bf16 v10, v7;
	v7 =	vld [tilespmem:s19+$0x27F8]  }
0x68: {  	s20 =	simm.s32 $0x0;
	s22 =	simm.s32 $0x0;
	[tilespmem:s19+$0xB0] =	vst v6;
	v6 =	vld [tilespmem:s21+$0xFFFFFF80];
	v10 =	vpack.i.f32.bf16 v11, v9;
	v9 =	vmul.f32 v63, v3;
	s21 =	simm.s32 $0x13A80  }
.LBB2_6:
0x69: {  	v11 =	vld [tilespmem:s21+$0x70];
	[tilespmem:s19+$0xC0] =	vst v10;
	v3 =	vmul.f32 v5, v3;
	s22 =	sadd.s32 $0x100, s22  }
0x6a: {  	v5 =	vld [tilespmem:s22+$0xF0]  }
0x6b: {  	s20 =	sadd.s32 $0x10, s20;
	v10 =	vld [tilespmem:s22+$0x2808];
	v3 =	vpack.i.f32.bf16 v3, v9;
	v8 =	vmul.f32 v8, v4  }
0x6c: {  	p0 =	slt.u32 s20, $0x260;
	v9 =	vld [tilespmem:s22+$0x0];
	[tilespmem:s19+$0xD0] =	vst v3;
	v3 =	vmul.f32 v7, v4  }
0x6d: {  	v2 =	vmul.f32 v2, v6;
	v4 =	vmul.f32 v1, v6;
	v1 =	vld [tilespmem:s22+$0x2718]  }
0x6e: {  	v6 =	vld [tilespmem:s21+$0xFFFFFF90];
	v3 =	vpack.i.f32.bf16 v3, v8  }
0x6f: {  	v7 =	vld [tilespmem:s22+$0x10];
	v12 =	vpack.i.f32.bf16 v4, v2;
	[tilespmem:s19+$0xE0] =	vst v3  }
0x70: {  	v4 =	vmul.f32 v5, v11;
	v3 =	vld [tilespmem:s22+$0x2728];
	v5 =	vmul.f32 v10, v11;
	[tilespmem:s19+$0x0] =	vst v12;
	s19 =	smov.u32 s22  }
0x71: {  	v8 =	vld [tilespmem:s21+$0xFFFFFFA0];
	v2 =	vmov v9  }
0x72: {  	v9 =	vld [tilespmem:s22+$0x20];
	v4 =	vpack.i.f32.bf16 v5, v4  }
0x73: {  	v5 =	vld [tilespmem:s22+$0x2738];
	[tilespmem:s22+$0xF0] =	vst v4  }
0x74: {  	v4 =	vmul.f32 v7, v6;
	v7 =	vld [tilespmem:s21+$0xFFFFFFB0]  }
0x75: {  	v3 =	vmul.f32 v3, v6;
	v6 =	vld [tilespmem:s22+$0x30]  }
0x76: {  	v10 =	vld [tilespmem:s22+$0x2748]  }
0x77: {  	v3 =	vpack.i.f32.bf16 v3, v4;
	v4 =	vmul.f32 v9, v8;
	v9 =	vld [tilespmem:s21+$0xFFFFFFC0]  }
0x78: {  	[tilespmem:s22+$0x10] =	vst v3;
	v3 =	vmul.f32 v5, v8;
	v5 =	vld [tilespmem:s22+$0x40]  }
0x79: {  	v8 =	vld [tilespmem:s22+$0x2758]  }
0x7a: {  	v3 =	vpack.i.f32.bf16 v3, v4;
	v4 =	vmul.f32 v6, v7;
	v6 =	vld [tilespmem:s21+$0xFFFFFFD0]  }
0x7b: {  	[tilespmem:s22+$0x20] =	vst v3;
	v3 =	vmul.f32 v10, v7;
	v7 =	vld [tilespmem:s22+$0x50]  }
0x7c: {  	v10 =	vld [tilespmem:s22+$0x2768]  }
0x7d: {  	v3 =	vpack.i.f32.bf16 v3, v4;
	v4 =	vmul.f32 v5, v9;
	v5 =	vld [tilespmem:s21+$0xFFFFFFE0]  }
0x7e: {  	[tilespmem:s22+$0x30] =	vst v3;
	v3 =	vmul.f32 v8, v9;
	v8 =	vld [tilespmem:s22+$0x60]  }
0x7f: {  	v9 =	vld [tilespmem:s22+$0x2778]  }
0x80: {  	v3 =	vpack.i.f32.bf16 v3, v4;
	v4 =	vmul.f32 v7, v6;
	v7 =	vld [tilespmem:s21+$0xFFFFFFF0]  }
0x81: {  	[tilespmem:s22+$0x40] =	vst v3;
	v3 =	vmul.f32 v10, v6;
	v6 =	vld [tilespmem:s22+$0x70]  }
0x82: {  	v10 =	vld [tilespmem:s22+$0x2788]  }
0x83: {  	v3 =	vpack.i.f32.bf16 v3, v4;
	v4 =	vmul.f32 v8, v5;
	v8 =	vld [tilespmem:s21+$0x0]  }
0x84: {  	[tilespmem:s22+$0x50] =	vst v3;
	v3 =	vmul.f32 v9, v5;
	v5 =	vld [tilespmem:s22+$0x80]  }
0x85: {  	v9 =	vld [tilespmem:s22+$0x2798]  }
0x86: {  	v3 =	vpack.i.f32.bf16 v3, v4;
	v4 =	vmul.f32 v6, v7;
	v6 =	vld [tilespmem:s21+$0x10]  }
0x87: {  	[tilespmem:s22+$0x60] =	vst v3;
	v3 =	vmul.f32 v10, v7;
	v7 =	vld [tilespmem:s22+$0x90]  }
0x88: {  	v10 =	vld [tilespmem:s22+$0x27A8]  }
0x89: {  	v3 =	vpack.i.f32.bf16 v3, v4;
	v4 =	vmul.f32 v5, v8;
	v5 =	vld [tilespmem:s21+$0x20]  }
0x8a: {  	[tilespmem:s22+$0x70] =	vst v3;
	v3 =	vmul.f32 v9, v8;
	v8 =	vld [tilespmem:s22+$0xA0]  }
0x8b: {  	v9 =	vld [tilespmem:s22+$0x27B8]  }
0x8c: {  	v3 =	vpack.i.f32.bf16 v3, v4;
	v4 =	vmul.f32 v7, v6;
	v7 =	vld [tilespmem:s21+$0x30]  }
0x8d: {  	[tilespmem:s22+$0x80] =	vst v3;
	v3 =	vmul.f32 v10, v6;
	v6 =	vld [tilespmem:s22+$0xB0]  }
0x8e: {  	v10 =	vld [tilespmem:s22+$0x27C8]  }
0x8f: {  	v3 =	vpack.i.f32.bf16 v3, v4;
	v4 =	vmul.f32 v8, v5;
	v8 =	vld [tilespmem:s21+$0x40]  }
0x90: {  	[tilespmem:s22+$0x90] =	vst v3;
	v3 =	vmul.f32 v9, v5;
	v9 =	vld [tilespmem:s22+$0xC0]  }
0x91: {  	v11 =	vld [tilespmem:s22+$0x27D8]  }
0x92: {  	v4 =	vpack.i.f32.bf16 v3, v4;
	v6 =	vmul.f32 v6, v7;
	v3 =	vld [tilespmem:s21+$0x50]  }
0x93: {  	[tilespmem:s22+$0xA0] =	vst v4;
	v4 =	vmul.f32 v10, v7;
	v12 =	vld [tilespmem:s22+$0xD0]  }
.Ltmp2:
0x94: {  	v5 =	vld [tilespmem:s22+$0x27E8];
	(pc) =	sbr.rel @p0 .LBB2_6-.Ltmp2, $4  }
0x95: {  	v6 =	vpack.i.f32.bf16 v4, v6;
	v9 =	vmul.f32 v9, v8;
	v4 =	vld [tilespmem:s21+$0x60]  }
0x96: {  	[tilespmem:s22+$0xB0] =	vst v6;
	v10 =	vmul.f32 v11, v8;
	v8 =	vld [tilespmem:s22+$0xE0]  }
0x97: {  	v7 =	vld [tilespmem:s22+$0x27F8]  }
0x98: {  	v6 =	vld [tilespmem:s21+$0xFFFFFF80];
	v10 =	vpack.i.f32.bf16 v10, v9;
	v9 =	vmul.f32 v12, v3;
	s21 =	sadd.s32 $0x100, s21  }
0x99: {  	_ =	sdelay $0x1  }
0x9a: {  	v3 =	vmul.f32 v5, v3  }
0x9b: {  	v5 =	vmul.f32 v8, v4;
	v4 =	vmul.f32 v7, v4  }
0x9c: {  	[tilespmem:s19+$0xC0] =	vst v10;
	v3 =	vpack.i.f32.bf16 v3, v9;
	v2 =	vmul.f32 v2, v6;
	v1 =	vmul.f32 v1, v6  }
0x9d: {  	[tilespmem:s19+$0xD0] =	vst v3;
	v3 =	vpack.i.f32.bf16 v4, v5  }
0x9e: {  	v1 =	vpack.i.f32.bf16 v1, v2;
	[tilespmem:s19+$0xE0] =	vst v3  }
0x9f: {  	[tilespmem:s19+$0x0] =	vst v1  }
0xa0: {  	v1 =	vld [tilespmem:$0x16000]  }
0xa1: {  	v2 =	vld [tilespmem:$0x2700]  }
0xa2: {  	v3 =	vld [tilespmem:$0x4E18];
	_ =	sdelay $0x4  }
0xa3: {  	v2 =	vmul.f32 v2, v1;
	v1 =	vmul.f32 v3, v1;
	_ =	sdelay $0x1  }
0xa4: {  	v1 =	vpack.i.f32.bf16 v1, v2  }
0xa5: {  	s19 =	simm.s32 $0x0;
	[tilespmem:$0x2700] =	vst v1  }
0xa6: {  	v1 =	vld [tilespmem:s19+$0x139F0]  }
0xa7: {  	v2 =	vld [tilespmem:s19+$0x4F20]  }
0xa8: {  	v3 =	vld [tilespmem:s19+$0x7638]  }
0xa9: {  	v4 =	vld [tilespmem:s19+$0x13900]  }
0xaa: {  	v5 =	vld [tilespmem:s19+$0x4E30]  }
0xab: {  	v6 =	vld [tilespmem:s19+$0x7548]  }
0xac: {  	v7 =	vld [tilespmem:s19+$0x13910]  }
0xad: {  	v8 =	vld [tilespmem:s19+$0x4E40]  }
0xae: {  	v55 =	vld [tilespmem:s19+$0x7558]  }
0xaf: {  	v10 =	vld [tilespmem:s19+$0x13920]  }
0xb0: {  	v11 =	vld [tilespmem:s19+$0x4E50]  }
0xb1: {  	v12 =	vld [tilespmem:s19+$0x7568]  }
0xb2: {  	v13 =	vld [tilespmem:s19+$0x13930]  }
0xb3: {  	v14 =	vld [tilespmem:s19+$0x4E60]  }
0xb4: {  	v15 =	vld [tilespmem:s19+$0x7578]  }
0xb5: {  	v16 =	vld [tilespmem:s19+$0x13940]  }
0xb6: {  	v17 =	vld [tilespmem:s19+$0x4E70]  }
0xb7: {  	v18 =	vld [tilespmem:s19+$0x7588]  }
0xb8: {  	v19 =	vld [tilespmem:s19+$0x13950]  }
0xb9: {  	v20 =	vld [tilespmem:s19+$0x4E80]  }
0xba: {  	v21 =	vld [tilespmem:s19+$0x7598]  }
0xbb: {  	v22 =	vld [tilespmem:s19+$0x13960]  }
0xbc: {  	v23 =	vld [tilespmem:s19+$0x4E90]  }
0xbd: {  	v24 =	vld [tilespmem:s19+$0x75A8]  }
0xbe: {  	v25 =	vld [tilespmem:s19+$0x13970]  }
0xbf: {  	v26 =	vld [tilespmem:s19+$0x4EA0]  }
0xc0: {  	v27 =	vld [tilespmem:s19+$0x75B8]  }
0xc1: {  	v28 =	vld [tilespmem:s19+$0x13980]  }
0xc2: {  	v29 =	vld [tilespmem:s19+$0x4EB0]  }
0xc3: {  	v30 =	vld [tilespmem:s19+$0x75C8]  }
0xc4: {  	v31 =	vld [tilespmem:s19+$0x13990]  }
0xc5: {  	v56 =	vld [tilespmem:s19+$0x4ED0];
	v2 =	vmul.f32 v2, v1;
	v1 =	vmul.f32 v3, v1  }
0xc6: {  	v57 =	vld [tilespmem:s19+$0x75E8];
	v5 =	vmul.f32 v5, v4;
	v4 =	vmul.f32 v6, v4  }
0xc7: {  	v58 =	vld [tilespmem:s19+$0x139B0];
	v1 =	vpack.i.f32.bf16 v1, v2;
	v2 =	vmul.f32 v8, v7;
	v7 =	vmul.f32 v55, v7  }
0xc8: {  	v59 =	vld [tilespmem:s19+$0x4EE0];
	[tilespmem:s19+$0x2808] =	vst v1;
	v1 =	vpack.i.f32.bf16 v4, v5;
	v4 =	vmul.f32 v11, v10;
	v5 =	vmul.f32 v12, v10  }
0xc9: {  	v3 =	vld [tilespmem:s19+$0x4EC0];
	[tilespmem:s19+$0x2718] =	vst v1;
	v1 =	vpack.i.f32.bf16 v7, v2;
	v2 =	vmul.f32 v14, v13;
	v7 =	vmul.f32 v15, v13  }
0xca: {  	v6 =	vld [tilespmem:s19+$0x75D8];
	[tilespmem:s19+$0x2728] =	vst v1;
	v1 =	vpack.i.f32.bf16 v5, v4;
	v4 =	vmul.f32 v17, v16;
	v5 =	vmul.f32 v18, v16  }
0xcb: {  	v8 =	vld [tilespmem:s19+$0x139A0];
	[tilespmem:s19+$0x2738] =	vst v1;
	v1 =	vpack.i.f32.bf16 v7, v2;
	v2 =	vmul.f32 v20, v19;
	v7 =	vmul.f32 v21, v19  }
0xcc: {  	v60 =	vld [tilespmem:s19+$0x75F8];
	[tilespmem:s19+$0x2748] =	vst v1;
	v1 =	vpack.i.f32.bf16 v5, v4;
	v4 =	vmul.f32 v23, v22;
	v5 =	vmul.f32 v24, v22  }
0xcd: {  	v61 =	vld [tilespmem:s19+$0x139C0];
	[tilespmem:s19+$0x2758] =	vst v1;
	v1 =	vpack.i.f32.bf16 v7, v2;
	v2 =	vmul.f32 v26, v25;
	v7 =	vmul.f32 v27, v25  }
0xce: {  	v62 =	vld [tilespmem:s19+$0x4EF0];
	[tilespmem:s19+$0x2768] =	vst v1;
	v1 =	vpack.i.f32.bf16 v5, v4;
	v4 =	vmul.f32 v29, v28;
	v5 =	vmul.f32 v30, v28  }
0xcf: {  	[tilespmem:s19+$0x2778] =	vst v1;
	v1 =	vpack.i.f32.bf16 v7, v2;
	v2 =	vmul.f32 v3, v31;
	v3 =	vmul.f32 v6, v31;
	v7 =	vld [tilespmem:s19+$0x7608]  }
0xd0: {  	v6 =	vmul.f32 v57, v8;
	[tilespmem:s19+$0x2788] =	vst v1;
	v4 =	vpack.i.f32.bf16 v5, v4;
	v5 =	vmul.f32 v56, v8;
	v1 =	vld [tilespmem:s19+$0x139D0]  }
0xd1: {  	v63 =	vmul.f32 v60, v58;
	v8 =	vmul.f32 v59, v58;
	[tilespmem:s19+$0x2798] =	vst v4;
	v2 =	vpack.i.f32.bf16 v3, v2;
	v4 =	vld [tilespmem:s19+$0x4F00]  }
0xd2: {  	v3 =	vld [tilespmem:s19+$0x7618];
	[tilespmem:s19+$0x27A8] =	vst v2;
	v2 =	vpack.i.f32.bf16 v6, v5  }
0xd3: {  	v5 =	vpack.i.f32.bf16 v63, v8;
	[tilespmem:s19+$0x27B8] =	vst v2;
	v2 =	vld [tilespmem:s19+$0x139E0]  }
0xd4: {  	s20 =	simm.s32 $0x0;
	s21 =	simm.s32 $0x400;
	v6 =	vmul.f32 v62, v61;
	[tilespmem:s19+$0x27C8] =	vst v5;
	v5 =	vld [tilespmem:s19+$0x4F10];
	v7 =	vmul.f32 v7, v61  }
.LBB2_8:
0xd5: {  	s22 =	sshra.s32 s21, $0x2;
	v8 =	vld [tilespmem:s19+$0x7628]  }
0xd6: {  	v9 =	vld [tilespmem:s22+$0x139F0];
	v6 =	vpack.i.f32.bf16 v7, v6;
	v4 =	vmul.f32 v4, v1  }
0xd7: {  	s20 =	sadd.s32 $0x10, s20;
	v7 =	vld [tilespmem:s22+$0x4F20];
	[tilespmem:s19+$0x27D8] =	vst v6;
	v1 =	vmul.f32 v3, v1  }
0xd8: {  	p0 =	slt.u32 s20, $0x260;
	v3 =	vld [tilespmem:s22+$0x7638]  }
0xd9: {  	v6 =	vld [tilespmem:s22+$0x13900];
	v1 =	vpack.i.f32.bf16 v1, v4;
	v4 =	vmul.f32 v5, v2  }
0xda: {  	v5 =	vld [tilespmem:s22+$0x4E30];
	[tilespmem:s19+$0x27E8] =	vst v1;
	v1 =	vmul.f32 v8, v2  }
0xdb: {  	v2 =	vld [tilespmem:s22+$0x7548]  }
0xdc: {  	v8 =	vld [tilespmem:s22+$0x13910];
	v1 =	vpack.i.f32.bf16 v1, v4  }
0xdd: {  	v7 =	vmul.f32 v7, v9;
	v4 =	vld [tilespmem:s22+$0x4E40];
	v3 =	vmul.f32 v3, v9;
	[tilespmem:s19+$0x27F8] =	vst v1;
	s19 =	smov.u32 s22  }
0xde: {  	v1 =	vld [tilespmem:s19+$0x7558]  }
0xdf: {  	v5 =	vmul.f32 v5, v6;
	v9 =	vld [tilespmem:s19+$0x13920];
	v3 =	vpack.i.f32.bf16 v3, v7  }
0xe0: {  	v2 =	vmul.f32 v2, v6;
	v6 =	vld [tilespmem:s19+$0x4E50];
	[tilespmem:s19+$0x2808] =	vst v3  }
0xe1: {  	v3 =	vld [tilespmem:s19+$0x7568]  }
0xe2: {  	v2 =	vpack.i.f32.bf16 v2, v5;
	v4 =	vmul.f32 v4, v8;
	v5 =	vld [tilespmem:s19+$0x13930]  }
0xe3: {  	[tilespmem:s19+$0x2718] =	vst v2;
	v1 =	vmul.f32 v1, v8;
	v2 =	vld [tilespmem:s19+$0x4E60]  }
0xe4: {  	v7 =	vld [tilespmem:s19+$0x7578]  }
0xe5: {  	v1 =	vpack.i.f32.bf16 v1, v4;
	v4 =	vmul.f32 v6, v9;
	v6 =	vld [tilespmem:s19+$0x13940]  }
0xe6: {  	[tilespmem:s19+$0x2728] =	vst v1;
	v1 =	vmul.f32 v3, v9;
	v3 =	vld [tilespmem:s19+$0x4E70]  }
0xe7: {  	v8 =	vld [tilespmem:s19+$0x7588]  }
0xe8: {  	v1 =	vpack.i.f32.bf16 v1, v4;
	v2 =	vmul.f32 v2, v5;
	v4 =	vld [tilespmem:s19+$0x13950]  }
0xe9: {  	[tilespmem:s19+$0x2738] =	vst v1;
	v1 =	vmul.f32 v7, v5;
	v5 =	vld [tilespmem:s19+$0x4E80]  }
0xea: {  	v7 =	vld [tilespmem:s19+$0x7598]  }
0xeb: {  	v1 =	vpack.i.f32.bf16 v1, v2;
	v2 =	vmul.f32 v3, v6;
	v3 =	vld [tilespmem:s19+$0x13960]  }
0xec: {  	[tilespmem:s19+$0x2748] =	vst v1;
	v1 =	vmul.f32 v8, v6;
	v6 =	vld [tilespmem:s19+$0x4E90]  }
0xed: {  	v8 =	vld [tilespmem:s19+$0x75A8]  }
0xee: {  	v1 =	vpack.i.f32.bf16 v1, v2;
	v2 =	vmul.f32 v5, v4;
	v5 =	vld [tilespmem:s19+$0x13970]  }
0xef: {  	[tilespmem:s19+$0x2758] =	vst v1;
	v1 =	vmul.f32 v7, v4;
	v4 =	vld [tilespmem:s19+$0x4EA0]  }
0xf0: {  	v7 =	vld [tilespmem:s19+$0x75B8]  }
0xf1: {  	v1 =	vpack.i.f32.bf16 v1, v2;
	v2 =	vmul.f32 v6, v3;
	v6 =	vld [tilespmem:s19+$0x13980]  }
0xf2: {  	[tilespmem:s19+$0x2768] =	vst v1;
	v1 =	vmul.f32 v8, v3;
	v3 =	vld [tilespmem:s19+$0x4EB0]  }
0xf3: {  	v8 =	vld [tilespmem:s19+$0x75C8]  }
0xf4: {  	v1 =	vpack.i.f32.bf16 v1, v2;
	v2 =	vmul.f32 v4, v5;
	v4 =	vld [tilespmem:s19+$0x13990]  }
0xf5: {  	[tilespmem:s19+$0x2778] =	vst v1;
	v1 =	vmul.f32 v7, v5;
	v5 =	vld [tilespmem:s19+$0x4EC0]  }
0xf6: {  	v7 =	vld [tilespmem:s19+$0x75D8]  }
0xf7: {  	v1 =	vpack.i.f32.bf16 v1, v2;
	v2 =	vmul.f32 v3, v6;
	v3 =	vld [tilespmem:s19+$0x139A0]  }
0xf8: {  	[tilespmem:s19+$0x2788] =	vst v1;
	v1 =	vmul.f32 v8, v6;
	v6 =	vld [tilespmem:s19+$0x4ED0]  }
0xf9: {  	v8 =	vld [tilespmem:s19+$0x75E8]  }
0xfa: {  	v1 =	vpack.i.f32.bf16 v1, v2;
	v2 =	vmul.f32 v5, v4;
	v5 =	vld [tilespmem:s19+$0x139B0]  }
0xfb: {  	[tilespmem:s19+$0x2798] =	vst v1;
	v1 =	vmul.f32 v7, v4;
	v4 =	vld [tilespmem:s19+$0x4EE0]  }
0xfc: {  	v7 =	vld [tilespmem:s19+$0x75F8]  }
0xfd: {  	v1 =	vpack.i.f32.bf16 v1, v2;
	v2 =	vmul.f32 v6, v3;
	v9 =	vld [tilespmem:s19+$0x139C0]  }
0xfe: {  	[tilespmem:s19+$0x27A8] =	vst v1;
	v1 =	vmul.f32 v8, v3;
	v6 =	vld [tilespmem:s19+$0x4EF0]  }
0xff: {  	v8 =	vld [tilespmem:s19+$0x7608]  }
.Ltmp3:
0x100: {  	v2 =	vpack.i.f32.bf16 v1, v2;
	v10 =	vmul.f32 v4, v5;
	v1 =	vld [tilespmem:s19+$0x139D0];
	(pc) =	sbr.rel @p0 .LBB2_8-.Ltmp3, $4  }
0x101: {  	[tilespmem:s19+$0x27B8] =	vst v2;
	v2 =	vmul.f32 v7, v5;
	v4 =	vld [tilespmem:s19+$0x4F00]  }
0x102: {  	v3 =	vld [tilespmem:s19+$0x7618]  }
0x103: {  	v5 =	vpack.i.f32.bf16 v2, v10;
	v6 =	vmul.f32 v6, v9;
	v2 =	vld [tilespmem:s19+$0x139E0]  }
0x104: {  	s21 =	sadd.s32 $0x400, s21;
	[tilespmem:s19+$0x27C8] =	vst v5;
	v7 =	vmul.f32 v8, v9;
	v5 =	vld [tilespmem:s19+$0x4F10]  }
0x105: {  	v8 =	vld [tilespmem:s19+$0x7628];
	_ =	sdelay $0x3  }
0x106: {  	v4 =	vmul.f32 v4, v1;
	v1 =	vmul.f32 v3, v1  }
0x107: {  	v3 =	vpack.i.f32.bf16 v7, v6;
	v5 =	vmul.f32 v5, v2;
	v2 =	vmul.f32 v8, v2  }
0x108: {  	[tilespmem:s19+$0x27D8] =	vst v3;
	v1 =	vpack.i.f32.bf16 v1, v4  }
0x109: {  	[tilespmem:s19+$0x27E8] =	vst v1;
	v1 =	vpack.i.f32.bf16 v2, v5  }
0x10a: {  	[tilespmem:s19+$0x27F8] =	vst v1  }
0x10b: {  	v1 =	vld [tilespmem:$0x16000]  }
0x10c: {  	v2 =	vld [tilespmem:$0x7530]  }
0x10d: {  	v3 =	vld [tilespmem:$0x9C48];
	_ =	sdelay $0x4  }
0x10e: {  	v2 =	vmul.f32 v2, v1;
	v1 =	vmul.f32 v3, v1;
	_ =	sdelay $0x1  }
0x10f: {  	v1 =	vpack.i.f32.bf16 v1, v2  }
0x110: {  	s19 =	simm.s32 $0x0;
	[tilespmem:$0x4E18] =	vst v1  }
0x111: {  	[tilespmem:s13], [sflag:$0x1] =	stream.linear.gather [hbm4b:s2+s19], $0x2000, $0x38;
	[tilespmem:$0x1A080] =	vst v63  }
0x112: {  	_ = 	snop  }
0x113: {  	[tilespmem:s14], [sflag:$0x2] =	stream.linear.gather [hbm4b:s6+s19], $0x2000, $0x38;
	[tilespmem:$0x1A080] =	vst v63  }
.LBB2_10:
0x114: {  	_ =	swait.ge [sflag:s15], $0x2000  }
0x115: {  	[sflag:s15] =	ssyncset.done $0x0  }
0x116: {  	s20 =	simm.s32 $0xFFFFFFC0;
	s21 =	simm.s32 $0x16280;
	[sflag:s15] =	ssyncadd.s32 $0xFFFFE000  }
.LBB2_11:
0x117: {  	v1 =	vld [tilespmem:s21+$0xFFFFFE00]  }
0x118: {  	v2 =	vld [tilespmem:s21+$0xFFFFFE10]  }
0x119: {  	v9 =	vld [tilespmem:s21+$0xFFFFFE20]  }
0x11a: {  	v35 =	vld [tilespmem:s21+$0xFFFFFE30]  }
0x11b: {  	v37 =	vld [tilespmem:s21+$0xFFFFFE40]  }
0x11c: {  	v45 =	vld [tilespmem:s21+$0xFFFFFE50]  }
0x11d: {  	v50 =	vld [tilespmem:s21+$0xFFFFFE60];
	v3 =	vand.u32 $0xFFFF, v1  }
0x11e: {  	v63 =	vld [tilespmem:s21+$0xFFFFFE80];
	v4 =	vand.u32 $0xFFFF, v2  }
0x11f: {  	v26 =	vld [tilespmem:s21+$0xFFFFFEA0];
	v34 =	vand.u32 $0xFFFF, v9  }
0x120: {  	v57 =	vld [tilespmem:s21+$0xFFFFFE70];
	v13 =	vand.u32 $0xFFFF, v35  }
0x121: {  	v22 =	vld [tilespmem:s21+$0xFFFFFE90];
	v49 =	vand.u32 $0xFFFF, v45  }
0x122: {  	v54 =	vand.u32 $0xFFFF, v50;
	v5 =	vld.idx.msk [tilespmem:v3+s3+$0x0], $0xffff  }
0x123: {  	v16 =	vand.u32 $0xFFFF, v63;
	v7 =	vld.idx.msk [tilespmem:v4+s3+$0x0], $0xffff  }
0x124: {  	v30 =	vand.u32 $0xFFFF, v26;
	v12 =	vld.idx.msk [tilespmem:v34+s3+$0x0], $0xffff  }
0x125: {  	v1 =	vshrl.u32 v1, $0x10;
	v39 =	vld.idx.msk [tilespmem:v13+s3+$0x0], $0xffff  }
0x126: {  	v2 =	vshrl.u32 v2, $0x10;
	v53 =	vld.idx.msk [tilespmem:v49+s3+$0x0], $0xffff  }
0x127: {  	v6 =	vadd.s32 $0x2718, v1;
	v60 =	vld.idx.msk [tilespmem:v54+s3+$0x0], $0xffff  }
0x128: {  	v3 =	vadd.s32 $0x2718, v3;
	v20 =	vld.idx.msk [tilespmem:v16+s3+$0x0], $0xffff  }
0x129: {  	v41 =	vshrl.u32 v35, $0x10;
	v31 =	vadd.s32 $0x2718, v2;
	v35 =	vld.idx.msk [tilespmem:v30+s3+$0x0], $0xffff;
	v8 =	vunpack.i.l.bf16.f32 v5  }
0x12a: {  	v4 =	vadd.s32 $0x2718, v4;
	v32 =	vunpack.i.l.bf16.f32 v7;
	[tilespmem:v1+s16+$0x0] =	vst.idx.add.f32.msk $0xffff, v8  }
0x12b: {  	v42 =	vadd.s32 $0x2718, v13;
	v13 =	vand.u32 $0xFFFF, v57;
	v5 =	vunpack.i.u.bf16.f32 v5;
	[tilespmem:v2+s16+$0x0] =	vst.idx.add.f32.msk $0xffff, v32  }
0x12c: {  	v9 =	vshrl.u32 v9, $0x10;
	[tilespmem:v6+s16+$0x0] =	vst.idx.add.f32.msk $0xffff, v5  }
0x12d: {  	v33 =	vunpack.i.u.bf16.f32 v7;
	v3 =	vld.idx.msk [tilespmem:v3+s3+$0x0], $0xffff  }
0x12e: {  	v10 =	vadd.s32 $0x4E30, v1;
	[tilespmem:v31+s16+$0x0] =	vst.idx.add.f32.msk $0xffff, v33  }
0x12f: {  	v1 =	vadd.s32 $0x7548, v1;
	v4 =	vld.idx.msk [tilespmem:v4+s3+$0x0], $0xffff  }
0x130: {  	v36 =	vadd.s32 $0x4E30, v2;
	v38 =	vunpack.i.l.bf16.f32 v12;
	v19 =	vld.idx.msk [tilespmem:v13+s3+$0x0], $0xffff  }
0x131: {  	v61 =	vshrl.u32 v50, $0x10;
	v44 =	vunpack.i.l.bf16.f32 v39;
	[tilespmem:v9+s16+$0x0] =	vst.idx.add.f32.msk $0xffff, v38  }
0x132: {  	v24 =	vshrl.u32 v63, $0x10;
	[tilespmem:v41+s16+$0x0] =	vst.idx.add.f32.msk $0xffff, v44;
	v11 =	vunpack.i.l.bf16.f32 v3  }
0x133: {  	v2 =	vadd.s32 $0x7548, v2;
	v3 =	vunpack.i.u.bf16.f32 v3;
	[tilespmem:v10+s16+$0x0] =	vst.idx.add.f32.msk $0xffff, v11  }
0x134: {  	[tilespmem:v1+s16+$0x0] =	vst.idx.add.f32.msk $0xffff, v3;
	v1 =	vunpack.i.l.bf16.f32 v4;
	v3 =	vadd.s32 $0x2718, v9  }
0x135: {  	v14 =	vunpack.i.l.bf16.f32 v60;
	[tilespmem:v36+s16+$0x0] =	vst.idx.add.f32.msk $0xffff, v1;
	v1 =	vand.u32 $0xFFFF, v37  }
0x136: {  	v28 =	vand.u32 $0xFFFF, v22;
	v27 =	vunpack.i.l.bf16.f32 v20;
	[tilespmem:v61+s16+$0x0] =	vst.idx.add.f32.msk $0xffff, v14  }
0x137: {  	v62 =	vadd.s32 $0x2718, v61;
	[tilespmem:v24+s16+$0x0] =	vst.idx.add.f32.msk $0xffff, v27;
	v4 =	vunpack.i.u.bf16.f32 v4  }
0x138: {  	v40 =	vunpack.i.u.bf16.f32 v12;
	[tilespmem:v2+s16+$0x0] =	vst.idx.add.f32.msk $0xffff, v4;
	v2 =	vadd.s32 $0x2718, v34  }
0x139: {  	[tilespmem:v3+s16+$0x0] =	vst.idx.add.f32.msk $0xffff, v40;
	v3 =	vadd.s32 $0x2718, v41  }
0x13a: {  	v43 =	vld.idx.msk [tilespmem:v1+s3+$0x0], $0xffff  }
0x13b: {  	v15 =	vunpack.i.u.bf16.f32 v60;
	v8 =	vshrl.u32 v37, $0x10;
	v32 =	vld.idx.msk [tilespmem:v28+s3+$0x0], $0xffff  }
0x13c: {  	v46 =	vadd.s32 $0x2718, v8;
	[tilespmem:v62+s16+$0x0] =	vst.idx.add.f32.msk $0xffff, v15  }
0x13d: {  	v5 =	vunpack.i.u.bf16.f32 v39;
	v1 =	vadd.s32 $0x2718, v1;
	v2 =	vld.idx.msk [tilespmem:v2+s3+$0x0], $0xffff  }
0x13e: {  	[tilespmem:v3+s16+$0x0] =	vst.idx.add.f32.msk $0xffff, v5;
	v3 =	vadd.s32 $0x4E30, v9  }
0x13f: {  	v5 =	vld.idx.msk [tilespmem:v42+s3+$0x0], $0xffff;
	v47 =	vunpack.i.l.bf16.f32 v43  }
0x140: {  	v48 =	vunpack.i.u.bf16.f32 v43;
	[tilespmem:v8+s16+$0x0] =	vst.idx.add.f32.msk $0xffff, v47  }
0x141: {  	v9 =	vadd.s32 $0x7548, v9;
	[tilespmem:v46+s16+$0x0] =	vst.idx.add.f32.msk $0xffff, v48  }
0x142: {  	v51 =	vadd.s32 $0x4E30, v41;
	v52 =	vunpack.i.l.bf16.f32 v2;
	v1 =	vld.idx.msk [tilespmem:v1+s3+$0x0], $0xffff  }
0x143: {  	[tilespmem:v3+s16+$0x0] =	vst.idx.add.f32.msk $0xffff, v52;
	v3 =	vadd.s32 $0x4E30, v8  }
0x144: {  	v36 =	vld [tilespmem:s21+$0xFFFFFEB0]  }
0x145: {  	v42 =	vld [tilespmem:s21+$0xFFFFFEC0];
	v2 =	vunpack.i.u.bf16.f32 v2  }
0x146: {  	v4 =	vadd.s32 $0x7548, v41;
	[tilespmem:v9+s16+$0x0] =	vst.idx.add.f32.msk $0xffff, v2;
	v2 =	vunpack.i.l.bf16.f32 v5  }
0x147: {  	[tilespmem:v51+s16+$0x0] =	vst.idx.add.f32.msk $0xffff, v2;
	v2 =	vshrl.u32 v45, $0x10;
	v55 =	vunpack.i.l.bf16.f32 v1  }
0x148: {  	[tilespmem:v3+s16+$0x0] =	vst.idx.add.f32.msk $0xffff, v55;
	v3 =	vadd.s32 $0x2718, v2  }
0x149: {  	v56 =	vadd.s32 $0x2718, v49;
	v58 =	vadd.s32 $0x7548, v8;
	v62 =	vld [tilespmem:s21+$0xFFFFFEF0]  }
0x14a: {  	v23 =	vunpack.i.l.bf16.f32 v19;
	v11 =	vunpack.i.u.bf16.f32 v19;
	v19 =	vld [tilespmem:s21+$0xFFFFFF00];
	v5 =	vunpack.i.u.bf16.f32 v5  }
0x14b: {  	v59 =	vunpack.i.l.bf16.f32 v53;
	v41 =	vand.u32 $0xFFFF, v36;
	[tilespmem:v4+s16+$0x0] =	vst.idx.add.f32.msk $0xffff, v5  }
0x14c: {  	v6 =	vunpack.i.u.bf16.f32 v53;
	[tilespmem:v2+s16+$0x0] =	vst.idx.add.f32.msk $0xffff, v59  }
0x14d: {  	v48 =	vand.u32 $0xFFFF, v42;
	[tilespmem:v3+s16+$0x0] =	vst.idx.add.f32.msk $0xffff, v6  }
0x14e: {  	v1 =	vunpack.i.u.bf16.f32 v1;
	v4 =	vld.idx.msk [tilespmem:v56+s3+$0x0], $0xffff  }
0x14f: {  	[tilespmem:v58+s16+$0x0] =	vst.idx.add.f32.msk $0xffff, v1;
	v1 =	vadd.s32 $0x4E30, v2  }
0x150: {  	v47 =	vld.idx.msk [tilespmem:v41+s3+$0x0], $0xffff;
	v2 =	vadd.s32 $0x7548, v2  }
0x151: {  	v45 =	vld [tilespmem:s21+$0xFFFFFED0];
	v3 =	vadd.s32 $0x2718, v54  }
0x152: {  	v51 =	vld.idx.msk [tilespmem:v48+s3+$0x0], $0xffff  }
0x153: {  	v25 =	vadd.s32 $0x2718, v24;
	v56 =	vld [tilespmem:s21+$0xFFFFFEE0];
	v17 =	vunpack.i.l.bf16.f32 v4  }
0x154: {  	v4 =	vunpack.i.u.bf16.f32 v4;
	[tilespmem:v1+s16+$0x0] =	vst.idx.add.f32.msk $0xffff, v17;
	v1 =	vshrl.u32 v57, $0x10  }
0x155: {  	[tilespmem:v2+s16+$0x0] =	vst.idx.add.f32.msk $0xffff, v4;
	v2 =	vadd.s32 $0x2718, v1  }
0x156: {  	v6 =	vadd.s32 $0x2718, v13;
	v3 =	vld.idx.msk [tilespmem:v3+s3+$0x0], $0xffff  }
0x157: {  	v18 =	vadd.s32 $0x4E30, v61;
	v53 =	vadd.s32 $0x2718, v48;
	v48 =	vld [tilespmem:s21+$0xFFFFFF40];
	v4 =	vunpack.i.u.bf16.f32 v20  }
0x158: {  	v8 =	vadd.s32 $0x7548, v61;
	[tilespmem:v25+s16+$0x0] =	vst.idx.add.f32.msk $0xffff, v4  }
0x159: {  	[tilespmem:v1+s16+$0x0] =	vst.idx.add.f32.msk $0xffff, v23  }
0x15a: {  	v7 =	vadd.s32 $0x2718, v16;
	[tilespmem:v2+s16+$0x0] =	vst.idx.add.f32.msk $0xffff, v11  }
0x15b: {  	v61 =	vand.u32 $0xFFFF, v56;
	v21 =	vunpack.i.l.bf16.f32 v3;
	v2 =	vld.idx.msk [tilespmem:v6+s3+$0x0], $0xffff  }
0x15c: {  	v29 =	vadd.s32 $0x4E30, v1;
	v3 =	vunpack.i.u.bf16.f32 v3;
	[tilespmem:v18+s16+$0x0] =	vst.idx.add.f32.msk $0xffff, v21  }
0x15d: {  	v1 =	vadd.s32 $0x7548, v1;
	[tilespmem:v8+s16+$0x0] =	vst.idx.add.f32.msk $0xffff, v3  }
0x15e: {  	v39 =	vadd.s32 $0x7548, v24;
	v17 =	vand.u32 $0xFFFF, v62;
	v3 =	vadd.s32 $0x4E30, v24;
	v24 =	vld [tilespmem:s21+$0xFFFFFF10]  }
0x15f: {  	v25 =	vand.u32 $0xFFFF, v19;
	v4 =	vld.idx.msk [tilespmem:v7+s3+$0x0], $0xffff  }
0x160: {  	v16 =	vld.idx.msk [tilespmem:v61+s3+$0x0], $0xffff;
	v31 =	vunpack.i.l.bf16.f32 v2  }
0x161: {  	v33 =	vshrl.u32 v22, $0x10;
	v2 =	vunpack.i.u.bf16.f32 v2;
	[tilespmem:v29+s16+$0x0] =	vst.idx.add.f32.msk $0xffff, v31  }
0x162: {  	[tilespmem:v1+s16+$0x0] =	vst.idx.add.f32.msk $0xffff, v2;
	v1 =	vadd.s32 $0x2718, v33  }
0x163: {  	v34 =	vadd.s32 $0x2718, v28;
	v21 =	vld.idx.msk [tilespmem:v17+s3+$0x0], $0xffff;
	v28 =	vand.u32 $0xFFFF, v24  }
0x164: {  	v31 =	vld.idx.msk [tilespmem:v25+s3+$0x0], $0xffff;
	v2 =	vunpack.i.l.bf16.f32 v4  }
0x165: {  	[tilespmem:v3+s16+$0x0] =	vst.idx.add.f32.msk $0xffff, v2;
	v2 =	vshrl.u32 v26, $0x10;
	v3 =	vunpack.i.l.bf16.f32 v32  }
0x166: {  	v7 =	vunpack.i.u.bf16.f32 v32;
	[tilespmem:v33+s16+$0x0] =	vst.idx.add.f32.msk $0xffff, v3;
	v3 =	vadd.s32 $0x2718, v2  }
0x167: {  	[tilespmem:v1+s16+$0x0] =	vst.idx.add.f32.msk $0xffff, v7;
	v1 =	vadd.s32 $0x2718, v30  }
0x168: {  	v32 =	vld.idx.msk [tilespmem:v28+s3+$0x0], $0xffff  }
0x169: {  	v38 =	vunpack.i.l.bf16.f32 v35;
	v22 =	vshrl.u32 v62, $0x10;
	v37 =	vld.idx.msk [tilespmem:v34+s3+$0x0], $0xffff  }
0x16a: {  	v40 =	vunpack.i.u.bf16.f32 v35;
	v23 =	vadd.s32 $0x2718, v22;
	[tilespmem:v2+s16+$0x0] =	vst.idx.add.f32.msk $0xffff, v38  }
0x16b: {  	v43 =	vadd.s32 $0x4E30, v33;
	[tilespmem:v3+s16+$0x0] =	vst.idx.add.f32.msk $0xffff, v40  }
0x16c: {  	v4 =	vunpack.i.u.bf16.f32 v4;
	v3 =	vadd.s32 $0x7548, v33;
	v1 =	vld.idx.msk [tilespmem:v1+s3+$0x0], $0xffff  }
0x16d: {  	v26 =	vunpack.i.l.bf16.f32 v21;
	v44 =	vadd.s32 $0x4E30, v2;
	[tilespmem:v39+s16+$0x0] =	vst.idx.add.f32.msk $0xffff, v4  }
0x16e: {  	v27 =	vunpack.i.u.bf16.f32 v21;
	[tilespmem:v22+s16+$0x0] =	vst.idx.add.f32.msk $0xffff, v26  }
0x16f: {  	[tilespmem:v23+s16+$0x0] =	vst.idx.add.f32.msk $0xffff, v27;
	v2 =	vadd.s32 $0x7548, v2;
	v46 =	vunpack.i.l.bf16.f32 v37  }
0x170: {  	v49 =	vshrl.u32 v36, $0x10;
	v5 =	vunpack.i.u.bf16.f32 v37;
	[tilespmem:v43+s16+$0x0] =	vst.idx.add.f32.msk $0xffff, v46  }
0x171: {  	[tilespmem:v3+s16+$0x0] =	vst.idx.add.f32.msk $0xffff, v5;
	v3 =	vunpack.i.l.bf16.f32 v1  }
0x172: {  	[tilespmem:v44+s16+$0x0] =	vst.idx.add.f32.msk $0xffff, v3;
	v3 =	vand.u32 $0xFFFF, v45  }
0x173: {  	v50 =	vadd.s32 $0x2718, v49;
	v23 =	vld [tilespmem:s21+$0xFFFFFF80];
	v1 =	vunpack.i.u.bf16.f32 v1  }
0x174: {  	[tilespmem:v2+s16+$0x0] =	vst.idx.add.f32.msk $0xffff, v1;
	v1 =	vadd.s32 $0x2718, v41;
	v2 =	vunpack.i.l.bf16.f32 v47  }
0x175: {  	[tilespmem:v49+s16+$0x0] =	vst.idx.add.f32.msk $0xffff, v2;
	v2 =	vshrl.u32 v42, $0x10  }
0x176: {  	v34 =	vld [tilespmem:s21+$0xFFFFFF20];
	v52 =	vadd.s32 $0x2718, v2  }
0x177: {  	v8 =	vunpack.i.u.bf16.f32 v47;
	v54 =	vld.idx.msk [tilespmem:v3+s3+$0x0], $0xffff  }
0x178: {  	v7 =	vshrl.u32 v45, $0x10;
	[tilespmem:v50+s16+$0x0] =	vst.idx.add.f32.msk $0xffff, v8  }
0x179: {  	v55 =	vunpack.i.l.bf16.f32 v51;
	v57 =	vadd.s32 $0x2718, v7;
	v1 =	vld.idx.msk [tilespmem:v1+s3+$0x0], $0xffff  }
0x17a: {  	v6 =	vunpack.i.u.bf16.f32 v51;
	v3 =	vadd.s32 $0x2718, v3;
	[tilespmem:v2+s16+$0x0] =	vst.idx.add.f32.msk $0xffff, v55  }
0x17b: {  	[tilespmem:v52+s16+$0x0] =	vst.idx.add.f32.msk $0xffff, v6  }
0x17c: {  	v58 =	vadd.s32 $0x4E30, v49;
	v6 =	vld.idx.msk [tilespmem:v53+s3+$0x0], $0xffff;
	v59 =	vunpack.i.l.bf16.f32 v54  }
0x17d: {  	v4 =	vadd.s32 $0x7548, v49;
	v60 =	vunpack.i.u.bf16.f32 v54;
	[tilespmem:v7+s16+$0x0] =	vst.idx.add.f32.msk $0xffff, v59  }
0x17e: {  	v63 =	vadd.s32 $0x4E30, v2;
	[tilespmem:v57+s16+$0x0] =	vst.idx.add.f32.msk $0xffff, v60  }
0x17f: {  	v2 =	vadd.s32 $0x7548, v2;
	v3 =	vld.idx.msk [tilespmem:v3+s3+$0x0], $0xffff  }
0x180: {  	v15 =	vadd.s32 $0x4E30, v7;
	v38 =	vld [tilespmem:s21+$0xFFFFFF30];
	v14 =	vunpack.i.l.bf16.f32 v1  }
0x181: {  	v36 =	vshrl.u32 v24, $0x10;
	v1 =	vunpack.i.u.bf16.f32 v1;
	[tilespmem:v58+s16+$0x0] =	vst.idx.add.f32.msk $0xffff, v14  }
0x182: {  	v40 =	vand.u32 $0xFFFF, v34;
	[tilespmem:v4+s16+$0x0] =	vst.idx.add.f32.msk $0xffff, v1;
	v1 =	vunpack.i.l.bf16.f32 v6  }
0x183: {  	v6 =	vunpack.i.u.bf16.f32 v6;
	[tilespmem:v63+s16+$0x0] =	vst.idx.add.f32.msk $0xffff, v1  }
0x184: {  	v1 =	vshrl.u32 v56, $0x10;
	[tilespmem:v2+s16+$0x0] =	vst.idx.add.f32.msk $0xffff, v6;
	v2 =	vunpack.i.l.bf16.f32 v3  }
0x185: {  	v39 =	vunpack.i.l.bf16.f32 v32;
	[tilespmem:v15+s16+$0x0] =	vst.idx.add.f32.msk $0xffff, v2;
	v2 =	vadd.s32 $0x2718, v1  }
0x186: {  	v18 =	vadd.s32 $0x2718, v61;
	[tilespmem:v36+s16+$0x0] =	vst.idx.add.f32.msk $0xffff, v39  }
0x187: {  	v44 =	vld.idx.msk [tilespmem:v40+s3+$0x0], $0xffff;
	v7 =	vadd.s32 $0x7548, v7  }
0x188: {  	v20 =	vunpack.i.l.bf16.f32 v16;
	v42 =	vand.u32 $0xFFFF, v38;
	v54 =	vld [tilespmem:s21+$0xFFFFFF50]  }
0x189: {  	v4 =	vunpack.i.u.bf16.f32 v16;
	[tilespmem:v1+s16+$0x0] =	vst.idx.add.f32.msk $0xffff, v20  }
0x18a: {  	v53 =	vand.u32 $0xFFFF, v48;
	[tilespmem:v2+s16+$0x0] =	vst.idx.add.f32.msk $0xffff, v4  }
0x18b: {  	v3 =	vunpack.i.u.bf16.f32 v3;
	v4 =	vld.idx.msk [tilespmem:v18+s3+$0x0], $0xffff  }
0x18c: {  	[tilespmem:v7+s16+$0x0] =	vst.idx.add.f32.msk $0xffff, v3;
	v3 =	vadd.s32 $0x4E30, v1  }
0x18d: {  	v47 =	vld.idx.msk [tilespmem:v42+s3+$0x0], $0xffff;
	v1 =	vadd.s32 $0x7548, v1  }
0x18e: {  	v57 =	vld [tilespmem:s21+$0xFFFFFF60];
	v60 =	vand.u32 $0xFFFF, v54  }
0x18f: {  	v59 =	vld.idx.msk [tilespmem:v53+s3+$0x0], $0xffff;
	v2 =	vadd.s32 $0x2718, v17  }
0x190: {  	v7 =	vadd.s32 $0x2718, v28;
	v28 =	vand.u32 $0xFFFF, v23;
	v17 =	vld [tilespmem:s21+$0xFFFFFF70];
	v29 =	vunpack.i.l.bf16.f32 v4  }
0x191: {  	v4 =	vunpack.i.u.bf16.f32 v4;
	[tilespmem:v3+s16+$0x0] =	vst.idx.add.f32.msk $0xffff, v29;
	v3 =	vshrl.u32 v19, $0x10  }
0x192: {  	[tilespmem:v1+s16+$0x0] =	vst.idx.add.f32.msk $0xffff, v4;
	v1 =	vadd.s32 $0x2718, v3  }
0x193: {  	v5 =	vadd.s32 $0x2718, v25;
	v63 =	vld.idx.msk [tilespmem:v60+s3+$0x0], $0xffff  }
0x194: {  	v37 =	vadd.s32 $0x2718, v36;
	v2 =	vld.idx.msk [tilespmem:v2+s3+$0x0], $0xffff  }
0x195: {  	v9 =	vadd.s32 $0x7548, v22;
	v35 =	vunpack.i.l.bf16.f32 v31;
	v4 =	vunpack.i.u.bf16.f32 v32;
	v32 =	vld.idx.msk [tilespmem:v28+s3+$0x0], $0xffff  }
0x196: {  	v11 =	vunpack.i.u.bf16.f32 v31;
	v30 =	vadd.s32 $0x4E30, v22;
	v22 =	vand.u32 $0xFFFF, v17;
	[tilespmem:v3+s16+$0x0] =	vst.idx.add.f32.msk $0xffff, v35  }
0x197: {  	[tilespmem:v1+s16+$0x0] =	vst.idx.add.f32.msk $0xffff, v11  }
0x198: {  	v1 =	vld.idx.msk [tilespmem:v5+s3+$0x0], $0xffff  }
0x199: {  	v41 =	vadd.s32 $0x4E30, v3;
	[tilespmem:v37+s16+$0x0] =	vst.idx.add.f32.msk $0xffff, v4  }
0x19a: {  	v4 =	vld.idx.msk [tilespmem:v7+s3+$0x0], $0xffff;
	v3 =	vadd.s32 $0x7548, v3  }
0x19b: {  	v33 =	vunpack.i.l.bf16.f32 v2;
	v27 =	vld.idx.msk [tilespmem:v22+s3+$0x0], $0xffff  }
0x19c: {  	v2 =	vunpack.i.u.bf16.f32 v2;
	[tilespmem:v30+s16+$0x0] =	vst.idx.add.f32.msk $0xffff, v33  }
0x19d: {  	[tilespmem:v9+s16+$0x0] =	vst.idx.add.f32.msk $0xffff, v2;
	v2 =	vadd.s32 $0x4E30, v36;
	v43 =	vunpack.i.l.bf16.f32 v1  }
0x19e: {  	v45 =	vshrl.u32 v34, $0x10;
	v1 =	vunpack.i.u.bf16.f32 v1;
	[tilespmem:v41+s16+$0x0] =	vst.idx.add.f32.msk $0xffff, v43  }
0x19f: {  	[tilespmem:v3+s16+$0x0] =	vst.idx.add.f32.msk $0xffff, v1;
	v1 =	vadd.s32 $0x2718, v45  }
0x1a0: {  	v30 =	vld [tilespmem:s21+$0xFFFFFF90];
	v33 =	vshrl.u32 v23, $0x10  }
0x1a1: {  	v46 =	vadd.s32 $0x2718, v40;
	v35 =	vld [tilespmem:s21+$0xFFFFFFA0];
	v3 =	vunpack.i.l.bf16.f32 v4  }
0x1a2: {  	[tilespmem:v2+s16+$0x0] =	vst.idx.add.f32.msk $0xffff, v3;
	v2 =	vshrl.u32 v38, $0x10;
	v3 =	vunpack.i.l.bf16.f32 v44  }
0x1a3: {  	v7 =	vunpack.i.u.bf16.f32 v44;
	[tilespmem:v45+s16+$0x0] =	vst.idx.add.f32.msk $0xffff, v3;
	v3 =	vadd.s32 $0x2718, v2  }
0x1a4: {  	v37 =	vunpack.i.l.bf16.f32 v32;
	[tilespmem:v1+s16+$0x0] =	vst.idx.add.f32.msk $0xffff, v7;
	v1 =	vadd.s32 $0x2718, v42  }
0x1a5: {  	[tilespmem:v33+s16+$0x0] =	vst.idx.add.f32.msk $0xffff, v37  }
0x1a6: {  	v50 =	vunpack.i.l.bf16.f32 v47;
	v39 =	vand.u32 $0xFFFF, v35;
	v49 =	vld.idx.msk [tilespmem:v46+s3+$0x0], $0xffff  }
0x1a7: {  	v51 =	vadd.s32 $0x7548, v36;
	v52 =	vunpack.i.u.bf16.f32 v47;
	[tilespmem:v2+s16+$0x0] =	vst.idx.add.f32.msk $0xffff, v50  }
0x1a8: {  	v55 =	vadd.s32 $0x4E30, v45;
	[tilespmem:v3+s16+$0x0] =	vst.idx.add.f32.msk $0xffff, v52  }
0x1a9: {  	v3 =	vadd.s32 $0x7548, v45;
	v1 =	vld.idx.msk [tilespmem:v1+s3+$0x0], $0xffff  }
0x1aa: {  	v37 =	vld [tilespmem:s21+$0x10];
	v56 =	vadd.s32 $0x4E30, v2  }
0x1ab: {  	v34 =	vadd.s32 $0x2718, v33;
	v4 =	vunpack.i.u.bf16.f32 v4;
	v43 =	vld.idx.msk [tilespmem:v39+s3+$0x0], $0xffff  }
0x1ac: {  	[tilespmem:v51+s16+$0x0] =	vst.idx.add.f32.msk $0xffff, v4;
	v2 =	vadd.s32 $0x7548, v2;
	v58 =	vunpack.i.l.bf16.f32 v49  }
0x1ad: {  	v61 =	vshrl.u32 v48, $0x10;
	v5 =	vunpack.i.u.bf16.f32 v49;
	[tilespmem:v55+s16+$0x0] =	vst.idx.add.f32.msk $0xffff, v58  }
0x1ae: {  	[tilespmem:v3+s16+$0x0] =	vst.idx.add.f32.msk $0xffff, v5;
	v3 =	vunpack.i.l.bf16.f32 v1  }
0x1af: {  	v38 =	vunpack.i.u.bf16.f32 v32;
	[tilespmem:v56+s16+$0x0] =	vst.idx.add.f32.msk $0xffff, v3;
	v3 =	vand.u32 $0xFFFF, v57  }
0x1b0: {  	v62 =	vadd.s32 $0x2718, v61;
	[tilespmem:v34+s16+$0x0] =	vst.idx.add.f32.msk $0xffff, v38;
	v1 =	vunpack.i.u.bf16.f32 v1  }
0x1b1: {  	[tilespmem:v2+s16+$0x0] =	vst.idx.add.f32.msk $0xffff, v1;
	v1 =	vadd.s32 $0x2718, v53;
	v2 =	vunpack.i.l.bf16.f32 v59  }
0x1b2: {  	[tilespmem:v61+s16+$0x0] =	vst.idx.add.f32.msk $0xffff, v2;
	v2 =	vshrl.u32 v54, $0x10  }
0x1b3: {  	v45 =	vld [tilespmem:s21+$0xFFFFFFB0];
	v12 =	vadd.s32 $0x2718, v2  }
0x1b4: {  	v14 =	vadd.s32 $0x2718, v60;
	v8 =	vunpack.i.u.bf16.f32 v59;
	v15 =	vld.idx.msk [tilespmem:v3+s3+$0x0], $0xffff  }
0x1b5: {  	v7 =	vshrl.u32 v57, $0x10;
	[tilespmem:v62+s16+$0x0] =	vst.idx.add.f32.msk $0xffff, v8  }
0x1b6: {  	v16 =	vunpack.i.l.bf16.f32 v63;
	v18 =	vadd.s32 $0x2718, v7;
	v1 =	vld.idx.msk [tilespmem:v1+s3+$0x0], $0xffff  }
0x1b7: {  	v6 =	vunpack.i.u.bf16.f32 v63;
	v3 =	vadd.s32 $0x2718, v3;
	[tilespmem:v2+s16+$0x0] =	vst.idx.add.f32.msk $0xffff, v16  }
0x1b8: {  	[tilespmem:v12+s16+$0x0] =	vst.idx.add.f32.msk $0xffff, v6  }
0x1b9: {  	v19 =	vadd.s32 $0x4E30, v61;
	v6 =	vld.idx.msk [tilespmem:v14+s3+$0x0], $0xffff;
	v20 =	vunpack.i.l.bf16.f32 v15  }
0x1ba: {  	v4 =	vadd.s32 $0x7548, v61;
	v21 =	vunpack.i.u.bf16.f32 v15;
	[tilespmem:v7+s16+$0x0] =	vst.idx.add.f32.msk $0xffff, v20  }
0x1bb: {  	v24 =	vadd.s32 $0x4E30, v2;
	[tilespmem:v18+s16+$0x0] =	vst.idx.add.f32.msk $0xffff, v21  }
0x1bc: {  	v2 =	vadd.s32 $0x7548, v2;
	v3 =	vld.idx.msk [tilespmem:v3+s3+$0x0], $0xffff  }
0x1bd: {  	v26 =	vadd.s32 $0x4E30, v7;
	v49 =	vld [tilespmem:s21+$0xFFFFFFC0];
	v25 =	vunpack.i.l.bf16.f32 v1  }
0x1be: {  	v1 =	vunpack.i.u.bf16.f32 v1;
	[tilespmem:v19+s16+$0x0] =	vst.idx.add.f32.msk $0xffff, v25  }
0x1bf: {  	v36 =	vand.u32 $0xFFFF, v30;
	[tilespmem:v4+s16+$0x0] =	vst.idx.add.f32.msk $0xffff, v1;
	v1 =	vunpack.i.l.bf16.f32 v6  }
0x1c0: {  	v47 =	vshrl.u32 v35, $0x10;
	v6 =	vunpack.i.u.bf16.f32 v6;
	[tilespmem:v24+s16+$0x0] =	vst.idx.add.f32.msk $0xffff, v1  }
0x1c1: {  	v1 =	vshrl.u32 v17, $0x10;
	[tilespmem:v2+s16+$0x0] =	vst.idx.add.f32.msk $0xffff, v6;
	v2 =	vunpack.i.l.bf16.f32 v3  }
0x1c2: {  	[tilespmem:v26+s16+$0x0] =	vst.idx.add.f32.msk $0xffff, v2;
	v2 =	vadd.s32 $0x2718, v1  }
0x1c3: {  	v29 =	vadd.s32 $0x2718, v22;
	v59 =	vld [tilespmem:s21+$0xFFFFFFD0]  }
0x1c4: {  	v42 =	vld.idx.msk [tilespmem:v36+s3+$0x0], $0xffff;
	v50 =	vunpack.i.l.bf16.f32 v43;
	v7 =	vadd.s32 $0x7548, v7  }
0x1c5: {  	v31 =	vunpack.i.l.bf16.f32 v27;
	[tilespmem:v47+s16+$0x0] =	vst.idx.add.f32.msk $0xffff, v50;
	v51 =	vand.u32 $0xFFFF, v45  }
0x1c6: {  	v53 =	vand.u32 $0xFFFF, v49;
	v4 =	vunpack.i.u.bf16.f32 v27;
	[tilespmem:v1+s16+$0x0] =	vst.idx.add.f32.msk $0xffff, v31  }
0x1c7: {  	[tilespmem:v2+s16+$0x0] =	vst.idx.add.f32.msk $0xffff, v4  }
0x1c8: {  	v16 =	vand.u32 $0xFFFF, v59;
	v3 =	vunpack.i.u.bf16.f32 v3;
	v4 =	vld.idx.msk [tilespmem:v29+s3+$0x0], $0xffff  }
0x1c9: {  	[tilespmem:v7+s16+$0x0] =	vst.idx.add.f32.msk $0xffff, v3;
	v3 =	vadd.s32 $0x4E30, v1  }
0x1ca: {  	v55 =	vld.idx.msk [tilespmem:v51+s3+$0x0], $0xffff;
	v1 =	vadd.s32 $0x7548, v1  }
0x1cb: {  	v58 =	vld.idx.msk [tilespmem:v53+s3+$0x0], $0xffff  }
0x1cc: {  	v20 =	vld [tilespmem:s21+$0xFFFFFFF0]  }
0x1cd: {  	v22 =	vld.idx.msk [tilespmem:v16+s3+$0x0], $0xffff;
	v2 =	vadd.s32 $0x2718, v28;
	v40 =	vunpack.i.l.bf16.f32 v4  }
0x1ce: {  	v4 =	vunpack.i.u.bf16.f32 v4;
	[tilespmem:v3+s16+$0x0] =	vst.idx.add.f32.msk $0xffff, v40;
	v3 =	vshrl.u32 v30, $0x10  }
0x1cf: {  	[tilespmem:v1+s16+$0x0] =	vst.idx.add.f32.msk $0xffff, v4;
	v1 =	vadd.s32 $0x2718, v3  }
0x1d0: {  	v5 =	vadd.s32 $0x2718, v36;
	v17 =	vld [tilespmem:s21+$0xFFFFFFE0]  }
0x1d1: {  	v31 =	vld [tilespmem:s21+$0x0]  }
0x1d2: {  	v48 =	vadd.s32 $0x2718, v47;
	v46 =	vunpack.i.l.bf16.f32 v42;
	v2 =	vld.idx.msk [tilespmem:v2+s3+$0x0], $0xffff  }
0x1d3: {  	v11 =	vunpack.i.u.bf16.f32 v42;
	v7 =	vadd.s32 $0x2718, v39;
	[tilespmem:v3+s16+$0x0] =	vst.idx.add.f32.msk $0xffff, v46  }
0x1d4: {  	v41 =	vadd.s32 $0x4E30, v33;
	[tilespmem:v1+s16+$0x0] =	vst.idx.add.f32.msk $0xffff, v11  }
0x1d5: {  	v9 =	vadd.s32 $0x7548, v33;
	v1 =	vld.idx.msk [tilespmem:v5+s3+$0x0], $0xffff  }
0x1d6: {  	v24 =	vshrl.u32 v59, $0x10;
	v59 =	vld [tilespmem:s21+$0x40];
	v52 =	vadd.s32 $0x4E30, v3;
	v4 =	vunpack.i.u.bf16.f32 v43  }
0x1d7: {  	[tilespmem:v48+s16+$0x0] =	vst.idx.add.f32.msk $0xffff, v4;
	v3 =	vadd.s32 $0x7548, v3  }
0x1d8: {  	v23 =	vand.u32 $0xFFFF, v17;
	v44 =	vunpack.i.l.bf16.f32 v2;
	v4 =	vld.idx.msk [tilespmem:v7+s3+$0x0], $0xffff  }
0x1d9: {  	v36 =	vand.u32 $0xFFFF, v31;
	v2 =	vunpack.i.u.bf16.f32 v2;
	[tilespmem:v41+s16+$0x0] =	vst.idx.add.f32.msk $0xffff, v44  }
0x1da: {  	[tilespmem:v9+s16+$0x0] =	vst.idx.add.f32.msk $0xffff, v2;
	v2 =	vadd.s32 $0x4E30, v47;
	v54 =	vunpack.i.l.bf16.f32 v1  }
0x1db: {  	v56 =	vshrl.u32 v45, $0x10;
	v1 =	vunpack.i.u.bf16.f32 v1;
	[tilespmem:v52+s16+$0x0] =	vst.idx.add.f32.msk $0xffff, v54  }
0x1dc: {  	[tilespmem:v3+s16+$0x0] =	vst.idx.add.f32.msk $0xffff, v1;
	v1 =	vadd.s32 $0x2718, v56  }
0x1dd: {  	v42 =	vand.u32 $0xFFFF, v37;
	v26 =	vld.idx.msk [tilespmem:v23+s3+$0x0], $0xffff  }
0x1de: {  	v57 =	vadd.s32 $0x2718, v51;
	v41 =	vld.idx.msk [tilespmem:v36+s3+$0x0], $0xffff;
	v3 =	vunpack.i.l.bf16.f32 v4  }
0x1df: {  	[tilespmem:v2+s16+$0x0] =	vst.idx.add.f32.msk $0xffff, v3;
	v2 =	vshrl.u32 v49, $0x10;
	v3 =	vunpack.i.l.bf16.f32 v55  }
0x1e0: {  	v7 =	vunpack.i.u.bf16.f32 v55;
	[tilespmem:v56+s16+$0x0] =	vst.idx.add.f32.msk $0xffff, v3;
	v3 =	vadd.s32 $0x2718, v2  }
0x1e1: {  	[tilespmem:v1+s16+$0x0] =	vst.idx.add.f32.msk $0xffff, v7;
	v1 =	vadd.s32 $0x2718, v53  }
0x1e2: {  	v46 =	vld.idx.msk [tilespmem:v42+s3+$0x0], $0xffff  }
0x1e3: {  	v62 =	vadd.s32 $0x7548, v47;
	v61 =	vunpack.i.l.bf16.f32 v58;
	v47 =	vshrl.u32 v37, $0x10;
	v60 =	vld.idx.msk [tilespmem:v57+s3+$0x0], $0xffff  }
0x1e4: {  	v63 =	vunpack.i.u.bf16.f32 v58;
	[tilespmem:v2+s16+$0x0] =	vst.idx.add.f32.msk $0xffff, v61  }
0x1e5: {  	v18 =	vadd.s32 $0x4E30, v56;
	[tilespmem:v3+s16+$0x0] =	vst.idx.add.f32.msk $0xffff, v63  }
0x1e6: {  	v3 =	vadd.s32 $0x7548, v56;
	v1 =	vld.idx.msk [tilespmem:v1+s3+$0x0], $0xffff  }
0x1e7: {  	v44 =	vld [tilespmem:s21+$0x20];
	v51 =	vunpack.i.l.bf16.f32 v46;
	v19 =	vadd.s32 $0x4E30, v2  }
0x1e8: {  	[tilespmem:v47+s16+$0x0] =	vst.idx.add.f32.msk $0xffff, v51  }
0x1e9: {  	v51 =	vld [tilespmem:s21+$0xA0];
	v2 =	vadd.s32 $0x7548, v2;
	v21 =	vunpack.i.l.bf16.f32 v60  }
0x1ea: {  	v5 =	vunpack.i.u.bf16.f32 v60;
	[tilespmem:v18+s16+$0x0] =	vst.idx.add.f32.msk $0xffff, v21  }
0x1eb: {  	[tilespmem:v3+s16+$0x0] =	vst.idx.add.f32.msk $0xffff, v5;
	v3 =	vunpack.i.l.bf16.f32 v1  }
0x1ec: {  	[tilespmem:v19+s16+$0x0] =	vst.idx.add.f32.msk $0xffff, v3;
	v3 =	vand.u32 $0xFFFF, v20  }
0x1ed: {  	v25 =	vadd.s32 $0x2718, v24;
	v49 =	vld [tilespmem:s21+$0x30];
	v1 =	vunpack.i.u.bf16.f32 v1  }
0x1ee: {  	[tilespmem:v2+s16+$0x0] =	vst.idx.add.f32.msk $0xffff, v1;
	v1 =	vadd.s32 $0x2718, v16;
	v2 =	vunpack.i.l.bf16.f32 v22  }
0x1ef: {  	v4 =	vunpack.i.u.bf16.f32 v4;
	[tilespmem:v24+s16+$0x0] =	vst.idx.add.f32.msk $0xffff, v2;
	v2 =	vshrl.u32 v17, $0x10  }
0x1f0: {  	[tilespmem:v62+s16+$0x0] =	vst.idx.add.f32.msk $0xffff, v4;
	v27 =	vadd.s32 $0x2718, v2  }
0x1f1: {  	v8 =	vunpack.i.u.bf16.f32 v22;
	v28 =	vadd.s32 $0x2718, v23;
	v29 =	vld.idx.msk [tilespmem:v3+s3+$0x0], $0xffff  }
0x1f2: {  	v7 =	vshrl.u32 v20, $0x10;
	[tilespmem:v25+s16+$0x0] =	vst.idx.add.f32.msk $0xffff, v8  }
0x1f3: {  	v30 =	vunpack.i.l.bf16.f32 v26;
	v32 =	vadd.s32 $0x2718, v7;
	v1 =	vld.idx.msk [tilespmem:v1+s3+$0x0], $0xffff  }
0x1f4: {  	v6 =	vunpack.i.u.bf16.f32 v26;
	v3 =	vadd.s32 $0x2718, v3;
	[tilespmem:v2+s16+$0x0] =	vst.idx.add.f32.msk $0xffff, v30  }
0x1f5: {  	[tilespmem:v27+s16+$0x0] =	vst.idx.add.f32.msk $0xffff, v6  }
0x1f6: {  	v33 =	vadd.s32 $0x4E30, v24;
	v6 =	vld.idx.msk [tilespmem:v28+s3+$0x0], $0xffff;
	v34 =	vunpack.i.l.bf16.f32 v29  }
0x1f7: {  	v4 =	vadd.s32 $0x7548, v24;
	v35 =	vunpack.i.u.bf16.f32 v29;
	[tilespmem:v7+s16+$0x0] =	vst.idx.add.f32.msk $0xffff, v34  }
0x1f8: {  	v38 =	vadd.s32 $0x4E30, v2;
	[tilespmem:v32+s16+$0x0] =	vst.idx.add.f32.msk $0xffff, v35  }
0x1f9: {  	v2 =	vadd.s32 $0x7548, v2;
	v3 =	vld.idx.msk [tilespmem:v3+s3+$0x0], $0xffff  }
0x1fa: {  	v40 =	vadd.s32 $0x4E30, v7;
	v63 =	vld [tilespmem:s21+$0x50];
	v39 =	vunpack.i.l.bf16.f32 v1  }
0x1fb: {  	v48 =	vadd.s32 $0x2718, v47;
	v1 =	vunpack.i.u.bf16.f32 v1;
	[tilespmem:v33+s16+$0x0] =	vst.idx.add.f32.msk $0xffff, v39  }
0x1fc: {  	v53 =	vand.u32 $0xFFFF, v49;
	[tilespmem:v4+s16+$0x0] =	vst.idx.add.f32.msk $0xffff, v1;
	v1 =	vunpack.i.l.bf16.f32 v6  }
0x1fd: {  	v50 =	vand.u32 $0xFFFF, v44;
	v6 =	vunpack.i.u.bf16.f32 v6;
	[tilespmem:v38+s16+$0x0] =	vst.idx.add.f32.msk $0xffff, v1  }
0x1fe: {  	v1 =	vshrl.u32 v31, $0x10;
	[tilespmem:v2+s16+$0x0] =	vst.idx.add.f32.msk $0xffff, v6;
	v2 =	vunpack.i.l.bf16.f32 v3  }
0x1ff: {  	v52 =	vunpack.i.u.bf16.f32 v46;
	[tilespmem:v40+s16+$0x0] =	vst.idx.add.f32.msk $0xffff, v2;
	v2 =	vadd.s32 $0x2718, v1  }
0x200: {  	v43 =	vadd.s32 $0x2718, v36;
	[tilespmem:v48+s16+$0x0] =	vst.idx.add.f32.msk $0xffff, v52  }
0x201: {  	v57 =	vld.idx.msk [tilespmem:v53+s3+$0x0], $0xffff;
	v7 =	vadd.s32 $0x7548, v7  }
0x202: {  	v45 =	vunpack.i.l.bf16.f32 v41;
	v61 =	vshrl.u32 v49, $0x10;
	v56 =	vld.idx.msk [tilespmem:v50+s3+$0x0], $0xffff  }
0x203: {  	v19 =	vand.u32 $0xFFFF, v63;
	v4 =	vunpack.i.u.bf16.f32 v41;
	[tilespmem:v1+s16+$0x0] =	vst.idx.add.f32.msk $0xffff, v45  }
0x204: {  	[tilespmem:v2+s16+$0x0] =	vst.idx.add.f32.msk $0xffff, v4  }
0x205: {  	v17 =	vand.u32 $0xFFFF, v59;
	v3 =	vunpack.i.u.bf16.f32 v3;
	v4 =	vld.idx.msk [tilespmem:v43+s3+$0x0], $0xffff  }
0x206: {  	v16 =	vunpack.i.l.bf16.f32 v57;
	[tilespmem:v7+s16+$0x0] =	vst.idx.add.f32.msk $0xffff, v3;
	v3 =	vadd.s32 $0x4E30, v1  }
0x207: {  	[tilespmem:v61+s16+$0x0] =	vst.idx.add.f32.msk $0xffff, v16;
	v1 =	vadd.s32 $0x7548, v1  }
0x208: {  	v24 =	vld.idx.msk [tilespmem:v19+s3+$0x0], $0xffff  }
0x209: {  	v25 =	vld [tilespmem:s21+$0x60]  }
0x20a: {  	v21 =	vld.idx.msk [tilespmem:v17+s3+$0x0], $0xffff;
	v2 =	vadd.s32 $0x2718, v42;
	v54 =	vunpack.i.l.bf16.f32 v4  }
0x20b: {  	v4 =	vunpack.i.u.bf16.f32 v4;
	[tilespmem:v3+s16+$0x0] =	vst.idx.add.f32.msk $0xffff, v54;
	v3 =	vshrl.u32 v44, $0x10  }
0x20c: {  	[tilespmem:v1+s16+$0x0] =	vst.idx.add.f32.msk $0xffff, v4;
	v1 =	vadd.s32 $0x2718, v3  }
0x20d: {  	v5 =	vadd.s32 $0x2718, v50;
	v27 =	vunpack.i.l.bf16.f32 v24;
	v29 =	vunpack.i.u.bf16.f32 v24;
	v24 =	vld [tilespmem:s21+$0xD0]  }
0x20e: {  	v34 =	vld [tilespmem:s21+$0x80]  }
0x20f: {  	v62 =	vadd.s32 $0x2718, v61;
	v60 =	vunpack.i.l.bf16.f32 v56;
	v2 =	vld.idx.msk [tilespmem:v2+s3+$0x0], $0xffff  }
0x210: {  	v11 =	vunpack.i.u.bf16.f32 v56;
	v7 =	vadd.s32 $0x2718, v53;
	[tilespmem:v3+s16+$0x0] =	vst.idx.add.f32.msk $0xffff, v60  }
0x211: {  	v55 =	vadd.s32 $0x4E30, v47;
	[tilespmem:v1+s16+$0x0] =	vst.idx.add.f32.msk $0xffff, v11  }
0x212: {  	v9 =	vadd.s32 $0x7548, v47;
	v1 =	vld.idx.msk [tilespmem:v5+s3+$0x0], $0xffff  }
0x213: {  	v31 =	vld [tilespmem:s21+$0x70];
	v18 =	vadd.s32 $0x4E30, v3;
	v4 =	vunpack.i.u.bf16.f32 v57  }
0x214: {  	[tilespmem:v62+s16+$0x0] =	vst.idx.add.f32.msk $0xffff, v4;
	v3 =	vadd.s32 $0x7548, v3  }
0x215: {  	v58 =	vunpack.i.l.bf16.f32 v2;
	v4 =	vld.idx.msk [tilespmem:v7+s3+$0x0], $0xffff  }
0x216: {  	v30 =	vand.u32 $0xFFFF, v25;
	v2 =	vunpack.i.u.bf16.f32 v2;
	[tilespmem:v55+s16+$0x0] =	vst.idx.add.f32.msk $0xffff, v58  }
0x217: {  	[tilespmem:v9+s16+$0x0] =	vst.idx.add.f32.msk $0xffff, v2;
	v2 =	vadd.s32 $0x4E30, v61;
	v20 =	vunpack.i.l.bf16.f32 v1  }
0x218: {  	v22 =	vshrl.u32 v59, $0x10;
	v1 =	vunpack.i.u.bf16.f32 v1;
	[tilespmem:v18+s16+$0x0] =	vst.idx.add.f32.msk $0xffff, v20  }
0x219: {  	[tilespmem:v3+s16+$0x0] =	vst.idx.add.f32.msk $0xffff, v1;
	v1 =	vadd.s32 $0x2718, v22  }
0x21a: {  	v37 =	vand.u32 $0xFFFF, v31;
	v45 =	vld [tilespmem:s21+$0x90]  }
0x21b: {  	v23 =	vadd.s32 $0x2718, v17;
	v36 =	vld.idx.msk [tilespmem:v30+s3+$0x0], $0xffff;
	v3 =	vunpack.i.l.bf16.f32 v4  }
0x21c: {  	[tilespmem:v2+s16+$0x0] =	vst.idx.add.f32.msk $0xffff, v3;
	v2 =	vshrl.u32 v63, $0x10;
	v3 =	vunpack.i.l.bf16.f32 v21  }
0x21d: {  	v7 =	vunpack.i.u.bf16.f32 v21;
	[tilespmem:v22+s16+$0x0] =	vst.idx.add.f32.msk $0xffff, v3;
	v3 =	vadd.s32 $0x2718, v2  }
0x21e: {  	[tilespmem:v1+s16+$0x0] =	vst.idx.add.f32.msk $0xffff, v7;
	v1 =	vadd.s32 $0x2718, v19  }
0x21f: {  	v40 =	vld.idx.msk [tilespmem:v37+s3+$0x0], $0xffff;
	v50 =	vand.u32 $0xFFFF, v45  }
0x220: {  	v26 =	vld.idx.msk [tilespmem:v23+s3+$0x0], $0xffff  }
0x221: {  	v56 =	vand.u32 $0xFFFF, v51;
	[tilespmem:v2+s16+$0x0] =	vst.idx.add.f32.msk $0xffff, v27  }
0x222: {  	v32 =	vadd.s32 $0x4E30, v22;
	[tilespmem:v3+s16+$0x0] =	vst.idx.add.f32.msk $0xffff, v29  }
0x223: {  	v3 =	vadd.s32 $0x7548, v22;
	v1 =	vld.idx.msk [tilespmem:v1+s3+$0x0], $0xffff  }
0x224: {  	v55 =	vld.idx.msk [tilespmem:v50+s3+$0x0], $0xffff;
	v33 =	vadd.s32 $0x4E30, v2  }
0x225: {  	v58 =	vld [tilespmem:s21+$0xB0]  }
0x226: {  	v60 =	vld.idx.msk [tilespmem:v56+s3+$0x0], $0xffff;
	v2 =	vadd.s32 $0x7548, v2;
	v35 =	vunpack.i.l.bf16.f32 v26  }
0x227: {  	v38 =	vshrl.u32 v25, $0x10;
	v5 =	vunpack.i.u.bf16.f32 v26;
	[tilespmem:v32+s16+$0x0] =	vst.idx.add.f32.msk $0xffff, v35  }
0x228: {  	v28 =	vadd.s32 $0x7548, v61;
	[tilespmem:v3+s16+$0x0] =	vst.idx.add.f32.msk $0xffff, v5;
	v3 =	vunpack.i.l.bf16.f32 v1  }
0x229: {  	[tilespmem:v33+s16+$0x0] =	vst.idx.add.f32.msk $0xffff, v3;
	v3 =	vand.u32 $0xFFFF, v34  }
0x22a: {  	v39 =	vadd.s32 $0x2718, v38;
	v63 =	vld [tilespmem:s21+$0xC0];
	v1 =	vunpack.i.u.bf16.f32 v1  }
0x22b: {  	[tilespmem:v2+s16+$0x0] =	vst.idx.add.f32.msk $0xffff, v1;
	v1 =	vadd.s32 $0x2718, v30;
	v2 =	vunpack.i.l.bf16.f32 v36  }
0x22c: {  	v4 =	vunpack.i.u.bf16.f32 v4;
	[tilespmem:v38+s16+$0x0] =	vst.idx.add.f32.msk $0xffff, v2;
	v2 =	vshrl.u32 v31, $0x10  }
0x22d: {  	[tilespmem:v28+s16+$0x0] =	vst.idx.add.f32.msk $0xffff, v4;
	v41 =	vadd.s32 $0x2718, v2  }
0x22e: {  	v8 =	vunpack.i.u.bf16.f32 v36;
	v42 =	vadd.s32 $0x2718, v37;
	v43 =	vld.idx.msk [tilespmem:v3+s3+$0x0], $0xffff  }
0x22f: {  	v7 =	vshrl.u32 v34, $0x10;
	[tilespmem:v39+s16+$0x0] =	vst.idx.add.f32.msk $0xffff, v8  }
0x230: {  	v44 =	vunpack.i.l.bf16.f32 v40;
	v46 =	vadd.s32 $0x2718, v7;
	v1 =	vld.idx.msk [tilespmem:v1+s3+$0x0], $0xffff  }
0x231: {  	v6 =	vunpack.i.u.bf16.f32 v40;
	v3 =	vadd.s32 $0x2718, v3;
	[tilespmem:v2+s16+$0x0] =	vst.idx.add.f32.msk $0xffff, v44  }
0x232: {  	v61 =	vshrl.u32 v51, $0x10;
	[tilespmem:v41+s16+$0x0] =	vst.idx.add.f32.msk $0xffff, v6  }
0x233: {  	v47 =	vadd.s32 $0x4E30, v38;
	v6 =	vld.idx.msk [tilespmem:v42+s3+$0x0], $0xffff;
	v48 =	vunpack.i.l.bf16.f32 v43  }
0x234: {  	v4 =	vadd.s32 $0x7548, v38;
	v49 =	vunpack.i.u.bf16.f32 v43;
	[tilespmem:v7+s16+$0x0] =	vst.idx.add.f32.msk $0xffff, v48  }
0x235: {  	v52 =	vadd.s32 $0x4E30, v2;
	[tilespmem:v46+s16+$0x0] =	vst.idx.add.f32.msk $0xffff, v49  }
0x236: {  	v16 =	vunpack.i.l.bf16.f32 v60;
	v2 =	vadd.s32 $0x7548, v2;
	v3 =	vld.idx.msk [tilespmem:v3+s3+$0x0], $0xffff  }
0x237: {  	[tilespmem:v61+s16+$0x0] =	vst.idx.add.f32.msk $0xffff, v16;
	v54 =	vadd.s32 $0x4E30, v7;
	v53 =	vunpack.i.l.bf16.f32 v1  }
0x238: {  	v1 =	vunpack.i.u.bf16.f32 v1;
	[tilespmem:v47+s16+$0x0] =	vst.idx.add.f32.msk $0xffff, v53  }
0x239: {  	[tilespmem:v4+s16+$0x0] =	vst.idx.add.f32.msk $0xffff, v1;
	v1 =	vunpack.i.l.bf16.f32 v6  }
0x23a: {  	v18 =	vand.u32 $0xFFFF, v63;
	v6 =	vunpack.i.u.bf16.f32 v6;
	[tilespmem:v52+s16+$0x0] =	vst.idx.add.f32.msk $0xffff, v1  }
0x23b: {  	v1 =	vshrl.u32 v45, $0x10;
	[tilespmem:v2+s16+$0x0] =	vst.idx.add.f32.msk $0xffff, v6;
	v2 =	vunpack.i.l.bf16.f32 v3  }
0x23c: {  	[tilespmem:v54+s16+$0x0] =	vst.idx.add.f32.msk $0xffff, v2;
	v2 =	vadd.s32 $0x2718, v1  }
0x23d: {  	v57 =	vadd.s32 $0x2718, v50;
	v28 =	vld [tilespmem:s21+$0xE0]  }
0x23e: {  	v16 =	vld [tilespmem:s21+$0x130];
	v7 =	vadd.s32 $0x7548, v7  }
0x23f: {  	v62 =	vadd.s32 $0x2718, v61;
	v59 =	vunpack.i.l.bf16.f32 v55;
	v22 =	vld.idx.msk [tilespmem:v18+s3+$0x0], $0xffff  }
0x240: {  	v15 =	vand.u32 $0xFFFF, v58;
	v4 =	vunpack.i.u.bf16.f32 v55;
	[tilespmem:v1+s16+$0x0] =	vst.idx.add.f32.msk $0xffff, v59  }
0x241: {  	v26 =	vshrl.u32 v63, $0x10;
	[tilespmem:v2+s16+$0x0] =	vst.idx.add.f32.msk $0xffff, v4  }
0x242: {  	v32 =	vand.u32 $0xFFFF, v28;
	v3 =	vunpack.i.u.bf16.f32 v3;
	v4 =	vld.idx.msk [tilespmem:v57+s3+$0x0], $0xffff  }
0x243: {  	v17 =	vunpack.i.u.bf16.f32 v60;
	[tilespmem:v7+s16+$0x0] =	vst.idx.add.f32.msk $0xffff, v3;
	v3 =	vadd.s32 $0x4E30, v1  }
0x244: {  	[tilespmem:v62+s16+$0x0] =	vst.idx.add.f32.msk $0xffff, v17;
	v1 =	vadd.s32 $0x7548, v1  }
0x245: {  	v21 =	vld.idx.msk [tilespmem:v15+s3+$0x0], $0xffff;
	v29 =	vunpack.i.l.bf16.f32 v22  }
0x246: {  	v30 =	vand.u32 $0xFFFF, v24;
	[tilespmem:v26+s16+$0x0] =	vst.idx.add.f32.msk $0xffff, v29  }
0x247: {  	v37 =	vld.idx.msk [tilespmem:v32+s3+$0x0], $0xffff;
	v2 =	vadd.s32 $0x2718, v56;
	v19 =	vunpack.i.l.bf16.f32 v4  }
0x248: {  	v4 =	vunpack.i.u.bf16.f32 v4;
	[tilespmem:v3+s16+$0x0] =	vst.idx.add.f32.msk $0xffff, v19;
	v3 =	vshrl.u32 v58, $0x10  }
0x249: {  	[tilespmem:v1+s16+$0x0] =	vst.idx.add.f32.msk $0xffff, v4;
	v1 =	vadd.s32 $0x2718, v3  }
0x24a: {  	v5 =	vadd.s32 $0x2718, v15;
	v38 =	vld [tilespmem:s21+$0xF0]  }
0x24b: {  	v34 =	vld.idx.msk [tilespmem:v30+s3+$0x0], $0xffff  }
0x24c: {  	v25 =	vunpack.i.l.bf16.f32 v21;
	v27 =	vadd.s32 $0x2718, v26;
	v2 =	vld.idx.msk [tilespmem:v2+s3+$0x0], $0xffff  }
0x24d: {  	v11 =	vunpack.i.u.bf16.f32 v21;
	v7 =	vadd.s32 $0x2718, v18;
	[tilespmem:v3+s16+$0x0] =	vst.idx.add.f32.msk $0xffff, v25  }
0x24e: {  	v20 =	vadd.s32 $0x4E30, v61;
	[tilespmem:v1+s16+$0x0] =	vst.idx.add.f32.msk $0xffff, v11  }
0x24f: {  	v9 =	vadd.s32 $0x7548, v61;
	v1 =	vld.idx.msk [tilespmem:v5+s3+$0x0], $0xffff  }
0x250: {  	v44 =	vld [tilespmem:s21+$0x100];
	v31 =	vadd.s32 $0x4E30, v3;
	v4 =	vunpack.i.u.bf16.f32 v22  }
0x251: {  	[tilespmem:v27+s16+$0x0] =	vst.idx.add.f32.msk $0xffff, v4;
	v3 =	vadd.s32 $0x7548, v3  }
0x252: {  	v23 =	vunpack.i.l.bf16.f32 v2;
	v4 =	vld.idx.msk [tilespmem:v7+s3+$0x0], $0xffff  }
0x253: {  	v43 =	vand.u32 $0xFFFF, v38;
	v2 =	vunpack.i.u.bf16.f32 v2;
	[tilespmem:v20+s16+$0x0] =	vst.idx.add.f32.msk $0xffff, v23  }
0x254: {  	[tilespmem:v9+s16+$0x0] =	vst.idx.add.f32.msk $0xffff, v2;
	v2 =	vadd.s32 $0x4E30, v26;
	v33 =	vunpack.i.l.bf16.f32 v1  }
0x255: {  	v35 =	vshrl.u32 v24, $0x10;
	v1 =	vunpack.i.u.bf16.f32 v1;
	[tilespmem:v31+s16+$0x0] =	vst.idx.add.f32.msk $0xffff, v33  }
0x256: {  	[tilespmem:v3+s16+$0x0] =	vst.idx.add.f32.msk $0xffff, v1;
	v1 =	vadd.s32 $0x2718, v35  }
0x257: {  	v47 =	vld [tilespmem:s21+$0x110]  }
0x258: {  	v36 =	vadd.s32 $0x2718, v30;
	v49 =	vld.idx.msk [tilespmem:v43+s3+$0x0], $0xffff;
	v3 =	vunpack.i.l.bf16.f32 v4  }
0x259: {  	[tilespmem:v2+s16+$0x0] =	vst.idx.add.f32.msk $0xffff, v3;
	v2 =	vshrl.u32 v28, $0x10;
	v3 =	vunpack.i.l.bf16.f32 v34  }
0x25a: {  	v7 =	vunpack.i.u.bf16.f32 v34;
	[tilespmem:v35+s16+$0x0] =	vst.idx.add.f32.msk $0xffff, v3;
	v3 =	vadd.s32 $0x2718, v2  }
0x25b: {  	[tilespmem:v1+s16+$0x0] =	vst.idx.add.f32.msk $0xffff, v7;
	v1 =	vadd.s32 $0x2718, v32  }
0x25c: {  	v50 =	vand.u32 $0xFFFF, v44;
	v58 =	vld [tilespmem:s21+$0x120]  }
0x25d: {  	v40 =	vunpack.i.l.bf16.f32 v37;
	v39 =	vld.idx.msk [tilespmem:v36+s3+$0x0], $0xffff  }
0x25e: {  	v21 =	vand.u32 $0xFFFF, v16;
	v42 =	vunpack.i.u.bf16.f32 v37;
	[tilespmem:v2+s16+$0x0] =	vst.idx.add.f32.msk $0xffff, v40  }
0x25f: {  	v45 =	vadd.s32 $0x4E30, v35;
	[tilespmem:v3+s16+$0x0] =	vst.idx.add.f32.msk $0xffff, v42  }
0x260: {  	v3 =	vadd.s32 $0x7548, v35;
	v1 =	vld.idx.msk [tilespmem:v1+s3+$0x0], $0xffff  }
0x261: {  	v53 =	vld.idx.msk [tilespmem:v50+s3+$0x0], $0xffff;
	v46 =	vadd.s32 $0x4E30, v2  }
0x262: {  	v23 =	vld [tilespmem:s21+$0x140];
	v63 =	vand.u32 $0xFFFF, v58  }
0x263: {  	v25 =	vld.idx.msk [tilespmem:v21+s3+$0x0], $0xffff;
	v2 =	vadd.s32 $0x7548, v2;
	v48 =	vunpack.i.l.bf16.f32 v39  }
0x264: {  	v51 =	vshrl.u32 v38, $0x10;
	v5 =	vunpack.i.u.bf16.f32 v39;
	[tilespmem:v45+s16+$0x0] =	vst.idx.add.f32.msk $0xffff, v48  }
0x265: {  	v41 =	vadd.s32 $0x7548, v26;
	[tilespmem:v3+s16+$0x0] =	vst.idx.add.f32.msk $0xffff, v5;
	v3 =	vunpack.i.l.bf16.f32 v1  }
0x266: {  	[tilespmem:v46+s16+$0x0] =	vst.idx.add.f32.msk $0xffff, v3;
	v3 =	vand.u32 $0xFFFF, v47  }
0x267: {  	v52 =	vadd.s32 $0x2718, v51;
	v20 =	vld.idx.msk [tilespmem:v63+s3+$0x0], $0xffff;
	v1 =	vunpack.i.u.bf16.f32 v1  }
0x268: {  	[tilespmem:v2+s16+$0x0] =	vst.idx.add.f32.msk $0xffff, v1;
	v1 =	vadd.s32 $0x2718, v43;
	v2 =	vunpack.i.l.bf16.f32 v49  }
0x269: {  	v4 =	vunpack.i.u.bf16.f32 v4;
	[tilespmem:v51+s16+$0x0] =	vst.idx.add.f32.msk $0xffff, v2;
	v2 =	vshrl.u32 v44, $0x10  }
0x26a: {  	[tilespmem:v41+s16+$0x0] =	vst.idx.add.f32.msk $0xffff, v4;
	v54 =	vadd.s32 $0x2718, v2  }
0x26b: {  	v55 =	vadd.s32 $0x2718, v50;
	v8 =	vunpack.i.u.bf16.f32 v49;
	v56 =	vld.idx.msk [tilespmem:v3+s3+$0x0], $0xffff  }
0x26c: {  	v7 =	vshrl.u32 v47, $0x10;
	[tilespmem:v52+s16+$0x0] =	vst.idx.add.f32.msk $0xffff, v8  }
0x26d: {  	v57 =	vunpack.i.l.bf16.f32 v53;
	v59 =	vadd.s32 $0x2718, v7;
	v1 =	vld.idx.msk [tilespmem:v1+s3+$0x0], $0xffff  }
0x26e: {  	v6 =	vunpack.i.u.bf16.f32 v53;
	v3 =	vadd.s32 $0x2718, v3;
	[tilespmem:v2+s16+$0x0] =	vst.idx.add.f32.msk $0xffff, v57  }
0x26f: {  	[tilespmem:v54+s16+$0x0] =	vst.idx.add.f32.msk $0xffff, v6  }
0x270: {  	v60 =	vadd.s32 $0x4E30, v51;
	v6 =	vld.idx.msk [tilespmem:v55+s3+$0x0], $0xffff;
	v61 =	vunpack.i.l.bf16.f32 v56  }
0x271: {  	v4 =	vadd.s32 $0x7548, v51;
	v62 =	vunpack.i.u.bf16.f32 v56;
	[tilespmem:v7+s16+$0x0] =	vst.idx.add.f32.msk $0xffff, v61  }
0x272: {  	v17 =	vadd.s32 $0x4E30, v2;
	[tilespmem:v59+s16+$0x0] =	vst.idx.add.f32.msk $0xffff, v62  }
0x273: {  	v2 =	vadd.s32 $0x7548, v2;
	v3 =	vld.idx.msk [tilespmem:v3+s3+$0x0], $0xffff  }
0x274: {  	v28 =	vld [tilespmem:s21+$0x150];
	v19 =	vadd.s32 $0x4E30, v7;
	v18 =	vunpack.i.l.bf16.f32 v1  }
0x275: {  	v1 =	vunpack.i.u.bf16.f32 v1;
	[tilespmem:v60+s16+$0x0] =	vst.idx.add.f32.msk $0xffff, v18  }
0x276: {  	[tilespmem:v4+s16+$0x0] =	vst.idx.add.f32.msk $0xffff, v1;
	v1 =	vunpack.i.l.bf16.f32 v6  }
0x277: {  	v26 =	vshrl.u32 v16, $0x10;
	v6 =	vunpack.i.u.bf16.f32 v6;
	[tilespmem:v17+s16+$0x0] =	vst.idx.add.f32.msk $0xffff, v1  }
0x278: {  	v1 =	vshrl.u32 v58, $0x10;
	[tilespmem:v2+s16+$0x0] =	vst.idx.add.f32.msk $0xffff, v6;
	v2 =	vunpack.i.l.bf16.f32 v3  }
0x279: {  	[tilespmem:v19+s16+$0x0] =	vst.idx.add.f32.msk $0xffff, v2;
	v2 =	vadd.s32 $0x2718, v1  }
0x27a: {  	v22 =	vadd.s32 $0x2718, v63  }
0x27b: {  	v38 =	vld [tilespmem:s21+$0x160];
	v30 =	vunpack.i.l.bf16.f32 v25;
	v7 =	vadd.s32 $0x7548, v7  }
0x27c: {  	[tilespmem:v26+s16+$0x0] =	vst.idx.add.f32.msk $0xffff, v30;
	v24 =	vunpack.i.l.bf16.f32 v20;
	v32 =	vand.u32 $0xFFFF, v28  }
0x27d: {  	v27 =	vadd.s32 $0x2718, v26;
	v4 =	vunpack.i.u.bf16.f32 v20;
	[tilespmem:v1+s16+$0x0] =	vst.idx.add.f32.msk $0xffff, v24  }
0x27e: {  	v29 =	vand.u32 $0xFFFF, v23;
	[tilespmem:v2+s16+$0x0] =	vst.idx.add.f32.msk $0xffff, v4  }
0x27f: {  	v3 =	vunpack.i.u.bf16.f32 v3;
	v4 =	vld.idx.msk [tilespmem:v22+s3+$0x0], $0xffff  }
0x280: {  	[tilespmem:v7+s16+$0x0] =	vst.idx.add.f32.msk $0xffff, v3;
	v3 =	vadd.s32 $0x4E30, v1  }
0x281: {  	v31 =	vunpack.i.u.bf16.f32 v25;
	v36 =	vld.idx.msk [tilespmem:v32+s3+$0x0], $0xffff;
	v1 =	vadd.s32 $0x7548, v1  }
0x282: {  	[tilespmem:v27+s16+$0x0] =	vst.idx.add.f32.msk $0xffff, v31;
	v40 =	vshrl.u32 v28, $0x10  }
0x283: {  	v35 =	vld.idx.msk [tilespmem:v29+s3+$0x0], $0xffff  }
0x284: {  	v42 =	vld [tilespmem:s21+$0x170];
	v2 =	vadd.s32 $0x2718, v21;
	v33 =	vunpack.i.l.bf16.f32 v4  }
0x285: {  	v4 =	vunpack.i.u.bf16.f32 v4;
	[tilespmem:v3+s16+$0x0] =	vst.idx.add.f32.msk $0xffff, v33;
	v3 =	vshrl.u32 v23, $0x10  }
0x286: {  	v43 =	vunpack.i.l.bf16.f32 v36;
	[tilespmem:v1+s16+$0x0] =	vst.idx.add.f32.msk $0xffff, v4;
	v1 =	vadd.s32 $0x2718, v3  }
0x287: {  	v5 =	vadd.s32 $0x2718, v29;
	[tilespmem:v40+s16+$0x0] =	vst.idx.add.f32.msk $0xffff, v43  }
0x288: {  	v44 =	vand.u32 $0xFFFF, v38;
	v52 =	vld [tilespmem:s21+$0x180]  }
0x289: {  	v41 =	vadd.s32 $0x2718, v40;
	v39 =	vunpack.i.l.bf16.f32 v35;
	v2 =	vld.idx.msk [tilespmem:v2+s3+$0x0], $0xffff  }
0x28a: {  	v11 =	vunpack.i.u.bf16.f32 v35;
	v7 =	vadd.s32 $0x2718, v32;
	[tilespmem:v3+s16+$0x0] =	vst.idx.add.f32.msk $0xffff, v39  }
0x28b: {  	v34 =	vadd.s32 $0x4E30, v26;
	[tilespmem:v1+s16+$0x0] =	vst.idx.add.f32.msk $0xffff, v11  }
0x28c: {  	v9 =	vadd.s32 $0x7548, v26;
	v1 =	vld.idx.msk [tilespmem:v5+s3+$0x0], $0xffff  }
0x28d: {  	v48 =	vld.idx.msk [tilespmem:v44+s3+$0x0], $0xffff;
	v45 =	vadd.s32 $0x4E30, v3;
	v4 =	vunpack.i.u.bf16.f32 v36  }
0x28e: {  	[tilespmem:v41+s16+$0x0] =	vst.idx.add.f32.msk $0xffff, v4;
	v3 =	vadd.s32 $0x7548, v3  }
0x28f: {  	v46 =	vand.u32 $0xFFFF, v42;
	v37 =	vunpack.i.l.bf16.f32 v2;
	v4 =	vld.idx.msk [tilespmem:v7+s3+$0x0], $0xffff  }
0x290: {  	v2 =	vunpack.i.u.bf16.f32 v2;
	[tilespmem:v34+s16+$0x0] =	vst.idx.add.f32.msk $0xffff, v37  }
0x291: {  	[tilespmem:v9+s16+$0x0] =	vst.idx.add.f32.msk $0xffff, v2;
	v2 =	vadd.s32 $0x4E30, v40;
	v47 =	vunpack.i.l.bf16.f32 v1  }
0x292: {  	v49 =	vshrl.u32 v38, $0x10;
	v1 =	vunpack.i.u.bf16.f32 v1;
	[tilespmem:v45+s16+$0x0] =	vst.idx.add.f32.msk $0xffff, v47  }
0x293: {  	[tilespmem:v3+s16+$0x0] =	vst.idx.add.f32.msk $0xffff, v1;
	v1 =	vadd.s32 $0x2718, v49  }
0x294: {  	v51 =	vld.idx.msk [tilespmem:v46+s3+$0x0], $0xffff  }
0x295: {  	v57 =	vld [tilespmem:s21+$0x190];
	v3 =	vunpack.i.l.bf16.f32 v4  }
0x296: {  	[tilespmem:v2+s16+$0x0] =	vst.idx.add.f32.msk $0xffff, v3;
	v2 =	vshrl.u32 v42, $0x10;
	v3 =	vunpack.i.l.bf16.f32 v48  }
0x297: {  	v7 =	vunpack.i.u.bf16.f32 v48;
	[tilespmem:v49+s16+$0x0] =	vst.idx.add.f32.msk $0xffff, v3;
	v3 =	vadd.s32 $0x2718, v2  }
0x298: {  	[tilespmem:v1+s16+$0x0] =	vst.idx.add.f32.msk $0xffff, v7;
	v1 =	vadd.s32 $0x2718, v46  }
0x299: {  	v28 =	vld [tilespmem:s21+$0x1C0];
	v53 =	vadd.s32 $0x7548, v40  }
0x29a: {  	v54 =	vunpack.i.l.bf16.f32 v51;
	v56 =	vand.u32 $0xFFFF, v52;
	v60 =	vld [tilespmem:s21+$0x1A0]  }
0x29b: {  	v50 =	vadd.s32 $0x2718, v44;
	v55 =	vunpack.i.u.bf16.f32 v51;
	[tilespmem:v2+s16+$0x0] =	vst.idx.add.f32.msk $0xffff, v54  }
0x29c: {  	v63 =	vand.u32 $0xFFFF, v57;
	[tilespmem:v3+s16+$0x0] =	vst.idx.add.f32.msk $0xffff, v55  }
0x29d: {  	v3 =	vunpack.i.u.bf16.f32 v4;
	v1 =	vld.idx.msk [tilespmem:v1+s3+$0x0], $0xffff  }
0x29e: {  	[tilespmem:v53+s16+$0x0] =	vst.idx.add.f32.msk $0xffff, v3;
	v3 =	vadd.s32 $0x4E30, v2  }
0x29f: {  	v62 =	vld.idx.msk [tilespmem:v56+s3+$0x0], $0xffff;
	v2 =	vadd.s32 $0x7548, v2  }
0x2a0: {  	v7 =	vld.idx.msk [tilespmem:v50+s3+$0x0], $0xffff  }
0x2a1: {  	v58 =	vadd.s32 $0x4E30, v49;
	v19 =	vld.idx.msk [tilespmem:v63+s3+$0x0], $0xffff  }
0x2a2: {  	v16 =	vshrl.u32 v52, $0x10;
	v24 =	vld [tilespmem:s21+$0x1B0];
	v17 =	vunpack.i.l.bf16.f32 v1  }
0x2a3: {  	v59 =	vadd.s32 $0x7548, v49;
	v1 =	vunpack.i.u.bf16.f32 v1;
	[tilespmem:v3+s16+$0x0] =	vst.idx.add.f32.msk $0xffff, v17  }
0x2a4: {  	[tilespmem:v2+s16+$0x0] =	vst.idx.add.f32.msk $0xffff, v1;
	v1 =	vand.u32 $0xFFFF, v60  }
0x2a5: {  	v18 =	vadd.s32 $0x2718, v16;
	v45 =	vld [tilespmem:s21+$0x1F0];
	v61 =	vunpack.i.l.bf16.f32 v7  }
0x2a6: {  	[tilespmem:v58+s16+$0x0] =	vst.idx.add.f32.msk $0xffff, v61;
	v3 =	vadd.s32 $0x2718, v56;
	v2 =	vunpack.i.l.bf16.f32 v62  }
0x2a7: {  	v7 =	vunpack.i.u.bf16.f32 v7;
	[tilespmem:v16+s16+$0x0] =	vst.idx.add.f32.msk $0xffff, v2;
	v2 =	vshrl.u32 v57, $0x10  }
0x2a8: {  	[tilespmem:v59+s16+$0x0] =	vst.idx.add.f32.msk $0xffff, v7;
	v20 =	vadd.s32 $0x2718, v2  }
0x2a9: {  	v8 =	vunpack.i.u.bf16.f32 v62;
	v21 =	vadd.s32 $0x2718, v63;
	v22 =	vld.idx.msk [tilespmem:v1+s3+$0x0], $0xffff  }
0x2aa: {  	v5 =	vshrl.u32 v60, $0x10;
	[tilespmem:v18+s16+$0x0] =	vst.idx.add.f32.msk $0xffff, v8  }
0x2ab: {  	v23 =	vunpack.i.l.bf16.f32 v19;
	v25 =	vadd.s32 $0x2718, v5;
	v3 =	vld.idx.msk [tilespmem:v3+s3+$0x0], $0xffff  }
0x2ac: {  	v4 =	vunpack.i.u.bf16.f32 v19;
	v1 =	vadd.s32 $0x2718, v1;
	[tilespmem:v2+s16+$0x0] =	vst.idx.add.f32.msk $0xffff, v23  }
0x2ad: {  	v26 =	vadd.s32 $0x4E30, v16;
	[tilespmem:v20+s16+$0x0] =	vst.idx.add.f32.msk $0xffff, v4  }
0x2ae: {  	v6 =	vadd.s32 $0x7548, v16;
	v7 =	vld.idx.msk [tilespmem:v21+s3+$0x0], $0xffff;
	v27 =	vunpack.i.l.bf16.f32 v22  }
0x2af: {  	v29 =	vand.u32 $0xFFFF, v24;
	v9 =	vunpack.i.u.bf16.f32 v22;
	[tilespmem:v5+s16+$0x0] =	vst.idx.add.f32.msk $0xffff, v27  }
0x2b0: {  	v30 =	vadd.s32 $0x4E30, v2;
	[tilespmem:v25+s16+$0x0] =	vst.idx.add.f32.msk $0xffff, v9  }
0x2b1: {  	v2 =	vadd.s32 $0x7548, v2;
	v31 =	vunpack.i.l.bf16.f32 v3;
	v1 =	vld.idx.msk [tilespmem:v1+s3+$0x0], $0xffff  }
0x2b2: {  	v32 =	vadd.s32 $0x4E30, v5;
	v3 =	vunpack.i.u.bf16.f32 v3;
	[tilespmem:v26+s16+$0x0] =	vst.idx.add.f32.msk $0xffff, v31  }
0x2b3: {  	[tilespmem:v6+s16+$0x0] =	vst.idx.add.f32.msk $0xffff, v3;
	v3 =	vand.u32 $0xFFFF, v28  }
0x2b4: {  	v34 =	vld.idx.msk [tilespmem:v29+s3+$0x0], $0xffff;
	v33 =	vunpack.i.l.bf16.f32 v7  }
0x2b5: {  	v7 =	vunpack.i.u.bf16.f32 v7;
	[tilespmem:v30+s16+$0x0] =	vst.idx.add.f32.msk $0xffff, v33  }
0x2b6: {  	v35 =	vshrl.u32 v24, $0x10;
	[tilespmem:v2+s16+$0x0] =	vst.idx.add.f32.msk $0xffff, v7;
	v2 =	vunpack.i.l.bf16.f32 v1  }
0x2b7: {  	[tilespmem:v32+s16+$0x0] =	vst.idx.add.f32.msk $0xffff, v2;
	v2 =	vadd.s32 $0x2718, v35  }
0x2b8: {  	v48 =	vand.u32 $0xFFFF, v45;
	v37 =	vld.idx.msk [tilespmem:v3+s3+$0x0], $0xffff  }
0x2b9: {  	v40 =	vshrl.u32 v28, $0x10;
	v42 =	vld [tilespmem:s21+$0x1E0]  }
0x2ba: {  	v36 =	vadd.s32 $0x2718, v29;
	v39 =	vld [tilespmem:s21+$0x1D0];
	v38 =	vunpack.i.l.bf16.f32 v34  }
0x2bb: {  	v41 =	vadd.s32 $0x2718, v40;
	[tilespmem:v35+s16+$0x0] =	vst.idx.add.f32.msk $0xffff, v38;
	v9 =	vunpack.i.u.bf16.f32 v34  }
0x2bc: {  	[tilespmem:v2+s16+$0x0] =	vst.idx.add.f32.msk $0xffff, v9;
	v2 =	vadd.s32 $0x2718, v3  }
0x2bd: {  	v53 =	vld.idx.msk [tilespmem:v48+s3+$0x0], $0xffff;
	v43 =	vunpack.i.l.bf16.f32 v37;
	v3 =	vadd.s32 $0x7548, v5  }
0x2be: {  	v46 =	vand.u32 $0xFFFF, v42;
	[tilespmem:v40+s16+$0x0] =	vst.idx.add.f32.msk $0xffff, v43  }
0x2bf: {  	v44 =	vand.u32 $0xFFFF, v39;
	v7 =	vunpack.i.u.bf16.f32 v37;
	v4 =	vld.idx.msk [tilespmem:v36+s3+$0x0], $0xffff  }
0x2c0: {  	v14 =	vadd.s32 $0x4E30, v35;
	[tilespmem:v41+s16+$0x0] =	vst.idx.add.f32.msk $0xffff, v7  }
0x2c1: {  	v1 =	vunpack.i.u.bf16.f32 v1;
	v2 =	vld.idx.msk [tilespmem:v2+s3+$0x0], $0xffff  }
0x2c2: {  	[tilespmem:v3+s16+$0x0] =	vst.idx.add.f32.msk $0xffff, v1;
	v1 =	vadd.s32 $0x4E30, v40  }
0x2c3: {  	v55 =	vshrl.u32 v45, $0x10;
	v49 =	vld.idx.msk [tilespmem:v46+s3+$0x0], $0xffff  }
0x2c4: {  	v47 =	vld.idx.msk [tilespmem:v44+s3+$0x0], $0xffff;
	v51 =	vshrl.u32 v42, $0x10;
	v3 =	vunpack.i.l.bf16.f32 v4  }
0x2c5: {  	[tilespmem:v14+s16+$0x0] =	vst.idx.add.f32.msk $0xffff, v3;
	v3 =	vshrl.u32 v39, $0x10  }
0x2c6: {  	v10 =	vadd.s32 $0x2718, v3;
	v50 =	vunpack.i.l.bf16.f32 v2  }
0x2c7: {  	v59 =	vunpack.i.l.bf16.f32 v53;
	[tilespmem:v1+s16+$0x0] =	vst.idx.add.f32.msk $0xffff, v50;
	v1 =	vadd.s32 $0x2718, v51  }
0x2c8: {  	[tilespmem:v55+s16+$0x0] =	vst.idx.add.f32.msk $0xffff, v59;
	v56 =	vunpack.i.l.bf16.f32 v49;
	v9 =	vadd.s32 $0x2718, v44  }
0x2c9: {  	v52 =	vunpack.i.l.bf16.f32 v47;
	v58 =	vadd.s32 $0x2718, v55;
	[tilespmem:v51+s16+$0x0] =	vst.idx.add.f32.msk $0xffff, v56  }
0x2ca: {  	v54 =	vunpack.i.u.bf16.f32 v47;
	v5 =	vadd.s32 $0x2718, v46;
	[tilespmem:v3+s16+$0x0] =	vst.idx.add.f32.msk $0xffff, v52  }
0x2cb: {  	v57 =	vunpack.i.u.bf16.f32 v49;
	v6 =	vadd.s32 $0x7548, v35;
	[tilespmem:v10+s16+$0x0] =	vst.idx.add.f32.msk $0xffff, v54  }
0x2cc: {  	[tilespmem:v1+s16+$0x0] =	vst.idx.add.f32.msk $0xffff, v57;
	v1 =	vadd.s32 $0x2718, v48  }
0x2cd: {  	v61 =	vunpack.i.u.bf16.f32 v53;
	v8 =	vadd.s32 $0x7548, v40;
	v9 =	vld.idx.msk [tilespmem:v9+s3+$0x0], $0xffff  }
0x2ce: {  	[tilespmem:v58+s16+$0x0] =	vst.idx.add.f32.msk $0xffff, v61;
	v60 =	vadd.s32 $0x4E30, v3  }
0x2cf: {  	v4 =	vunpack.i.u.bf16.f32 v4;
	v3 =	vadd.s32 $0x7548, v3;
	v5 =	vld.idx.msk [tilespmem:v5+s3+$0x0], $0xffff  }
0x2d0: {  	v62 =	vadd.s32 $0x4E30, v51;
	[tilespmem:v6+s16+$0x0] =	vst.idx.add.f32.msk $0xffff, v4  }
0x2d1: {  	v6 =	vadd.s32 $0x7548, v51;
	v2 =	vunpack.i.u.bf16.f32 v2;
	v1 =	vld.idx.msk [tilespmem:v1+s3+$0x0], $0xffff  }
0x2d2: {  	s20 =	sadd.s32 $0x40, s20;
	v63 =	vadd.s32 $0x4E30, v55;
	[tilespmem:v8+s16+$0x0] =	vst.idx.add.f32.msk $0xffff, v2;
	v2 =	vunpack.i.l.bf16.f32 v9  }
0x2d3: {  	p0 =	slt.u32 s20, $0x1C0;
	v7 =	vadd.s32 $0x7548, v55;
	[tilespmem:v60+s16+$0x0] =	vst.idx.add.f32.msk $0xffff, v2;
	v2 =	vunpack.i.u.bf16.f32 v9  }
.Ltmp4:
0x2d4: {  	[tilespmem:v3+s16+$0x0] =	vst.idx.add.f32.msk $0xffff, v2;
	v2 =	vunpack.i.l.bf16.f32 v5;
	(pc) =	sbr.rel @p0 .LBB2_11-.Ltmp4, $4  }
0x2d5: {  	[tilespmem:v62+s16+$0x0] =	vst.idx.add.f32.msk $0xffff, v2;
	v2 =	vunpack.i.u.bf16.f32 v5  }
0x2d6: {  	[tilespmem:v6+s16+$0x0] =	vst.idx.add.f32.msk $0xffff, v2;
	v2 =	vunpack.i.l.bf16.f32 v1  }
0x2d7: {  	v1 =	vunpack.i.u.bf16.f32 v1;
	[tilespmem:v63+s16+$0x0] =	vst.idx.add.f32.msk $0xffff, v2  }
0x2d8: {  	s21 =	sadd.s32 $0x400, s21;
	[tilespmem:v7+s16+$0x0] =	vst.idx.add.f32.msk $0xffff, v1  }
0x2d9: {  	s20 =	sshll.u32 s19, $0xB;
	p0 =	seq.s32 s19, $0x13  }
0x2da: {  	s21 =	sadd.s32 @!p0 s20, s7;
	s22 =	simm.s32 @!p0 $0x0;
	s23 =	simm.s32 @!p0 $0x16080  }
0x2db: {  	[tilespmem:s23], [sflag:$0x1] =	stream.linear.gather @!p0 [hbm4b:s21+s22], $0x2000, $0x38;
	[tilespmem:$0x1A080] =	vst v63  }
0x2dc: {  	_ =	swait.ge [sflag:s17], $0x2000  }
0x2dd: {  	[sflag:s17] =	ssyncset.done $0x0  }
0x2de: {  	s21 =	simm.s32 $0xFFFFFFC0;
	s22 =	simm.s32 $0x18280;
	[sflag:s17] =	ssyncadd.s32 $0xFFFFE000  }
.LBB2_13:
0x2df: {  	v1 =	vld [tilespmem:s22+$0xFFFFFE00]  }
0x2e0: {  	v2 =	vld [tilespmem:s22+$0xFFFFFE10]  }
0x2e1: {  	v9 =	vld [tilespmem:s22+$0xFFFFFE20]  }
0x2e2: {  	v35 =	vld [tilespmem:s22+$0xFFFFFE30]  }
0x2e3: {  	v37 =	vld [tilespmem:s22+$0xFFFFFE40]  }
0x2e4: {  	v45 =	vld [tilespmem:s22+$0xFFFFFE50]  }
0x2e5: {  	v50 =	vld [tilespmem:s22+$0xFFFFFE60];
	v3 =	vand.u32 $0xFFFF, v1  }
0x2e6: {  	v63 =	vld [tilespmem:s22+$0xFFFFFE80];
	v4 =	vand.u32 $0xFFFF, v2  }
0x2e7: {  	v26 =	vld [tilespmem:s22+$0xFFFFFEA0];
	v34 =	vand.u32 $0xFFFF, v9  }
0x2e8: {  	v57 =	vld [tilespmem:s22+$0xFFFFFE70];
	v13 =	vand.u32 $0xFFFF, v35  }
0x2e9: {  	v22 =	vld [tilespmem:s22+$0xFFFFFE90];
	v49 =	vand.u32 $0xFFFF, v45  }
0x2ea: {  	v54 =	vand.u32 $0xFFFF, v50;
	v5 =	vld.idx.msk [tilespmem:v3+s3+$0x0], $0xffff  }
0x2eb: {  	v16 =	vand.u32 $0xFFFF, v63;
	v7 =	vld.idx.msk [tilespmem:v4+s3+$0x0], $0xffff  }
0x2ec: {  	v30 =	vand.u32 $0xFFFF, v26;
	v12 =	vld.idx.msk [tilespmem:v34+s3+$0x0], $0xffff  }
0x2ed: {  	v1 =	vshrl.u32 v1, $0x10;
	v39 =	vld.idx.msk [tilespmem:v13+s3+$0x0], $0xffff  }
0x2ee: {  	v2 =	vshrl.u32 v2, $0x10;
	v53 =	vld.idx.msk [tilespmem:v49+s3+$0x0], $0xffff  }
0x2ef: {  	v6 =	vadd.s32 $0x2718, v1;
	v60 =	vld.idx.msk [tilespmem:v54+s3+$0x0], $0xffff  }
0x2f0: {  	v3 =	vadd.s32 $0x2718, v3;
	v20 =	vld.idx.msk [tilespmem:v16+s3+$0x0], $0xffff  }
0x2f1: {  	v41 =	vshrl.u32 v35, $0x10;
	v31 =	vadd.s32 $0x2718, v2;
	v35 =	vld.idx.msk [tilespmem:v30+s3+$0x0], $0xffff;
	v8 =	vunpack.i.l.bf16.f32 v5  }
0x2f2: {  	v4 =	vadd.s32 $0x2718, v4;
	v32 =	vunpack.i.l.bf16.f32 v7;
	[tilespmem:v1+s16+$0x0] =	vst.idx.add.f32.msk $0xffff, v8  }
0x2f3: {  	v42 =	vadd.s32 $0x2718, v13;
	v13 =	vand.u32 $0xFFFF, v57;
	v5 =	vunpack.i.u.bf16.f32 v5;
	[tilespmem:v2+s16+$0x0] =	vst.idx.add.f32.msk $0xffff, v32  }
0x2f4: {  	v9 =	vshrl.u32 v9, $0x10;
	[tilespmem:v6+s16+$0x0] =	vst.idx.add.f32.msk $0xffff, v5  }
0x2f5: {  	v33 =	vunpack.i.u.bf16.f32 v7;
	v3 =	vld.idx.msk [tilespmem:v3+s3+$0x0], $0xffff  }
0x2f6: {  	v10 =	vadd.s32 $0x4E30, v1;
	[tilespmem:v31+s16+$0x0] =	vst.idx.add.f32.msk $0xffff, v33  }
0x2f7: {  	v1 =	vadd.s32 $0x7548, v1;
	v4 =	vld.idx.msk [tilespmem:v4+s3+$0x0], $0xffff  }
0x2f8: {  	v36 =	vadd.s32 $0x4E30, v2;
	v38 =	vunpack.i.l.bf16.f32 v12;
	v19 =	vld.idx.msk [tilespmem:v13+s3+$0x0], $0xffff  }
0x2f9: {  	v61 =	vshrl.u32 v50, $0x10;
	v44 =	vunpack.i.l.bf16.f32 v39;
	[tilespmem:v9+s16+$0x0] =	vst.idx.add.f32.msk $0xffff, v38  }
0x2fa: {  	v24 =	vshrl.u32 v63, $0x10;
	[tilespmem:v41+s16+$0x0] =	vst.idx.add.f32.msk $0xffff, v44;
	v11 =	vunpack.i.l.bf16.f32 v3  }
0x2fb: {  	v2 =	vadd.s32 $0x7548, v2;
	v3 =	vunpack.i.u.bf16.f32 v3;
	[tilespmem:v10+s16+$0x0] =	vst.idx.add.f32.msk $0xffff, v11  }
0x2fc: {  	[tilespmem:v1+s16+$0x0] =	vst.idx.add.f32.msk $0xffff, v3;
	v1 =	vunpack.i.l.bf16.f32 v4;
	v3 =	vadd.s32 $0x2718, v9  }
0x2fd: {  	v14 =	vunpack.i.l.bf16.f32 v60;
	[tilespmem:v36+s16+$0x0] =	vst.idx.add.f32.msk $0xffff, v1;
	v1 =	vand.u32 $0xFFFF, v37  }
0x2fe: {  	v28 =	vand.u32 $0xFFFF, v22;
	v27 =	vunpack.i.l.bf16.f32 v20;
	[tilespmem:v61+s16+$0x0] =	vst.idx.add.f32.msk $0xffff, v14  }
0x2ff: {  	v62 =	vadd.s32 $0x2718, v61;
	[tilespmem:v24+s16+$0x0] =	vst.idx.add.f32.msk $0xffff, v27;
	v4 =	vunpack.i.u.bf16.f32 v4  }
0x300: {  	v40 =	vunpack.i.u.bf16.f32 v12;
	[tilespmem:v2+s16+$0x0] =	vst.idx.add.f32.msk $0xffff, v4;
	v2 =	vadd.s32 $0x2718, v34  }
0x301: {  	[tilespmem:v3+s16+$0x0] =	vst.idx.add.f32.msk $0xffff, v40;
	v3 =	vadd.s32 $0x2718, v41  }
0x302: {  	v43 =	vld.idx.msk [tilespmem:v1+s3+$0x0], $0xffff  }
0x303: {  	v15 =	vunpack.i.u.bf16.f32 v60;
	v8 =	vshrl.u32 v37, $0x10;
	v32 =	vld.idx.msk [tilespmem:v28+s3+$0x0], $0xffff  }
0x304: {  	v46 =	vadd.s32 $0x2718, v8;
	[tilespmem:v62+s16+$0x0] =	vst.idx.add.f32.msk $0xffff, v15  }
0x305: {  	v5 =	vunpack.i.u.bf16.f32 v39;
	v1 =	vadd.s32 $0x2718, v1;
	v2 =	vld.idx.msk [tilespmem:v2+s3+$0x0], $0xffff  }
0x306: {  	[tilespmem:v3+s16+$0x0] =	vst.idx.add.f32.msk $0xffff, v5;
	v3 =	vadd.s32 $0x4E30, v9  }
0x307: {  	v5 =	vld.idx.msk [tilespmem:v42+s3+$0x0], $0xffff;
	v47 =	vunpack.i.l.bf16.f32 v43  }
0x308: {  	v48 =	vunpack.i.u.bf16.f32 v43;
	[tilespmem:v8+s16+$0x0] =	vst.idx.add.f32.msk $0xffff, v47  }
0x309: {  	v9 =	vadd.s32 $0x7548, v9;
	[tilespmem:v46+s16+$0x0] =	vst.idx.add.f32.msk $0xffff, v48  }
0x30a: {  	v51 =	vadd.s32 $0x4E30, v41;
	v52 =	vunpack.i.l.bf16.f32 v2;
	v1 =	vld.idx.msk [tilespmem:v1+s3+$0x0], $0xffff  }
0x30b: {  	[tilespmem:v3+s16+$0x0] =	vst.idx.add.f32.msk $0xffff, v52;
	v3 =	vadd.s32 $0x4E30, v8  }
0x30c: {  	v36 =	vld [tilespmem:s22+$0xFFFFFEB0]  }
0x30d: {  	v42 =	vld [tilespmem:s22+$0xFFFFFEC0];
	v2 =	vunpack.i.u.bf16.f32 v2  }
0x30e: {  	v4 =	vadd.s32 $0x7548, v41;
	[tilespmem:v9+s16+$0x0] =	vst.idx.add.f32.msk $0xffff, v2;
	v2 =	vunpack.i.l.bf16.f32 v5  }
0x30f: {  	[tilespmem:v51+s16+$0x0] =	vst.idx.add.f32.msk $0xffff, v2;
	v2 =	vshrl.u32 v45, $0x10;
	v55 =	vunpack.i.l.bf16.f32 v1  }
0x310: {  	[tilespmem:v3+s16+$0x0] =	vst.idx.add.f32.msk $0xffff, v55;
	v3 =	vadd.s32 $0x2718, v2  }
0x311: {  	v56 =	vadd.s32 $0x2718, v49;
	v58 =	vadd.s32 $0x7548, v8;
	v62 =	vld [tilespmem:s22+$0xFFFFFEF0]  }
0x312: {  	v23 =	vunpack.i.l.bf16.f32 v19;
	v11 =	vunpack.i.u.bf16.f32 v19;
	v19 =	vld [tilespmem:s22+$0xFFFFFF00];
	v5 =	vunpack.i.u.bf16.f32 v5  }
0x313: {  	v59 =	vunpack.i.l.bf16.f32 v53;
	v41 =	vand.u32 $0xFFFF, v36;
	[tilespmem:v4+s16+$0x0] =	vst.idx.add.f32.msk $0xffff, v5  }
0x314: {  	v6 =	vunpack.i.u.bf16.f32 v53;
	[tilespmem:v2+s16+$0x0] =	vst.idx.add.f32.msk $0xffff, v59  }
0x315: {  	v48 =	vand.u32 $0xFFFF, v42;
	[tilespmem:v3+s16+$0x0] =	vst.idx.add.f32.msk $0xffff, v6  }
0x316: {  	v1 =	vunpack.i.u.bf16.f32 v1;
	v4 =	vld.idx.msk [tilespmem:v56+s3+$0x0], $0xffff  }
0x317: {  	[tilespmem:v58+s16+$0x0] =	vst.idx.add.f32.msk $0xffff, v1;
	v1 =	vadd.s32 $0x4E30, v2  }
0x318: {  	v47 =	vld.idx.msk [tilespmem:v41+s3+$0x0], $0xffff;
	v2 =	vadd.s32 $0x7548, v2  }
0x319: {  	v45 =	vld [tilespmem:s22+$0xFFFFFED0];
	v3 =	vadd.s32 $0x2718, v54  }
0x31a: {  	v51 =	vld.idx.msk [tilespmem:v48+s3+$0x0], $0xffff  }
0x31b: {  	v25 =	vadd.s32 $0x2718, v24;
	v56 =	vld [tilespmem:s22+$0xFFFFFEE0];
	v17 =	vunpack.i.l.bf16.f32 v4  }
0x31c: {  	v4 =	vunpack.i.u.bf16.f32 v4;
	[tilespmem:v1+s16+$0x0] =	vst.idx.add.f32.msk $0xffff, v17;
	v1 =	vshrl.u32 v57, $0x10  }
0x31d: {  	[tilespmem:v2+s16+$0x0] =	vst.idx.add.f32.msk $0xffff, v4;
	v2 =	vadd.s32 $0x2718, v1  }
0x31e: {  	v6 =	vadd.s32 $0x2718, v13;
	v3 =	vld.idx.msk [tilespmem:v3+s3+$0x0], $0xffff  }
0x31f: {  	v18 =	vadd.s32 $0x4E30, v61;
	v53 =	vadd.s32 $0x2718, v48;
	v48 =	vld [tilespmem:s22+$0xFFFFFF40];
	v4 =	vunpack.i.u.bf16.f32 v20  }
0x320: {  	v8 =	vadd.s32 $0x7548, v61;
	[tilespmem:v25+s16+$0x0] =	vst.idx.add.f32.msk $0xffff, v4  }
0x321: {  	[tilespmem:v1+s16+$0x0] =	vst.idx.add.f32.msk $0xffff, v23  }
0x322: {  	v7 =	vadd.s32 $0x2718, v16;
	[tilespmem:v2+s16+$0x0] =	vst.idx.add.f32.msk $0xffff, v11  }
0x323: {  	v61 =	vand.u32 $0xFFFF, v56;
	v21 =	vunpack.i.l.bf16.f32 v3;
	v2 =	vld.idx.msk [tilespmem:v6+s3+$0x0], $0xffff  }
0x324: {  	v29 =	vadd.s32 $0x4E30, v1;
	v3 =	vunpack.i.u.bf16.f32 v3;
	[tilespmem:v18+s16+$0x0] =	vst.idx.add.f32.msk $0xffff, v21  }
0x325: {  	v1 =	vadd.s32 $0x7548, v1;
	[tilespmem:v8+s16+$0x0] =	vst.idx.add.f32.msk $0xffff, v3  }
0x326: {  	v39 =	vadd.s32 $0x7548, v24;
	v17 =	vand.u32 $0xFFFF, v62;
	v3 =	vadd.s32 $0x4E30, v24;
	v24 =	vld [tilespmem:s22+$0xFFFFFF10]  }
0x327: {  	v25 =	vand.u32 $0xFFFF, v19;
	v4 =	vld.idx.msk [tilespmem:v7+s3+$0x0], $0xffff  }
0x328: {  	v16 =	vld.idx.msk [tilespmem:v61+s3+$0x0], $0xffff;
	v31 =	vunpack.i.l.bf16.f32 v2  }
0x329: {  	v33 =	vshrl.u32 v22, $0x10;
	v2 =	vunpack.i.u.bf16.f32 v2;
	[tilespmem:v29+s16+$0x0] =	vst.idx.add.f32.msk $0xffff, v31  }
0x32a: {  	[tilespmem:v1+s16+$0x0] =	vst.idx.add.f32.msk $0xffff, v2;
	v1 =	vadd.s32 $0x2718, v33  }
0x32b: {  	v34 =	vadd.s32 $0x2718, v28;
	v21 =	vld.idx.msk [tilespmem:v17+s3+$0x0], $0xffff;
	v28 =	vand.u32 $0xFFFF, v24  }
0x32c: {  	v31 =	vld.idx.msk [tilespmem:v25+s3+$0x0], $0xffff;
	v2 =	vunpack.i.l.bf16.f32 v4  }
0x32d: {  	[tilespmem:v3+s16+$0x0] =	vst.idx.add.f32.msk $0xffff, v2;
	v2 =	vshrl.u32 v26, $0x10;
	v3 =	vunpack.i.l.bf16.f32 v32  }
0x32e: {  	v7 =	vunpack.i.u.bf16.f32 v32;
	[tilespmem:v33+s16+$0x0] =	vst.idx.add.f32.msk $0xffff, v3;
	v3 =	vadd.s32 $0x2718, v2  }
0x32f: {  	[tilespmem:v1+s16+$0x0] =	vst.idx.add.f32.msk $0xffff, v7;
	v1 =	vadd.s32 $0x2718, v30  }
0x330: {  	v32 =	vld.idx.msk [tilespmem:v28+s3+$0x0], $0xffff  }
0x331: {  	v38 =	vunpack.i.l.bf16.f32 v35;
	v22 =	vshrl.u32 v62, $0x10;
	v37 =	vld.idx.msk [tilespmem:v34+s3+$0x0], $0xffff  }
0x332: {  	v40 =	vunpack.i.u.bf16.f32 v35;
	v23 =	vadd.s32 $0x2718, v22;
	[tilespmem:v2+s16+$0x0] =	vst.idx.add.f32.msk $0xffff, v38  }
0x333: {  	v43 =	vadd.s32 $0x4E30, v33;
	[tilespmem:v3+s16+$0x0] =	vst.idx.add.f32.msk $0xffff, v40  }
0x334: {  	v4 =	vunpack.i.u.bf16.f32 v4;
	v3 =	vadd.s32 $0x7548, v33;
	v1 =	vld.idx.msk [tilespmem:v1+s3+$0x0], $0xffff  }
0x335: {  	v26 =	vunpack.i.l.bf16.f32 v21;
	v44 =	vadd.s32 $0x4E30, v2;
	[tilespmem:v39+s16+$0x0] =	vst.idx.add.f32.msk $0xffff, v4  }
0x336: {  	v27 =	vunpack.i.u.bf16.f32 v21;
	[tilespmem:v22+s16+$0x0] =	vst.idx.add.f32.msk $0xffff, v26  }
0x337: {  	[tilespmem:v23+s16+$0x0] =	vst.idx.add.f32.msk $0xffff, v27;
	v2 =	vadd.s32 $0x7548, v2;
	v46 =	vunpack.i.l.bf16.f32 v37  }
0x338: {  	v49 =	vshrl.u32 v36, $0x10;
	v5 =	vunpack.i.u.bf16.f32 v37;
	[tilespmem:v43+s16+$0x0] =	vst.idx.add.f32.msk $0xffff, v46  }
0x339: {  	[tilespmem:v3+s16+$0x0] =	vst.idx.add.f32.msk $0xffff, v5;
	v3 =	vunpack.i.l.bf16.f32 v1  }
0x33a: {  	[tilespmem:v44+s16+$0x0] =	vst.idx.add.f32.msk $0xffff, v3;
	v3 =	vand.u32 $0xFFFF, v45  }
0x33b: {  	v50 =	vadd.s32 $0x2718, v49;
	v23 =	vld [tilespmem:s22+$0xFFFFFF80];
	v1 =	vunpack.i.u.bf16.f32 v1  }
0x33c: {  	[tilespmem:v2+s16+$0x0] =	vst.idx.add.f32.msk $0xffff, v1;
	v1 =	vadd.s32 $0x2718, v41;
	v2 =	vunpack.i.l.bf16.f32 v47  }
0x33d: {  	[tilespmem:v49+s16+$0x0] =	vst.idx.add.f32.msk $0xffff, v2;
	v2 =	vshrl.u32 v42, $0x10  }
0x33e: {  	v34 =	vld [tilespmem:s22+$0xFFFFFF20];
	v52 =	vadd.s32 $0x2718, v2  }
0x33f: {  	v8 =	vunpack.i.u.bf16.f32 v47;
	v54 =	vld.idx.msk [tilespmem:v3+s3+$0x0], $0xffff  }
0x340: {  	v7 =	vshrl.u32 v45, $0x10;
	[tilespmem:v50+s16+$0x0] =	vst.idx.add.f32.msk $0xffff, v8  }
0x341: {  	v55 =	vunpack.i.l.bf16.f32 v51;
	v57 =	vadd.s32 $0x2718, v7;
	v1 =	vld.idx.msk [tilespmem:v1+s3+$0x0], $0xffff  }
0x342: {  	v6 =	vunpack.i.u.bf16.f32 v51;
	v3 =	vadd.s32 $0x2718, v3;
	[tilespmem:v2+s16+$0x0] =	vst.idx.add.f32.msk $0xffff, v55  }
0x343: {  	[tilespmem:v52+s16+$0x0] =	vst.idx.add.f32.msk $0xffff, v6  }
0x344: {  	v58 =	vadd.s32 $0x4E30, v49;
	v6 =	vld.idx.msk [tilespmem:v53+s3+$0x0], $0xffff;
	v59 =	vunpack.i.l.bf16.f32 v54  }
0x345: {  	v4 =	vadd.s32 $0x7548, v49;
	v60 =	vunpack.i.u.bf16.f32 v54;
	[tilespmem:v7+s16+$0x0] =	vst.idx.add.f32.msk $0xffff, v59  }
0x346: {  	v63 =	vadd.s32 $0x4E30, v2;
	[tilespmem:v57+s16+$0x0] =	vst.idx.add.f32.msk $0xffff, v60  }
0x347: {  	v2 =	vadd.s32 $0x7548, v2;
	v3 =	vld.idx.msk [tilespmem:v3+s3+$0x0], $0xffff  }
0x348: {  	v15 =	vadd.s32 $0x4E30, v7;
	v38 =	vld [tilespmem:s22+$0xFFFFFF30];
	v14 =	vunpack.i.l.bf16.f32 v1  }
0x349: {  	v36 =	vshrl.u32 v24, $0x10;
	v1 =	vunpack.i.u.bf16.f32 v1;
	[tilespmem:v58+s16+$0x0] =	vst.idx.add.f32.msk $0xffff, v14  }
0x34a: {  	v40 =	vand.u32 $0xFFFF, v34;
	[tilespmem:v4+s16+$0x0] =	vst.idx.add.f32.msk $0xffff, v1;
	v1 =	vunpack.i.l.bf16.f32 v6  }
0x34b: {  	v6 =	vunpack.i.u.bf16.f32 v6;
	[tilespmem:v63+s16+$0x0] =	vst.idx.add.f32.msk $0xffff, v1  }
0x34c: {  	v1 =	vshrl.u32 v56, $0x10;
	[tilespmem:v2+s16+$0x0] =	vst.idx.add.f32.msk $0xffff, v6;
	v2 =	vunpack.i.l.bf16.f32 v3  }
0x34d: {  	v39 =	vunpack.i.l.bf16.f32 v32;
	[tilespmem:v15+s16+$0x0] =	vst.idx.add.f32.msk $0xffff, v2;
	v2 =	vadd.s32 $0x2718, v1  }
0x34e: {  	v18 =	vadd.s32 $0x2718, v61;
	[tilespmem:v36+s16+$0x0] =	vst.idx.add.f32.msk $0xffff, v39  }
0x34f: {  	v44 =	vld.idx.msk [tilespmem:v40+s3+$0x0], $0xffff;
	v7 =	vadd.s32 $0x7548, v7  }
0x350: {  	v20 =	vunpack.i.l.bf16.f32 v16;
	v42 =	vand.u32 $0xFFFF, v38;
	v54 =	vld [tilespmem:s22+$0xFFFFFF50]  }
0x351: {  	v4 =	vunpack.i.u.bf16.f32 v16;
	[tilespmem:v1+s16+$0x0] =	vst.idx.add.f32.msk $0xffff, v20  }
0x352: {  	v53 =	vand.u32 $0xFFFF, v48;
	[tilespmem:v2+s16+$0x0] =	vst.idx.add.f32.msk $0xffff, v4  }
0x353: {  	v3 =	vunpack.i.u.bf16.f32 v3;
	v4 =	vld.idx.msk [tilespmem:v18+s3+$0x0], $0xffff  }
0x354: {  	[tilespmem:v7+s16+$0x0] =	vst.idx.add.f32.msk $0xffff, v3;
	v3 =	vadd.s32 $0x4E30, v1  }
0x355: {  	v47 =	vld.idx.msk [tilespmem:v42+s3+$0x0], $0xffff;
	v1 =	vadd.s32 $0x7548, v1  }
0x356: {  	v57 =	vld [tilespmem:s22+$0xFFFFFF60];
	v60 =	vand.u32 $0xFFFF, v54  }
0x357: {  	v59 =	vld.idx.msk [tilespmem:v53+s3+$0x0], $0xffff;
	v2 =	vadd.s32 $0x2718, v17  }
0x358: {  	v7 =	vadd.s32 $0x2718, v28;
	v28 =	vand.u32 $0xFFFF, v23;
	v17 =	vld [tilespmem:s22+$0xFFFFFF70];
	v29 =	vunpack.i.l.bf16.f32 v4  }
0x359: {  	v4 =	vunpack.i.u.bf16.f32 v4;
	[tilespmem:v3+s16+$0x0] =	vst.idx.add.f32.msk $0xffff, v29;
	v3 =	vshrl.u32 v19, $0x10  }
0x35a: {  	[tilespmem:v1+s16+$0x0] =	vst.idx.add.f32.msk $0xffff, v4;
	v1 =	vadd.s32 $0x2718, v3  }
0x35b: {  	v5 =	vadd.s32 $0x2718, v25;
	v63 =	vld.idx.msk [tilespmem:v60+s3+$0x0], $0xffff  }
0x35c: {  	v37 =	vadd.s32 $0x2718, v36;
	v2 =	vld.idx.msk [tilespmem:v2+s3+$0x0], $0xffff  }
0x35d: {  	v9 =	vadd.s32 $0x7548, v22;
	v35 =	vunpack.i.l.bf16.f32 v31;
	v4 =	vunpack.i.u.bf16.f32 v32;
	v32 =	vld.idx.msk [tilespmem:v28+s3+$0x0], $0xffff  }
0x35e: {  	v11 =	vunpack.i.u.bf16.f32 v31;
	v30 =	vadd.s32 $0x4E30, v22;
	v22 =	vand.u32 $0xFFFF, v17;
	[tilespmem:v3+s16+$0x0] =	vst.idx.add.f32.msk $0xffff, v35  }
0x35f: {  	[tilespmem:v1+s16+$0x0] =	vst.idx.add.f32.msk $0xffff, v11  }
0x360: {  	v1 =	vld.idx.msk [tilespmem:v5+s3+$0x0], $0xffff  }
0x361: {  	v41 =	vadd.s32 $0x4E30, v3;
	[tilespmem:v37+s16+$0x0] =	vst.idx.add.f32.msk $0xffff, v4  }
0x362: {  	v4 =	vld.idx.msk [tilespmem:v7+s3+$0x0], $0xffff;
	v3 =	vadd.s32 $0x7548, v3  }
0x363: {  	v33 =	vunpack.i.l.bf16.f32 v2;
	v27 =	vld.idx.msk [tilespmem:v22+s3+$0x0], $0xffff  }
0x364: {  	v2 =	vunpack.i.u.bf16.f32 v2;
	[tilespmem:v30+s16+$0x0] =	vst.idx.add.f32.msk $0xffff, v33  }
0x365: {  	[tilespmem:v9+s16+$0x0] =	vst.idx.add.f32.msk $0xffff, v2;
	v2 =	vadd.s32 $0x4E30, v36;
	v43 =	vunpack.i.l.bf16.f32 v1  }
0x366: {  	v45 =	vshrl.u32 v34, $0x10;
	v1 =	vunpack.i.u.bf16.f32 v1;
	[tilespmem:v41+s16+$0x0] =	vst.idx.add.f32.msk $0xffff, v43  }
0x367: {  	[tilespmem:v3+s16+$0x0] =	vst.idx.add.f32.msk $0xffff, v1;
	v1 =	vadd.s32 $0x2718, v45  }
0x368: {  	v30 =	vld [tilespmem:s22+$0xFFFFFF90];
	v33 =	vshrl.u32 v23, $0x10  }
0x369: {  	v46 =	vadd.s32 $0x2718, v40;
	v35 =	vld [tilespmem:s22+$0xFFFFFFA0];
	v3 =	vunpack.i.l.bf16.f32 v4  }
0x36a: {  	[tilespmem:v2+s16+$0x0] =	vst.idx.add.f32.msk $0xffff, v3;
	v2 =	vshrl.u32 v38, $0x10;
	v3 =	vunpack.i.l.bf16.f32 v44  }
0x36b: {  	v7 =	vunpack.i.u.bf16.f32 v44;
	[tilespmem:v45+s16+$0x0] =	vst.idx.add.f32.msk $0xffff, v3;
	v3 =	vadd.s32 $0x2718, v2  }
0x36c: {  	v37 =	vunpack.i.l.bf16.f32 v32;
	[tilespmem:v1+s16+$0x0] =	vst.idx.add.f32.msk $0xffff, v7;
	v1 =	vadd.s32 $0x2718, v42  }
0x36d: {  	[tilespmem:v33+s16+$0x0] =	vst.idx.add.f32.msk $0xffff, v37  }
0x36e: {  	v50 =	vunpack.i.l.bf16.f32 v47;
	v39 =	vand.u32 $0xFFFF, v35;
	v49 =	vld.idx.msk [tilespmem:v46+s3+$0x0], $0xffff  }
0x36f: {  	v51 =	vadd.s32 $0x7548, v36;
	v52 =	vunpack.i.u.bf16.f32 v47;
	[tilespmem:v2+s16+$0x0] =	vst.idx.add.f32.msk $0xffff, v50  }
0x370: {  	v55 =	vadd.s32 $0x4E30, v45;
	[tilespmem:v3+s16+$0x0] =	vst.idx.add.f32.msk $0xffff, v52  }
0x371: {  	v3 =	vadd.s32 $0x7548, v45;
	v1 =	vld.idx.msk [tilespmem:v1+s3+$0x0], $0xffff  }
0x372: {  	v37 =	vld [tilespmem:s22+$0x10];
	v56 =	vadd.s32 $0x4E30, v2  }
0x373: {  	v34 =	vadd.s32 $0x2718, v33;
	v4 =	vunpack.i.u.bf16.f32 v4;
	v43 =	vld.idx.msk [tilespmem:v39+s3+$0x0], $0xffff  }
0x374: {  	[tilespmem:v51+s16+$0x0] =	vst.idx.add.f32.msk $0xffff, v4;
	v2 =	vadd.s32 $0x7548, v2;
	v58 =	vunpack.i.l.bf16.f32 v49  }
0x375: {  	v61 =	vshrl.u32 v48, $0x10;
	v5 =	vunpack.i.u.bf16.f32 v49;
	[tilespmem:v55+s16+$0x0] =	vst.idx.add.f32.msk $0xffff, v58  }
0x376: {  	[tilespmem:v3+s16+$0x0] =	vst.idx.add.f32.msk $0xffff, v5;
	v3 =	vunpack.i.l.bf16.f32 v1  }
0x377: {  	v38 =	vunpack.i.u.bf16.f32 v32;
	[tilespmem:v56+s16+$0x0] =	vst.idx.add.f32.msk $0xffff, v3;
	v3 =	vand.u32 $0xFFFF, v57  }
0x378: {  	v62 =	vadd.s32 $0x2718, v61;
	[tilespmem:v34+s16+$0x0] =	vst.idx.add.f32.msk $0xffff, v38;
	v1 =	vunpack.i.u.bf16.f32 v1  }
0x379: {  	[tilespmem:v2+s16+$0x0] =	vst.idx.add.f32.msk $0xffff, v1;
	v1 =	vadd.s32 $0x2718, v53;
	v2 =	vunpack.i.l.bf16.f32 v59  }
0x37a: {  	[tilespmem:v61+s16+$0x0] =	vst.idx.add.f32.msk $0xffff, v2;
	v2 =	vshrl.u32 v54, $0x10  }
0x37b: {  	v45 =	vld [tilespmem:s22+$0xFFFFFFB0];
	v12 =	vadd.s32 $0x2718, v2  }
0x37c: {  	v14 =	vadd.s32 $0x2718, v60;
	v8 =	vunpack.i.u.bf16.f32 v59;
	v15 =	vld.idx.msk [tilespmem:v3+s3+$0x0], $0xffff  }
0x37d: {  	v7 =	vshrl.u32 v57, $0x10;
	[tilespmem:v62+s16+$0x0] =	vst.idx.add.f32.msk $0xffff, v8  }
0x37e: {  	v16 =	vunpack.i.l.bf16.f32 v63;
	v18 =	vadd.s32 $0x2718, v7;
	v1 =	vld.idx.msk [tilespmem:v1+s3+$0x0], $0xffff  }
0x37f: {  	v6 =	vunpack.i.u.bf16.f32 v63;
	v3 =	vadd.s32 $0x2718, v3;
	[tilespmem:v2+s16+$0x0] =	vst.idx.add.f32.msk $0xffff, v16  }
0x380: {  	[tilespmem:v12+s16+$0x0] =	vst.idx.add.f32.msk $0xffff, v6  }
0x381: {  	v19 =	vadd.s32 $0x4E30, v61;
	v6 =	vld.idx.msk [tilespmem:v14+s3+$0x0], $0xffff;
	v20 =	vunpack.i.l.bf16.f32 v15  }
0x382: {  	v4 =	vadd.s32 $0x7548, v61;
	v21 =	vunpack.i.u.bf16.f32 v15;
	[tilespmem:v7+s16+$0x0] =	vst.idx.add.f32.msk $0xffff, v20  }
0x383: {  	v24 =	vadd.s32 $0x4E30, v2;
	[tilespmem:v18+s16+$0x0] =	vst.idx.add.f32.msk $0xffff, v21  }
0x384: {  	v2 =	vadd.s32 $0x7548, v2;
	v3 =	vld.idx.msk [tilespmem:v3+s3+$0x0], $0xffff  }
0x385: {  	v26 =	vadd.s32 $0x4E30, v7;
	v49 =	vld [tilespmem:s22+$0xFFFFFFC0];
	v25 =	vunpack.i.l.bf16.f32 v1  }
0x386: {  	v1 =	vunpack.i.u.bf16.f32 v1;
	[tilespmem:v19+s16+$0x0] =	vst.idx.add.f32.msk $0xffff, v25  }
0x387: {  	v36 =	vand.u32 $0xFFFF, v30;
	[tilespmem:v4+s16+$0x0] =	vst.idx.add.f32.msk $0xffff, v1;
	v1 =	vunpack.i.l.bf16.f32 v6  }
0x388: {  	v47 =	vshrl.u32 v35, $0x10;
	v6 =	vunpack.i.u.bf16.f32 v6;
	[tilespmem:v24+s16+$0x0] =	vst.idx.add.f32.msk $0xffff, v1  }
0x389: {  	v1 =	vshrl.u32 v17, $0x10;
	[tilespmem:v2+s16+$0x0] =	vst.idx.add.f32.msk $0xffff, v6;
	v2 =	vunpack.i.l.bf16.f32 v3  }
0x38a: {  	[tilespmem:v26+s16+$0x0] =	vst.idx.add.f32.msk $0xffff, v2;
	v2 =	vadd.s32 $0x2718, v1  }
0x38b: {  	v29 =	vadd.s32 $0x2718, v22;
	v59 =	vld [tilespmem:s22+$0xFFFFFFD0]  }
0x38c: {  	v42 =	vld.idx.msk [tilespmem:v36+s3+$0x0], $0xffff;
	v50 =	vunpack.i.l.bf16.f32 v43;
	v7 =	vadd.s32 $0x7548, v7  }
0x38d: {  	v31 =	vunpack.i.l.bf16.f32 v27;
	[tilespmem:v47+s16+$0x0] =	vst.idx.add.f32.msk $0xffff, v50;
	v51 =	vand.u32 $0xFFFF, v45  }
0x38e: {  	v53 =	vand.u32 $0xFFFF, v49;
	v4 =	vunpack.i.u.bf16.f32 v27;
	[tilespmem:v1+s16+$0x0] =	vst.idx.add.f32.msk $0xffff, v31  }
0x38f: {  	[tilespmem:v2+s16+$0x0] =	vst.idx.add.f32.msk $0xffff, v4  }
0x390: {  	v16 =	vand.u32 $0xFFFF, v59;
	v3 =	vunpack.i.u.bf16.f32 v3;
	v4 =	vld.idx.msk [tilespmem:v29+s3+$0x0], $0xffff  }
0x391: {  	[tilespmem:v7+s16+$0x0] =	vst.idx.add.f32.msk $0xffff, v3;
	v3 =	vadd.s32 $0x4E30, v1  }
0x392: {  	v55 =	vld.idx.msk [tilespmem:v51+s3+$0x0], $0xffff;
	v1 =	vadd.s32 $0x7548, v1  }
0x393: {  	v58 =	vld.idx.msk [tilespmem:v53+s3+$0x0], $0xffff  }
0x394: {  	v20 =	vld [tilespmem:s22+$0xFFFFFFF0]  }
0x395: {  	v22 =	vld.idx.msk [tilespmem:v16+s3+$0x0], $0xffff;
	v2 =	vadd.s32 $0x2718, v28;
	v40 =	vunpack.i.l.bf16.f32 v4  }
0x396: {  	v4 =	vunpack.i.u.bf16.f32 v4;
	[tilespmem:v3+s16+$0x0] =	vst.idx.add.f32.msk $0xffff, v40;
	v3 =	vshrl.u32 v30, $0x10  }
0x397: {  	[tilespmem:v1+s16+$0x0] =	vst.idx.add.f32.msk $0xffff, v4;
	v1 =	vadd.s32 $0x2718, v3  }
0x398: {  	v5 =	vadd.s32 $0x2718, v36;
	v17 =	vld [tilespmem:s22+$0xFFFFFFE0]  }
0x399: {  	v31 =	vld [tilespmem:s22+$0x0]  }
0x39a: {  	v48 =	vadd.s32 $0x2718, v47;
	v46 =	vunpack.i.l.bf16.f32 v42;
	v2 =	vld.idx.msk [tilespmem:v2+s3+$0x0], $0xffff  }
0x39b: {  	v11 =	vunpack.i.u.bf16.f32 v42;
	v7 =	vadd.s32 $0x2718, v39;
	[tilespmem:v3+s16+$0x0] =	vst.idx.add.f32.msk $0xffff, v46  }
0x39c: {  	v41 =	vadd.s32 $0x4E30, v33;
	[tilespmem:v1+s16+$0x0] =	vst.idx.add.f32.msk $0xffff, v11  }
0x39d: {  	v9 =	vadd.s32 $0x7548, v33;
	v1 =	vld.idx.msk [tilespmem:v5+s3+$0x0], $0xffff  }
0x39e: {  	v24 =	vshrl.u32 v59, $0x10;
	v59 =	vld [tilespmem:s22+$0x40];
	v52 =	vadd.s32 $0x4E30, v3;
	v4 =	vunpack.i.u.bf16.f32 v43  }
0x39f: {  	[tilespmem:v48+s16+$0x0] =	vst.idx.add.f32.msk $0xffff, v4;
	v3 =	vadd.s32 $0x7548, v3  }
0x3a0: {  	v23 =	vand.u32 $0xFFFF, v17;
	v44 =	vunpack.i.l.bf16.f32 v2;
	v4 =	vld.idx.msk [tilespmem:v7+s3+$0x0], $0xffff  }
0x3a1: {  	v36 =	vand.u32 $0xFFFF, v31;
	v2 =	vunpack.i.u.bf16.f32 v2;
	[tilespmem:v41+s16+$0x0] =	vst.idx.add.f32.msk $0xffff, v44  }
0x3a2: {  	[tilespmem:v9+s16+$0x0] =	vst.idx.add.f32.msk $0xffff, v2;
	v2 =	vadd.s32 $0x4E30, v47;
	v54 =	vunpack.i.l.bf16.f32 v1  }
0x3a3: {  	v56 =	vshrl.u32 v45, $0x10;
	v1 =	vunpack.i.u.bf16.f32 v1;
	[tilespmem:v52+s16+$0x0] =	vst.idx.add.f32.msk $0xffff, v54  }
0x3a4: {  	[tilespmem:v3+s16+$0x0] =	vst.idx.add.f32.msk $0xffff, v1;
	v1 =	vadd.s32 $0x2718, v56  }
0x3a5: {  	v42 =	vand.u32 $0xFFFF, v37;
	v26 =	vld.idx.msk [tilespmem:v23+s3+$0x0], $0xffff  }
0x3a6: {  	v57 =	vadd.s32 $0x2718, v51;
	v41 =	vld.idx.msk [tilespmem:v36+s3+$0x0], $0xffff;
	v3 =	vunpack.i.l.bf16.f32 v4  }
0x3a7: {  	[tilespmem:v2+s16+$0x0] =	vst.idx.add.f32.msk $0xffff, v3;
	v2 =	vshrl.u32 v49, $0x10;
	v3 =	vunpack.i.l.bf16.f32 v55  }
0x3a8: {  	v7 =	vunpack.i.u.bf16.f32 v55;
	[tilespmem:v56+s16+$0x0] =	vst.idx.add.f32.msk $0xffff, v3;
	v3 =	vadd.s32 $0x2718, v2  }
0x3a9: {  	[tilespmem:v1+s16+$0x0] =	vst.idx.add.f32.msk $0xffff, v7;
	v1 =	vadd.s32 $0x2718, v53  }
0x3aa: {  	v46 =	vld.idx.msk [tilespmem:v42+s3+$0x0], $0xffff  }
0x3ab: {  	v62 =	vadd.s32 $0x7548, v47;
	v61 =	vunpack.i.l.bf16.f32 v58;
	v47 =	vshrl.u32 v37, $0x10;
	v60 =	vld.idx.msk [tilespmem:v57+s3+$0x0], $0xffff  }
0x3ac: {  	v63 =	vunpack.i.u.bf16.f32 v58;
	[tilespmem:v2+s16+$0x0] =	vst.idx.add.f32.msk $0xffff, v61  }
0x3ad: {  	v18 =	vadd.s32 $0x4E30, v56;
	[tilespmem:v3+s16+$0x0] =	vst.idx.add.f32.msk $0xffff, v63  }
0x3ae: {  	v3 =	vadd.s32 $0x7548, v56;
	v1 =	vld.idx.msk [tilespmem:v1+s3+$0x0], $0xffff  }
0x3af: {  	v44 =	vld [tilespmem:s22+$0x20];
	v51 =	vunpack.i.l.bf16.f32 v46;
	v19 =	vadd.s32 $0x4E30, v2  }
0x3b0: {  	[tilespmem:v47+s16+$0x0] =	vst.idx.add.f32.msk $0xffff, v51  }
0x3b1: {  	v51 =	vld [tilespmem:s22+$0xA0];
	v2 =	vadd.s32 $0x7548, v2;
	v21 =	vunpack.i.l.bf16.f32 v60  }
0x3b2: {  	v5 =	vunpack.i.u.bf16.f32 v60;
	[tilespmem:v18+s16+$0x0] =	vst.idx.add.f32.msk $0xffff, v21  }
0x3b3: {  	[tilespmem:v3+s16+$0x0] =	vst.idx.add.f32.msk $0xffff, v5;
	v3 =	vunpack.i.l.bf16.f32 v1  }
0x3b4: {  	[tilespmem:v19+s16+$0x0] =	vst.idx.add.f32.msk $0xffff, v3;
	v3 =	vand.u32 $0xFFFF, v20  }
0x3b5: {  	v25 =	vadd.s32 $0x2718, v24;
	v49 =	vld [tilespmem:s22+$0x30];
	v1 =	vunpack.i.u.bf16.f32 v1  }
0x3b6: {  	[tilespmem:v2+s16+$0x0] =	vst.idx.add.f32.msk $0xffff, v1;
	v1 =	vadd.s32 $0x2718, v16;
	v2 =	vunpack.i.l.bf16.f32 v22  }
0x3b7: {  	v4 =	vunpack.i.u.bf16.f32 v4;
	[tilespmem:v24+s16+$0x0] =	vst.idx.add.f32.msk $0xffff, v2;
	v2 =	vshrl.u32 v17, $0x10  }
0x3b8: {  	[tilespmem:v62+s16+$0x0] =	vst.idx.add.f32.msk $0xffff, v4;
	v27 =	vadd.s32 $0x2718, v2  }
0x3b9: {  	v8 =	vunpack.i.u.bf16.f32 v22;
	v28 =	vadd.s32 $0x2718, v23;
	v29 =	vld.idx.msk [tilespmem:v3+s3+$0x0], $0xffff  }
0x3ba: {  	v7 =	vshrl.u32 v20, $0x10;
	[tilespmem:v25+s16+$0x0] =	vst.idx.add.f32.msk $0xffff, v8  }
0x3bb: {  	v30 =	vunpack.i.l.bf16.f32 v26;
	v32 =	vadd.s32 $0x2718, v7;
	v1 =	vld.idx.msk [tilespmem:v1+s3+$0x0], $0xffff  }
0x3bc: {  	v6 =	vunpack.i.u.bf16.f32 v26;
	v3 =	vadd.s32 $0x2718, v3;
	[tilespmem:v2+s16+$0x0] =	vst.idx.add.f32.msk $0xffff, v30  }
0x3bd: {  	[tilespmem:v27+s16+$0x0] =	vst.idx.add.f32.msk $0xffff, v6  }
0x3be: {  	v33 =	vadd.s32 $0x4E30, v24;
	v6 =	vld.idx.msk [tilespmem:v28+s3+$0x0], $0xffff;
	v34 =	vunpack.i.l.bf16.f32 v29  }
0x3bf: {  	v4 =	vadd.s32 $0x7548, v24;
	v35 =	vunpack.i.u.bf16.f32 v29;
	[tilespmem:v7+s16+$0x0] =	vst.idx.add.f32.msk $0xffff, v34  }
0x3c0: {  	v38 =	vadd.s32 $0x4E30, v2;
	[tilespmem:v32+s16+$0x0] =	vst.idx.add.f32.msk $0xffff, v35  }
0x3c1: {  	v2 =	vadd.s32 $0x7548, v2;
	v3 =	vld.idx.msk [tilespmem:v3+s3+$0x0], $0xffff  }
0x3c2: {  	v40 =	vadd.s32 $0x4E30, v7;
	v63 =	vld [tilespmem:s22+$0x50];
	v39 =	vunpack.i.l.bf16.f32 v1  }
0x3c3: {  	v48 =	vadd.s32 $0x2718, v47;
	v1 =	vunpack.i.u.bf16.f32 v1;
	[tilespmem:v33+s16+$0x0] =	vst.idx.add.f32.msk $0xffff, v39  }
0x3c4: {  	v53 =	vand.u32 $0xFFFF, v49;
	[tilespmem:v4+s16+$0x0] =	vst.idx.add.f32.msk $0xffff, v1;
	v1 =	vunpack.i.l.bf16.f32 v6  }
0x3c5: {  	v50 =	vand.u32 $0xFFFF, v44;
	v6 =	vunpack.i.u.bf16.f32 v6;
	[tilespmem:v38+s16+$0x0] =	vst.idx.add.f32.msk $0xffff, v1  }
0x3c6: {  	v1 =	vshrl.u32 v31, $0x10;
	[tilespmem:v2+s16+$0x0] =	vst.idx.add.f32.msk $0xffff, v6;
	v2 =	vunpack.i.l.bf16.f32 v3  }
0x3c7: {  	v52 =	vunpack.i.u.bf16.f32 v46;
	[tilespmem:v40+s16+$0x0] =	vst.idx.add.f32.msk $0xffff, v2;
	v2 =	vadd.s32 $0x2718, v1  }
0x3c8: {  	v43 =	vadd.s32 $0x2718, v36;
	[tilespmem:v48+s16+$0x0] =	vst.idx.add.f32.msk $0xffff, v52  }
0x3c9: {  	v57 =	vld.idx.msk [tilespmem:v53+s3+$0x0], $0xffff;
	v7 =	vadd.s32 $0x7548, v7  }
0x3ca: {  	v45 =	vunpack.i.l.bf16.f32 v41;
	v61 =	vshrl.u32 v49, $0x10;
	v56 =	vld.idx.msk [tilespmem:v50+s3+$0x0], $0xffff  }
0x3cb: {  	v19 =	vand.u32 $0xFFFF, v63;
	v4 =	vunpack.i.u.bf16.f32 v41;
	[tilespmem:v1+s16+$0x0] =	vst.idx.add.f32.msk $0xffff, v45  }
0x3cc: {  	[tilespmem:v2+s16+$0x0] =	vst.idx.add.f32.msk $0xffff, v4  }
0x3cd: {  	v17 =	vand.u32 $0xFFFF, v59;
	v3 =	vunpack.i.u.bf16.f32 v3;
	v4 =	vld.idx.msk [tilespmem:v43+s3+$0x0], $0xffff  }
0x3ce: {  	v16 =	vunpack.i.l.bf16.f32 v57;
	[tilespmem:v7+s16+$0x0] =	vst.idx.add.f32.msk $0xffff, v3;
	v3 =	vadd.s32 $0x4E30, v1  }
0x3cf: {  	[tilespmem:v61+s16+$0x0] =	vst.idx.add.f32.msk $0xffff, v16;
	v1 =	vadd.s32 $0x7548, v1  }
0x3d0: {  	v24 =	vld.idx.msk [tilespmem:v19+s3+$0x0], $0xffff  }
0x3d1: {  	v25 =	vld [tilespmem:s22+$0x60]  }
0x3d2: {  	v21 =	vld.idx.msk [tilespmem:v17+s3+$0x0], $0xffff;
	v2 =	vadd.s32 $0x2718, v42;
	v54 =	vunpack.i.l.bf16.f32 v4  }
0x3d3: {  	v4 =	vunpack.i.u.bf16.f32 v4;
	[tilespmem:v3+s16+$0x0] =	vst.idx.add.f32.msk $0xffff, v54;
	v3 =	vshrl.u32 v44, $0x10  }
0x3d4: {  	[tilespmem:v1+s16+$0x0] =	vst.idx.add.f32.msk $0xffff, v4;
	v1 =	vadd.s32 $0x2718, v3  }
0x3d5: {  	v5 =	vadd.s32 $0x2718, v50;
	v27 =	vunpack.i.l.bf16.f32 v24;
	v29 =	vunpack.i.u.bf16.f32 v24;
	v24 =	vld [tilespmem:s22+$0xD0]  }
0x3d6: {  	v34 =	vld [tilespmem:s22+$0x80]  }
0x3d7: {  	v62 =	vadd.s32 $0x2718, v61;
	v60 =	vunpack.i.l.bf16.f32 v56;
	v2 =	vld.idx.msk [tilespmem:v2+s3+$0x0], $0xffff  }
0x3d8: {  	v11 =	vunpack.i.u.bf16.f32 v56;
	v7 =	vadd.s32 $0x2718, v53;
	[tilespmem:v3+s16+$0x0] =	vst.idx.add.f32.msk $0xffff, v60  }
0x3d9: {  	v55 =	vadd.s32 $0x4E30, v47;
	[tilespmem:v1+s16+$0x0] =	vst.idx.add.f32.msk $0xffff, v11  }
0x3da: {  	v9 =	vadd.s32 $0x7548, v47;
	v1 =	vld.idx.msk [tilespmem:v5+s3+$0x0], $0xffff  }
0x3db: {  	v31 =	vld [tilespmem:s22+$0x70];
	v18 =	vadd.s32 $0x4E30, v3;
	v4 =	vunpack.i.u.bf16.f32 v57  }
0x3dc: {  	[tilespmem:v62+s16+$0x0] =	vst.idx.add.f32.msk $0xffff, v4;
	v3 =	vadd.s32 $0x7548, v3  }
0x3dd: {  	v58 =	vunpack.i.l.bf16.f32 v2;
	v4 =	vld.idx.msk [tilespmem:v7+s3+$0x0], $0xffff  }
0x3de: {  	v30 =	vand.u32 $0xFFFF, v25;
	v2 =	vunpack.i.u.bf16.f32 v2;
	[tilespmem:v55+s16+$0x0] =	vst.idx.add.f32.msk $0xffff, v58  }
0x3df: {  	[tilespmem:v9+s16+$0x0] =	vst.idx.add.f32.msk $0xffff, v2;
	v2 =	vadd.s32 $0x4E30, v61;
	v20 =	vunpack.i.l.bf16.f32 v1  }
0x3e0: {  	v22 =	vshrl.u32 v59, $0x10;
	v1 =	vunpack.i.u.bf16.f32 v1;
	[tilespmem:v18+s16+$0x0] =	vst.idx.add.f32.msk $0xffff, v20  }
0x3e1: {  	[tilespmem:v3+s16+$0x0] =	vst.idx.add.f32.msk $0xffff, v1;
	v1 =	vadd.s32 $0x2718, v22  }
0x3e2: {  	v37 =	vand.u32 $0xFFFF, v31;
	v45 =	vld [tilespmem:s22+$0x90]  }
0x3e3: {  	v23 =	vadd.s32 $0x2718, v17;
	v36 =	vld.idx.msk [tilespmem:v30+s3+$0x0], $0xffff;
	v3 =	vunpack.i.l.bf16.f32 v4  }
0x3e4: {  	[tilespmem:v2+s16+$0x0] =	vst.idx.add.f32.msk $0xffff, v3;
	v2 =	vshrl.u32 v63, $0x10;
	v3 =	vunpack.i.l.bf16.f32 v21  }
0x3e5: {  	v7 =	vunpack.i.u.bf16.f32 v21;
	[tilespmem:v22+s16+$0x0] =	vst.idx.add.f32.msk $0xffff, v3;
	v3 =	vadd.s32 $0x2718, v2  }
0x3e6: {  	[tilespmem:v1+s16+$0x0] =	vst.idx.add.f32.msk $0xffff, v7;
	v1 =	vadd.s32 $0x2718, v19  }
0x3e7: {  	v40 =	vld.idx.msk [tilespmem:v37+s3+$0x0], $0xffff;
	v50 =	vand.u32 $0xFFFF, v45  }
0x3e8: {  	v26 =	vld.idx.msk [tilespmem:v23+s3+$0x0], $0xffff  }
0x3e9: {  	v56 =	vand.u32 $0xFFFF, v51;
	[tilespmem:v2+s16+$0x0] =	vst.idx.add.f32.msk $0xffff, v27  }
0x3ea: {  	v32 =	vadd.s32 $0x4E30, v22;
	[tilespmem:v3+s16+$0x0] =	vst.idx.add.f32.msk $0xffff, v29  }
0x3eb: {  	v3 =	vadd.s32 $0x7548, v22;
	v1 =	vld.idx.msk [tilespmem:v1+s3+$0x0], $0xffff  }
0x3ec: {  	v55 =	vld.idx.msk [tilespmem:v50+s3+$0x0], $0xffff;
	v33 =	vadd.s32 $0x4E30, v2  }
0x3ed: {  	v58 =	vld [tilespmem:s22+$0xB0]  }
0x3ee: {  	v60 =	vld.idx.msk [tilespmem:v56+s3+$0x0], $0xffff;
	v2 =	vadd.s32 $0x7548, v2;
	v35 =	vunpack.i.l.bf16.f32 v26  }
0x3ef: {  	v38 =	vshrl.u32 v25, $0x10;
	v5 =	vunpack.i.u.bf16.f32 v26;
	[tilespmem:v32+s16+$0x0] =	vst.idx.add.f32.msk $0xffff, v35  }
0x3f0: {  	v28 =	vadd.s32 $0x7548, v61;
	[tilespmem:v3+s16+$0x0] =	vst.idx.add.f32.msk $0xffff, v5;
	v3 =	vunpack.i.l.bf16.f32 v1  }
0x3f1: {  	[tilespmem:v33+s16+$0x0] =	vst.idx.add.f32.msk $0xffff, v3;
	v3 =	vand.u32 $0xFFFF, v34  }
0x3f2: {  	v39 =	vadd.s32 $0x2718, v38;
	v63 =	vld [tilespmem:s22+$0xC0];
	v1 =	vunpack.i.u.bf16.f32 v1  }
0x3f3: {  	[tilespmem:v2+s16+$0x0] =	vst.idx.add.f32.msk $0xffff, v1;
	v1 =	vadd.s32 $0x2718, v30;
	v2 =	vunpack.i.l.bf16.f32 v36  }
0x3f4: {  	v4 =	vunpack.i.u.bf16.f32 v4;
	[tilespmem:v38+s16+$0x0] =	vst.idx.add.f32.msk $0xffff, v2;
	v2 =	vshrl.u32 v31, $0x10  }
0x3f5: {  	[tilespmem:v28+s16+$0x0] =	vst.idx.add.f32.msk $0xffff, v4;
	v41 =	vadd.s32 $0x2718, v2  }
0x3f6: {  	v8 =	vunpack.i.u.bf16.f32 v36;
	v42 =	vadd.s32 $0x2718, v37;
	v43 =	vld.idx.msk [tilespmem:v3+s3+$0x0], $0xffff  }
0x3f7: {  	v7 =	vshrl.u32 v34, $0x10;
	[tilespmem:v39+s16+$0x0] =	vst.idx.add.f32.msk $0xffff, v8  }
0x3f8: {  	v44 =	vunpack.i.l.bf16.f32 v40;
	v46 =	vadd.s32 $0x2718, v7;
	v1 =	vld.idx.msk [tilespmem:v1+s3+$0x0], $0xffff  }
0x3f9: {  	v6 =	vunpack.i.u.bf16.f32 v40;
	v3 =	vadd.s32 $0x2718, v3;
	[tilespmem:v2+s16+$0x0] =	vst.idx.add.f32.msk $0xffff, v44  }
0x3fa: {  	v61 =	vshrl.u32 v51, $0x10;
	[tilespmem:v41+s16+$0x0] =	vst.idx.add.f32.msk $0xffff, v6  }
0x3fb: {  	v47 =	vadd.s32 $0x4E30, v38;
	v6 =	vld.idx.msk [tilespmem:v42+s3+$0x0], $0xffff;
	v48 =	vunpack.i.l.bf16.f32 v43  }
0x3fc: {  	v4 =	vadd.s32 $0x7548, v38;
	v49 =	vunpack.i.u.bf16.f32 v43;
	[tilespmem:v7+s16+$0x0] =	vst.idx.add.f32.msk $0xffff, v48  }
0x3fd: {  	v52 =	vadd.s32 $0x4E30, v2;
	[tilespmem:v46+s16+$0x0] =	vst.idx.add.f32.msk $0xffff, v49  }
0x3fe: {  	v16 =	vunpack.i.l.bf16.f32 v60;
	v2 =	vadd.s32 $0x7548, v2;
	v3 =	vld.idx.msk [tilespmem:v3+s3+$0x0], $0xffff  }
0x3ff: {  	[tilespmem:v61+s16+$0x0] =	vst.idx.add.f32.msk $0xffff, v16;
	v54 =	vadd.s32 $0x4E30, v7;
	v53 =	vunpack.i.l.bf16.f32 v1  }
0x400: {  	v1 =	vunpack.i.u.bf16.f32 v1;
	[tilespmem:v47+s16+$0x0] =	vst.idx.add.f32.msk $0xffff, v53  }
0x401: {  	[tilespmem:v4+s16+$0x0] =	vst.idx.add.f32.msk $0xffff, v1;
	v1 =	vunpack.i.l.bf16.f32 v6  }
0x402: {  	v18 =	vand.u32 $0xFFFF, v63;
	v6 =	vunpack.i.u.bf16.f32 v6;
	[tilespmem:v52+s16+$0x0] =	vst.idx.add.f32.msk $0xffff, v1  }
0x403: {  	v1 =	vshrl.u32 v45, $0x10;
	[tilespmem:v2+s16+$0x0] =	vst.idx.add.f32.msk $0xffff, v6;
	v2 =	vunpack.i.l.bf16.f32 v3  }
0x404: {  	[tilespmem:v54+s16+$0x0] =	vst.idx.add.f32.msk $0xffff, v2;
	v2 =	vadd.s32 $0x2718, v1  }
0x405: {  	v57 =	vadd.s32 $0x2718, v50;
	v28 =	vld [tilespmem:s22+$0xE0]  }
0x406: {  	v16 =	vld [tilespmem:s22+$0x130];
	v7 =	vadd.s32 $0x7548, v7  }
0x407: {  	v62 =	vadd.s32 $0x2718, v61;
	v59 =	vunpack.i.l.bf16.f32 v55;
	v22 =	vld.idx.msk [tilespmem:v18+s3+$0x0], $0xffff  }
0x408: {  	v15 =	vand.u32 $0xFFFF, v58;
	v4 =	vunpack.i.u.bf16.f32 v55;
	[tilespmem:v1+s16+$0x0] =	vst.idx.add.f32.msk $0xffff, v59  }
0x409: {  	v26 =	vshrl.u32 v63, $0x10;
	[tilespmem:v2+s16+$0x0] =	vst.idx.add.f32.msk $0xffff, v4  }
0x40a: {  	v32 =	vand.u32 $0xFFFF, v28;
	v3 =	vunpack.i.u.bf16.f32 v3;
	v4 =	vld.idx.msk [tilespmem:v57+s3+$0x0], $0xffff  }
0x40b: {  	v17 =	vunpack.i.u.bf16.f32 v60;
	[tilespmem:v7+s16+$0x0] =	vst.idx.add.f32.msk $0xffff, v3;
	v3 =	vadd.s32 $0x4E30, v1  }
0x40c: {  	[tilespmem:v62+s16+$0x0] =	vst.idx.add.f32.msk $0xffff, v17;
	v1 =	vadd.s32 $0x7548, v1  }
0x40d: {  	v21 =	vld.idx.msk [tilespmem:v15+s3+$0x0], $0xffff;
	v29 =	vunpack.i.l.bf16.f32 v22  }
0x40e: {  	v30 =	vand.u32 $0xFFFF, v24;
	[tilespmem:v26+s16+$0x0] =	vst.idx.add.f32.msk $0xffff, v29  }
0x40f: {  	v37 =	vld.idx.msk [tilespmem:v32+s3+$0x0], $0xffff;
	v2 =	vadd.s32 $0x2718, v56;
	v19 =	vunpack.i.l.bf16.f32 v4  }
0x410: {  	v4 =	vunpack.i.u.bf16.f32 v4;
	[tilespmem:v3+s16+$0x0] =	vst.idx.add.f32.msk $0xffff, v19;
	v3 =	vshrl.u32 v58, $0x10  }
0x411: {  	[tilespmem:v1+s16+$0x0] =	vst.idx.add.f32.msk $0xffff, v4;
	v1 =	vadd.s32 $0x2718, v3  }
0x412: {  	v5 =	vadd.s32 $0x2718, v15;
	v38 =	vld [tilespmem:s22+$0xF0]  }
0x413: {  	v34 =	vld.idx.msk [tilespmem:v30+s3+$0x0], $0xffff  }
0x414: {  	v25 =	vunpack.i.l.bf16.f32 v21;
	v27 =	vadd.s32 $0x2718, v26;
	v2 =	vld.idx.msk [tilespmem:v2+s3+$0x0], $0xffff  }
0x415: {  	v11 =	vunpack.i.u.bf16.f32 v21;
	v7 =	vadd.s32 $0x2718, v18;
	[tilespmem:v3+s16+$0x0] =	vst.idx.add.f32.msk $0xffff, v25  }
0x416: {  	v20 =	vadd.s32 $0x4E30, v61;
	[tilespmem:v1+s16+$0x0] =	vst.idx.add.f32.msk $0xffff, v11  }
0x417: {  	v9 =	vadd.s32 $0x7548, v61;
	v1 =	vld.idx.msk [tilespmem:v5+s3+$0x0], $0xffff  }
0x418: {  	v44 =	vld [tilespmem:s22+$0x100];
	v31 =	vadd.s32 $0x4E30, v3;
	v4 =	vunpack.i.u.bf16.f32 v22  }
0x419: {  	[tilespmem:v27+s16+$0x0] =	vst.idx.add.f32.msk $0xffff, v4;
	v3 =	vadd.s32 $0x7548, v3  }
0x41a: {  	v23 =	vunpack.i.l.bf16.f32 v2;
	v4 =	vld.idx.msk [tilespmem:v7+s3+$0x0], $0xffff  }
0x41b: {  	v43 =	vand.u32 $0xFFFF, v38;
	v2 =	vunpack.i.u.bf16.f32 v2;
	[tilespmem:v20+s16+$0x0] =	vst.idx.add.f32.msk $0xffff, v23  }
0x41c: {  	[tilespmem:v9+s16+$0x0] =	vst.idx.add.f32.msk $0xffff, v2;
	v2 =	vadd.s32 $0x4E30, v26;
	v33 =	vunpack.i.l.bf16.f32 v1  }
0x41d: {  	v35 =	vshrl.u32 v24, $0x10;
	v1 =	vunpack.i.u.bf16.f32 v1;
	[tilespmem:v31+s16+$0x0] =	vst.idx.add.f32.msk $0xffff, v33  }
0x41e: {  	[tilespmem:v3+s16+$0x0] =	vst.idx.add.f32.msk $0xffff, v1;
	v1 =	vadd.s32 $0x2718, v35  }
0x41f: {  	v47 =	vld [tilespmem:s22+$0x110]  }
0x420: {  	v36 =	vadd.s32 $0x2718, v30;
	v49 =	vld.idx.msk [tilespmem:v43+s3+$0x0], $0xffff;
	v3 =	vunpack.i.l.bf16.f32 v4  }
0x421: {  	[tilespmem:v2+s16+$0x0] =	vst.idx.add.f32.msk $0xffff, v3;
	v2 =	vshrl.u32 v28, $0x10;
	v3 =	vunpack.i.l.bf16.f32 v34  }
0x422: {  	v7 =	vunpack.i.u.bf16.f32 v34;
	[tilespmem:v35+s16+$0x0] =	vst.idx.add.f32.msk $0xffff, v3;
	v3 =	vadd.s32 $0x2718, v2  }
0x423: {  	[tilespmem:v1+s16+$0x0] =	vst.idx.add.f32.msk $0xffff, v7;
	v1 =	vadd.s32 $0x2718, v32  }
0x424: {  	v50 =	vand.u32 $0xFFFF, v44;
	v58 =	vld [tilespmem:s22+$0x120]  }
0x425: {  	v40 =	vunpack.i.l.bf16.f32 v37;
	v39 =	vld.idx.msk [tilespmem:v36+s3+$0x0], $0xffff  }
0x426: {  	v21 =	vand.u32 $0xFFFF, v16;
	v42 =	vunpack.i.u.bf16.f32 v37;
	[tilespmem:v2+s16+$0x0] =	vst.idx.add.f32.msk $0xffff, v40  }
0x427: {  	v45 =	vadd.s32 $0x4E30, v35;
	[tilespmem:v3+s16+$0x0] =	vst.idx.add.f32.msk $0xffff, v42  }
0x428: {  	v3 =	vadd.s32 $0x7548, v35;
	v1 =	vld.idx.msk [tilespmem:v1+s3+$0x0], $0xffff  }
0x429: {  	v53 =	vld.idx.msk [tilespmem:v50+s3+$0x0], $0xffff;
	v46 =	vadd.s32 $0x4E30, v2  }
0x42a: {  	v23 =	vld [tilespmem:s22+$0x140];
	v63 =	vand.u32 $0xFFFF, v58  }
0x42b: {  	v25 =	vld.idx.msk [tilespmem:v21+s3+$0x0], $0xffff;
	v2 =	vadd.s32 $0x7548, v2;
	v48 =	vunpack.i.l.bf16.f32 v39  }
0x42c: {  	v51 =	vshrl.u32 v38, $0x10;
	v5 =	vunpack.i.u.bf16.f32 v39;
	[tilespmem:v45+s16+$0x0] =	vst.idx.add.f32.msk $0xffff, v48  }
0x42d: {  	v41 =	vadd.s32 $0x7548, v26;
	[tilespmem:v3+s16+$0x0] =	vst.idx.add.f32.msk $0xffff, v5;
	v3 =	vunpack.i.l.bf16.f32 v1  }
0x42e: {  	[tilespmem:v46+s16+$0x0] =	vst.idx.add.f32.msk $0xffff, v3;
	v3 =	vand.u32 $0xFFFF, v47  }
0x42f: {  	v52 =	vadd.s32 $0x2718, v51;
	v20 =	vld.idx.msk [tilespmem:v63+s3+$0x0], $0xffff;
	v1 =	vunpack.i.u.bf16.f32 v1  }
0x430: {  	[tilespmem:v2+s16+$0x0] =	vst.idx.add.f32.msk $0xffff, v1;
	v1 =	vadd.s32 $0x2718, v43;
	v2 =	vunpack.i.l.bf16.f32 v49  }
0x431: {  	v4 =	vunpack.i.u.bf16.f32 v4;
	[tilespmem:v51+s16+$0x0] =	vst.idx.add.f32.msk $0xffff, v2;
	v2 =	vshrl.u32 v44, $0x10  }
0x432: {  	[tilespmem:v41+s16+$0x0] =	vst.idx.add.f32.msk $0xffff, v4;
	v54 =	vadd.s32 $0x2718, v2  }
0x433: {  	v55 =	vadd.s32 $0x2718, v50;
	v8 =	vunpack.i.u.bf16.f32 v49;
	v56 =	vld.idx.msk [tilespmem:v3+s3+$0x0], $0xffff  }
0x434: {  	v7 =	vshrl.u32 v47, $0x10;
	[tilespmem:v52+s16+$0x0] =	vst.idx.add.f32.msk $0xffff, v8  }
0x435: {  	v57 =	vunpack.i.l.bf16.f32 v53;
	v59 =	vadd.s32 $0x2718, v7;
	v1 =	vld.idx.msk [tilespmem:v1+s3+$0x0], $0xffff  }
0x436: {  	v6 =	vunpack.i.u.bf16.f32 v53;
	v3 =	vadd.s32 $0x2718, v3;
	[tilespmem:v2+s16+$0x0] =	vst.idx.add.f32.msk $0xffff, v57  }
0x437: {  	[tilespmem:v54+s16+$0x0] =	vst.idx.add.f32.msk $0xffff, v6  }
0x438: {  	v60 =	vadd.s32 $0x4E30, v51;
	v6 =	vld.idx.msk [tilespmem:v55+s3+$0x0], $0xffff;
	v61 =	vunpack.i.l.bf16.f32 v56  }
0x439: {  	v4 =	vadd.s32 $0x7548, v51;
	v62 =	vunpack.i.u.bf16.f32 v56;
	[tilespmem:v7+s16+$0x0] =	vst.idx.add.f32.msk $0xffff, v61  }
0x43a: {  	v17 =	vadd.s32 $0x4E30, v2;
	[tilespmem:v59+s16+$0x0] =	vst.idx.add.f32.msk $0xffff, v62  }
0x43b: {  	v2 =	vadd.s32 $0x7548, v2;
	v3 =	vld.idx.msk [tilespmem:v3+s3+$0x0], $0xffff  }
0x43c: {  	v28 =	vld [tilespmem:s22+$0x150];
	v19 =	vadd.s32 $0x4E30, v7;
	v18 =	vunpack.i.l.bf16.f32 v1  }
0x43d: {  	v1 =	vunpack.i.u.bf16.f32 v1;
	[tilespmem:v60+s16+$0x0] =	vst.idx.add.f32.msk $0xffff, v18  }
0x43e: {  	[tilespmem:v4+s16+$0x0] =	vst.idx.add.f32.msk $0xffff, v1;
	v1 =	vunpack.i.l.bf16.f32 v6  }
0x43f: {  	v26 =	vshrl.u32 v16, $0x10;
	v6 =	vunpack.i.u.bf16.f32 v6;
	[tilespmem:v17+s16+$0x0] =	vst.idx.add.f32.msk $0xffff, v1  }
0x440: {  	v1 =	vshrl.u32 v58, $0x10;
	[tilespmem:v2+s16+$0x0] =	vst.idx.add.f32.msk $0xffff, v6;
	v2 =	vunpack.i.l.bf16.f32 v3  }
0x441: {  	[tilespmem:v19+s16+$0x0] =	vst.idx.add.f32.msk $0xffff, v2;
	v2 =	vadd.s32 $0x2718, v1  }
0x442: {  	v22 =	vadd.s32 $0x2718, v63  }
0x443: {  	v38 =	vld [tilespmem:s22+$0x160];
	v30 =	vunpack.i.l.bf16.f32 v25;
	v7 =	vadd.s32 $0x7548, v7  }
0x444: {  	[tilespmem:v26+s16+$0x0] =	vst.idx.add.f32.msk $0xffff, v30;
	v24 =	vunpack.i.l.bf16.f32 v20;
	v32 =	vand.u32 $0xFFFF, v28  }
0x445: {  	v27 =	vadd.s32 $0x2718, v26;
	v4 =	vunpack.i.u.bf16.f32 v20;
	[tilespmem:v1+s16+$0x0] =	vst.idx.add.f32.msk $0xffff, v24  }
0x446: {  	v29 =	vand.u32 $0xFFFF, v23;
	[tilespmem:v2+s16+$0x0] =	vst.idx.add.f32.msk $0xffff, v4  }
0x447: {  	v3 =	vunpack.i.u.bf16.f32 v3;
	v4 =	vld.idx.msk [tilespmem:v22+s3+$0x0], $0xffff  }
0x448: {  	[tilespmem:v7+s16+$0x0] =	vst.idx.add.f32.msk $0xffff, v3;
	v3 =	vadd.s32 $0x4E30, v1  }
0x449: {  	v31 =	vunpack.i.u.bf16.f32 v25;
	v36 =	vld.idx.msk [tilespmem:v32+s3+$0x0], $0xffff;
	v1 =	vadd.s32 $0x7548, v1  }
0x44a: {  	[tilespmem:v27+s16+$0x0] =	vst.idx.add.f32.msk $0xffff, v31;
	v40 =	vshrl.u32 v28, $0x10  }
0x44b: {  	v35 =	vld.idx.msk [tilespmem:v29+s3+$0x0], $0xffff  }
0x44c: {  	v42 =	vld [tilespmem:s22+$0x170];
	v2 =	vadd.s32 $0x2718, v21;
	v33 =	vunpack.i.l.bf16.f32 v4  }
0x44d: {  	v4 =	vunpack.i.u.bf16.f32 v4;
	[tilespmem:v3+s16+$0x0] =	vst.idx.add.f32.msk $0xffff, v33;
	v3 =	vshrl.u32 v23, $0x10  }
0x44e: {  	v43 =	vunpack.i.l.bf16.f32 v36;
	[tilespmem:v1+s16+$0x0] =	vst.idx.add.f32.msk $0xffff, v4;
	v1 =	vadd.s32 $0x2718, v3  }
0x44f: {  	v5 =	vadd.s32 $0x2718, v29;
	[tilespmem:v40+s16+$0x0] =	vst.idx.add.f32.msk $0xffff, v43  }
0x450: {  	v44 =	vand.u32 $0xFFFF, v38;
	v52 =	vld [tilespmem:s22+$0x180]  }
0x451: {  	v41 =	vadd.s32 $0x2718, v40;
	v39 =	vunpack.i.l.bf16.f32 v35;
	v2 =	vld.idx.msk [tilespmem:v2+s3+$0x0], $0xffff  }
0x452: {  	v11 =	vunpack.i.u.bf16.f32 v35;
	v7 =	vadd.s32 $0x2718, v32;
	[tilespmem:v3+s16+$0x0] =	vst.idx.add.f32.msk $0xffff, v39  }
0x453: {  	v34 =	vadd.s32 $0x4E30, v26;
	[tilespmem:v1+s16+$0x0] =	vst.idx.add.f32.msk $0xffff, v11  }
0x454: {  	v9 =	vadd.s32 $0x7548, v26;
	v1 =	vld.idx.msk [tilespmem:v5+s3+$0x0], $0xffff  }
0x455: {  	v48 =	vld.idx.msk [tilespmem:v44+s3+$0x0], $0xffff;
	v45 =	vadd.s32 $0x4E30, v3;
	v4 =	vunpack.i.u.bf16.f32 v36  }
0x456: {  	[tilespmem:v41+s16+$0x0] =	vst.idx.add.f32.msk $0xffff, v4;
	v3 =	vadd.s32 $0x7548, v3  }
0x457: {  	v46 =	vand.u32 $0xFFFF, v42;
	v37 =	vunpack.i.l.bf16.f32 v2;
	v4 =	vld.idx.msk [tilespmem:v7+s3+$0x0], $0xffff  }
0x458: {  	v2 =	vunpack.i.u.bf16.f32 v2;
	[tilespmem:v34+s16+$0x0] =	vst.idx.add.f32.msk $0xffff, v37  }
0x459: {  	[tilespmem:v9+s16+$0x0] =	vst.idx.add.f32.msk $0xffff, v2;
	v2 =	vadd.s32 $0x4E30, v40;
	v47 =	vunpack.i.l.bf16.f32 v1  }
0x45a: {  	v49 =	vshrl.u32 v38, $0x10;
	v1 =	vunpack.i.u.bf16.f32 v1;
	[tilespmem:v45+s16+$0x0] =	vst.idx.add.f32.msk $0xffff, v47  }
0x45b: {  	[tilespmem:v3+s16+$0x0] =	vst.idx.add.f32.msk $0xffff, v1;
	v1 =	vadd.s32 $0x2718, v49  }
0x45c: {  	v51 =	vld.idx.msk [tilespmem:v46+s3+$0x0], $0xffff  }
0x45d: {  	v57 =	vld [tilespmem:s22+$0x190];
	v3 =	vunpack.i.l.bf16.f32 v4  }
0x45e: {  	[tilespmem:v2+s16+$0x0] =	vst.idx.add.f32.msk $0xffff, v3;
	v2 =	vshrl.u32 v42, $0x10;
	v3 =	vunpack.i.l.bf16.f32 v48  }
0x45f: {  	v7 =	vunpack.i.u.bf16.f32 v48;
	[tilespmem:v49+s16+$0x0] =	vst.idx.add.f32.msk $0xffff, v3;
	v3 =	vadd.s32 $0x2718, v2  }
0x460: {  	[tilespmem:v1+s16+$0x0] =	vst.idx.add.f32.msk $0xffff, v7;
	v1 =	vadd.s32 $0x2718, v46  }
0x461: {  	v28 =	vld [tilespmem:s22+$0x1C0];
	v53 =	vadd.s32 $0x7548, v40  }
0x462: {  	v54 =	vunpack.i.l.bf16.f32 v51;
	v56 =	vand.u32 $0xFFFF, v52;
	v60 =	vld [tilespmem:s22+$0x1A0]  }
0x463: {  	v50 =	vadd.s32 $0x2718, v44;
	v55 =	vunpack.i.u.bf16.f32 v51;
	[tilespmem:v2+s16+$0x0] =	vst.idx.add.f32.msk $0xffff, v54  }
0x464: {  	v63 =	vand.u32 $0xFFFF, v57;
	[tilespmem:v3+s16+$0x0] =	vst.idx.add.f32.msk $0xffff, v55  }
0x465: {  	v3 =	vunpack.i.u.bf16.f32 v4;
	v1 =	vld.idx.msk [tilespmem:v1+s3+$0x0], $0xffff  }
0x466: {  	[tilespmem:v53+s16+$0x0] =	vst.idx.add.f32.msk $0xffff, v3;
	v3 =	vadd.s32 $0x4E30, v2  }
0x467: {  	v62 =	vld.idx.msk [tilespmem:v56+s3+$0x0], $0xffff;
	v2 =	vadd.s32 $0x7548, v2  }
0x468: {  	v7 =	vld.idx.msk [tilespmem:v50+s3+$0x0], $0xffff  }
0x469: {  	v58 =	vadd.s32 $0x4E30, v49;
	v19 =	vld.idx.msk [tilespmem:v63+s3+$0x0], $0xffff  }
0x46a: {  	v16 =	vshrl.u32 v52, $0x10;
	v24 =	vld [tilespmem:s22+$0x1B0];
	v17 =	vunpack.i.l.bf16.f32 v1  }
0x46b: {  	v59 =	vadd.s32 $0x7548, v49;
	v1 =	vunpack.i.u.bf16.f32 v1;
	[tilespmem:v3+s16+$0x0] =	vst.idx.add.f32.msk $0xffff, v17  }
0x46c: {  	[tilespmem:v2+s16+$0x0] =	vst.idx.add.f32.msk $0xffff, v1;
	v1 =	vand.u32 $0xFFFF, v60  }
0x46d: {  	v18 =	vadd.s32 $0x2718, v16;
	v45 =	vld [tilespmem:s22+$0x1F0];
	v61 =	vunpack.i.l.bf16.f32 v7  }
0x46e: {  	[tilespmem:v58+s16+$0x0] =	vst.idx.add.f32.msk $0xffff, v61;
	v3 =	vadd.s32 $0x2718, v56;
	v2 =	vunpack.i.l.bf16.f32 v62  }
0x46f: {  	v7 =	vunpack.i.u.bf16.f32 v7;
	[tilespmem:v16+s16+$0x0] =	vst.idx.add.f32.msk $0xffff, v2;
	v2 =	vshrl.u32 v57, $0x10  }
0x470: {  	[tilespmem:v59+s16+$0x0] =	vst.idx.add.f32.msk $0xffff, v7;
	v20 =	vadd.s32 $0x2718, v2  }
0x471: {  	v8 =	vunpack.i.u.bf16.f32 v62;
	v21 =	vadd.s32 $0x2718, v63;
	v22 =	vld.idx.msk [tilespmem:v1+s3+$0x0], $0xffff  }
0x472: {  	v5 =	vshrl.u32 v60, $0x10;
	[tilespmem:v18+s16+$0x0] =	vst.idx.add.f32.msk $0xffff, v8  }
0x473: {  	v23 =	vunpack.i.l.bf16.f32 v19;
	v25 =	vadd.s32 $0x2718, v5;
	v3 =	vld.idx.msk [tilespmem:v3+s3+$0x0], $0xffff  }
0x474: {  	v4 =	vunpack.i.u.bf16.f32 v19;
	v1 =	vadd.s32 $0x2718, v1;
	[tilespmem:v2+s16+$0x0] =	vst.idx.add.f32.msk $0xffff, v23  }
0x475: {  	v26 =	vadd.s32 $0x4E30, v16;
	[tilespmem:v20+s16+$0x0] =	vst.idx.add.f32.msk $0xffff, v4  }
0x476: {  	v6 =	vadd.s32 $0x7548, v16;
	v7 =	vld.idx.msk [tilespmem:v21+s3+$0x0], $0xffff;
	v27 =	vunpack.i.l.bf16.f32 v22  }
0x477: {  	v29 =	vand.u32 $0xFFFF, v24;
	v9 =	vunpack.i.u.bf16.f32 v22;
	[tilespmem:v5+s16+$0x0] =	vst.idx.add.f32.msk $0xffff, v27  }
0x478: {  	v30 =	vadd.s32 $0x4E30, v2;
	[tilespmem:v25+s16+$0x0] =	vst.idx.add.f32.msk $0xffff, v9  }
0x479: {  	v2 =	vadd.s32 $0x7548, v2;
	v31 =	vunpack.i.l.bf16.f32 v3;
	v1 =	vld.idx.msk [tilespmem:v1+s3+$0x0], $0xffff  }
0x47a: {  	v32 =	vadd.s32 $0x4E30, v5;
	v3 =	vunpack.i.u.bf16.f32 v3;
	[tilespmem:v26+s16+$0x0] =	vst.idx.add.f32.msk $0xffff, v31  }
0x47b: {  	[tilespmem:v6+s16+$0x0] =	vst.idx.add.f32.msk $0xffff, v3;
	v3 =	vand.u32 $0xFFFF, v28  }
0x47c: {  	v34 =	vld.idx.msk [tilespmem:v29+s3+$0x0], $0xffff;
	v33 =	vunpack.i.l.bf16.f32 v7  }
0x47d: {  	v7 =	vunpack.i.u.bf16.f32 v7;
	[tilespmem:v30+s16+$0x0] =	vst.idx.add.f32.msk $0xffff, v33  }
0x47e: {  	v35 =	vshrl.u32 v24, $0x10;
	[tilespmem:v2+s16+$0x0] =	vst.idx.add.f32.msk $0xffff, v7;
	v2 =	vunpack.i.l.bf16.f32 v1  }
0x47f: {  	[tilespmem:v32+s16+$0x0] =	vst.idx.add.f32.msk $0xffff, v2;
	v2 =	vadd.s32 $0x2718, v35  }
0x480: {  	v48 =	vand.u32 $0xFFFF, v45;
	v37 =	vld.idx.msk [tilespmem:v3+s3+$0x0], $0xffff  }
0x481: {  	v40 =	vshrl.u32 v28, $0x10;
	v42 =	vld [tilespmem:s22+$0x1E0]  }
0x482: {  	v36 =	vadd.s32 $0x2718, v29;
	v39 =	vld [tilespmem:s22+$0x1D0];
	v38 =	vunpack.i.l.bf16.f32 v34  }
0x483: {  	v41 =	vadd.s32 $0x2718, v40;
	[tilespmem:v35+s16+$0x0] =	vst.idx.add.f32.msk $0xffff, v38;
	v9 =	vunpack.i.u.bf16.f32 v34  }
0x484: {  	[tilespmem:v2+s16+$0x0] =	vst.idx.add.f32.msk $0xffff, v9;
	v2 =	vadd.s32 $0x2718, v3  }
0x485: {  	v53 =	vld.idx.msk [tilespmem:v48+s3+$0x0], $0xffff;
	v43 =	vunpack.i.l.bf16.f32 v37;
	v3 =	vadd.s32 $0x7548, v5  }
0x486: {  	v46 =	vand.u32 $0xFFFF, v42;
	[tilespmem:v40+s16+$0x0] =	vst.idx.add.f32.msk $0xffff, v43  }
0x487: {  	v44 =	vand.u32 $0xFFFF, v39;
	v7 =	vunpack.i.u.bf16.f32 v37;
	v4 =	vld.idx.msk [tilespmem:v36+s3+$0x0], $0xffff  }
0x488: {  	v14 =	vadd.s32 $0x4E30, v35;
	[tilespmem:v41+s16+$0x0] =	vst.idx.add.f32.msk $0xffff, v7  }
0x489: {  	v1 =	vunpack.i.u.bf16.f32 v1;
	v2 =	vld.idx.msk [tilespmem:v2+s3+$0x0], $0xffff  }
0x48a: {  	[tilespmem:v3+s16+$0x0] =	vst.idx.add.f32.msk $0xffff, v1;
	v1 =	vadd.s32 $0x4E30, v40  }
0x48b: {  	v55 =	vshrl.u32 v45, $0x10;
	v49 =	vld.idx.msk [tilespmem:v46+s3+$0x0], $0xffff  }
0x48c: {  	v47 =	vld.idx.msk [tilespmem:v44+s3+$0x0], $0xffff;
	v51 =	vshrl.u32 v42, $0x10;
	v3 =	vunpack.i.l.bf16.f32 v4  }
0x48d: {  	[tilespmem:v14+s16+$0x0] =	vst.idx.add.f32.msk $0xffff, v3;
	v3 =	vshrl.u32 v39, $0x10  }
0x48e: {  	v10 =	vadd.s32 $0x2718, v3;
	v50 =	vunpack.i.l.bf16.f32 v2  }
0x48f: {  	v59 =	vunpack.i.l.bf16.f32 v53;
	[tilespmem:v1+s16+$0x0] =	vst.idx.add.f32.msk $0xffff, v50;
	v1 =	vadd.s32 $0x2718, v51  }
0x490: {  	[tilespmem:v55+s16+$0x0] =	vst.idx.add.f32.msk $0xffff, v59;
	v56 =	vunpack.i.l.bf16.f32 v49;
	v9 =	vadd.s32 $0x2718, v44  }
0x491: {  	v52 =	vunpack.i.l.bf16.f32 v47;
	v58 =	vadd.s32 $0x2718, v55;
	[tilespmem:v51+s16+$0x0] =	vst.idx.add.f32.msk $0xffff, v56  }
0x492: {  	v54 =	vunpack.i.u.bf16.f32 v47;
	v5 =	vadd.s32 $0x2718, v46;
	[tilespmem:v3+s16+$0x0] =	vst.idx.add.f32.msk $0xffff, v52  }
0x493: {  	v57 =	vunpack.i.u.bf16.f32 v49;
	v6 =	vadd.s32 $0x7548, v35;
	[tilespmem:v10+s16+$0x0] =	vst.idx.add.f32.msk $0xffff, v54  }
0x494: {  	[tilespmem:v1+s16+$0x0] =	vst.idx.add.f32.msk $0xffff, v57;
	v1 =	vadd.s32 $0x2718, v48  }
0x495: {  	v61 =	vunpack.i.u.bf16.f32 v53;
	v8 =	vadd.s32 $0x7548, v40;
	v9 =	vld.idx.msk [tilespmem:v9+s3+$0x0], $0xffff  }
0x496: {  	[tilespmem:v58+s16+$0x0] =	vst.idx.add.f32.msk $0xffff, v61;
	v60 =	vadd.s32 $0x4E30, v3  }
0x497: {  	v4 =	vunpack.i.u.bf16.f32 v4;
	v3 =	vadd.s32 $0x7548, v3;
	v5 =	vld.idx.msk [tilespmem:v5+s3+$0x0], $0xffff  }
0x498: {  	v62 =	vadd.s32 $0x4E30, v51;
	[tilespmem:v6+s16+$0x0] =	vst.idx.add.f32.msk $0xffff, v4  }
0x499: {  	v6 =	vadd.s32 $0x7548, v51;
	v2 =	vunpack.i.u.bf16.f32 v2;
	v1 =	vld.idx.msk [tilespmem:v1+s3+$0x0], $0xffff  }
0x49a: {  	s21 =	sadd.s32 $0x40, s21;
	v63 =	vadd.s32 $0x4E30, v55;
	[tilespmem:v8+s16+$0x0] =	vst.idx.add.f32.msk $0xffff, v2;
	v2 =	vunpack.i.l.bf16.f32 v9  }
0x49b: {  	p1 =	slt.u32 s21, $0x1C0;
	v7 =	vadd.s32 $0x7548, v55;
	[tilespmem:v60+s16+$0x0] =	vst.idx.add.f32.msk $0xffff, v2;
	v2 =	vunpack.i.u.bf16.f32 v9  }
.Ltmp5:
0x49c: {  	[tilespmem:v3+s16+$0x0] =	vst.idx.add.f32.msk $0xffff, v2;
	v2 =	vunpack.i.l.bf16.f32 v5;
	(pc) =	sbr.rel @p1 .LBB2_13-.Ltmp5, $4  }
0x49d: {  	[tilespmem:v62+s16+$0x0] =	vst.idx.add.f32.msk $0xffff, v2;
	v2 =	vunpack.i.u.bf16.f32 v5  }
0x49e: {  	[tilespmem:v6+s16+$0x0] =	vst.idx.add.f32.msk $0xffff, v2;
	v2 =	vunpack.i.l.bf16.f32 v1  }
0x49f: {  	v1 =	vunpack.i.u.bf16.f32 v1;
	[tilespmem:v63+s16+$0x0] =	vst.idx.add.f32.msk $0xffff, v2  }
0x4a0: {  	s22 =	sadd.s32 $0x400, s22;
	[tilespmem:v7+s16+$0x0] =	vst.idx.add.f32.msk $0xffff, v1  }
.Ltmp6:
0x4a1: {  	(pc) =	sbr.rel @p0 .LBB2_15-.Ltmp6, $1  }
0x4a2: {  	_ =	sdelay $0x3  }
.Ltmp7:
0x4a3: {  	(pc) =	sbr.rel .LBB2_10-.Ltmp7, $3  }
0x4a4: {  	_ =	sdelay $0x1  }
0x4a5: {  	s20 =	sadd.s32 s20, s8;
	s19 =	sadd.s32 $0x1, s19  }
0x4a6: {  	[tilespmem:s14], [sflag:$0x2] =	stream.linear.gather [hbm4b:s20+s3], $0x2000, $0x38;
	[tilespmem:$0x1A080] =	vst v63  }
.LBB2_15:
0x4a7: {  	s20 =	simm.s32 $0x13980  }
0x4a8: {  	s19 =	simm.s32 $0x9C80;
	v1 =	vld [tilespmem:s20+$0x70]  }
0x4a9: {  	v2 =	vld [tilespmem:s19+$0xF0]  }
0x4aa: {  	v3 =	vld [tilespmem:s19+$0x2808]  }
0x4ab: {  	v4 =	vld [tilespmem:s20+$0xFFFFFF90]  }
0x4ac: {  	v5 =	vld [tilespmem:s20+$0xFFFFFFA0]  }
0x4ad: {  	v6 =	vld [tilespmem:s20+$0xFFFFFFB0]  }
0x4ae: {  	v7 =	vld [tilespmem:s20+$0xFFFFFFC0]  }
0x4af: {  	v8 =	vld [tilespmem:s20+$0xFFFFFFD0]  }
0x4b0: {  	v9 =	vld [tilespmem:s20+$0xFFFFFFE0]  }
0x4b1: {  	v10 =	vld [tilespmem:s20+$0xFFFFFFF0]  }
0x4b2: {  	v11 =	vld [tilespmem:s20+$0x0]  }
0x4b3: {  	v12 =	vld [tilespmem:s20+$0x10]  }
0x4b4: {  	v13 =	vld [tilespmem:s20+$0x20]  }
0x4b5: {  	v14 =	vld [tilespmem:s20+$0x30]  }
0x4b6: {  	v15 =	vld [tilespmem:s20+$0x40]  }
0x4b7: {  	v16 =	vld [tilespmem:s20+$0x50]  }
0x4b8: {  	v17 =	vld [tilespmem:s20+$0x60]  }
0x4b9: {  	v18 =	vld [tilespmem:s20+$0xFFFFFF80]  }
0x4ba: {  	v19 =	vld [tilespmem:s19+$0x0]  }
0x4bb: {  	v20 =	vld [tilespmem:s19+$0x2718]  }
0x4bc: {  	v21 =	vld [tilespmem:s19+$0x10]  }
0x4bd: {  	v22 =	vld [tilespmem:s19+$0x2728]  }
0x4be: {  	v23 =	vld [tilespmem:s19+$0x20]  }
0x4bf: {  	v24 =	vld [tilespmem:s19+$0x2738]  }
0x4c0: {  	v25 =	vld [tilespmem:s19+$0x30]  }
0x4c1: {  	v26 =	vld [tilespmem:s19+$0x2748]  }
0x4c2: {  	v27 =	vld [tilespmem:s19+$0x40];
	v1 =	vmul.f32 v1, v1  }
0x4c3: {  	v28 =	vld [tilespmem:s19+$0x50];
	v4 =	vmul.f32 v4, v4;
	v5 =	vmul.f32 v5, v5  }
0x4c4: {  	v29 =	vld [tilespmem:s19+$0x2768];
	v6 =	vmul.f32 v6, v6;
	v7 =	vmul.f32 v7, v7  }
0x4c5: {  	v30 =	vld [tilespmem:s19+$0x60];
	v8 =	vmul.f32 v8, v8;
	v9 =	vmul.f32 v9, v9  }
0x4c6: {  	v31 =	vld [tilespmem:s19+$0x2778];
	v10 =	vmul.f32 v10, v10;
	v11 =	vmul.f32 v11, v11  }
0x4c7: {  	v32 =	vld [tilespmem:s19+$0x70];
	v12 =	vmul.f32 v12, v12;
	v18 =	vmul.f32 v18, v18  }
0x4c8: {  	v33 =	vld [tilespmem:s19+$0x2788];
	v13 =	vmul.f32 v13, v13;
	v14 =	vmul.f32 v14, v14  }
0x4c9: {  	v2 =	vmul.f32 v1, v2;
	v1 =	vmul.f32 v3, v1;
	v3 =	vld [tilespmem:s19+$0x2758]  }
0x4ca: {  	v59 =	vld [tilespmem:s19+$0x80];
	v19 =	vmul.f32 v18, v19;
	v18 =	vmul.f32 v20, v18  }
0x4cb: {  	v60 =	vld [tilespmem:s19+$0x2798];
	v1 =	vpack.i.f32.bf16 v1, v2;
	v2 =	vmul.f32 v4, v21;
	v4 =	vmul.f32 v22, v4  }
0x4cc: {  	v62 =	vld [tilespmem:s19+$0x90];
	v61 =	vmul.f32 v5, v23;
	v5 =	vmul.f32 v24, v5;
	[tilespmem:s19+$0xF0] =	vst v1;
	v1 =	vpack.i.f32.bf16 v18, v19  }
0x4cd: {  	[tilespmem:s19+$0x0] =	vst v1;
	v1 =	vpack.i.f32.bf16 v4, v2;
	v2 =	vmul.f32 v6, v25;
	v4 =	vmul.f32 v26, v6;
	v6 =	vld [tilespmem:s19+$0x27A8]  }
0x4ce: {  	[tilespmem:s19+$0x10] =	vst v1;
	v1 =	vpack.i.f32.bf16 v5, v61;
	v5 =	vmul.f32 v7, v27;
	v3 =	vmul.f32 v3, v7;
	v7 =	vld [tilespmem:s19+$0xA0]  }
0x4cf: {  	[tilespmem:s19+$0x20] =	vst v1;
	v1 =	vpack.i.f32.bf16 v4, v2;
	v2 =	vmul.f32 v8, v28;
	v4 =	vmul.f32 v29, v8;
	v8 =	vld [tilespmem:s19+$0x27B8]  }
0x4d0: {  	[tilespmem:s19+$0x30] =	vst v1;
	v1 =	vpack.i.f32.bf16 v3, v5;
	v3 =	vmul.f32 v9, v30;
	v5 =	vmul.f32 v31, v9;
	v9 =	vld [tilespmem:s19+$0xB0]  }
0x4d1: {  	[tilespmem:s19+$0x40] =	vst v1;
	v1 =	vpack.i.f32.bf16 v4, v2;
	v2 =	vmul.f32 v10, v32;
	v4 =	vmul.f32 v33, v10;
	v10 =	vld [tilespmem:s19+$0x27C8]  }
0x4d2: {  	v63 =	vld [tilespmem:s19+$0xC0];
	[tilespmem:s19+$0x50] =	vst v1;
	v1 =	vpack.i.f32.bf16 v5, v3;
	v3 =	vmul.f32 v11, v59;
	v5 =	vmul.f32 v60, v11  }
0x4d3: {  	v11 =	vmul.f32 v12, v62;
	v6 =	vmul.f32 v6, v12;
	[tilespmem:s19+$0x60] =	vst v1;
	v1 =	vpack.i.f32.bf16 v4, v2;
	v4 =	vld [tilespmem:s19+$0x27D8]  }
0x4d4: {  	v7 =	vmul.f32 v13, v7;
	[tilespmem:s19+$0x70] =	vst v1;
	v1 =	vpack.i.f32.bf16 v5, v3;
	v8 =	vmul.f32 v8, v13;
	v5 =	vld [tilespmem:s19+$0xD0]  }
0x4d5: {  	v2 =	vmul.f32 v16, v16;
	v3 =	vmul.f32 v15, v15;
	v11 =	vpack.i.f32.bf16 v6, v11;
	v6 =	vld [tilespmem:s19+$0x27E8];
	[tilespmem:s19+$0x80] =	vst v1  }
0x4d6: {  	[tilespmem:s19+$0x90] =	vst v11;
	v9 =	vmul.f32 v14, v9;
	v8 =	vpack.i.f32.bf16 v8, v7;
	v7 =	vld [tilespmem:s19+$0xE0];
	v11 =	vmul.f32 v10, v14  }
0x4d7: {  	s21 =	simm.s32 $0x0;
	s22 =	simm.s32 $0x13A80;
	s20 =	simm.s32 $0x9C80;
	v1 =	vmul.f32 v17, v17;
	v10 =	vmul.f32 v3, v63;
	[tilespmem:s19+$0xA0] =	vst v8;
	v8 =	vld [tilespmem:s19+$0x27F8]  }
.LBB2_16:
0x4d8: {  	v12 =	vld [tilespmem:s22+$0x70];
	s21 =	sadd.s32 $0x10, s21;
	v9 =	vpack.i.f32.bf16 v11, v9;
	v3 =	vmul.f32 v4, v3;
	s19 =	sadd.s32 $0x100, s19  }
0x4d9: {  	v4 =	vld [tilespmem:s19+$0xF0];
	p0 =	slt.u32 s21, $0x260;
	[tilespmem:s20+$0xB0] =	vst v9;
	v5 =	vmul.f32 v2, v5  }
0x4da: {  	v9 =	vld [tilespmem:s19+$0x2808];
	v3 =	vpack.i.f32.bf16 v3, v10;
	v2 =	vmul.f32 v6, v2  }
0x4db: {  	v6 =	vld [tilespmem:s22+$0xFFFFFF90];
	[tilespmem:s20+$0xC0] =	vst v3;
	v3 =	vmul.f32 v1, v7  }
0x4dc: {  	v7 =	vld [tilespmem:s22+$0xFFFFFFA0];
	v2 =	vpack.i.f32.bf16 v2, v5;
	v1 =	vmul.f32 v8, v1  }
0x4dd: {  	v5 =	vld [tilespmem:s22+$0xFFFFFFB0];
	v8 =	vmul.f32 v12, v12;
	[tilespmem:s20+$0xD0] =	vst v2  }
0x4de: {  	v2 =	vld [tilespmem:s22+$0xFFFFFFC0];
	v1 =	vpack.i.f32.bf16 v1, v3  }
0x4df: {  	v3 =	vld [tilespmem:s22+$0xFFFFFFD0];
	v4 =	vmul.f32 v8, v4;
	v8 =	vmul.f32 v9, v8;
	[tilespmem:s20+$0xE0] =	vst v1;
	s20 =	smov.u32 s19  }
0x4e0: {  	v6 =	vmul.f32 v6, v6;
	v1 =	vld [tilespmem:s22+$0xFFFFFFE0]  }
0x4e1: {  	v7 =	vmul.f32 v7, v7;
	v9 =	vld [tilespmem:s22+$0xFFFFFFF0];
	v4 =	vpack.i.f32.bf16 v8, v4  }
0x4e2: {  	v5 =	vmul.f32 v5, v5;
	v8 =	vld [tilespmem:s22+$0x0];
	[tilespmem:s19+$0xF0] =	vst v4  }
0x4e3: {  	v4 =	vmul.f32 v2, v2;
	v2 =	vld [tilespmem:s22+$0x10]  }
0x4e4: {  	v10 =	vmul.f32 v3, v3;
	v3 =	vld [tilespmem:s22+$0x20]  }
0x4e5: {  	v11 =	vmul.f32 v1, v1;
	v1 =	vld [tilespmem:s22+$0x30]  }
0x4e6: {  	v9 =	vmul.f32 v9, v9;
	v12 =	vld [tilespmem:s22+$0x40]  }
0x4e7: {  	v8 =	vmul.f32 v8, v8;
	v13 =	vld [tilespmem:s22+$0x50]  }
0x4e8: {  	v14 =	vmul.f32 v2, v2;
	v15 =	vld [tilespmem:s22+$0x60]  }
0x4e9: {  	v16 =	vld [tilespmem:s22+$0xFFFFFF80];
	v17 =	vmul.f32 v3, v3  }
0x4ea: {  	v18 =	vld [tilespmem:s19+$0x0];
	v19 =	vmul.f32 v1, v1  }
0x4eb: {  	v20 =	vld [tilespmem:s19+$0x2718];
	v3 =	vmul.f32 v12, v12  }
0x4ec: {  	v12 =	vld [tilespmem:s19+$0x10];
	v2 =	vmul.f32 v13, v13  }
0x4ed: {  	v13 =	vld [tilespmem:s19+$0x2728];
	v1 =	vmul.f32 v15, v15  }
0x4ee: {  	v15 =	vmul.f32 v16, v16;
	v16 =	vld [tilespmem:s19+$0x20]  }
0x4ef: {  	v21 =	vld [tilespmem:s19+$0x2738]  }
0x4f0: {  	v18 =	vmul.f32 v15, v18;
	v15 =	vmul.f32 v20, v15;
	v20 =	vld [tilespmem:s19+$0x30]  }
0x4f1: {  	v12 =	vmul.f32 v6, v12;
	v22 =	vld [tilespmem:s19+$0x2748]  }
0x4f2: {  	v15 =	vpack.i.f32.bf16 v15, v18;
	v6 =	vmul.f32 v13, v6;
	v13 =	vld [tilespmem:s19+$0x40]  }
0x4f3: {  	[tilespmem:s19+$0x0] =	vst v15;
	v15 =	vmul.f32 v7, v16;
	v16 =	vld [tilespmem:s19+$0x2758]  }
0x4f4: {  	v6 =	vpack.i.f32.bf16 v6, v12;
	v7 =	vmul.f32 v21, v7;
	v12 =	vld [tilespmem:s19+$0x50]  }
0x4f5: {  	[tilespmem:s19+$0x10] =	vst v6;
	v6 =	vmul.f32 v5, v20;
	v18 =	vld [tilespmem:s19+$0x2768]  }
0x4f6: {  	v7 =	vpack.i.f32.bf16 v7, v15;
	v5 =	vmul.f32 v22, v5;
	v15 =	vld [tilespmem:s19+$0x60]  }
0x4f7: {  	[tilespmem:s19+$0x20] =	vst v7;
	v7 =	vmul.f32 v4, v13;
	v13 =	vld [tilespmem:s19+$0x2778]  }
0x4f8: {  	v5 =	vpack.i.f32.bf16 v5, v6;
	v4 =	vmul.f32 v16, v4;
	v6 =	vld [tilespmem:s19+$0x70]  }
0x4f9: {  	[tilespmem:s19+$0x30] =	vst v5;
	v5 =	vmul.f32 v10, v12;
	v12 =	vld [tilespmem:s19+$0x2788]  }
0x4fa: {  	v4 =	vpack.i.f32.bf16 v4, v7;
	v7 =	vmul.f32 v18, v10;
	v10 =	vld [tilespmem:s19+$0x80]  }
0x4fb: {  	[tilespmem:s19+$0x40] =	vst v4;
	v4 =	vmul.f32 v11, v15;
	v15 =	vld [tilespmem:s19+$0x2798]  }
0x4fc: {  	v5 =	vpack.i.f32.bf16 v7, v5;
	v7 =	vmul.f32 v13, v11;
	v11 =	vld [tilespmem:s19+$0x90]  }
0x4fd: {  	[tilespmem:s19+$0x50] =	vst v5;
	v5 =	vmul.f32 v9, v6;
	v6 =	vld [tilespmem:s19+$0x27A8]  }
0x4fe: {  	v4 =	vpack.i.f32.bf16 v7, v4;
	v7 =	vmul.f32 v12, v9;
	v9 =	vld [tilespmem:s19+$0xA0]  }
0x4ff: {  	[tilespmem:s19+$0x60] =	vst v4;
	v4 =	vmul.f32 v8, v10;
	v10 =	vld [tilespmem:s19+$0x27B8]  }
0x500: {  	v5 =	vpack.i.f32.bf16 v7, v5;
	v7 =	vmul.f32 v15, v8;
	v8 =	vld [tilespmem:s19+$0xB0]  }
0x501: {  	[tilespmem:s19+$0x70] =	vst v5;
	v5 =	vmul.f32 v14, v11;
	v11 =	vld [tilespmem:s19+$0x27C8]  }
0x502: {  	v4 =	vpack.i.f32.bf16 v7, v4;
	v6 =	vmul.f32 v6, v14;
	v12 =	vld [tilespmem:s19+$0xC0]  }
.Ltmp8:
0x503: {  	[tilespmem:s19+$0x80] =	vst v4;
	v7 =	vmul.f32 v17, v9;
	v4 =	vld [tilespmem:s19+$0x27D8];
	(pc) =	sbr.rel @p0 .LBB2_16-.Ltmp8, $4  }
0x504: {  	v6 =	vpack.i.f32.bf16 v6, v5;
	v10 =	vmul.f32 v10, v17;
	v5 =	vld [tilespmem:s19+$0xD0]  }
0x505: {  	[tilespmem:s19+$0x90] =	vst v6;
	v9 =	vmul.f32 v19, v8;
	v6 =	vld [tilespmem:s19+$0x27E8]  }
0x506: {  	v8 =	vpack.i.f32.bf16 v10, v7;
	v11 =	vmul.f32 v11, v19;
	v7 =	vld [tilespmem:s19+$0xE0]  }
0x507: {  	s22 =	sadd.s32 $0x100, s22;
	[tilespmem:s19+$0xA0] =	vst v8;
	v10 =	vmul.f32 v3, v12;
	v8 =	vld [tilespmem:s19+$0x27F8]  }
0x508: {  	_ =	sdelay $0x1  }
0x509: {  	v3 =	vmul.f32 v4, v3  }
0x50a: {  	v4 =	vpack.i.f32.bf16 v11, v9;
	v5 =	vmul.f32 v2, v5;
	v2 =	vmul.f32 v6, v2  }
0x50b: {  	[tilespmem:s20+$0xB0] =	vst v4;
	v3 =	vpack.i.f32.bf16 v3, v10;
	v4 =	vmul.f32 v1, v7;
	v1 =	vmul.f32 v8, v1  }
0x50c: {  	[tilespmem:s20+$0xC0] =	vst v3;
	v2 =	vpack.i.f32.bf16 v2, v5  }
0x50d: {  	[tilespmem:s20+$0xD0] =	vst v2;
	v1 =	vpack.i.f32.bf16 v1, v4  }
0x50e: {  	[tilespmem:s20+$0xE0] =	vst v1  }
0x50f: {  	v1 =	vld [tilespmem:$0x16000]  }
0x510: {  	v2 =	vld [tilespmem:$0xC380]  }
0x511: {  	v3 =	vld [tilespmem:$0xEA98];
	_ =	sdelay $0x2  }
0x512: {  	v1 =	vmul.f32 v1, v1;
	_ =	sdelay $0x1  }
0x513: {  	v2 =	vmul.f32 v1, v2;
	v1 =	vmul.f32 v3, v1;
	_ =	sdelay $0x1  }
0x514: {  	v1 =	vpack.i.f32.bf16 v1, v2  }
0x515: {  	s19 =	simm.s32 $0x0;
	[tilespmem:$0xC380] =	vst v1  }
0x516: {  	v1 =	vld [tilespmem:s19+$0x139F0]  }
0x517: {  	v2 =	vld [tilespmem:s19+$0xEBA0]  }
0x518: {  	v3 =	vld [tilespmem:s19+$0x112B8]  }
0x519: {  	v4 =	vld [tilespmem:s19+$0x13900]  }
0x51a: {  	v5 =	vld [tilespmem:s19+$0x13910]  }
0x51b: {  	v6 =	vld [tilespmem:s19+$0x13920]  }
0x51c: {  	v7 =	vld [tilespmem:s19+$0x13930]  }
0x51d: {  	v8 =	vld [tilespmem:s19+$0x13940]  }
0x51e: {  	v9 =	vld [tilespmem:s19+$0x13950]  }
0x51f: {  	v10 =	vld [tilespmem:s19+$0x13960]  }
0x520: {  	v11 =	vld [tilespmem:s19+$0x13970]  }
0x521: {  	v12 =	vld [tilespmem:s19+$0x13980]  }
0x522: {  	v13 =	vld [tilespmem:s19+$0x13990]  }
0x523: {  	v14 =	vld [tilespmem:s19+$0x139A0]  }
0x524: {  	v15 =	vld [tilespmem:s19+$0x139B0]  }
0x525: {  	v16 =	vld [tilespmem:s19+$0x139C0]  }
0x526: {  	v17 =	vld [tilespmem:s19+$0x139D0]  }
0x527: {  	v18 =	vld [tilespmem:s19+$0x139E0]  }
0x528: {  	v19 =	vld [tilespmem:s19+$0xEAB0]  }
0x529: {  	v20 =	vld [tilespmem:s19+$0x111C8]  }
0x52a: {  	v21 =	vld [tilespmem:s19+$0xEAC0]  }
0x52b: {  	v22 =	vld [tilespmem:s19+$0x111D8]  }
0x52c: {  	v23 =	vld [tilespmem:s19+$0xEAD0]  }
0x52d: {  	v24 =	vld [tilespmem:s19+$0x111E8]  }
0x52e: {  	v25 =	vld [tilespmem:s19+$0xEAE0]  }
0x52f: {  	v26 =	vld [tilespmem:s19+$0x111F8]  }
0x530: {  	v27 =	vld [tilespmem:s19+$0xEAF0];
	v1 =	vmul.f32 v1, v1;
	v4 =	vmul.f32 v4, v4  }
0x531: {  	v28 =	vld [tilespmem:s19+$0x11208];
	v5 =	vmul.f32 v5, v5;
	v6 =	vmul.f32 v6, v6  }
0x532: {  	v29 =	vld [tilespmem:s19+$0xEB00];
	v7 =	vmul.f32 v7, v7;
	v8 =	vmul.f32 v8, v8  }
0x533: {  	v30 =	vld [tilespmem:s19+$0x11218];
	v9 =	vmul.f32 v9, v9;
	v10 =	vmul.f32 v10, v10  }
0x534: {  	v31 =	vld [tilespmem:s19+$0xEB10];
	v11 =	vmul.f32 v11, v11;
	v12 =	vmul.f32 v12, v12  }
0x535: {  	v32 =	vld [tilespmem:s19+$0x11228];
	v13 =	vmul.f32 v13, v13;
	v14 =	vmul.f32 v14, v14  }
0x536: {  	v33 =	vld [tilespmem:s19+$0xEB20];
	v15 =	vmul.f32 v15, v15;
	v2 =	vmul.f32 v1, v2  }
0x537: {  	v57 =	vld [tilespmem:s19+$0x11238];
	v3 =	vmul.f32 v3, v1;
	v1 =	vmul.f32 v16, v16  }
0x538: {  	v58 =	vld [tilespmem:s19+$0xEB30];
	v19 =	vmul.f32 v4, v19;
	v4 =	vmul.f32 v20, v4  }
0x539: {  	v59 =	vld [tilespmem:s19+$0x11248];
	v2 =	vpack.i.f32.bf16 v3, v2;
	v3 =	vmul.f32 v5, v21;
	v5 =	vmul.f32 v22, v5  }
0x53a: {  	v60 =	vld [tilespmem:s19+$0xEB40];
	[tilespmem:s19+$0xC488] =	vst v2;
	v2 =	vpack.i.f32.bf16 v4, v19;
	v4 =	vmul.f32 v6, v23;
	v6 =	vmul.f32 v24, v6  }
0x53b: {  	[tilespmem:s19+$0xC398] =	vst v2;
	v2 =	vpack.i.f32.bf16 v5, v3;
	v3 =	vmul.f32 v7, v25;
	v5 =	vmul.f32 v26, v7;
	v7 =	vld [tilespmem:s19+$0x11258]  }
0x53c: {  	[tilespmem:s19+$0xC3A8] =	vst v2;
	v2 =	vpack.i.f32.bf16 v6, v4;
	v4 =	vmul.f32 v8, v27;
	v6 =	vmul.f32 v28, v8;
	v8 =	vld [tilespmem:s19+$0xEB50]  }
0x53d: {  	[tilespmem:s19+$0xC3B8] =	vst v2;
	v2 =	vpack.i.f32.bf16 v5, v3;
	v3 =	vmul.f32 v9, v29;
	v5 =	vmul.f32 v30, v9;
	v9 =	vld [tilespmem:s19+$0x11268]  }
0x53e: {  	v61 =	vld [tilespmem:s19+$0x11278];
	[tilespmem:s19+$0xC3C8] =	vst v2;
	v2 =	vpack.i.f32.bf16 v6, v4;
	v4 =	vmul.f32 v10, v31;
	v6 =	vmul.f32 v32, v10  }
0x53f: {  	v10 =	vld [tilespmem:s19+$0xEB60];
	[tilespmem:s19+$0xC3D8] =	vst v2;
	v2 =	vpack.i.f32.bf16 v5, v3;
	v3 =	vmul.f32 v11, v33;
	v5 =	vmul.f32 v57, v11  }
0x540: {  	v11 =	vmul.f32 v59, v12;
	[tilespmem:s19+$0xC3E8] =	vst v2;
	v2 =	vpack.i.f32.bf16 v6, v4;
	v6 =	vmul.f32 v12, v58;
	v4 =	vld [tilespmem:s19+$0xEB70]  }
0x541: {  	v62 =	vmul.f32 v13, v60;
	v7 =	vmul.f32 v7, v13;
	[tilespmem:s19+$0xC3F8] =	vst v2;
	v2 =	vpack.i.f32.bf16 v5, v3;
	v5 =	vld [tilespmem:s19+$0x11288]  }
0x542: {  	v8 =	vmul.f32 v14, v8;
	[tilespmem:s19+$0xC408] =	vst v2;
	v11 =	vpack.i.f32.bf16 v11, v6;
	v63 =	vmul.f32 v9, v14;
	v6 =	vld [tilespmem:s19+$0xEB80]  }
0x543: {  	v3 =	vmul.f32 v17, v17;
	v2 =	vmul.f32 v18, v18;
	v9 =	vpack.i.f32.bf16 v7, v62;
	v7 =	vld [tilespmem:s19+$0x11298];
	[tilespmem:s19+$0xC418] =	vst v11  }
0x544: {  	s21 =	simm.s32 $0x400;
	s20 =	simm.s32 $0x0;
	[tilespmem:s19+$0xC428] =	vst v9;
	v9 =	vmul.f32 v15, v10;
	v10 =	vmul.f32 v61, v15;
	v11 =	vpack.i.f32.bf16 v63, v8;
	v8 =	vld [tilespmem:s19+$0xEB90]  }
.LBB2_18:
0x545: {  	s22 =	sshra.s32 s21, $0x2;
	s20 =	sadd.s32 $0x10, s20;
	[tilespmem:s19+$0xC438] =	vst v11;
	v4 =	vmul.f32 v1, v4;
	v11 =	vld [tilespmem:s19+$0x112A8]  }
0x546: {  	v12 =	vld [tilespmem:s22+$0x139F0];
	p0 =	slt.u32 s20, $0x260;
	v9 =	vpack.i.f32.bf16 v10, v9;
	v1 =	vmul.f32 v5, v1  }
0x547: {  	v5 =	vld [tilespmem:s22+$0xEBA0];
	[tilespmem:s19+$0xC448] =	vst v9;
	v6 =	vmul.f32 v3, v6  }
0x548: {  	v9 =	vld [tilespmem:s22+$0x112B8];
	v1 =	vpack.i.f32.bf16 v1, v4;
	v3 =	vmul.f32 v7, v3  }
0x549: {  	v4 =	vld [tilespmem:s22+$0x13900];
	[tilespmem:s19+$0xC458] =	vst v1;
	v1 =	vmul.f32 v2, v8  }
0x54a: {  	v7 =	vld [tilespmem:s22+$0x13910];
	v3 =	vpack.i.f32.bf16 v3, v6;
	v2 =	vmul.f32 v11, v2  }
0x54b: {  	v6 =	vld [tilespmem:s22+$0x13920];
	v8 =	vmul.f32 v12, v12;
	[tilespmem:s19+$0xC468] =	vst v3  }
0x54c: {  	v3 =	vld [tilespmem:s22+$0x13930];
	v1 =	vpack.i.f32.bf16 v2, v1  }
0x54d: {  	v2 =	vld [tilespmem:s22+$0x13940];
	v5 =	vmul.f32 v8, v5;
	v8 =	vmul.f32 v9, v8;
	[tilespmem:s19+$0xC478] =	vst v1;
	s19 =	smov.u32 s22  }
0x54e: {  	v4 =	vmul.f32 v4, v4;
	v1 =	vld [tilespmem:s19+$0x13950]  }
0x54f: {  	v7 =	vmul.f32 v7, v7;
	v9 =	vld [tilespmem:s19+$0x13960];
	v5 =	vpack.i.f32.bf16 v8, v5  }
0x550: {  	v6 =	vmul.f32 v6, v6;
	v8 =	vld [tilespmem:s19+$0x13970];
	[tilespmem:s19+$0xC488] =	vst v5  }
0x551: {  	v5 =	vmul.f32 v3, v3;
	v3 =	vld [tilespmem:s19+$0x13980]  }
0x552: {  	v10 =	vmul.f32 v2, v2;
	v2 =	vld [tilespmem:s19+$0x13990]  }
0x553: {  	v11 =	vmul.f32 v1, v1;
	v1 =	vld [tilespmem:s19+$0x139A0]  }
0x554: {  	v9 =	vmul.f32 v9, v9;
	v12 =	vld [tilespmem:s19+$0x139B0]  }
0x555: {  	v8 =	vmul.f32 v8, v8;
	v13 =	vld [tilespmem:s19+$0x139C0]  }
0x556: {  	v14 =	vmul.f32 v3, v3;
	v3 =	vld [tilespmem:s19+$0x139D0]  }
0x557: {  	v15 =	vmul.f32 v2, v2;
	v2 =	vld [tilespmem:s19+$0x139E0]  }
0x558: {  	v16 =	vld [tilespmem:s19+$0xEAB0];
	v17 =	vmul.f32 v1, v1  }
0x559: {  	v18 =	vld [tilespmem:s19+$0x111C8];
	v12 =	vmul.f32 v12, v12  }
0x55a: {  	v19 =	vld [tilespmem:s19+$0xEAC0];
	v1 =	vmul.f32 v13, v13  }
0x55b: {  	v13 =	vld [tilespmem:s19+$0x111D8];
	v3 =	vmul.f32 v3, v3  }
0x55c: {  	v20 =	vld [tilespmem:s19+$0xEAD0];
	v2 =	vmul.f32 v2, v2  }
0x55d: {  	v16 =	vmul.f32 v4, v16;
	v21 =	vld [tilespmem:s19+$0x111E8]  }
0x55e: {  	v4 =	vmul.f32 v18, v4;
	v18 =	vld [tilespmem:s19+$0xEAE0]  }
0x55f: {  	v19 =	vmul.f32 v7, v19;
	v22 =	vld [tilespmem:s19+$0x111F8]  }
0x560: {  	v4 =	vpack.i.f32.bf16 v4, v16;
	v7 =	vmul.f32 v13, v7;
	v13 =	vld [tilespmem:s19+$0xEAF0]  }
0x561: {  	[tilespmem:s19+$0xC398] =	vst v4;
	v4 =	vmul.f32 v6, v20;
	v16 =	vld [tilespmem:s19+$0x11208]  }
0x562: {  	v7 =	vpack.i.f32.bf16 v7, v19;
	v6 =	vmul.f32 v21, v6;
	v19 =	vld [tilespmem:s19+$0xEB00]  }
0x563: {  	[tilespmem:s19+$0xC3A8] =	vst v7;
	v7 =	vmul.f32 v5, v18;
	v18 =	vld [tilespmem:s19+$0x11218]  }
0x564: {  	v4 =	vpack.i.f32.bf16 v6, v4;
	v5 =	vmul.f32 v22, v5;
	v6 =	vld [tilespmem:s19+$0xEB10]  }
0x565: {  	[tilespmem:s19+$0xC3B8] =	vst v4;
	v4 =	vmul.f32 v10, v13;
	v13 =	vld [tilespmem:s19+$0x11228]  }
0x566: {  	v5 =	vpack.i.f32.bf16 v5, v7;
	v7 =	vmul.f32 v16, v10;
	v10 =	vld [tilespmem:s19+$0xEB20]  }
0x567: {  	[tilespmem:s19+$0xC3C8] =	vst v5;
	v5 =	vmul.f32 v11, v19;
	v16 =	vld [tilespmem:s19+$0x11238]  }
0x568: {  	v4 =	vpack.i.f32.bf16 v7, v4;
	v7 =	vmul.f32 v18, v11;
	v11 =	vld [tilespmem:s19+$0xEB30]  }
0x569: {  	[tilespmem:s19+$0xC3D8] =	vst v4;
	v4 =	vmul.f32 v9, v6;
	v6 =	vld [tilespmem:s19+$0x11248]  }
0x56a: {  	v5 =	vpack.i.f32.bf16 v7, v5;
	v7 =	vmul.f32 v13, v9;
	v9 =	vld [tilespmem:s19+$0xEB40]  }
0x56b: {  	[tilespmem:s19+$0xC3E8] =	vst v5;
	v5 =	vmul.f32 v8, v10;
	v10 =	vld [tilespmem:s19+$0x11258]  }
0x56c: {  	v4 =	vpack.i.f32.bf16 v7, v4;
	v7 =	vmul.f32 v16, v8;
	v8 =	vld [tilespmem:s19+$0xEB50]  }
0x56d: {  	[tilespmem:s19+$0xC3F8] =	vst v4;
	v4 =	vmul.f32 v14, v11;
	v11 =	vld [tilespmem:s19+$0x11268]  }
0x56e: {  	v5 =	vpack.i.f32.bf16 v7, v5;
	v6 =	vmul.f32 v6, v14;
	v7 =	vld [tilespmem:s19+$0xEB60]  }
0x56f: {  	[tilespmem:s19+$0xC408] =	vst v5;
	v9 =	vmul.f32 v15, v9;
	v13 =	vld [tilespmem:s19+$0x11278]  }
.Ltmp9:
0x570: {  	v5 =	vpack.i.f32.bf16 v6, v4;
	v6 =	vmul.f32 v10, v15;
	v4 =	vld [tilespmem:s19+$0xEB70];
	(pc) =	sbr.rel @p0 .LBB2_18-.Ltmp9, $4  }
0x571: {  	[tilespmem:s19+$0xC418] =	vst v5;
	v8 =	vmul.f32 v17, v8;
	v5 =	vld [tilespmem:s19+$0x11288]  }
0x572: {  	v9 =	vpack.i.f32.bf16 v6, v9;
	v10 =	vmul.f32 v11, v17;
	v6 =	vld [tilespmem:s19+$0xEB80]  }
0x573: {  	[tilespmem:s19+$0xC428] =	vst v9;
	v9 =	vmul.f32 v12, v7;
	v7 =	vld [tilespmem:s19+$0x11298]  }
0x574: {  	s21 =	sadd.s32 $0x400, s21;
	v11 =	vpack.i.f32.bf16 v10, v8;
	v10 =	vmul.f32 v13, v12;
	v8 =	vld [tilespmem:s19+$0xEB90]  }
0x575: {  	v12 =	vld [tilespmem:s19+$0x112A8];
	_ =	sdelay $0x2  }
0x576: {  	v4 =	vmul.f32 v1, v4;
	v1 =	vmul.f32 v5, v1  }
0x577: {  	[tilespmem:s19+$0xC438] =	vst v11;
	v62 =	vpack.i.f32.bf16 v10, v9;
	v6 =	vmul.f32 v3, v6;
	v3 =	vmul.f32 v7, v3  }
0x578: {  	[tilespmem:s19+$0xC448] =	vst v62;
	v1 =	vpack.i.f32.bf16 v1, v4;
	v63 =	vmul.f32 v2, v8;
	v2 =	vmul.f32 v12, v2  }
0x579: {  	[tilespmem:s19+$0xC458] =	vst v1;
	v1 =	vpack.i.f32.bf16 v3, v6  }
0x57a: {  	[tilespmem:s19+$0xC468] =	vst v1;
	v1 =	vpack.i.f32.bf16 v2, v63  }
0x57b: {  	[tilespmem:s19+$0xC478] =	vst v1  }
0x57c: {  	v1 =	vld [tilespmem:$0x16000]  }
0x57d: {  	v2 =	vld [tilespmem:$0x111B0]  }
0x57e: {  	v3 =	vld [tilespmem:$0x138C8];
	_ =	sdelay $0x2  }
0x57f: {  	v1 =	vmul.f32 v1, v1;
	_ =	sdelay $0x1  }
0x580: {  	v2 =	vmul.f32 v1, v2;
	v1 =	vmul.f32 v3, v1;
	_ =	sdelay $0x1  }
0x581: {  	v1 =	vpack.i.f32.bf16 v1, v2  }
0x582: {  	s19 =	simm.s32 $0x80;
	[tilespmem:$0xEA98] =	vst v1  }
0x583: {  	[tilespmem:s19+$0xFFFFFF80] =	vst v0  }
0x584: {  	[tilespmem:s19+$0x70] =	vst v0  }
0x585: {  	[tilespmem:s19+$0x60] =	vst v0  }
0x586: {  	[tilespmem:s19+$0x50] =	vst v0  }
0x587: {  	[tilespmem:s19+$0x40] =	vst v0  }
0x588: {  	[tilespmem:s19+$0x30] =	vst v0  }
0x589: {  	[tilespmem:s19+$0x20] =	vst v0  }
0x58a: {  	[tilespmem:s19+$0x10] =	vst v0  }
0x58b: {  	[tilespmem:s19+$0x0] =	vst v0  }
0x58c: {  	[tilespmem:s19+$0xFFFFFFF0] =	vst v0  }
0x58d: {  	[tilespmem:s19+$0xFFFFFFE0] =	vst v0  }
0x58e: {  	[tilespmem:s19+$0xFFFFFFD0] =	vst v0  }
0x58f: {  	[tilespmem:s19+$0xFFFFFFC0] =	vst v0  }
0x590: {  	[tilespmem:s19+$0xFFFFFFB0] =	vst v0  }
0x591: {  	s20 =	simm.s32 $0x0;
	[tilespmem:s19+$0xFFFFFFA0] =	vst v0  }
.LBB2_20:
0x592: {  	s20 =	sadd.s32 $0x10, s20;
	[tilespmem:s19+$0xFFFFFF90] =	vst v0;
	s19 =	sadd.s32 $0x100, s19  }
0x593: {  	[tilespmem:s19+$0xFFFFFF80] =	vst v0;
	p0 =	slt.u32 s20, $0x9B0  }
0x594: {  	[tilespmem:s19+$0x70] =	vst v0  }
0x595: {  	[tilespmem:s19+$0x60] =	vst v0  }
0x596: {  	[tilespmem:s19+$0x50] =	vst v0  }
0x597: {  	[tilespmem:s19+$0x40] =	vst v0  }
0x598: {  	[tilespmem:s19+$0x30] =	vst v0  }
0x599: {  	[tilespmem:s19+$0x20] =	vst v0  }
0x59a: {  	[tilespmem:s19+$0x10] =	vst v0  }
0x59b: {  	[tilespmem:s19+$0x0] =	vst v0  }
0x59c: {  	[tilespmem:s19+$0xFFFFFFF0] =	vst v0  }
.Ltmp10:
0x59d: {  	[tilespmem:s19+$0xFFFFFFE0] =	vst v0;
	(pc) =	sbr.rel @p0 .LBB2_20-.Ltmp10, $4  }
0x59e: {  	[tilespmem:s19+$0xFFFFFFD0] =	vst v0  }
0x59f: {  	[tilespmem:s19+$0xFFFFFFC0] =	vst v0  }
0x5a0: {  	[tilespmem:s19+$0xFFFFFFB0] =	vst v0  }
0x5a1: {  	[tilespmem:s19+$0xFFFFFFA0] =	vst v0  }
0x5a2: {  	[tilespmem:s19+$0xFFFFFF90] =	vst v0;
	s19 =	simm.s32 $0x0  }
.LBB2_22:
0x5a3: {  	p0 =	sne.s32 s19, $0x140  }
.Ltmp11:
0x5a4: {  	_ = 	snop;
	(pc) =	sbr.rel @p0 .LBB2_22-.Ltmp11, $3  }
0x5a5: {  	_ =	sdelay $0x1  }
0x5a6: {  	s20 =	sshra.s32 s19, $0x2  }
0x5a7: {  	s19 =	sadd.s32 $0x40, s19;
	[tilespmem:s20+$0x9C00] =	vst v0  }
0x5a8: {  	s19 =	simm.s32 $0x0  }
0x5a9: {  	[tilespmem:s13], [sflag:$0x1] =	stream.linear.gather [hbm4b:s2+s19], $0x2000, $0x38;
	[tilespmem:$0x1A080] =	vst v63  }
0x5aa: {  	_ = 	snop  }
0x5ab: {  	[tilespmem:s14], [sflag:$0x2] =	stream.linear.gather [hbm4b:s6+s19], $0x2000, $0x38;
	[tilespmem:$0x1A080] =	vst v63  }
.LBB2_24:
0x5ac: {  	_ =	swait.ge [sflag:s15], $0x2000  }
0x5ad: {  	[sflag:s15] =	ssyncset.done $0x0  }
0x5ae: {  	s20 =	simm.s32 $0xFFFFFFC0;
	s21 =	simm.s32 $0x16280;
	[sflag:s15] =	ssyncadd.s32 $0xFFFFE000  }
.LBB2_25:
0x5af: {  	v1 =	vld [tilespmem:s21+$0xFFFFFE00]  }
0x5b0: {  	v2 =	vld [tilespmem:s21+$0xFFFFFE10]  }
0x5b1: {  	v9 =	vld [tilespmem:s21+$0xFFFFFE20]  }
0x5b2: {  	v35 =	vld [tilespmem:s21+$0xFFFFFE30]  }
0x5b3: {  	v37 =	vld [tilespmem:s21+$0xFFFFFE40]  }
0x5b4: {  	v45 =	vld [tilespmem:s21+$0xFFFFFE50]  }
0x5b5: {  	v50 =	vld [tilespmem:s21+$0xFFFFFE60];
	v3 =	vand.u32 $0xFFFF, v1  }
0x5b6: {  	v63 =	vld [tilespmem:s21+$0xFFFFFE80];
	v4 =	vand.u32 $0xFFFF, v2  }
0x5b7: {  	v26 =	vld [tilespmem:s21+$0xFFFFFEA0];
	v34 =	vand.u32 $0xFFFF, v9  }
0x5b8: {  	v57 =	vld [tilespmem:s21+$0xFFFFFE70];
	v13 =	vand.u32 $0xFFFF, v35  }
0x5b9: {  	v22 =	vld [tilespmem:s21+$0xFFFFFE90];
	v49 =	vand.u32 $0xFFFF, v45  }
0x5ba: {  	v54 =	vand.u32 $0xFFFF, v50;
	v5 =	vld.idx.msk [tilespmem:v3+s16+$0x0], $0xffff  }
0x5bb: {  	v16 =	vand.u32 $0xFFFF, v63;
	v7 =	vld.idx.msk [tilespmem:v4+s16+$0x0], $0xffff  }
0x5bc: {  	v30 =	vand.u32 $0xFFFF, v26;
	v12 =	vld.idx.msk [tilespmem:v34+s16+$0x0], $0xffff  }
0x5bd: {  	v1 =	vshrl.u32 v1, $0x10;
	v39 =	vld.idx.msk [tilespmem:v13+s16+$0x0], $0xffff  }
0x5be: {  	v2 =	vshrl.u32 v2, $0x10;
	v53 =	vld.idx.msk [tilespmem:v49+s16+$0x0], $0xffff  }
0x5bf: {  	v6 =	vadd.s32 $0x2718, v1;
	v60 =	vld.idx.msk [tilespmem:v54+s16+$0x0], $0xffff  }
0x5c0: {  	v3 =	vadd.s32 $0x2718, v3;
	v20 =	vld.idx.msk [tilespmem:v16+s16+$0x0], $0xffff  }
0x5c1: {  	v41 =	vshrl.u32 v35, $0x10;
	v31 =	vadd.s32 $0x2718, v2;
	v35 =	vld.idx.msk [tilespmem:v30+s16+$0x0], $0xffff;
	v8 =	vunpack.i.l.bf16.f32 v5  }
0x5c2: {  	v4 =	vadd.s32 $0x2718, v4;
	v32 =	vunpack.i.l.bf16.f32 v7;
	[tilespmem:v1+s3+$0x0] =	vst.idx.add.f32.msk $0xffff, v8  }
0x5c3: {  	v42 =	vadd.s32 $0x2718, v13;
	v13 =	vand.u32 $0xFFFF, v57;
	v5 =	vunpack.i.u.bf16.f32 v5;
	[tilespmem:v2+s3+$0x0] =	vst.idx.add.f32.msk $0xffff, v32  }
0x5c4: {  	v9 =	vshrl.u32 v9, $0x10;
	[tilespmem:v6+s3+$0x0] =	vst.idx.add.f32.msk $0xffff, v5  }
0x5c5: {  	v33 =	vunpack.i.u.bf16.f32 v7;
	v3 =	vld.idx.msk [tilespmem:v3+s16+$0x0], $0xffff  }
0x5c6: {  	v10 =	vadd.s32 $0x4E30, v1;
	[tilespmem:v31+s3+$0x0] =	vst.idx.add.f32.msk $0xffff, v33  }
0x5c7: {  	v1 =	vadd.s32 $0x7548, v1;
	v4 =	vld.idx.msk [tilespmem:v4+s16+$0x0], $0xffff  }
0x5c8: {  	v36 =	vadd.s32 $0x4E30, v2;
	v38 =	vunpack.i.l.bf16.f32 v12;
	v19 =	vld.idx.msk [tilespmem:v13+s16+$0x0], $0xffff  }
0x5c9: {  	v61 =	vshrl.u32 v50, $0x10;
	v44 =	vunpack.i.l.bf16.f32 v39;
	[tilespmem:v9+s3+$0x0] =	vst.idx.add.f32.msk $0xffff, v38  }
0x5ca: {  	v24 =	vshrl.u32 v63, $0x10;
	[tilespmem:v41+s3+$0x0] =	vst.idx.add.f32.msk $0xffff, v44;
	v11 =	vunpack.i.l.bf16.f32 v3  }
0x5cb: {  	v2 =	vadd.s32 $0x7548, v2;
	v3 =	vunpack.i.u.bf16.f32 v3;
	[tilespmem:v10+s3+$0x0] =	vst.idx.add.f32.msk $0xffff, v11  }
0x5cc: {  	[tilespmem:v1+s3+$0x0] =	vst.idx.add.f32.msk $0xffff, v3;
	v1 =	vunpack.i.l.bf16.f32 v4;
	v3 =	vadd.s32 $0x2718, v9  }
0x5cd: {  	v14 =	vunpack.i.l.bf16.f32 v60;
	[tilespmem:v36+s3+$0x0] =	vst.idx.add.f32.msk $0xffff, v1;
	v1 =	vand.u32 $0xFFFF, v37  }
0x5ce: {  	v28 =	vand.u32 $0xFFFF, v22;
	v27 =	vunpack.i.l.bf16.f32 v20;
	[tilespmem:v61+s3+$0x0] =	vst.idx.add.f32.msk $0xffff, v14  }
0x5cf: {  	v62 =	vadd.s32 $0x2718, v61;
	[tilespmem:v24+s3+$0x0] =	vst.idx.add.f32.msk $0xffff, v27;
	v4 =	vunpack.i.u.bf16.f32 v4  }
0x5d0: {  	v40 =	vunpack.i.u.bf16.f32 v12;
	[tilespmem:v2+s3+$0x0] =	vst.idx.add.f32.msk $0xffff, v4;
	v2 =	vadd.s32 $0x2718, v34  }
0x5d1: {  	[tilespmem:v3+s3+$0x0] =	vst.idx.add.f32.msk $0xffff, v40;
	v3 =	vadd.s32 $0x2718, v41  }
0x5d2: {  	v43 =	vld.idx.msk [tilespmem:v1+s16+$0x0], $0xffff  }
0x5d3: {  	v15 =	vunpack.i.u.bf16.f32 v60;
	v8 =	vshrl.u32 v37, $0x10;
	v32 =	vld.idx.msk [tilespmem:v28+s16+$0x0], $0xffff  }
0x5d4: {  	v46 =	vadd.s32 $0x2718, v8;
	[tilespmem:v62+s3+$0x0] =	vst.idx.add.f32.msk $0xffff, v15  }
0x5d5: {  	v5 =	vunpack.i.u.bf16.f32 v39;
	v1 =	vadd.s32 $0x2718, v1;
	v2 =	vld.idx.msk [tilespmem:v2+s16+$0x0], $0xffff  }
0x5d6: {  	[tilespmem:v3+s3+$0x0] =	vst.idx.add.f32.msk $0xffff, v5;
	v3 =	vadd.s32 $0x4E30, v9  }
0x5d7: {  	v5 =	vld.idx.msk [tilespmem:v42+s16+$0x0], $0xffff;
	v47 =	vunpack.i.l.bf16.f32 v43  }
0x5d8: {  	v48 =	vunpack.i.u.bf16.f32 v43;
	[tilespmem:v8+s3+$0x0] =	vst.idx.add.f32.msk $0xffff, v47  }
0x5d9: {  	v9 =	vadd.s32 $0x7548, v9;
	[tilespmem:v46+s3+$0x0] =	vst.idx.add.f32.msk $0xffff, v48  }
0x5da: {  	v51 =	vadd.s32 $0x4E30, v41;
	v52 =	vunpack.i.l.bf16.f32 v2;
	v1 =	vld.idx.msk [tilespmem:v1+s16+$0x0], $0xffff  }
0x5db: {  	[tilespmem:v3+s3+$0x0] =	vst.idx.add.f32.msk $0xffff, v52;
	v3 =	vadd.s32 $0x4E30, v8  }
0x5dc: {  	v36 =	vld [tilespmem:s21+$0xFFFFFEB0]  }
0x5dd: {  	v42 =	vld [tilespmem:s21+$0xFFFFFEC0];
	v2 =	vunpack.i.u.bf16.f32 v2  }
0x5de: {  	v4 =	vadd.s32 $0x7548, v41;
	[tilespmem:v9+s3+$0x0] =	vst.idx.add.f32.msk $0xffff, v2;
	v2 =	vunpack.i.l.bf16.f32 v5  }
0x5df: {  	[tilespmem:v51+s3+$0x0] =	vst.idx.add.f32.msk $0xffff, v2;
	v2 =	vshrl.u32 v45, $0x10;
	v55 =	vunpack.i.l.bf16.f32 v1  }
0x5e0: {  	[tilespmem:v3+s3+$0x0] =	vst.idx.add.f32.msk $0xffff, v55;
	v3 =	vadd.s32 $0x2718, v2  }
0x5e1: {  	v56 =	vadd.s32 $0x2718, v49;
	v58 =	vadd.s32 $0x7548, v8;
	v62 =	vld [tilespmem:s21+$0xFFFFFEF0]  }
0x5e2: {  	v23 =	vunpack.i.l.bf16.f32 v19;
	v11 =	vunpack.i.u.bf16.f32 v19;
	v19 =	vld [tilespmem:s21+$0xFFFFFF00];
	v5 =	vunpack.i.u.bf16.f32 v5  }
0x5e3: {  	v59 =	vunpack.i.l.bf16.f32 v53;
	v41 =	vand.u32 $0xFFFF, v36;
	[tilespmem:v4+s3+$0x0] =	vst.idx.add.f32.msk $0xffff, v5  }
0x5e4: {  	v6 =	vunpack.i.u.bf16.f32 v53;
	[tilespmem:v2+s3+$0x0] =	vst.idx.add.f32.msk $0xffff, v59  }
0x5e5: {  	v48 =	vand.u32 $0xFFFF, v42;
	[tilespmem:v3+s3+$0x0] =	vst.idx.add.f32.msk $0xffff, v6  }
0x5e6: {  	v1 =	vunpack.i.u.bf16.f32 v1;
	v4 =	vld.idx.msk [tilespmem:v56+s16+$0x0], $0xffff  }
0x5e7: {  	[tilespmem:v58+s3+$0x0] =	vst.idx.add.f32.msk $0xffff, v1;
	v1 =	vadd.s32 $0x4E30, v2  }
0x5e8: {  	v47 =	vld.idx.msk [tilespmem:v41+s16+$0x0], $0xffff;
	v2 =	vadd.s32 $0x7548, v2  }
0x5e9: {  	v45 =	vld [tilespmem:s21+$0xFFFFFED0];
	v3 =	vadd.s32 $0x2718, v54  }
0x5ea: {  	v51 =	vld.idx.msk [tilespmem:v48+s16+$0x0], $0xffff  }
0x5eb: {  	v25 =	vadd.s32 $0x2718, v24;
	v56 =	vld [tilespmem:s21+$0xFFFFFEE0];
	v17 =	vunpack.i.l.bf16.f32 v4  }
0x5ec: {  	v4 =	vunpack.i.u.bf16.f32 v4;
	[tilespmem:v1+s3+$0x0] =	vst.idx.add.f32.msk $0xffff, v17;
	v1 =	vshrl.u32 v57, $0x10  }
0x5ed: {  	[tilespmem:v2+s3+$0x0] =	vst.idx.add.f32.msk $0xffff, v4;
	v2 =	vadd.s32 $0x2718, v1  }
0x5ee: {  	v6 =	vadd.s32 $0x2718, v13;
	v3 =	vld.idx.msk [tilespmem:v3+s16+$0x0], $0xffff  }
0x5ef: {  	v18 =	vadd.s32 $0x4E30, v61;
	v53 =	vadd.s32 $0x2718, v48;
	v48 =	vld [tilespmem:s21+$0xFFFFFF40];
	v4 =	vunpack.i.u.bf16.f32 v20  }
0x5f0: {  	v8 =	vadd.s32 $0x7548, v61;
	[tilespmem:v25+s3+$0x0] =	vst.idx.add.f32.msk $0xffff, v4  }
0x5f1: {  	[tilespmem:v1+s3+$0x0] =	vst.idx.add.f32.msk $0xffff, v23  }
0x5f2: {  	v7 =	vadd.s32 $0x2718, v16;
	[tilespmem:v2+s3+$0x0] =	vst.idx.add.f32.msk $0xffff, v11  }
0x5f3: {  	v61 =	vand.u32 $0xFFFF, v56;
	v21 =	vunpack.i.l.bf16.f32 v3;
	v2 =	vld.idx.msk [tilespmem:v6+s16+$0x0], $0xffff  }
0x5f4: {  	v29 =	vadd.s32 $0x4E30, v1;
	v3 =	vunpack.i.u.bf16.f32 v3;
	[tilespmem:v18+s3+$0x0] =	vst.idx.add.f32.msk $0xffff, v21  }
0x5f5: {  	v1 =	vadd.s32 $0x7548, v1;
	[tilespmem:v8+s3+$0x0] =	vst.idx.add.f32.msk $0xffff, v3  }
0x5f6: {  	v39 =	vadd.s32 $0x7548, v24;
	v17 =	vand.u32 $0xFFFF, v62;
	v3 =	vadd.s32 $0x4E30, v24;
	v24 =	vld [tilespmem:s21+$0xFFFFFF10]  }
0x5f7: {  	v25 =	vand.u32 $0xFFFF, v19;
	v4 =	vld.idx.msk [tilespmem:v7+s16+$0x0], $0xffff  }
0x5f8: {  	v16 =	vld.idx.msk [tilespmem:v61+s16+$0x0], $0xffff;
	v31 =	vunpack.i.l.bf16.f32 v2  }
0x5f9: {  	v33 =	vshrl.u32 v22, $0x10;
	v2 =	vunpack.i.u.bf16.f32 v2;
	[tilespmem:v29+s3+$0x0] =	vst.idx.add.f32.msk $0xffff, v31  }
0x5fa: {  	[tilespmem:v1+s3+$0x0] =	vst.idx.add.f32.msk $0xffff, v2;
	v1 =	vadd.s32 $0x2718, v33  }
0x5fb: {  	v34 =	vadd.s32 $0x2718, v28;
	v21 =	vld.idx.msk [tilespmem:v17+s16+$0x0], $0xffff;
	v28 =	vand.u32 $0xFFFF, v24  }
0x5fc: {  	v31 =	vld.idx.msk [tilespmem:v25+s16+$0x0], $0xffff;
	v2 =	vunpack.i.l.bf16.f32 v4  }
0x5fd: {  	[tilespmem:v3+s3+$0x0] =	vst.idx.add.f32.msk $0xffff, v2;
	v2 =	vshrl.u32 v26, $0x10;
	v3 =	vunpack.i.l.bf16.f32 v32  }
0x5fe: {  	v7 =	vunpack.i.u.bf16.f32 v32;
	[tilespmem:v33+s3+$0x0] =	vst.idx.add.f32.msk $0xffff, v3;
	v3 =	vadd.s32 $0x2718, v2  }
0x5ff: {  	[tilespmem:v1+s3+$0x0] =	vst.idx.add.f32.msk $0xffff, v7;
	v1 =	vadd.s32 $0x2718, v30  }
0x600: {  	v32 =	vld.idx.msk [tilespmem:v28+s16+$0x0], $0xffff  }
0x601: {  	v38 =	vunpack.i.l.bf16.f32 v35;
	v22 =	vshrl.u32 v62, $0x10;
	v37 =	vld.idx.msk [tilespmem:v34+s16+$0x0], $0xffff  }
0x602: {  	v40 =	vunpack.i.u.bf16.f32 v35;
	v23 =	vadd.s32 $0x2718, v22;
	[tilespmem:v2+s3+$0x0] =	vst.idx.add.f32.msk $0xffff, v38  }
0x603: {  	v43 =	vadd.s32 $0x4E30, v33;
	[tilespmem:v3+s3+$0x0] =	vst.idx.add.f32.msk $0xffff, v40  }
0x604: {  	v4 =	vunpack.i.u.bf16.f32 v4;
	v3 =	vadd.s32 $0x7548, v33;
	v1 =	vld.idx.msk [tilespmem:v1+s16+$0x0], $0xffff  }
0x605: {  	v26 =	vunpack.i.l.bf16.f32 v21;
	v44 =	vadd.s32 $0x4E30, v2;
	[tilespmem:v39+s3+$0x0] =	vst.idx.add.f32.msk $0xffff, v4  }
0x606: {  	v27 =	vunpack.i.u.bf16.f32 v21;
	[tilespmem:v22+s3+$0x0] =	vst.idx.add.f32.msk $0xffff, v26  }
0x607: {  	[tilespmem:v23+s3+$0x0] =	vst.idx.add.f32.msk $0xffff, v27;
	v2 =	vadd.s32 $0x7548, v2;
	v46 =	vunpack.i.l.bf16.f32 v37  }
0x608: {  	v49 =	vshrl.u32 v36, $0x10;
	v5 =	vunpack.i.u.bf16.f32 v37;
	[tilespmem:v43+s3+$0x0] =	vst.idx.add.f32.msk $0xffff, v46  }
0x609: {  	[tilespmem:v3+s3+$0x0] =	vst.idx.add.f32.msk $0xffff, v5;
	v3 =	vunpack.i.l.bf16.f32 v1  }
0x60a: {  	[tilespmem:v44+s3+$0x0] =	vst.idx.add.f32.msk $0xffff, v3;
	v3 =	vand.u32 $0xFFFF, v45  }
0x60b: {  	v50 =	vadd.s32 $0x2718, v49;
	v23 =	vld [tilespmem:s21+$0xFFFFFF80];
	v1 =	vunpack.i.u.bf16.f32 v1  }
0x60c: {  	[tilespmem:v2+s3+$0x0] =	vst.idx.add.f32.msk $0xffff, v1;
	v1 =	vadd.s32 $0x2718, v41;
	v2 =	vunpack.i.l.bf16.f32 v47  }
0x60d: {  	[tilespmem:v49+s3+$0x0] =	vst.idx.add.f32.msk $0xffff, v2;
	v2 =	vshrl.u32 v42, $0x10  }
0x60e: {  	v34 =	vld [tilespmem:s21+$0xFFFFFF20];
	v52 =	vadd.s32 $0x2718, v2  }
0x60f: {  	v8 =	vunpack.i.u.bf16.f32 v47;
	v54 =	vld.idx.msk [tilespmem:v3+s16+$0x0], $0xffff  }
0x610: {  	v7 =	vshrl.u32 v45, $0x10;
	[tilespmem:v50+s3+$0x0] =	vst.idx.add.f32.msk $0xffff, v8  }
0x611: {  	v55 =	vunpack.i.l.bf16.f32 v51;
	v57 =	vadd.s32 $0x2718, v7;
	v1 =	vld.idx.msk [tilespmem:v1+s16+$0x0], $0xffff  }
0x612: {  	v6 =	vunpack.i.u.bf16.f32 v51;
	v3 =	vadd.s32 $0x2718, v3;
	[tilespmem:v2+s3+$0x0] =	vst.idx.add.f32.msk $0xffff, v55  }
0x613: {  	[tilespmem:v52+s3+$0x0] =	vst.idx.add.f32.msk $0xffff, v6  }
0x614: {  	v58 =	vadd.s32 $0x4E30, v49;
	v6 =	vld.idx.msk [tilespmem:v53+s16+$0x0], $0xffff;
	v59 =	vunpack.i.l.bf16.f32 v54  }
0x615: {  	v4 =	vadd.s32 $0x7548, v49;
	v60 =	vunpack.i.u.bf16.f32 v54;
	[tilespmem:v7+s3+$0x0] =	vst.idx.add.f32.msk $0xffff, v59  }
0x616: {  	v63 =	vadd.s32 $0x4E30, v2;
	[tilespmem:v57+s3+$0x0] =	vst.idx.add.f32.msk $0xffff, v60  }
0x617: {  	v2 =	vadd.s32 $0x7548, v2;
	v3 =	vld.idx.msk [tilespmem:v3+s16+$0x0], $0xffff  }
0x618: {  	v15 =	vadd.s32 $0x4E30, v7;
	v38 =	vld [tilespmem:s21+$0xFFFFFF30];
	v14 =	vunpack.i.l.bf16.f32 v1  }
0x619: {  	v36 =	vshrl.u32 v24, $0x10;
	v1 =	vunpack.i.u.bf16.f32 v1;
	[tilespmem:v58+s3+$0x0] =	vst.idx.add.f32.msk $0xffff, v14  }
0x61a: {  	v40 =	vand.u32 $0xFFFF, v34;
	[tilespmem:v4+s3+$0x0] =	vst.idx.add.f32.msk $0xffff, v1;
	v1 =	vunpack.i.l.bf16.f32 v6  }
0x61b: {  	v6 =	vunpack.i.u.bf16.f32 v6;
	[tilespmem:v63+s3+$0x0] =	vst.idx.add.f32.msk $0xffff, v1  }
0x61c: {  	v1 =	vshrl.u32 v56, $0x10;
	[tilespmem:v2+s3+$0x0] =	vst.idx.add.f32.msk $0xffff, v6;
	v2 =	vunpack.i.l.bf16.f32 v3  }
0x61d: {  	v39 =	vunpack.i.l.bf16.f32 v32;
	[tilespmem:v15+s3+$0x0] =	vst.idx.add.f32.msk $0xffff, v2;
	v2 =	vadd.s32 $0x2718, v1  }
0x61e: {  	v18 =	vadd.s32 $0x2718, v61;
	[tilespmem:v36+s3+$0x0] =	vst.idx.add.f32.msk $0xffff, v39  }
0x61f: {  	v44 =	vld.idx.msk [tilespmem:v40+s16+$0x0], $0xffff;
	v7 =	vadd.s32 $0x7548, v7  }
0x620: {  	v20 =	vunpack.i.l.bf16.f32 v16;
	v42 =	vand.u32 $0xFFFF, v38;
	v54 =	vld [tilespmem:s21+$0xFFFFFF50]  }
0x621: {  	v4 =	vunpack.i.u.bf16.f32 v16;
	[tilespmem:v1+s3+$0x0] =	vst.idx.add.f32.msk $0xffff, v20  }
0x622: {  	v53 =	vand.u32 $0xFFFF, v48;
	[tilespmem:v2+s3+$0x0] =	vst.idx.add.f32.msk $0xffff, v4  }
0x623: {  	v3 =	vunpack.i.u.bf16.f32 v3;
	v4 =	vld.idx.msk [tilespmem:v18+s16+$0x0], $0xffff  }
0x624: {  	[tilespmem:v7+s3+$0x0] =	vst.idx.add.f32.msk $0xffff, v3;
	v3 =	vadd.s32 $0x4E30, v1  }
0x625: {  	v47 =	vld.idx.msk [tilespmem:v42+s16+$0x0], $0xffff;
	v1 =	vadd.s32 $0x7548, v1  }
0x626: {  	v57 =	vld [tilespmem:s21+$0xFFFFFF60];
	v60 =	vand.u32 $0xFFFF, v54  }
0x627: {  	v59 =	vld.idx.msk [tilespmem:v53+s16+$0x0], $0xffff;
	v2 =	vadd.s32 $0x2718, v17  }
0x628: {  	v7 =	vadd.s32 $0x2718, v28;
	v28 =	vand.u32 $0xFFFF, v23;
	v17 =	vld [tilespmem:s21+$0xFFFFFF70];
	v29 =	vunpack.i.l.bf16.f32 v4  }
0x629: {  	v4 =	vunpack.i.u.bf16.f32 v4;
	[tilespmem:v3+s3+$0x0] =	vst.idx.add.f32.msk $0xffff, v29;
	v3 =	vshrl.u32 v19, $0x10  }
0x62a: {  	[tilespmem:v1+s3+$0x0] =	vst.idx.add.f32.msk $0xffff, v4;
	v1 =	vadd.s32 $0x2718, v3  }
0x62b: {  	v5 =	vadd.s32 $0x2718, v25;
	v63 =	vld.idx.msk [tilespmem:v60+s16+$0x0], $0xffff  }
0x62c: {  	v37 =	vadd.s32 $0x2718, v36;
	v2 =	vld.idx.msk [tilespmem:v2+s16+$0x0], $0xffff  }
0x62d: {  	v9 =	vadd.s32 $0x7548, v22;
	v35 =	vunpack.i.l.bf16.f32 v31;
	v4 =	vunpack.i.u.bf16.f32 v32;
	v32 =	vld.idx.msk [tilespmem:v28+s16+$0x0], $0xffff  }
0x62e: {  	v11 =	vunpack.i.u.bf16.f32 v31;
	v30 =	vadd.s32 $0x4E30, v22;
	v22 =	vand.u32 $0xFFFF, v17;
	[tilespmem:v3+s3+$0x0] =	vst.idx.add.f32.msk $0xffff, v35  }
0x62f: {  	[tilespmem:v1+s3+$0x0] =	vst.idx.add.f32.msk $0xffff, v11  }
0x630: {  	v1 =	vld.idx.msk [tilespmem:v5+s16+$0x0], $0xffff  }
0x631: {  	v41 =	vadd.s32 $0x4E30, v3;
	[tilespmem:v37+s3+$0x0] =	vst.idx.add.f32.msk $0xffff, v4  }
0x632: {  	v4 =	vld.idx.msk [tilespmem:v7+s16+$0x0], $0xffff;
	v3 =	vadd.s32 $0x7548, v3  }
0x633: {  	v33 =	vunpack.i.l.bf16.f32 v2;
	v27 =	vld.idx.msk [tilespmem:v22+s16+$0x0], $0xffff  }
0x634: {  	v2 =	vunpack.i.u.bf16.f32 v2;
	[tilespmem:v30+s3+$0x0] =	vst.idx.add.f32.msk $0xffff, v33  }
0x635: {  	[tilespmem:v9+s3+$0x0] =	vst.idx.add.f32.msk $0xffff, v2;
	v2 =	vadd.s32 $0x4E30, v36;
	v43 =	vunpack.i.l.bf16.f32 v1  }
0x636: {  	v45 =	vshrl.u32 v34, $0x10;
	v1 =	vunpack.i.u.bf16.f32 v1;
	[tilespmem:v41+s3+$0x0] =	vst.idx.add.f32.msk $0xffff, v43  }
0x637: {  	[tilespmem:v3+s3+$0x0] =	vst.idx.add.f32.msk $0xffff, v1;
	v1 =	vadd.s32 $0x2718, v45  }
0x638: {  	v30 =	vld [tilespmem:s21+$0xFFFFFF90];
	v33 =	vshrl.u32 v23, $0x10  }
0x639: {  	v46 =	vadd.s32 $0x2718, v40;
	v35 =	vld [tilespmem:s21+$0xFFFFFFA0];
	v3 =	vunpack.i.l.bf16.f32 v4  }
0x63a: {  	[tilespmem:v2+s3+$0x0] =	vst.idx.add.f32.msk $0xffff, v3;
	v2 =	vshrl.u32 v38, $0x10;
	v3 =	vunpack.i.l.bf16.f32 v44  }
0x63b: {  	v7 =	vunpack.i.u.bf16.f32 v44;
	[tilespmem:v45+s3+$0x0] =	vst.idx.add.f32.msk $0xffff, v3;
	v3 =	vadd.s32 $0x2718, v2  }
0x63c: {  	v37 =	vunpack.i.l.bf16.f32 v32;
	[tilespmem:v1+s3+$0x0] =	vst.idx.add.f32.msk $0xffff, v7;
	v1 =	vadd.s32 $0x2718, v42  }
0x63d: {  	[tilespmem:v33+s3+$0x0] =	vst.idx.add.f32.msk $0xffff, v37  }
0x63e: {  	v50 =	vunpack.i.l.bf16.f32 v47;
	v39 =	vand.u32 $0xFFFF, v35;
	v49 =	vld.idx.msk [tilespmem:v46+s16+$0x0], $0xffff  }
0x63f: {  	v51 =	vadd.s32 $0x7548, v36;
	v52 =	vunpack.i.u.bf16.f32 v47;
	[tilespmem:v2+s3+$0x0] =	vst.idx.add.f32.msk $0xffff, v50  }
0x640: {  	v55 =	vadd.s32 $0x4E30, v45;
	[tilespmem:v3+s3+$0x0] =	vst.idx.add.f32.msk $0xffff, v52  }
0x641: {  	v3 =	vadd.s32 $0x7548, v45;
	v1 =	vld.idx.msk [tilespmem:v1+s16+$0x0], $0xffff  }
0x642: {  	v37 =	vld [tilespmem:s21+$0x10];
	v56 =	vadd.s32 $0x4E30, v2  }
0x643: {  	v34 =	vadd.s32 $0x2718, v33;
	v4 =	vunpack.i.u.bf16.f32 v4;
	v43 =	vld.idx.msk [tilespmem:v39+s16+$0x0], $0xffff  }
0x644: {  	[tilespmem:v51+s3+$0x0] =	vst.idx.add.f32.msk $0xffff, v4;
	v2 =	vadd.s32 $0x7548, v2;
	v58 =	vunpack.i.l.bf16.f32 v49  }
0x645: {  	v61 =	vshrl.u32 v48, $0x10;
	v5 =	vunpack.i.u.bf16.f32 v49;
	[tilespmem:v55+s3+$0x0] =	vst.idx.add.f32.msk $0xffff, v58  }
0x646: {  	[tilespmem:v3+s3+$0x0] =	vst.idx.add.f32.msk $0xffff, v5;
	v3 =	vunpack.i.l.bf16.f32 v1  }
0x647: {  	v38 =	vunpack.i.u.bf16.f32 v32;
	[tilespmem:v56+s3+$0x0] =	vst.idx.add.f32.msk $0xffff, v3;
	v3 =	vand.u32 $0xFFFF, v57  }
0x648: {  	v62 =	vadd.s32 $0x2718, v61;
	[tilespmem:v34+s3+$0x0] =	vst.idx.add.f32.msk $0xffff, v38;
	v1 =	vunpack.i.u.bf16.f32 v1  }
0x649: {  	[tilespmem:v2+s3+$0x0] =	vst.idx.add.f32.msk $0xffff, v1;
	v1 =	vadd.s32 $0x2718, v53;
	v2 =	vunpack.i.l.bf16.f32 v59  }
0x64a: {  	[tilespmem:v61+s3+$0x0] =	vst.idx.add.f32.msk $0xffff, v2;
	v2 =	vshrl.u32 v54, $0x10  }
0x64b: {  	v45 =	vld [tilespmem:s21+$0xFFFFFFB0];
	v12 =	vadd.s32 $0x2718, v2  }
0x64c: {  	v14 =	vadd.s32 $0x2718, v60;
	v8 =	vunpack.i.u.bf16.f32 v59;
	v15 =	vld.idx.msk [tilespmem:v3+s16+$0x0], $0xffff  }
0x64d: {  	v7 =	vshrl.u32 v57, $0x10;
	[tilespmem:v62+s3+$0x0] =	vst.idx.add.f32.msk $0xffff, v8  }
0x64e: {  	v16 =	vunpack.i.l.bf16.f32 v63;
	v18 =	vadd.s32 $0x2718, v7;
	v1 =	vld.idx.msk [tilespmem:v1+s16+$0x0], $0xffff  }
0x64f: {  	v6 =	vunpack.i.u.bf16.f32 v63;
	v3 =	vadd.s32 $0x2718, v3;
	[tilespmem:v2+s3+$0x0] =	vst.idx.add.f32.msk $0xffff, v16  }
0x650: {  	[tilespmem:v12+s3+$0x0] =	vst.idx.add.f32.msk $0xffff, v6  }
0x651: {  	v19 =	vadd.s32 $0x4E30, v61;
	v6 =	vld.idx.msk [tilespmem:v14+s16+$0x0], $0xffff;
	v20 =	vunpack.i.l.bf16.f32 v15  }
0x652: {  	v4 =	vadd.s32 $0x7548, v61;
	v21 =	vunpack.i.u.bf16.f32 v15;
	[tilespmem:v7+s3+$0x0] =	vst.idx.add.f32.msk $0xffff, v20  }
0x653: {  	v24 =	vadd.s32 $0x4E30, v2;
	[tilespmem:v18+s3+$0x0] =	vst.idx.add.f32.msk $0xffff, v21  }
0x654: {  	v2 =	vadd.s32 $0x7548, v2;
	v3 =	vld.idx.msk [tilespmem:v3+s16+$0x0], $0xffff  }
0x655: {  	v26 =	vadd.s32 $0x4E30, v7;
	v49 =	vld [tilespmem:s21+$0xFFFFFFC0];
	v25 =	vunpack.i.l.bf16.f32 v1  }
0x656: {  	v1 =	vunpack.i.u.bf16.f32 v1;
	[tilespmem:v19+s3+$0x0] =	vst.idx.add.f32.msk $0xffff, v25  }
0x657: {  	v36 =	vand.u32 $0xFFFF, v30;
	[tilespmem:v4+s3+$0x0] =	vst.idx.add.f32.msk $0xffff, v1;
	v1 =	vunpack.i.l.bf16.f32 v6  }
0x658: {  	v47 =	vshrl.u32 v35, $0x10;
	v6 =	vunpack.i.u.bf16.f32 v6;
	[tilespmem:v24+s3+$0x0] =	vst.idx.add.f32.msk $0xffff, v1  }
0x659: {  	v1 =	vshrl.u32 v17, $0x10;
	[tilespmem:v2+s3+$0x0] =	vst.idx.add.f32.msk $0xffff, v6;
	v2 =	vunpack.i.l.bf16.f32 v3  }
0x65a: {  	[tilespmem:v26+s3+$0x0] =	vst.idx.add.f32.msk $0xffff, v2;
	v2 =	vadd.s32 $0x2718, v1  }
0x65b: {  	v29 =	vadd.s32 $0x2718, v22;
	v59 =	vld [tilespmem:s21+$0xFFFFFFD0]  }
0x65c: {  	v42 =	vld.idx.msk [tilespmem:v36+s16+$0x0], $0xffff;
	v50 =	vunpack.i.l.bf16.f32 v43;
	v7 =	vadd.s32 $0x7548, v7  }
0x65d: {  	v31 =	vunpack.i.l.bf16.f32 v27;
	[tilespmem:v47+s3+$0x0] =	vst.idx.add.f32.msk $0xffff, v50;
	v51 =	vand.u32 $0xFFFF, v45  }
0x65e: {  	v53 =	vand.u32 $0xFFFF, v49;
	v4 =	vunpack.i.u.bf16.f32 v27;
	[tilespmem:v1+s3+$0x0] =	vst.idx.add.f32.msk $0xffff, v31  }
0x65f: {  	[tilespmem:v2+s3+$0x0] =	vst.idx.add.f32.msk $0xffff, v4  }
0x660: {  	v16 =	vand.u32 $0xFFFF, v59;
	v3 =	vunpack.i.u.bf16.f32 v3;
	v4 =	vld.idx.msk [tilespmem:v29+s16+$0x0], $0xffff  }
0x661: {  	[tilespmem:v7+s3+$0x0] =	vst.idx.add.f32.msk $0xffff, v3;
	v3 =	vadd.s32 $0x4E30, v1  }
0x662: {  	v55 =	vld.idx.msk [tilespmem:v51+s16+$0x0], $0xffff;
	v1 =	vadd.s32 $0x7548, v1  }
0x663: {  	v58 =	vld.idx.msk [tilespmem:v53+s16+$0x0], $0xffff  }
0x664: {  	v20 =	vld [tilespmem:s21+$0xFFFFFFF0]  }
0x665: {  	v22 =	vld.idx.msk [tilespmem:v16+s16+$0x0], $0xffff;
	v2 =	vadd.s32 $0x2718, v28;
	v40 =	vunpack.i.l.bf16.f32 v4  }
0x666: {  	v4 =	vunpack.i.u.bf16.f32 v4;
	[tilespmem:v3+s3+$0x0] =	vst.idx.add.f32.msk $0xffff, v40;
	v3 =	vshrl.u32 v30, $0x10  }
0x667: {  	[tilespmem:v1+s3+$0x0] =	vst.idx.add.f32.msk $0xffff, v4;
	v1 =	vadd.s32 $0x2718, v3  }
0x668: {  	v5 =	vadd.s32 $0x2718, v36;
	v17 =	vld [tilespmem:s21+$0xFFFFFFE0]  }
0x669: {  	v31 =	vld [tilespmem:s21+$0x0]  }
0x66a: {  	v48 =	vadd.s32 $0x2718, v47;
	v46 =	vunpack.i.l.bf16.f32 v42;
	v2 =	vld.idx.msk [tilespmem:v2+s16+$0x0], $0xffff  }
0x66b: {  	v11 =	vunpack.i.u.bf16.f32 v42;
	v7 =	vadd.s32 $0x2718, v39;
	[tilespmem:v3+s3+$0x0] =	vst.idx.add.f32.msk $0xffff, v46  }
0x66c: {  	v41 =	vadd.s32 $0x4E30, v33;
	[tilespmem:v1+s3+$0x0] =	vst.idx.add.f32.msk $0xffff, v11  }
0x66d: {  	v9 =	vadd.s32 $0x7548, v33;
	v1 =	vld.idx.msk [tilespmem:v5+s16+$0x0], $0xffff  }
0x66e: {  	v24 =	vshrl.u32 v59, $0x10;
	v59 =	vld [tilespmem:s21+$0x40];
	v52 =	vadd.s32 $0x4E30, v3;
	v4 =	vunpack.i.u.bf16.f32 v43  }
0x66f: {  	[tilespmem:v48+s3+$0x0] =	vst.idx.add.f32.msk $0xffff, v4;
	v3 =	vadd.s32 $0x7548, v3  }
0x670: {  	v23 =	vand.u32 $0xFFFF, v17;
	v44 =	vunpack.i.l.bf16.f32 v2;
	v4 =	vld.idx.msk [tilespmem:v7+s16+$0x0], $0xffff  }
0x671: {  	v36 =	vand.u32 $0xFFFF, v31;
	v2 =	vunpack.i.u.bf16.f32 v2;
	[tilespmem:v41+s3+$0x0] =	vst.idx.add.f32.msk $0xffff, v44  }
0x672: {  	[tilespmem:v9+s3+$0x0] =	vst.idx.add.f32.msk $0xffff, v2;
	v2 =	vadd.s32 $0x4E30, v47;
	v54 =	vunpack.i.l.bf16.f32 v1  }
0x673: {  	v56 =	vshrl.u32 v45, $0x10;
	v1 =	vunpack.i.u.bf16.f32 v1;
	[tilespmem:v52+s3+$0x0] =	vst.idx.add.f32.msk $0xffff, v54  }
0x674: {  	[tilespmem:v3+s3+$0x0] =	vst.idx.add.f32.msk $0xffff, v1;
	v1 =	vadd.s32 $0x2718, v56  }
0x675: {  	v42 =	vand.u32 $0xFFFF, v37;
	v26 =	vld.idx.msk [tilespmem:v23+s16+$0x0], $0xffff  }
0x676: {  	v57 =	vadd.s32 $0x2718, v51;
	v41 =	vld.idx.msk [tilespmem:v36+s16+$0x0], $0xffff;
	v3 =	vunpack.i.l.bf16.f32 v4  }
0x677: {  	[tilespmem:v2+s3+$0x0] =	vst.idx.add.f32.msk $0xffff, v3;
	v2 =	vshrl.u32 v49, $0x10;
	v3 =	vunpack.i.l.bf16.f32 v55  }
0x678: {  	v7 =	vunpack.i.u.bf16.f32 v55;
	[tilespmem:v56+s3+$0x0] =	vst.idx.add.f32.msk $0xffff, v3;
	v3 =	vadd.s32 $0x2718, v2  }
0x679: {  	[tilespmem:v1+s3+$0x0] =	vst.idx.add.f32.msk $0xffff, v7;
	v1 =	vadd.s32 $0x2718, v53  }
0x67a: {  	v46 =	vld.idx.msk [tilespmem:v42+s16+$0x0], $0xffff  }
0x67b: {  	v62 =	vadd.s32 $0x7548, v47;
	v61 =	vunpack.i.l.bf16.f32 v58;
	v47 =	vshrl.u32 v37, $0x10;
	v60 =	vld.idx.msk [tilespmem:v57+s16+$0x0], $0xffff  }
0x67c: {  	v63 =	vunpack.i.u.bf16.f32 v58;
	[tilespmem:v2+s3+$0x0] =	vst.idx.add.f32.msk $0xffff, v61  }
0x67d: {  	v18 =	vadd.s32 $0x4E30, v56;
	[tilespmem:v3+s3+$0x0] =	vst.idx.add.f32.msk $0xffff, v63  }
0x67e: {  	v3 =	vadd.s32 $0x7548, v56;
	v1 =	vld.idx.msk [tilespmem:v1+s16+$0x0], $0xffff  }
0x67f: {  	v44 =	vld [tilespmem:s21+$0x20];
	v51 =	vunpack.i.l.bf16.f32 v46;
	v19 =	vadd.s32 $0x4E30, v2  }
0x680: {  	[tilespmem:v47+s3+$0x0] =	vst.idx.add.f32.msk $0xffff, v51  }
0x681: {  	v51 =	vld [tilespmem:s21+$0xA0];
	v2 =	vadd.s32 $0x7548, v2;
	v21 =	vunpack.i.l.bf16.f32 v60  }
0x682: {  	v5 =	vunpack.i.u.bf16.f32 v60;
	[tilespmem:v18+s3+$0x0] =	vst.idx.add.f32.msk $0xffff, v21  }
0x683: {  	[tilespmem:v3+s3+$0x0] =	vst.idx.add.f32.msk $0xffff, v5;
	v3 =	vunpack.i.l.bf16.f32 v1  }
0x684: {  	[tilespmem:v19+s3+$0x0] =	vst.idx.add.f32.msk $0xffff, v3;
	v3 =	vand.u32 $0xFFFF, v20  }
0x685: {  	v25 =	vadd.s32 $0x2718, v24;
	v49 =	vld [tilespmem:s21+$0x30];
	v1 =	vunpack.i.u.bf16.f32 v1  }
0x686: {  	[tilespmem:v2+s3+$0x0] =	vst.idx.add.f32.msk $0xffff, v1;
	v1 =	vadd.s32 $0x2718, v16;
	v2 =	vunpack.i.l.bf16.f32 v22  }
0x687: {  	v4 =	vunpack.i.u.bf16.f32 v4;
	[tilespmem:v24+s3+$0x0] =	vst.idx.add.f32.msk $0xffff, v2;
	v2 =	vshrl.u32 v17, $0x10  }
0x688: {  	[tilespmem:v62+s3+$0x0] =	vst.idx.add.f32.msk $0xffff, v4;
	v27 =	vadd.s32 $0x2718, v2  }
0x689: {  	v8 =	vunpack.i.u.bf16.f32 v22;
	v28 =	vadd.s32 $0x2718, v23;
	v29 =	vld.idx.msk [tilespmem:v3+s16+$0x0], $0xffff  }
0x68a: {  	v7 =	vshrl.u32 v20, $0x10;
	[tilespmem:v25+s3+$0x0] =	vst.idx.add.f32.msk $0xffff, v8  }
0x68b: {  	v30 =	vunpack.i.l.bf16.f32 v26;
	v32 =	vadd.s32 $0x2718, v7;
	v1 =	vld.idx.msk [tilespmem:v1+s16+$0x0], $0xffff  }
0x68c: {  	v6 =	vunpack.i.u.bf16.f32 v26;
	v3 =	vadd.s32 $0x2718, v3;
	[tilespmem:v2+s3+$0x0] =	vst.idx.add.f32.msk $0xffff, v30  }
0x68d: {  	[tilespmem:v27+s3+$0x0] =	vst.idx.add.f32.msk $0xffff, v6  }
0x68e: {  	v33 =	vadd.s32 $0x4E30, v24;
	v6 =	vld.idx.msk [tilespmem:v28+s16+$0x0], $0xffff;
	v34 =	vunpack.i.l.bf16.f32 v29  }
0x68f: {  	v4 =	vadd.s32 $0x7548, v24;
	v35 =	vunpack.i.u.bf16.f32 v29;
	[tilespmem:v7+s3+$0x0] =	vst.idx.add.f32.msk $0xffff, v34  }
0x690: {  	v38 =	vadd.s32 $0x4E30, v2;
	[tilespmem:v32+s3+$0x0] =	vst.idx.add.f32.msk $0xffff, v35  }
0x691: {  	v2 =	vadd.s32 $0x7548, v2;
	v3 =	vld.idx.msk [tilespmem:v3+s16+$0x0], $0xffff  }
0x692: {  	v40 =	vadd.s32 $0x4E30, v7;
	v63 =	vld [tilespmem:s21+$0x50];
	v39 =	vunpack.i.l.bf16.f32 v1  }
0x693: {  	v48 =	vadd.s32 $0x2718, v47;
	v1 =	vunpack.i.u.bf16.f32 v1;
	[tilespmem:v33+s3+$0x0] =	vst.idx.add.f32.msk $0xffff, v39  }
0x694: {  	v53 =	vand.u32 $0xFFFF, v49;
	[tilespmem:v4+s3+$0x0] =	vst.idx.add.f32.msk $0xffff, v1;
	v1 =	vunpack.i.l.bf16.f32 v6  }
0x695: {  	v50 =	vand.u32 $0xFFFF, v44;
	v6 =	vunpack.i.u.bf16.f32 v6;
	[tilespmem:v38+s3+$0x0] =	vst.idx.add.f32.msk $0xffff, v1  }
0x696: {  	v1 =	vshrl.u32 v31, $0x10;
	[tilespmem:v2+s3+$0x0] =	vst.idx.add.f32.msk $0xffff, v6;
	v2 =	vunpack.i.l.bf16.f32 v3  }
0x697: {  	v52 =	vunpack.i.u.bf16.f32 v46;
	[tilespmem:v40+s3+$0x0] =	vst.idx.add.f32.msk $0xffff, v2;
	v2 =	vadd.s32 $0x2718, v1  }
0x698: {  	v43 =	vadd.s32 $0x2718, v36;
	[tilespmem:v48+s3+$0x0] =	vst.idx.add.f32.msk $0xffff, v52  }
0x699: {  	v57 =	vld.idx.msk [tilespmem:v53+s16+$0x0], $0xffff;
	v7 =	vadd.s32 $0x7548, v7  }
0x69a: {  	v45 =	vunpack.i.l.bf16.f32 v41;
	v61 =	vshrl.u32 v49, $0x10;
	v56 =	vld.idx.msk [tilespmem:v50+s16+$0x0], $0xffff  }
0x69b: {  	v19 =	vand.u32 $0xFFFF, v63;
	v4 =	vunpack.i.u.bf16.f32 v41;
	[tilespmem:v1+s3+$0x0] =	vst.idx.add.f32.msk $0xffff, v45  }
0x69c: {  	[tilespmem:v2+s3+$0x0] =	vst.idx.add.f32.msk $0xffff, v4  }
0x69d: {  	v17 =	vand.u32 $0xFFFF, v59;
	v3 =	vunpack.i.u.bf16.f32 v3;
	v4 =	vld.idx.msk [tilespmem:v43+s16+$0x0], $0xffff  }
0x69e: {  	v16 =	vunpack.i.l.bf16.f32 v57;
	[tilespmem:v7+s3+$0x0] =	vst.idx.add.f32.msk $0xffff, v3;
	v3 =	vadd.s32 $0x4E30, v1  }
0x69f: {  	[tilespmem:v61+s3+$0x0] =	vst.idx.add.f32.msk $0xffff, v16;
	v1 =	vadd.s32 $0x7548, v1  }
0x6a0: {  	v24 =	vld.idx.msk [tilespmem:v19+s16+$0x0], $0xffff  }
0x6a1: {  	v25 =	vld [tilespmem:s21+$0x60]  }
0x6a2: {  	v21 =	vld.idx.msk [tilespmem:v17+s16+$0x0], $0xffff;
	v2 =	vadd.s32 $0x2718, v42;
	v54 =	vunpack.i.l.bf16.f32 v4  }
0x6a3: {  	v4 =	vunpack.i.u.bf16.f32 v4;
	[tilespmem:v3+s3+$0x0] =	vst.idx.add.f32.msk $0xffff, v54;
	v3 =	vshrl.u32 v44, $0x10  }
0x6a4: {  	[tilespmem:v1+s3+$0x0] =	vst.idx.add.f32.msk $0xffff, v4;
	v1 =	vadd.s32 $0x2718, v3  }
0x6a5: {  	v5 =	vadd.s32 $0x2718, v50;
	v27 =	vunpack.i.l.bf16.f32 v24;
	v29 =	vunpack.i.u.bf16.f32 v24;
	v24 =	vld [tilespmem:s21+$0xD0]  }
0x6a6: {  	v34 =	vld [tilespmem:s21+$0x80]  }
0x6a7: {  	v62 =	vadd.s32 $0x2718, v61;
	v60 =	vunpack.i.l.bf16.f32 v56;
	v2 =	vld.idx.msk [tilespmem:v2+s16+$0x0], $0xffff  }
0x6a8: {  	v11 =	vunpack.i.u.bf16.f32 v56;
	v7 =	vadd.s32 $0x2718, v53;
	[tilespmem:v3+s3+$0x0] =	vst.idx.add.f32.msk $0xffff, v60  }
0x6a9: {  	v55 =	vadd.s32 $0x4E30, v47;
	[tilespmem:v1+s3+$0x0] =	vst.idx.add.f32.msk $0xffff, v11  }
0x6aa: {  	v9 =	vadd.s32 $0x7548, v47;
	v1 =	vld.idx.msk [tilespmem:v5+s16+$0x0], $0xffff  }
0x6ab: {  	v31 =	vld [tilespmem:s21+$0x70];
	v18 =	vadd.s32 $0x4E30, v3;
	v4 =	vunpack.i.u.bf16.f32 v57  }
0x6ac: {  	[tilespmem:v62+s3+$0x0] =	vst.idx.add.f32.msk $0xffff, v4;
	v3 =	vadd.s32 $0x7548, v3  }
0x6ad: {  	v58 =	vunpack.i.l.bf16.f32 v2;
	v4 =	vld.idx.msk [tilespmem:v7+s16+$0x0], $0xffff  }
0x6ae: {  	v30 =	vand.u32 $0xFFFF, v25;
	v2 =	vunpack.i.u.bf16.f32 v2;
	[tilespmem:v55+s3+$0x0] =	vst.idx.add.f32.msk $0xffff, v58  }
0x6af: {  	[tilespmem:v9+s3+$0x0] =	vst.idx.add.f32.msk $0xffff, v2;
	v2 =	vadd.s32 $0x4E30, v61;
	v20 =	vunpack.i.l.bf16.f32 v1  }
0x6b0: {  	v22 =	vshrl.u32 v59, $0x10;
	v1 =	vunpack.i.u.bf16.f32 v1;
	[tilespmem:v18+s3+$0x0] =	vst.idx.add.f32.msk $0xffff, v20  }
0x6b1: {  	[tilespmem:v3+s3+$0x0] =	vst.idx.add.f32.msk $0xffff, v1;
	v1 =	vadd.s32 $0x2718, v22  }
0x6b2: {  	v37 =	vand.u32 $0xFFFF, v31;
	v45 =	vld [tilespmem:s21+$0x90]  }
0x6b3: {  	v23 =	vadd.s32 $0x2718, v17;
	v36 =	vld.idx.msk [tilespmem:v30+s16+$0x0], $0xffff;
	v3 =	vunpack.i.l.bf16.f32 v4  }
0x6b4: {  	[tilespmem:v2+s3+$0x0] =	vst.idx.add.f32.msk $0xffff, v3;
	v2 =	vshrl.u32 v63, $0x10;
	v3 =	vunpack.i.l.bf16.f32 v21  }
0x6b5: {  	v7 =	vunpack.i.u.bf16.f32 v21;
	[tilespmem:v22+s3+$0x0] =	vst.idx.add.f32.msk $0xffff, v3;
	v3 =	vadd.s32 $0x2718, v2  }
0x6b6: {  	[tilespmem:v1+s3+$0x0] =	vst.idx.add.f32.msk $0xffff, v7;
	v1 =	vadd.s32 $0x2718, v19  }
0x6b7: {  	v40 =	vld.idx.msk [tilespmem:v37+s16+$0x0], $0xffff;
	v50 =	vand.u32 $0xFFFF, v45  }
0x6b8: {  	v26 =	vld.idx.msk [tilespmem:v23+s16+$0x0], $0xffff  }
0x6b9: {  	v56 =	vand.u32 $0xFFFF, v51;
	[tilespmem:v2+s3+$0x0] =	vst.idx.add.f32.msk $0xffff, v27  }
0x6ba: {  	v32 =	vadd.s32 $0x4E30, v22;
	[tilespmem:v3+s3+$0x0] =	vst.idx.add.f32.msk $0xffff, v29  }
0x6bb: {  	v3 =	vadd.s32 $0x7548, v22;
	v1 =	vld.idx.msk [tilespmem:v1+s16+$0x0], $0xffff  }
0x6bc: {  	v55 =	vld.idx.msk [tilespmem:v50+s16+$0x0], $0xffff;
	v33 =	vadd.s32 $0x4E30, v2  }
0x6bd: {  	v58 =	vld [tilespmem:s21+$0xB0]  }
0x6be: {  	v60 =	vld.idx.msk [tilespmem:v56+s16+$0x0], $0xffff;
	v2 =	vadd.s32 $0x7548, v2;
	v35 =	vunpack.i.l.bf16.f32 v26  }
0x6bf: {  	v38 =	vshrl.u32 v25, $0x10;
	v5 =	vunpack.i.u.bf16.f32 v26;
	[tilespmem:v32+s3+$0x0] =	vst.idx.add.f32.msk $0xffff, v35  }
0x6c0: {  	v28 =	vadd.s32 $0x7548, v61;
	[tilespmem:v3+s3+$0x0] =	vst.idx.add.f32.msk $0xffff, v5;
	v3 =	vunpack.i.l.bf16.f32 v1  }
0x6c1: {  	[tilespmem:v33+s3+$0x0] =	vst.idx.add.f32.msk $0xffff, v3;
	v3 =	vand.u32 $0xFFFF, v34  }
0x6c2: {  	v39 =	vadd.s32 $0x2718, v38;
	v63 =	vld [tilespmem:s21+$0xC0];
	v1 =	vunpack.i.u.bf16.f32 v1  }
0x6c3: {  	[tilespmem:v2+s3+$0x0] =	vst.idx.add.f32.msk $0xffff, v1;
	v1 =	vadd.s32 $0x2718, v30;
	v2 =	vunpack.i.l.bf16.f32 v36  }
0x6c4: {  	v4 =	vunpack.i.u.bf16.f32 v4;
	[tilespmem:v38+s3+$0x0] =	vst.idx.add.f32.msk $0xffff, v2;
	v2 =	vshrl.u32 v31, $0x10  }
0x6c5: {  	[tilespmem:v28+s3+$0x0] =	vst.idx.add.f32.msk $0xffff, v4;
	v41 =	vadd.s32 $0x2718, v2  }
0x6c6: {  	v8 =	vunpack.i.u.bf16.f32 v36;
	v42 =	vadd.s32 $0x2718, v37;
	v43 =	vld.idx.msk [tilespmem:v3+s16+$0x0], $0xffff  }
0x6c7: {  	v7 =	vshrl.u32 v34, $0x10;
	[tilespmem:v39+s3+$0x0] =	vst.idx.add.f32.msk $0xffff, v8  }
0x6c8: {  	v44 =	vunpack.i.l.bf16.f32 v40;
	v46 =	vadd.s32 $0x2718, v7;
	v1 =	vld.idx.msk [tilespmem:v1+s16+$0x0], $0xffff  }
0x6c9: {  	v6 =	vunpack.i.u.bf16.f32 v40;
	v3 =	vadd.s32 $0x2718, v3;
	[tilespmem:v2+s3+$0x0] =	vst.idx.add.f32.msk $0xffff, v44  }
0x6ca: {  	v61 =	vshrl.u32 v51, $0x10;
	[tilespmem:v41+s3+$0x0] =	vst.idx.add.f32.msk $0xffff, v6  }
0x6cb: {  	v47 =	vadd.s32 $0x4E30, v38;
	v6 =	vld.idx.msk [tilespmem:v42+s16+$0x0], $0xffff;
	v48 =	vunpack.i.l.bf16.f32 v43  }
0x6cc: {  	v4 =	vadd.s32 $0x7548, v38;
	v49 =	vunpack.i.u.bf16.f32 v43;
	[tilespmem:v7+s3+$0x0] =	vst.idx.add.f32.msk $0xffff, v48  }
0x6cd: {  	v52 =	vadd.s32 $0x4E30, v2;
	[tilespmem:v46+s3+$0x0] =	vst.idx.add.f32.msk $0xffff, v49  }
0x6ce: {  	v16 =	vunpack.i.l.bf16.f32 v60;
	v2 =	vadd.s32 $0x7548, v2;
	v3 =	vld.idx.msk [tilespmem:v3+s16+$0x0], $0xffff  }
0x6cf: {  	[tilespmem:v61+s3+$0x0] =	vst.idx.add.f32.msk $0xffff, v16;
	v54 =	vadd.s32 $0x4E30, v7;
	v53 =	vunpack.i.l.bf16.f32 v1  }
0x6d0: {  	v1 =	vunpack.i.u.bf16.f32 v1;
	[tilespmem:v47+s3+$0x0] =	vst.idx.add.f32.msk $0xffff, v53  }
0x6d1: {  	[tilespmem:v4+s3+$0x0] =	vst.idx.add.f32.msk $0xffff, v1;
	v1 =	vunpack.i.l.bf16.f32 v6  }
0x6d2: {  	v18 =	vand.u32 $0xFFFF, v63;
	v6 =	vunpack.i.u.bf16.f32 v6;
	[tilespmem:v52+s3+$0x0] =	vst.idx.add.f32.msk $0xffff, v1  }
0x6d3: {  	v1 =	vshrl.u32 v45, $0x10;
	[tilespmem:v2+s3+$0x0] =	vst.idx.add.f32.msk $0xffff, v6;
	v2 =	vunpack.i.l.bf16.f32 v3  }
0x6d4: {  	[tilespmem:v54+s3+$0x0] =	vst.idx.add.f32.msk $0xffff, v2;
	v2 =	vadd.s32 $0x2718, v1  }
0x6d5: {  	v57 =	vadd.s32 $0x2718, v50;
	v28 =	vld [tilespmem:s21+$0xE0]  }
0x6d6: {  	v16 =	vld [tilespmem:s21+$0x130];
	v7 =	vadd.s32 $0x7548, v7  }
0x6d7: {  	v62 =	vadd.s32 $0x2718, v61;
	v59 =	vunpack.i.l.bf16.f32 v55;
	v22 =	vld.idx.msk [tilespmem:v18+s16+$0x0], $0xffff  }
0x6d8: {  	v15 =	vand.u32 $0xFFFF, v58;
	v4 =	vunpack.i.u.bf16.f32 v55;
	[tilespmem:v1+s3+$0x0] =	vst.idx.add.f32.msk $0xffff, v59  }
0x6d9: {  	v26 =	vshrl.u32 v63, $0x10;
	[tilespmem:v2+s3+$0x0] =	vst.idx.add.f32.msk $0xffff, v4  }
0x6da: {  	v32 =	vand.u32 $0xFFFF, v28;
	v3 =	vunpack.i.u.bf16.f32 v3;
	v4 =	vld.idx.msk [tilespmem:v57+s16+$0x0], $0xffff  }
0x6db: {  	v17 =	vunpack.i.u.bf16.f32 v60;
	[tilespmem:v7+s3+$0x0] =	vst.idx.add.f32.msk $0xffff, v3;
	v3 =	vadd.s32 $0x4E30, v1  }
0x6dc: {  	[tilespmem:v62+s3+$0x0] =	vst.idx.add.f32.msk $0xffff, v17;
	v1 =	vadd.s32 $0x7548, v1  }
0x6dd: {  	v21 =	vld.idx.msk [tilespmem:v15+s16+$0x0], $0xffff;
	v29 =	vunpack.i.l.bf16.f32 v22  }
0x6de: {  	v30 =	vand.u32 $0xFFFF, v24;
	[tilespmem:v26+s3+$0x0] =	vst.idx.add.f32.msk $0xffff, v29  }
0x6df: {  	v37 =	vld.idx.msk [tilespmem:v32+s16+$0x0], $0xffff;
	v2 =	vadd.s32 $0x2718, v56;
	v19 =	vunpack.i.l.bf16.f32 v4  }
0x6e0: {  	v4 =	vunpack.i.u.bf16.f32 v4;
	[tilespmem:v3+s3+$0x0] =	vst.idx.add.f32.msk $0xffff, v19;
	v3 =	vshrl.u32 v58, $0x10  }
0x6e1: {  	[tilespmem:v1+s3+$0x0] =	vst.idx.add.f32.msk $0xffff, v4;
	v1 =	vadd.s32 $0x2718, v3  }
0x6e2: {  	v5 =	vadd.s32 $0x2718, v15;
	v38 =	vld [tilespmem:s21+$0xF0]  }
0x6e3: {  	v34 =	vld.idx.msk [tilespmem:v30+s16+$0x0], $0xffff  }
0x6e4: {  	v25 =	vunpack.i.l.bf16.f32 v21;
	v27 =	vadd.s32 $0x2718, v26;
	v2 =	vld.idx.msk [tilespmem:v2+s16+$0x0], $0xffff  }
0x6e5: {  	v11 =	vunpack.i.u.bf16.f32 v21;
	v7 =	vadd.s32 $0x2718, v18;
	[tilespmem:v3+s3+$0x0] =	vst.idx.add.f32.msk $0xffff, v25  }
0x6e6: {  	v20 =	vadd.s32 $0x4E30, v61;
	[tilespmem:v1+s3+$0x0] =	vst.idx.add.f32.msk $0xffff, v11  }
0x6e7: {  	v9 =	vadd.s32 $0x7548, v61;
	v1 =	vld.idx.msk [tilespmem:v5+s16+$0x0], $0xffff  }
0x6e8: {  	v44 =	vld [tilespmem:s21+$0x100];
	v31 =	vadd.s32 $0x4E30, v3;
	v4 =	vunpack.i.u.bf16.f32 v22  }
0x6e9: {  	[tilespmem:v27+s3+$0x0] =	vst.idx.add.f32.msk $0xffff, v4;
	v3 =	vadd.s32 $0x7548, v3  }
0x6ea: {  	v23 =	vunpack.i.l.bf16.f32 v2;
	v4 =	vld.idx.msk [tilespmem:v7+s16+$0x0], $0xffff  }
0x6eb: {  	v43 =	vand.u32 $0xFFFF, v38;
	v2 =	vunpack.i.u.bf16.f32 v2;
	[tilespmem:v20+s3+$0x0] =	vst.idx.add.f32.msk $0xffff, v23  }
0x6ec: {  	[tilespmem:v9+s3+$0x0] =	vst.idx.add.f32.msk $0xffff, v2;
	v2 =	vadd.s32 $0x4E30, v26;
	v33 =	vunpack.i.l.bf16.f32 v1  }
0x6ed: {  	v35 =	vshrl.u32 v24, $0x10;
	v1 =	vunpack.i.u.bf16.f32 v1;
	[tilespmem:v31+s3+$0x0] =	vst.idx.add.f32.msk $0xffff, v33  }
0x6ee: {  	[tilespmem:v3+s3+$0x0] =	vst.idx.add.f32.msk $0xffff, v1;
	v1 =	vadd.s32 $0x2718, v35  }
0x6ef: {  	v47 =	vld [tilespmem:s21+$0x110]  }
0x6f0: {  	v36 =	vadd.s32 $0x2718, v30;
	v49 =	vld.idx.msk [tilespmem:v43+s16+$0x0], $0xffff;
	v3 =	vunpack.i.l.bf16.f32 v4  }
0x6f1: {  	[tilespmem:v2+s3+$0x0] =	vst.idx.add.f32.msk $0xffff, v3;
	v2 =	vshrl.u32 v28, $0x10;
	v3 =	vunpack.i.l.bf16.f32 v34  }
0x6f2: {  	v7 =	vunpack.i.u.bf16.f32 v34;
	[tilespmem:v35+s3+$0x0] =	vst.idx.add.f32.msk $0xffff, v3;
	v3 =	vadd.s32 $0x2718, v2  }
0x6f3: {  	[tilespmem:v1+s3+$0x0] =	vst.idx.add.f32.msk $0xffff, v7;
	v1 =	vadd.s32 $0x2718, v32  }
0x6f4: {  	v50 =	vand.u32 $0xFFFF, v44;
	v58 =	vld [tilespmem:s21+$0x120]  }
0x6f5: {  	v40 =	vunpack.i.l.bf16.f32 v37;
	v39 =	vld.idx.msk [tilespmem:v36+s16+$0x0], $0xffff  }
0x6f6: {  	v21 =	vand.u32 $0xFFFF, v16;
	v42 =	vunpack.i.u.bf16.f32 v37;
	[tilespmem:v2+s3+$0x0] =	vst.idx.add.f32.msk $0xffff, v40  }
0x6f7: {  	v45 =	vadd.s32 $0x4E30, v35;
	[tilespmem:v3+s3+$0x0] =	vst.idx.add.f32.msk $0xffff, v42  }
0x6f8: {  	v3 =	vadd.s32 $0x7548, v35;
	v1 =	vld.idx.msk [tilespmem:v1+s16+$0x0], $0xffff  }
0x6f9: {  	v53 =	vld.idx.msk [tilespmem:v50+s16+$0x0], $0xffff;
	v46 =	vadd.s32 $0x4E30, v2  }
0x6fa: {  	v23 =	vld [tilespmem:s21+$0x140];
	v63 =	vand.u32 $0xFFFF, v58  }
0x6fb: {  	v25 =	vld.idx.msk [tilespmem:v21+s16+$0x0], $0xffff;
	v2 =	vadd.s32 $0x7548, v2;
	v48 =	vunpack.i.l.bf16.f32 v39  }
0x6fc: {  	v51 =	vshrl.u32 v38, $0x10;
	v5 =	vunpack.i.u.bf16.f32 v39;
	[tilespmem:v45+s3+$0x0] =	vst.idx.add.f32.msk $0xffff, v48  }
0x6fd: {  	v41 =	vadd.s32 $0x7548, v26;
	[tilespmem:v3+s3+$0x0] =	vst.idx.add.f32.msk $0xffff, v5;
	v3 =	vunpack.i.l.bf16.f32 v1  }
0x6fe: {  	[tilespmem:v46+s3+$0x0] =	vst.idx.add.f32.msk $0xffff, v3;
	v3 =	vand.u32 $0xFFFF, v47  }
0x6ff: {  	v52 =	vadd.s32 $0x2718, v51;
	v20 =	vld.idx.msk [tilespmem:v63+s16+$0x0], $0xffff;
	v1 =	vunpack.i.u.bf16.f32 v1  }
0x700: {  	[tilespmem:v2+s3+$0x0] =	vst.idx.add.f32.msk $0xffff, v1;
	v1 =	vadd.s32 $0x2718, v43;
	v2 =	vunpack.i.l.bf16.f32 v49  }
0x701: {  	v4 =	vunpack.i.u.bf16.f32 v4;
	[tilespmem:v51+s3+$0x0] =	vst.idx.add.f32.msk $0xffff, v2;
	v2 =	vshrl.u32 v44, $0x10  }
0x702: {  	[tilespmem:v41+s3+$0x0] =	vst.idx.add.f32.msk $0xffff, v4;
	v54 =	vadd.s32 $0x2718, v2  }
0x703: {  	v55 =	vadd.s32 $0x2718, v50;
	v8 =	vunpack.i.u.bf16.f32 v49;
	v56 =	vld.idx.msk [tilespmem:v3+s16+$0x0], $0xffff  }
0x704: {  	v7 =	vshrl.u32 v47, $0x10;
	[tilespmem:v52+s3+$0x0] =	vst.idx.add.f32.msk $0xffff, v8  }
0x705: {  	v57 =	vunpack.i.l.bf16.f32 v53;
	v59 =	vadd.s32 $0x2718, v7;
	v1 =	vld.idx.msk [tilespmem:v1+s16+$0x0], $0xffff  }
0x706: {  	v6 =	vunpack.i.u.bf16.f32 v53;
	v3 =	vadd.s32 $0x2718, v3;
	[tilespmem:v2+s3+$0x0] =	vst.idx.add.f32.msk $0xffff, v57  }
0x707: {  	[tilespmem:v54+s3+$0x0] =	vst.idx.add.f32.msk $0xffff, v6  }
0x708: {  	v60 =	vadd.s32 $0x4E30, v51;
	v6 =	vld.idx.msk [tilespmem:v55+s16+$0x0], $0xffff;
	v61 =	vunpack.i.l.bf16.f32 v56  }
0x709: {  	v4 =	vadd.s32 $0x7548, v51;
	v62 =	vunpack.i.u.bf16.f32 v56;
	[tilespmem:v7+s3+$0x0] =	vst.idx.add.f32.msk $0xffff, v61  }
0x70a: {  	v17 =	vadd.s32 $0x4E30, v2;
	[tilespmem:v59+s3+$0x0] =	vst.idx.add.f32.msk $0xffff, v62  }
0x70b: {  	v2 =	vadd.s32 $0x7548, v2;
	v3 =	vld.idx.msk [tilespmem:v3+s16+$0x0], $0xffff  }
0x70c: {  	v28 =	vld [tilespmem:s21+$0x150];
	v19 =	vadd.s32 $0x4E30, v7;
	v18 =	vunpack.i.l.bf16.f32 v1  }
0x70d: {  	v1 =	vunpack.i.u.bf16.f32 v1;
	[tilespmem:v60+s3+$0x0] =	vst.idx.add.f32.msk $0xffff, v18  }
0x70e: {  	[tilespmem:v4+s3+$0x0] =	vst.idx.add.f32.msk $0xffff, v1;
	v1 =	vunpack.i.l.bf16.f32 v6  }
0x70f: {  	v26 =	vshrl.u32 v16, $0x10;
	v6 =	vunpack.i.u.bf16.f32 v6;
	[tilespmem:v17+s3+$0x0] =	vst.idx.add.f32.msk $0xffff, v1  }
0x710: {  	v1 =	vshrl.u32 v58, $0x10;
	[tilespmem:v2+s3+$0x0] =	vst.idx.add.f32.msk $0xffff, v6;
	v2 =	vunpack.i.l.bf16.f32 v3  }
0x711: {  	[tilespmem:v19+s3+$0x0] =	vst.idx.add.f32.msk $0xffff, v2;
	v2 =	vadd.s32 $0x2718, v1  }
0x712: {  	v22 =	vadd.s32 $0x2718, v63  }
0x713: {  	v38 =	vld [tilespmem:s21+$0x160];
	v30 =	vunpack.i.l.bf16.f32 v25;
	v7 =	vadd.s32 $0x7548, v7  }
0x714: {  	[tilespmem:v26+s3+$0x0] =	vst.idx.add.f32.msk $0xffff, v30;
	v24 =	vunpack.i.l.bf16.f32 v20;
	v32 =	vand.u32 $0xFFFF, v28  }
0x715: {  	v27 =	vadd.s32 $0x2718, v26;
	v4 =	vunpack.i.u.bf16.f32 v20;
	[tilespmem:v1+s3+$0x0] =	vst.idx.add.f32.msk $0xffff, v24  }
0x716: {  	v29 =	vand.u32 $0xFFFF, v23;
	[tilespmem:v2+s3+$0x0] =	vst.idx.add.f32.msk $0xffff, v4  }
0x717: {  	v3 =	vunpack.i.u.bf16.f32 v3;
	v4 =	vld.idx.msk [tilespmem:v22+s16+$0x0], $0xffff  }
0x718: {  	[tilespmem:v7+s3+$0x0] =	vst.idx.add.f32.msk $0xffff, v3;
	v3 =	vadd.s32 $0x4E30, v1  }
0x719: {  	v31 =	vunpack.i.u.bf16.f32 v25;
	v36 =	vld.idx.msk [tilespmem:v32+s16+$0x0], $0xffff;
	v1 =	vadd.s32 $0x7548, v1  }
0x71a: {  	[tilespmem:v27+s3+$0x0] =	vst.idx.add.f32.msk $0xffff, v31;
	v40 =	vshrl.u32 v28, $0x10  }
0x71b: {  	v35 =	vld.idx.msk [tilespmem:v29+s16+$0x0], $0xffff  }
0x71c: {  	v42 =	vld [tilespmem:s21+$0x170];
	v2 =	vadd.s32 $0x2718, v21;
	v33 =	vunpack.i.l.bf16.f32 v4  }
0x71d: {  	v4 =	vunpack.i.u.bf16.f32 v4;
	[tilespmem:v3+s3+$0x0] =	vst.idx.add.f32.msk $0xffff, v33;
	v3 =	vshrl.u32 v23, $0x10  }
0x71e: {  	v43 =	vunpack.i.l.bf16.f32 v36;
	[tilespmem:v1+s3+$0x0] =	vst.idx.add.f32.msk $0xffff, v4;
	v1 =	vadd.s32 $0x2718, v3  }
0x71f: {  	v5 =	vadd.s32 $0x2718, v29;
	[tilespmem:v40+s3+$0x0] =	vst.idx.add.f32.msk $0xffff, v43  }
0x720: {  	v44 =	vand.u32 $0xFFFF, v38;
	v52 =	vld [tilespmem:s21+$0x180]  }
0x721: {  	v41 =	vadd.s32 $0x2718, v40;
	v39 =	vunpack.i.l.bf16.f32 v35;
	v2 =	vld.idx.msk [tilespmem:v2+s16+$0x0], $0xffff  }
0x722: {  	v11 =	vunpack.i.u.bf16.f32 v35;
	v7 =	vadd.s32 $0x2718, v32;
	[tilespmem:v3+s3+$0x0] =	vst.idx.add.f32.msk $0xffff, v39  }
0x723: {  	v34 =	vadd.s32 $0x4E30, v26;
	[tilespmem:v1+s3+$0x0] =	vst.idx.add.f32.msk $0xffff, v11  }
0x724: {  	v9 =	vadd.s32 $0x7548, v26;
	v1 =	vld.idx.msk [tilespmem:v5+s16+$0x0], $0xffff  }
0x725: {  	v48 =	vld.idx.msk [tilespmem:v44+s16+$0x0], $0xffff;
	v45 =	vadd.s32 $0x4E30, v3;
	v4 =	vunpack.i.u.bf16.f32 v36  }
0x726: {  	[tilespmem:v41+s3+$0x0] =	vst.idx.add.f32.msk $0xffff, v4;
	v3 =	vadd.s32 $0x7548, v3  }
0x727: {  	v46 =	vand.u32 $0xFFFF, v42;
	v37 =	vunpack.i.l.bf16.f32 v2;
	v4 =	vld.idx.msk [tilespmem:v7+s16+$0x0], $0xffff  }
0x728: {  	v2 =	vunpack.i.u.bf16.f32 v2;
	[tilespmem:v34+s3+$0x0] =	vst.idx.add.f32.msk $0xffff, v37  }
0x729: {  	[tilespmem:v9+s3+$0x0] =	vst.idx.add.f32.msk $0xffff, v2;
	v2 =	vadd.s32 $0x4E30, v40;
	v47 =	vunpack.i.l.bf16.f32 v1  }
0x72a: {  	v49 =	vshrl.u32 v38, $0x10;
	v1 =	vunpack.i.u.bf16.f32 v1;
	[tilespmem:v45+s3+$0x0] =	vst.idx.add.f32.msk $0xffff, v47  }
0x72b: {  	[tilespmem:v3+s3+$0x0] =	vst.idx.add.f32.msk $0xffff, v1;
	v1 =	vadd.s32 $0x2718, v49  }
0x72c: {  	v51 =	vld.idx.msk [tilespmem:v46+s16+$0x0], $0xffff  }
0x72d: {  	v57 =	vld [tilespmem:s21+$0x190];
	v3 =	vunpack.i.l.bf16.f32 v4  }
0x72e: {  	[tilespmem:v2+s3+$0x0] =	vst.idx.add.f32.msk $0xffff, v3;
	v2 =	vshrl.u32 v42, $0x10;
	v3 =	vunpack.i.l.bf16.f32 v48  }
0x72f: {  	v7 =	vunpack.i.u.bf16.f32 v48;
	[tilespmem:v49+s3+$0x0] =	vst.idx.add.f32.msk $0xffff, v3;
	v3 =	vadd.s32 $0x2718, v2  }
0x730: {  	[tilespmem:v1+s3+$0x0] =	vst.idx.add.f32.msk $0xffff, v7;
	v1 =	vadd.s32 $0x2718, v46  }
0x731: {  	v28 =	vld [tilespmem:s21+$0x1C0];
	v53 =	vadd.s32 $0x7548, v40  }
0x732: {  	v54 =	vunpack.i.l.bf16.f32 v51;
	v56 =	vand.u32 $0xFFFF, v52;
	v60 =	vld [tilespmem:s21+$0x1A0]  }
0x733: {  	v50 =	vadd.s32 $0x2718, v44;
	v55 =	vunpack.i.u.bf16.f32 v51;
	[tilespmem:v2+s3+$0x0] =	vst.idx.add.f32.msk $0xffff, v54  }
0x734: {  	v63 =	vand.u32 $0xFFFF, v57;
	[tilespmem:v3+s3+$0x0] =	vst.idx.add.f32.msk $0xffff, v55  }
0x735: {  	v3 =	vunpack.i.u.bf16.f32 v4;
	v1 =	vld.idx.msk [tilespmem:v1+s16+$0x0], $0xffff  }
0x736: {  	[tilespmem:v53+s3+$0x0] =	vst.idx.add.f32.msk $0xffff, v3;
	v3 =	vadd.s32 $0x4E30, v2  }
0x737: {  	v62 =	vld.idx.msk [tilespmem:v56+s16+$0x0], $0xffff;
	v2 =	vadd.s32 $0x7548, v2  }
0x738: {  	v7 =	vld.idx.msk [tilespmem:v50+s16+$0x0], $0xffff  }
0x739: {  	v58 =	vadd.s32 $0x4E30, v49;
	v19 =	vld.idx.msk [tilespmem:v63+s16+$0x0], $0xffff  }
0x73a: {  	v16 =	vshrl.u32 v52, $0x10;
	v24 =	vld [tilespmem:s21+$0x1B0];
	v17 =	vunpack.i.l.bf16.f32 v1  }
0x73b: {  	v59 =	vadd.s32 $0x7548, v49;
	v1 =	vunpack.i.u.bf16.f32 v1;
	[tilespmem:v3+s3+$0x0] =	vst.idx.add.f32.msk $0xffff, v17  }
0x73c: {  	[tilespmem:v2+s3+$0x0] =	vst.idx.add.f32.msk $0xffff, v1;
	v1 =	vand.u32 $0xFFFF, v60  }
0x73d: {  	v18 =	vadd.s32 $0x2718, v16;
	v45 =	vld [tilespmem:s21+$0x1F0];
	v61 =	vunpack.i.l.bf16.f32 v7  }
0x73e: {  	[tilespmem:v58+s3+$0x0] =	vst.idx.add.f32.msk $0xffff, v61;
	v3 =	vadd.s32 $0x2718, v56;
	v2 =	vunpack.i.l.bf16.f32 v62  }
0x73f: {  	v7 =	vunpack.i.u.bf16.f32 v7;
	[tilespmem:v16+s3+$0x0] =	vst.idx.add.f32.msk $0xffff, v2;
	v2 =	vshrl.u32 v57, $0x10  }
0x740: {  	[tilespmem:v59+s3+$0x0] =	vst.idx.add.f32.msk $0xffff, v7;
	v20 =	vadd.s32 $0x2718, v2  }
0x741: {  	v8 =	vunpack.i.u.bf16.f32 v62;
	v21 =	vadd.s32 $0x2718, v63;
	v22 =	vld.idx.msk [tilespmem:v1+s16+$0x0], $0xffff  }
0x742: {  	v5 =	vshrl.u32 v60, $0x10;
	[tilespmem:v18+s3+$0x0] =	vst.idx.add.f32.msk $0xffff, v8  }
0x743: {  	v23 =	vunpack.i.l.bf16.f32 v19;
	v25 =	vadd.s32 $0x2718, v5;
	v3 =	vld.idx.msk [tilespmem:v3+s16+$0x0], $0xffff  }
0x744: {  	v4 =	vunpack.i.u.bf16.f32 v19;
	v1 =	vadd.s32 $0x2718, v1;
	[tilespmem:v2+s3+$0x0] =	vst.idx.add.f32.msk $0xffff, v23  }
0x745: {  	v26 =	vadd.s32 $0x4E30, v16;
	[tilespmem:v20+s3+$0x0] =	vst.idx.add.f32.msk $0xffff, v4  }
0x746: {  	v6 =	vadd.s32 $0x7548, v16;
	v7 =	vld.idx.msk [tilespmem:v21+s16+$0x0], $0xffff;
	v27 =	vunpack.i.l.bf16.f32 v22  }
0x747: {  	v29 =	vand.u32 $0xFFFF, v24;
	v9 =	vunpack.i.u.bf16.f32 v22;
	[tilespmem:v5+s3+$0x0] =	vst.idx.add.f32.msk $0xffff, v27  }
0x748: {  	v30 =	vadd.s32 $0x4E30, v2;
	[tilespmem:v25+s3+$0x0] =	vst.idx.add.f32.msk $0xffff, v9  }
0x749: {  	v2 =	vadd.s32 $0x7548, v2;
	v31 =	vunpack.i.l.bf16.f32 v3;
	v1 =	vld.idx.msk [tilespmem:v1+s16+$0x0], $0xffff  }
0x74a: {  	v32 =	vadd.s32 $0x4E30, v5;
	v3 =	vunpack.i.u.bf16.f32 v3;
	[tilespmem:v26+s3+$0x0] =	vst.idx.add.f32.msk $0xffff, v31  }
0x74b: {  	[tilespmem:v6+s3+$0x0] =	vst.idx.add.f32.msk $0xffff, v3;
	v3 =	vand.u32 $0xFFFF, v28  }
0x74c: {  	v34 =	vld.idx.msk [tilespmem:v29+s16+$0x0], $0xffff;
	v33 =	vunpack.i.l.bf16.f32 v7  }
0x74d: {  	v7 =	vunpack.i.u.bf16.f32 v7;
	[tilespmem:v30+s3+$0x0] =	vst.idx.add.f32.msk $0xffff, v33  }
0x74e: {  	v35 =	vshrl.u32 v24, $0x10;
	[tilespmem:v2+s3+$0x0] =	vst.idx.add.f32.msk $0xffff, v7;
	v2 =	vunpack.i.l.bf16.f32 v1  }
0x74f: {  	[tilespmem:v32+s3+$0x0] =	vst.idx.add.f32.msk $0xffff, v2;
	v2 =	vadd.s32 $0x2718, v35  }
0x750: {  	v48 =	vand.u32 $0xFFFF, v45;
	v37 =	vld.idx.msk [tilespmem:v3+s16+$0x0], $0xffff  }
0x751: {  	v40 =	vshrl.u32 v28, $0x10;
	v42 =	vld [tilespmem:s21+$0x1E0]  }
0x752: {  	v36 =	vadd.s32 $0x2718, v29;
	v39 =	vld [tilespmem:s21+$0x1D0];
	v38 =	vunpack.i.l.bf16.f32 v34  }
0x753: {  	v41 =	vadd.s32 $0x2718, v40;
	[tilespmem:v35+s3+$0x0] =	vst.idx.add.f32.msk $0xffff, v38;
	v9 =	vunpack.i.u.bf16.f32 v34  }
0x754: {  	[tilespmem:v2+s3+$0x0] =	vst.idx.add.f32.msk $0xffff, v9;
	v2 =	vadd.s32 $0x2718, v3  }
0x755: {  	v53 =	vld.idx.msk [tilespmem:v48+s16+$0x0], $0xffff;
	v43 =	vunpack.i.l.bf16.f32 v37;
	v3 =	vadd.s32 $0x7548, v5  }
0x756: {  	v46 =	vand.u32 $0xFFFF, v42;
	[tilespmem:v40+s3+$0x0] =	vst.idx.add.f32.msk $0xffff, v43  }
0x757: {  	v44 =	vand.u32 $0xFFFF, v39;
	v7 =	vunpack.i.u.bf16.f32 v37;
	v4 =	vld.idx.msk [tilespmem:v36+s16+$0x0], $0xffff  }
0x758: {  	v14 =	vadd.s32 $0x4E30, v35;
	[tilespmem:v41+s3+$0x0] =	vst.idx.add.f32.msk $0xffff, v7  }
0x759: {  	v1 =	vunpack.i.u.bf16.f32 v1;
	v2 =	vld.idx.msk [tilespmem:v2+s16+$0x0], $0xffff  }
0x75a: {  	[tilespmem:v3+s3+$0x0] =	vst.idx.add.f32.msk $0xffff, v1;
	v1 =	vadd.s32 $0x4E30, v40  }
0x75b: {  	v55 =	vshrl.u32 v45, $0x10;
	v49 =	vld.idx.msk [tilespmem:v46+s16+$0x0], $0xffff  }
0x75c: {  	v47 =	vld.idx.msk [tilespmem:v44+s16+$0x0], $0xffff;
	v51 =	vshrl.u32 v42, $0x10;
	v3 =	vunpack.i.l.bf16.f32 v4  }
0x75d: {  	[tilespmem:v14+s3+$0x0] =	vst.idx.add.f32.msk $0xffff, v3;
	v3 =	vshrl.u32 v39, $0x10  }
0x75e: {  	v10 =	vadd.s32 $0x2718, v3;
	v50 =	vunpack.i.l.bf16.f32 v2  }
0x75f: {  	v59 =	vunpack.i.l.bf16.f32 v53;
	[tilespmem:v1+s3+$0x0] =	vst.idx.add.f32.msk $0xffff, v50;
	v1 =	vadd.s32 $0x2718, v51  }
0x760: {  	[tilespmem:v55+s3+$0x0] =	vst.idx.add.f32.msk $0xffff, v59;
	v56 =	vunpack.i.l.bf16.f32 v49;
	v9 =	vadd.s32 $0x2718, v44  }
0x761: {  	v52 =	vunpack.i.l.bf16.f32 v47;
	v58 =	vadd.s32 $0x2718, v55;
	[tilespmem:v51+s3+$0x0] =	vst.idx.add.f32.msk $0xffff, v56  }
0x762: {  	v54 =	vunpack.i.u.bf16.f32 v47;
	v5 =	vadd.s32 $0x2718, v46;
	[tilespmem:v3+s3+$0x0] =	vst.idx.add.f32.msk $0xffff, v52  }
0x763: {  	v57 =	vunpack.i.u.bf16.f32 v49;
	v6 =	vadd.s32 $0x7548, v35;
	[tilespmem:v10+s3+$0x0] =	vst.idx.add.f32.msk $0xffff, v54  }
0x764: {  	[tilespmem:v1+s3+$0x0] =	vst.idx.add.f32.msk $0xffff, v57;
	v1 =	vadd.s32 $0x2718, v48  }
0x765: {  	v61 =	vunpack.i.u.bf16.f32 v53;
	v8 =	vadd.s32 $0x7548, v40;
	v9 =	vld.idx.msk [tilespmem:v9+s16+$0x0], $0xffff  }
0x766: {  	[tilespmem:v58+s3+$0x0] =	vst.idx.add.f32.msk $0xffff, v61;
	v60 =	vadd.s32 $0x4E30, v3  }
0x767: {  	v4 =	vunpack.i.u.bf16.f32 v4;
	v3 =	vadd.s32 $0x7548, v3;
	v5 =	vld.idx.msk [tilespmem:v5+s16+$0x0], $0xffff  }
0x768: {  	v62 =	vadd.s32 $0x4E30, v51;
	[tilespmem:v6+s3+$0x0] =	vst.idx.add.f32.msk $0xffff, v4  }
0x769: {  	v6 =	vadd.s32 $0x7548, v51;
	v2 =	vunpack.i.u.bf16.f32 v2;
	v1 =	vld.idx.msk [tilespmem:v1+s16+$0x0], $0xffff  }
0x76a: {  	s20 =	sadd.s32 $0x40, s20;
	v63 =	vadd.s32 $0x4E30, v55;
	[tilespmem:v8+s3+$0x0] =	vst.idx.add.f32.msk $0xffff, v2;
	v2 =	vunpack.i.l.bf16.f32 v9  }
0x76b: {  	p0 =	slt.u32 s20, $0x1C0;
	v7 =	vadd.s32 $0x7548, v55;
	[tilespmem:v60+s3+$0x0] =	vst.idx.add.f32.msk $0xffff, v2;
	v2 =	vunpack.i.u.bf16.f32 v9  }
.Ltmp12:
0x76c: {  	[tilespmem:v3+s3+$0x0] =	vst.idx.add.f32.msk $0xffff, v2;
	v2 =	vunpack.i.l.bf16.f32 v5;
	(pc) =	sbr.rel @p0 .LBB2_25-.Ltmp12, $4  }
0x76d: {  	[tilespmem:v62+s3+$0x0] =	vst.idx.add.f32.msk $0xffff, v2;
	v2 =	vunpack.i.u.bf16.f32 v5  }
0x76e: {  	[tilespmem:v6+s3+$0x0] =	vst.idx.add.f32.msk $0xffff, v2;
	v2 =	vunpack.i.l.bf16.f32 v1  }
0x76f: {  	v1 =	vunpack.i.u.bf16.f32 v1;
	[tilespmem:v63+s3+$0x0] =	vst.idx.add.f32.msk $0xffff, v2  }
0x770: {  	s21 =	sadd.s32 $0x400, s21;
	[tilespmem:v7+s3+$0x0] =	vst.idx.add.f32.msk $0xffff, v1  }
0x771: {  	s20 =	sshll.u32 s19, $0xB;
	p0 =	seq.s32 s19, $0x13  }
0x772: {  	s21 =	sadd.s32 @!p0 s20, s7;
	s22 =	simm.s32 @!p0 $0x0;
	s23 =	simm.s32 @!p0 $0x16080  }
0x773: {  	[tilespmem:s23], [sflag:$0x1] =	stream.linear.gather @!p0 [hbm4b:s21+s22], $0x2000, $0x38;
	[tilespmem:$0x1A080] =	vst v63  }
0x774: {  	_ =	swait.ge [sflag:s17], $0x2000  }
0x775: {  	[sflag:s17] =	ssyncset.done $0x0  }
0x776: {  	s21 =	simm.s32 $0xFFFFFFC0;
	s22 =	simm.s32 $0x18280;
	[sflag:s17] =	ssyncadd.s32 $0xFFFFE000  }
.LBB2_27:
0x777: {  	v1 =	vld [tilespmem:s22+$0xFFFFFE00]  }
0x778: {  	v2 =	vld [tilespmem:s22+$0xFFFFFE10]  }
0x779: {  	v9 =	vld [tilespmem:s22+$0xFFFFFE20]  }
0x77a: {  	v35 =	vld [tilespmem:s22+$0xFFFFFE30]  }
0x77b: {  	v37 =	vld [tilespmem:s22+$0xFFFFFE40]  }
0x77c: {  	v45 =	vld [tilespmem:s22+$0xFFFFFE50]  }
0x77d: {  	v50 =	vld [tilespmem:s22+$0xFFFFFE60];
	v3 =	vand.u32 $0xFFFF, v1  }
0x77e: {  	v63 =	vld [tilespmem:s22+$0xFFFFFE80];
	v4 =	vand.u32 $0xFFFF, v2  }
0x77f: {  	v26 =	vld [tilespmem:s22+$0xFFFFFEA0];
	v34 =	vand.u32 $0xFFFF, v9  }
0x780: {  	v57 =	vld [tilespmem:s22+$0xFFFFFE70];
	v13 =	vand.u32 $0xFFFF, v35  }
0x781: {  	v22 =	vld [tilespmem:s22+$0xFFFFFE90];
	v49 =	vand.u32 $0xFFFF, v45  }
0x782: {  	v54 =	vand.u32 $0xFFFF, v50;
	v5 =	vld.idx.msk [tilespmem:v3+s16+$0x0], $0xffff  }
0x783: {  	v16 =	vand.u32 $0xFFFF, v63;
	v7 =	vld.idx.msk [tilespmem:v4+s16+$0x0], $0xffff  }
0x784: {  	v30 =	vand.u32 $0xFFFF, v26;
	v12 =	vld.idx.msk [tilespmem:v34+s16+$0x0], $0xffff  }
0x785: {  	v1 =	vshrl.u32 v1, $0x10;
	v39 =	vld.idx.msk [tilespmem:v13+s16+$0x0], $0xffff  }
0x786: {  	v2 =	vshrl.u32 v2, $0x10;
	v53 =	vld.idx.msk [tilespmem:v49+s16+$0x0], $0xffff  }
0x787: {  	v6 =	vadd.s32 $0x2718, v1;
	v60 =	vld.idx.msk [tilespmem:v54+s16+$0x0], $0xffff  }
0x788: {  	v3 =	vadd.s32 $0x2718, v3;
	v20 =	vld.idx.msk [tilespmem:v16+s16+$0x0], $0xffff  }
0x789: {  	v41 =	vshrl.u32 v35, $0x10;
	v31 =	vadd.s32 $0x2718, v2;
	v35 =	vld.idx.msk [tilespmem:v30+s16+$0x0], $0xffff;
	v8 =	vunpack.i.l.bf16.f32 v5  }
0x78a: {  	v4 =	vadd.s32 $0x2718, v4;
	v32 =	vunpack.i.l.bf16.f32 v7;
	[tilespmem:v1+s3+$0x0] =	vst.idx.add.f32.msk $0xffff, v8  }
0x78b: {  	v42 =	vadd.s32 $0x2718, v13;
	v13 =	vand.u32 $0xFFFF, v57;
	v5 =	vunpack.i.u.bf16.f32 v5;
	[tilespmem:v2+s3+$0x0] =	vst.idx.add.f32.msk $0xffff, v32  }
0x78c: {  	v9 =	vshrl.u32 v9, $0x10;
	[tilespmem:v6+s3+$0x0] =	vst.idx.add.f32.msk $0xffff, v5  }
0x78d: {  	v33 =	vunpack.i.u.bf16.f32 v7;
	v3 =	vld.idx.msk [tilespmem:v3+s16+$0x0], $0xffff  }
0x78e: {  	v10 =	vadd.s32 $0x4E30, v1;
	[tilespmem:v31+s3+$0x0] =	vst.idx.add.f32.msk $0xffff, v33  }
0x78f: {  	v1 =	vadd.s32 $0x7548, v1;
	v4 =	vld.idx.msk [tilespmem:v4+s16+$0x0], $0xffff  }
0x790: {  	v36 =	vadd.s32 $0x4E30, v2;
	v38 =	vunpack.i.l.bf16.f32 v12;
	v19 =	vld.idx.msk [tilespmem:v13+s16+$0x0], $0xffff  }
0x791: {  	v61 =	vshrl.u32 v50, $0x10;
	v44 =	vunpack.i.l.bf16.f32 v39;
	[tilespmem:v9+s3+$0x0] =	vst.idx.add.f32.msk $0xffff, v38  }
0x792: {  	v24 =	vshrl.u32 v63, $0x10;
	[tilespmem:v41+s3+$0x0] =	vst.idx.add.f32.msk $0xffff, v44;
	v11 =	vunpack.i.l.bf16.f32 v3  }
0x793: {  	v2 =	vadd.s32 $0x7548, v2;
	v3 =	vunpack.i.u.bf16.f32 v3;
	[tilespmem:v10+s3+$0x0] =	vst.idx.add.f32.msk $0xffff, v11  }
0x794: {  	[tilespmem:v1+s3+$0x0] =	vst.idx.add.f32.msk $0xffff, v3;
	v1 =	vunpack.i.l.bf16.f32 v4;
	v3 =	vadd.s32 $0x2718, v9  }
0x795: {  	v14 =	vunpack.i.l.bf16.f32 v60;
	[tilespmem:v36+s3+$0x0] =	vst.idx.add.f32.msk $0xffff, v1;
	v1 =	vand.u32 $0xFFFF, v37  }
0x796: {  	v28 =	vand.u32 $0xFFFF, v22;
	v27 =	vunpack.i.l.bf16.f32 v20;
	[tilespmem:v61+s3+$0x0] =	vst.idx.add.f32.msk $0xffff, v14  }
0x797: {  	v62 =	vadd.s32 $0x2718, v61;
	[tilespmem:v24+s3+$0x0] =	vst.idx.add.f32.msk $0xffff, v27;
	v4 =	vunpack.i.u.bf16.f32 v4  }
0x798: {  	v40 =	vunpack.i.u.bf16.f32 v12;
	[tilespmem:v2+s3+$0x0] =	vst.idx.add.f32.msk $0xffff, v4;
	v2 =	vadd.s32 $0x2718, v34  }
0x799: {  	[tilespmem:v3+s3+$0x0] =	vst.idx.add.f32.msk $0xffff, v40;
	v3 =	vadd.s32 $0x2718, v41  }
0x79a: {  	v43 =	vld.idx.msk [tilespmem:v1+s16+$0x0], $0xffff  }
0x79b: {  	v15 =	vunpack.i.u.bf16.f32 v60;
	v8 =	vshrl.u32 v37, $0x10;
	v32 =	vld.idx.msk [tilespmem:v28+s16+$0x0], $0xffff  }
0x79c: {  	v46 =	vadd.s32 $0x2718, v8;
	[tilespmem:v62+s3+$0x0] =	vst.idx.add.f32.msk $0xffff, v15  }
0x79d: {  	v5 =	vunpack.i.u.bf16.f32 v39;
	v1 =	vadd.s32 $0x2718, v1;
	v2 =	vld.idx.msk [tilespmem:v2+s16+$0x0], $0xffff  }
0x79e: {  	[tilespmem:v3+s3+$0x0] =	vst.idx.add.f32.msk $0xffff, v5;
	v3 =	vadd.s32 $0x4E30, v9  }
0x79f: {  	v5 =	vld.idx.msk [tilespmem:v42+s16+$0x0], $0xffff;
	v47 =	vunpack.i.l.bf16.f32 v43  }
0x7a0: {  	v48 =	vunpack.i.u.bf16.f32 v43;
	[tilespmem:v8+s3+$0x0] =	vst.idx.add.f32.msk $0xffff, v47  }
0x7a1: {  	v9 =	vadd.s32 $0x7548, v9;
	[tilespmem:v46+s3+$0x0] =	vst.idx.add.f32.msk $0xffff, v48  }
0x7a2: {  	v51 =	vadd.s32 $0x4E30, v41;
	v52 =	vunpack.i.l.bf16.f32 v2;
	v1 =	vld.idx.msk [tilespmem:v1+s16+$0x0], $0xffff  }
0x7a3: {  	[tilespmem:v3+s3+$0x0] =	vst.idx.add.f32.msk $0xffff, v52;
	v3 =	vadd.s32 $0x4E30, v8  }
0x7a4: {  	v36 =	vld [tilespmem:s22+$0xFFFFFEB0]  }
0x7a5: {  	v42 =	vld [tilespmem:s22+$0xFFFFFEC0];
	v2 =	vunpack.i.u.bf16.f32 v2  }
0x7a6: {  	v4 =	vadd.s32 $0x7548, v41;
	[tilespmem:v9+s3+$0x0] =	vst.idx.add.f32.msk $0xffff, v2;
	v2 =	vunpack.i.l.bf16.f32 v5  }
0x7a7: {  	[tilespmem:v51+s3+$0x0] =	vst.idx.add.f32.msk $0xffff, v2;
	v2 =	vshrl.u32 v45, $0x10;
	v55 =	vunpack.i.l.bf16.f32 v1  }
0x7a8: {  	[tilespmem:v3+s3+$0x0] =	vst.idx.add.f32.msk $0xffff, v55;
	v3 =	vadd.s32 $0x2718, v2  }
0x7a9: {  	v56 =	vadd.s32 $0x2718, v49;
	v58 =	vadd.s32 $0x7548, v8;
	v62 =	vld [tilespmem:s22+$0xFFFFFEF0]  }
0x7aa: {  	v23 =	vunpack.i.l.bf16.f32 v19;
	v11 =	vunpack.i.u.bf16.f32 v19;
	v19 =	vld [tilespmem:s22+$0xFFFFFF00];
	v5 =	vunpack.i.u.bf16.f32 v5  }
0x7ab: {  	v59 =	vunpack.i.l.bf16.f32 v53;
	v41 =	vand.u32 $0xFFFF, v36;
	[tilespmem:v4+s3+$0x0] =	vst.idx.add.f32.msk $0xffff, v5  }
0x7ac: {  	v6 =	vunpack.i.u.bf16.f32 v53;
	[tilespmem:v2+s3+$0x0] =	vst.idx.add.f32.msk $0xffff, v59  }
0x7ad: {  	v48 =	vand.u32 $0xFFFF, v42;
	[tilespmem:v3+s3+$0x0] =	vst.idx.add.f32.msk $0xffff, v6  }
0x7ae: {  	v1 =	vunpack.i.u.bf16.f32 v1;
	v4 =	vld.idx.msk [tilespmem:v56+s16+$0x0], $0xffff  }
0x7af: {  	[tilespmem:v58+s3+$0x0] =	vst.idx.add.f32.msk $0xffff, v1;
	v1 =	vadd.s32 $0x4E30, v2  }
0x7b0: {  	v47 =	vld.idx.msk [tilespmem:v41+s16+$0x0], $0xffff;
	v2 =	vadd.s32 $0x7548, v2  }
0x7b1: {  	v45 =	vld [tilespmem:s22+$0xFFFFFED0];
	v3 =	vadd.s32 $0x2718, v54  }
0x7b2: {  	v51 =	vld.idx.msk [tilespmem:v48+s16+$0x0], $0xffff  }
0x7b3: {  	v25 =	vadd.s32 $0x2718, v24;
	v56 =	vld [tilespmem:s22+$0xFFFFFEE0];
	v17 =	vunpack.i.l.bf16.f32 v4  }
0x7b4: {  	v4 =	vunpack.i.u.bf16.f32 v4;
	[tilespmem:v1+s3+$0x0] =	vst.idx.add.f32.msk $0xffff, v17;
	v1 =	vshrl.u32 v57, $0x10  }
0x7b5: {  	[tilespmem:v2+s3+$0x0] =	vst.idx.add.f32.msk $0xffff, v4;
	v2 =	vadd.s32 $0x2718, v1  }
0x7b6: {  	v6 =	vadd.s32 $0x2718, v13;
	v3 =	vld.idx.msk [tilespmem:v3+s16+$0x0], $0xffff  }
0x7b7: {  	v18 =	vadd.s32 $0x4E30, v61;
	v53 =	vadd.s32 $0x2718, v48;
	v48 =	vld [tilespmem:s22+$0xFFFFFF40];
	v4 =	vunpack.i.u.bf16.f32 v20  }
0x7b8: {  	v8 =	vadd.s32 $0x7548, v61;
	[tilespmem:v25+s3+$0x0] =	vst.idx.add.f32.msk $0xffff, v4  }
0x7b9: {  	[tilespmem:v1+s3+$0x0] =	vst.idx.add.f32.msk $0xffff, v23  }
0x7ba: {  	v7 =	vadd.s32 $0x2718, v16;
	[tilespmem:v2+s3+$0x0] =	vst.idx.add.f32.msk $0xffff, v11  }
0x7bb: {  	v61 =	vand.u32 $0xFFFF, v56;
	v21 =	vunpack.i.l.bf16.f32 v3;
	v2 =	vld.idx.msk [tilespmem:v6+s16+$0x0], $0xffff  }
0x7bc: {  	v29 =	vadd.s32 $0x4E30, v1;
	v3 =	vunpack.i.u.bf16.f32 v3;
	[tilespmem:v18+s3+$0x0] =	vst.idx.add.f32.msk $0xffff, v21  }
0x7bd: {  	v1 =	vadd.s32 $0x7548, v1;
	[tilespmem:v8+s3+$0x0] =	vst.idx.add.f32.msk $0xffff, v3  }
0x7be: {  	v39 =	vadd.s32 $0x7548, v24;
	v17 =	vand.u32 $0xFFFF, v62;
	v3 =	vadd.s32 $0x4E30, v24;
	v24 =	vld [tilespmem:s22+$0xFFFFFF10]  }
0x7bf: {  	v25 =	vand.u32 $0xFFFF, v19;
	v4 =	vld.idx.msk [tilespmem:v7+s16+$0x0], $0xffff  }
0x7c0: {  	v16 =	vld.idx.msk [tilespmem:v61+s16+$0x0], $0xffff;
	v31 =	vunpack.i.l.bf16.f32 v2  }
0x7c1: {  	v33 =	vshrl.u32 v22, $0x10;
	v2 =	vunpack.i.u.bf16.f32 v2;
	[tilespmem:v29+s3+$0x0] =	vst.idx.add.f32.msk $0xffff, v31  }
0x7c2: {  	[tilespmem:v1+s3+$0x0] =	vst.idx.add.f32.msk $0xffff, v2;
	v1 =	vadd.s32 $0x2718, v33  }
0x7c3: {  	v34 =	vadd.s32 $0x2718, v28;
	v21 =	vld.idx.msk [tilespmem:v17+s16+$0x0], $0xffff;
	v28 =	vand.u32 $0xFFFF, v24  }
0x7c4: {  	v31 =	vld.idx.msk [tilespmem:v25+s16+$0x0], $0xffff;
	v2 =	vunpack.i.l.bf16.f32 v4  }
0x7c5: {  	[tilespmem:v3+s3+$0x0] =	vst.idx.add.f32.msk $0xffff, v2;
	v2 =	vshrl.u32 v26, $0x10;
	v3 =	vunpack.i.l.bf16.f32 v32  }
0x7c6: {  	v7 =	vunpack.i.u.bf16.f32 v32;
	[tilespmem:v33+s3+$0x0] =	vst.idx.add.f32.msk $0xffff, v3;
	v3 =	vadd.s32 $0x2718, v2  }
0x7c7: {  	[tilespmem:v1+s3+$0x0] =	vst.idx.add.f32.msk $0xffff, v7;
	v1 =	vadd.s32 $0x2718, v30  }
0x7c8: {  	v32 =	vld.idx.msk [tilespmem:v28+s16+$0x0], $0xffff  }
0x7c9: {  	v38 =	vunpack.i.l.bf16.f32 v35;
	v22 =	vshrl.u32 v62, $0x10;
	v37 =	vld.idx.msk [tilespmem:v34+s16+$0x0], $0xffff  }
0x7ca: {  	v40 =	vunpack.i.u.bf16.f32 v35;
	v23 =	vadd.s32 $0x2718, v22;
	[tilespmem:v2+s3+$0x0] =	vst.idx.add.f32.msk $0xffff, v38  }
0x7cb: {  	v43 =	vadd.s32 $0x4E30, v33;
	[tilespmem:v3+s3+$0x0] =	vst.idx.add.f32.msk $0xffff, v40  }
0x7cc: {  	v4 =	vunpack.i.u.bf16.f32 v4;
	v3 =	vadd.s32 $0x7548, v33;
	v1 =	vld.idx.msk [tilespmem:v1+s16+$0x0], $0xffff  }
0x7cd: {  	v26 =	vunpack.i.l.bf16.f32 v21;
	v44 =	vadd.s32 $0x4E30, v2;
	[tilespmem:v39+s3+$0x0] =	vst.idx.add.f32.msk $0xffff, v4  }
0x7ce: {  	v27 =	vunpack.i.u.bf16.f32 v21;
	[tilespmem:v22+s3+$0x0] =	vst.idx.add.f32.msk $0xffff, v26  }
0x7cf: {  	[tilespmem:v23+s3+$0x0] =	vst.idx.add.f32.msk $0xffff, v27;
	v2 =	vadd.s32 $0x7548, v2;
	v46 =	vunpack.i.l.bf16.f32 v37  }
0x7d0: {  	v49 =	vshrl.u32 v36, $0x10;
	v5 =	vunpack.i.u.bf16.f32 v37;
	[tilespmem:v43+s3+$0x0] =	vst.idx.add.f32.msk $0xffff, v46  }
0x7d1: {  	[tilespmem:v3+s3+$0x0] =	vst.idx.add.f32.msk $0xffff, v5;
	v3 =	vunpack.i.l.bf16.f32 v1  }
0x7d2: {  	[tilespmem:v44+s3+$0x0] =	vst.idx.add.f32.msk $0xffff, v3;
	v3 =	vand.u32 $0xFFFF, v45  }
0x7d3: {  	v50 =	vadd.s32 $0x2718, v49;
	v23 =	vld [tilespmem:s22+$0xFFFFFF80];
	v1 =	vunpack.i.u.bf16.f32 v1  }
0x7d4: {  	[tilespmem:v2+s3+$0x0] =	vst.idx.add.f32.msk $0xffff, v1;
	v1 =	vadd.s32 $0x2718, v41;
	v2 =	vunpack.i.l.bf16.f32 v47  }
0x7d5: {  	[tilespmem:v49+s3+$0x0] =	vst.idx.add.f32.msk $0xffff, v2;
	v2 =	vshrl.u32 v42, $0x10  }
0x7d6: {  	v34 =	vld [tilespmem:s22+$0xFFFFFF20];
	v52 =	vadd.s32 $0x2718, v2  }
0x7d7: {  	v8 =	vunpack.i.u.bf16.f32 v47;
	v54 =	vld.idx.msk [tilespmem:v3+s16+$0x0], $0xffff  }
0x7d8: {  	v7 =	vshrl.u32 v45, $0x10;
	[tilespmem:v50+s3+$0x0] =	vst.idx.add.f32.msk $0xffff, v8  }
0x7d9: {  	v55 =	vunpack.i.l.bf16.f32 v51;
	v57 =	vadd.s32 $0x2718, v7;
	v1 =	vld.idx.msk [tilespmem:v1+s16+$0x0], $0xffff  }
0x7da: {  	v6 =	vunpack.i.u.bf16.f32 v51;
	v3 =	vadd.s32 $0x2718, v3;
	[tilespmem:v2+s3+$0x0] =	vst.idx.add.f32.msk $0xffff, v55  }
0x7db: {  	[tilespmem:v52+s3+$0x0] =	vst.idx.add.f32.msk $0xffff, v6  }
0x7dc: {  	v58 =	vadd.s32 $0x4E30, v49;
	v6 =	vld.idx.msk [tilespmem:v53+s16+$0x0], $0xffff;
	v59 =	vunpack.i.l.bf16.f32 v54  }
0x7dd: {  	v4 =	vadd.s32 $0x7548, v49;
	v60 =	vunpack.i.u.bf16.f32 v54;
	[tilespmem:v7+s3+$0x0] =	vst.idx.add.f32.msk $0xffff, v59  }
0x7de: {  	v63 =	vadd.s32 $0x4E30, v2;
	[tilespmem:v57+s3+$0x0] =	vst.idx.add.f32.msk $0xffff, v60  }
0x7df: {  	v2 =	vadd.s32 $0x7548, v2;
	v3 =	vld.idx.msk [tilespmem:v3+s16+$0x0], $0xffff  }
0x7e0: {  	v15 =	vadd.s32 $0x4E30, v7;
	v38 =	vld [tilespmem:s22+$0xFFFFFF30];
	v14 =	vunpack.i.l.bf16.f32 v1  }
0x7e1: {  	v36 =	vshrl.u32 v24, $0x10;
	v1 =	vunpack.i.u.bf16.f32 v1;
	[tilespmem:v58+s3+$0x0] =	vst.idx.add.f32.msk $0xffff, v14  }
0x7e2: {  	v40 =	vand.u32 $0xFFFF, v34;
	[tilespmem:v4+s3+$0x0] =	vst.idx.add.f32.msk $0xffff, v1;
	v1 =	vunpack.i.l.bf16.f32 v6  }
0x7e3: {  	v6 =	vunpack.i.u.bf16.f32 v6;
	[tilespmem:v63+s3+$0x0] =	vst.idx.add.f32.msk $0xffff, v1  }
0x7e4: {  	v1 =	vshrl.u32 v56, $0x10;
	[tilespmem:v2+s3+$0x0] =	vst.idx.add.f32.msk $0xffff, v6;
	v2 =	vunpack.i.l.bf16.f32 v3  }
0x7e5: {  	v39 =	vunpack.i.l.bf16.f32 v32;
	[tilespmem:v15+s3+$0x0] =	vst.idx.add.f32.msk $0xffff, v2;
	v2 =	vadd.s32 $0x2718, v1  }
0x7e6: {  	v18 =	vadd.s32 $0x2718, v61;
	[tilespmem:v36+s3+$0x0] =	vst.idx.add.f32.msk $0xffff, v39  }
0x7e7: {  	v44 =	vld.idx.msk [tilespmem:v40+s16+$0x0], $0xffff;
	v7 =	vadd.s32 $0x7548, v7  }
0x7e8: {  	v20 =	vunpack.i.l.bf16.f32 v16;
	v42 =	vand.u32 $0xFFFF, v38;
	v54 =	vld [tilespmem:s22+$0xFFFFFF50]  }
0x7e9: {  	v4 =	vunpack.i.u.bf16.f32 v16;
	[tilespmem:v1+s3+$0x0] =	vst.idx.add.f32.msk $0xffff, v20  }
0x7ea: {  	v53 =	vand.u32 $0xFFFF, v48;
	[tilespmem:v2+s3+$0x0] =	vst.idx.add.f32.msk $0xffff, v4  }
0x7eb: {  	v3 =	vunpack.i.u.bf16.f32 v3;
	v4 =	vld.idx.msk [tilespmem:v18+s16+$0x0], $0xffff  }
0x7ec: {  	[tilespmem:v7+s3+$0x0] =	vst.idx.add.f32.msk $0xffff, v3;
	v3 =	vadd.s32 $0x4E30, v1  }
0x7ed: {  	v47 =	vld.idx.msk [tilespmem:v42+s16+$0x0], $0xffff;
	v1 =	vadd.s32 $0x7548, v1  }
0x7ee: {  	v57 =	vld [tilespmem:s22+$0xFFFFFF60];
	v60 =	vand.u32 $0xFFFF, v54  }
0x7ef: {  	v59 =	vld.idx.msk [tilespmem:v53+s16+$0x0], $0xffff;
	v2 =	vadd.s32 $0x2718, v17  }
0x7f0: {  	v7 =	vadd.s32 $0x2718, v28;
	v28 =	vand.u32 $0xFFFF, v23;
	v17 =	vld [tilespmem:s22+$0xFFFFFF70];
	v29 =	vunpack.i.l.bf16.f32 v4  }
0x7f1: {  	v4 =	vunpack.i.u.bf16.f32 v4;
	[tilespmem:v3+s3+$0x0] =	vst.idx.add.f32.msk $0xffff, v29;
	v3 =	vshrl.u32 v19, $0x10  }
0x7f2: {  	[tilespmem:v1+s3+$0x0] =	vst.idx.add.f32.msk $0xffff, v4;
	v1 =	vadd.s32 $0x2718, v3  }
0x7f3: {  	v5 =	vadd.s32 $0x2718, v25;
	v63 =	vld.idx.msk [tilespmem:v60+s16+$0x0], $0xffff  }
0x7f4: {  	v37 =	vadd.s32 $0x2718, v36;
	v2 =	vld.idx.msk [tilespmem:v2+s16+$0x0], $0xffff  }
0x7f5: {  	v9 =	vadd.s32 $0x7548, v22;
	v35 =	vunpack.i.l.bf16.f32 v31;
	v4 =	vunpack.i.u.bf16.f32 v32;
	v32 =	vld.idx.msk [tilespmem:v28+s16+$0x0], $0xffff  }
0x7f6: {  	v11 =	vunpack.i.u.bf16.f32 v31;
	v30 =	vadd.s32 $0x4E30, v22;
	v22 =	vand.u32 $0xFFFF, v17;
	[tilespmem:v3+s3+$0x0] =	vst.idx.add.f32.msk $0xffff, v35  }
0x7f7: {  	[tilespmem:v1+s3+$0x0] =	vst.idx.add.f32.msk $0xffff, v11  }
0x7f8: {  	v1 =	vld.idx.msk [tilespmem:v5+s16+$0x0], $0xffff  }
0x7f9: {  	v41 =	vadd.s32 $0x4E30, v3;
	[tilespmem:v37+s3+$0x0] =	vst.idx.add.f32.msk $0xffff, v4  }
0x7fa: {  	v4 =	vld.idx.msk [tilespmem:v7+s16+$0x0], $0xffff;
	v3 =	vadd.s32 $0x7548, v3  }
0x7fb: {  	v33 =	vunpack.i.l.bf16.f32 v2;
	v27 =	vld.idx.msk [tilespmem:v22+s16+$0x0], $0xffff  }
0x7fc: {  	v2 =	vunpack.i.u.bf16.f32 v2;
	[tilespmem:v30+s3+$0x0] =	vst.idx.add.f32.msk $0xffff, v33  }
0x7fd: {  	[tilespmem:v9+s3+$0x0] =	vst.idx.add.f32.msk $0xffff, v2;
	v2 =	vadd.s32 $0x4E30, v36;
	v43 =	vunpack.i.l.bf16.f32 v1  }
0x7fe: {  	v45 =	vshrl.u32 v34, $0x10;
	v1 =	vunpack.i.u.bf16.f32 v1;
	[tilespmem:v41+s3+$0x0] =	vst.idx.add.f32.msk $0xffff, v43  }
0x7ff: {  	[tilespmem:v3+s3+$0x0] =	vst.idx.add.f32.msk $0xffff, v1;
	v1 =	vadd.s32 $0x2718, v45  }
0x800: {  	v30 =	vld [tilespmem:s22+$0xFFFFFF90];
	v33 =	vshrl.u32 v23, $0x10  }
0x801: {  	v46 =	vadd.s32 $0x2718, v40;
	v35 =	vld [tilespmem:s22+$0xFFFFFFA0];
	v3 =	vunpack.i.l.bf16.f32 v4  }
0x802: {  	[tilespmem:v2+s3+$0x0] =	vst.idx.add.f32.msk $0xffff, v3;
	v2 =	vshrl.u32 v38, $0x10;
	v3 =	vunpack.i.l.bf16.f32 v44  }
0x803: {  	v7 =	vunpack.i.u.bf16.f32 v44;
	[tilespmem:v45+s3+$0x0] =	vst.idx.add.f32.msk $0xffff, v3;
	v3 =	vadd.s32 $0x2718, v2  }
0x804: {  	v37 =	vunpack.i.l.bf16.f32 v32;
	[tilespmem:v1+s3+$0x0] =	vst.idx.add.f32.msk $0xffff, v7;
	v1 =	vadd.s32 $0x2718, v42  }
0x805: {  	[tilespmem:v33+s3+$0x0] =	vst.idx.add.f32.msk $0xffff, v37  }
0x806: {  	v50 =	vunpack.i.l.bf16.f32 v47;
	v39 =	vand.u32 $0xFFFF, v35;
	v49 =	vld.idx.msk [tilespmem:v46+s16+$0x0], $0xffff  }
0x807: {  	v51 =	vadd.s32 $0x7548, v36;
	v52 =	vunpack.i.u.bf16.f32 v47;
	[tilespmem:v2+s3+$0x0] =	vst.idx.add.f32.msk $0xffff, v50  }
0x808: {  	v55 =	vadd.s32 $0x4E30, v45;
	[tilespmem:v3+s3+$0x0] =	vst.idx.add.f32.msk $0xffff, v52  }
0x809: {  	v3 =	vadd.s32 $0x7548, v45;
	v1 =	vld.idx.msk [tilespmem:v1+s16+$0x0], $0xffff  }
0x80a: {  	v37 =	vld [tilespmem:s22+$0x10];
	v56 =	vadd.s32 $0x4E30, v2  }
0x80b: {  	v34 =	vadd.s32 $0x2718, v33;
	v4 =	vunpack.i.u.bf16.f32 v4;
	v43 =	vld.idx.msk [tilespmem:v39+s16+$0x0], $0xffff  }
0x80c: {  	[tilespmem:v51+s3+$0x0] =	vst.idx.add.f32.msk $0xffff, v4;
	v2 =	vadd.s32 $0x7548, v2;
	v58 =	vunpack.i.l.bf16.f32 v49  }
0x80d: {  	v61 =	vshrl.u32 v48, $0x10;
	v5 =	vunpack.i.u.bf16.f32 v49;
	[tilespmem:v55+s3+$0x0] =	vst.idx.add.f32.msk $0xffff, v58  }
0x80e: {  	[tilespmem:v3+s3+$0x0] =	vst.idx.add.f32.msk $0xffff, v5;
	v3 =	vunpack.i.l.bf16.f32 v1  }
0x80f: {  	v38 =	vunpack.i.u.bf16.f32 v32;
	[tilespmem:v56+s3+$0x0] =	vst.idx.add.f32.msk $0xffff, v3;
	v3 =	vand.u32 $0xFFFF, v57  }
0x810: {  	v62 =	vadd.s32 $0x2718, v61;
	[tilespmem:v34+s3+$0x0] =	vst.idx.add.f32.msk $0xffff, v38;
	v1 =	vunpack.i.u.bf16.f32 v1  }
0x811: {  	[tilespmem:v2+s3+$0x0] =	vst.idx.add.f32.msk $0xffff, v1;
	v1 =	vadd.s32 $0x2718, v53;
	v2 =	vunpack.i.l.bf16.f32 v59  }
0x812: {  	[tilespmem:v61+s3+$0x0] =	vst.idx.add.f32.msk $0xffff, v2;
	v2 =	vshrl.u32 v54, $0x10  }
0x813: {  	v45 =	vld [tilespmem:s22+$0xFFFFFFB0];
	v12 =	vadd.s32 $0x2718, v2  }
0x814: {  	v14 =	vadd.s32 $0x2718, v60;
	v8 =	vunpack.i.u.bf16.f32 v59;
	v15 =	vld.idx.msk [tilespmem:v3+s16+$0x0], $0xffff  }
0x815: {  	v7 =	vshrl.u32 v57, $0x10;
	[tilespmem:v62+s3+$0x0] =	vst.idx.add.f32.msk $0xffff, v8  }
0x816: {  	v16 =	vunpack.i.l.bf16.f32 v63;
	v18 =	vadd.s32 $0x2718, v7;
	v1 =	vld.idx.msk [tilespmem:v1+s16+$0x0], $0xffff  }
0x817: {  	v6 =	vunpack.i.u.bf16.f32 v63;
	v3 =	vadd.s32 $0x2718, v3;
	[tilespmem:v2+s3+$0x0] =	vst.idx.add.f32.msk $0xffff, v16  }
0x818: {  	[tilespmem:v12+s3+$0x0] =	vst.idx.add.f32.msk $0xffff, v6  }
0x819: {  	v19 =	vadd.s32 $0x4E30, v61;
	v6 =	vld.idx.msk [tilespmem:v14+s16+$0x0], $0xffff;
	v20 =	vunpack.i.l.bf16.f32 v15  }
0x81a: {  	v4 =	vadd.s32 $0x7548, v61;
	v21 =	vunpack.i.u.bf16.f32 v15;
	[tilespmem:v7+s3+$0x0] =	vst.idx.add.f32.msk $0xffff, v20  }
0x81b: {  	v24 =	vadd.s32 $0x4E30, v2;
	[tilespmem:v18+s3+$0x0] =	vst.idx.add.f32.msk $0xffff, v21  }
0x81c: {  	v2 =	vadd.s32 $0x7548, v2;
	v3 =	vld.idx.msk [tilespmem:v3+s16+$0x0], $0xffff  }
0x81d: {  	v26 =	vadd.s32 $0x4E30, v7;
	v49 =	vld [tilespmem:s22+$0xFFFFFFC0];
	v25 =	vunpack.i.l.bf16.f32 v1  }
0x81e: {  	v1 =	vunpack.i.u.bf16.f32 v1;
	[tilespmem:v19+s3+$0x0] =	vst.idx.add.f32.msk $0xffff, v25  }
0x81f: {  	v36 =	vand.u32 $0xFFFF, v30;
	[tilespmem:v4+s3+$0x0] =	vst.idx.add.f32.msk $0xffff, v1;
	v1 =	vunpack.i.l.bf16.f32 v6  }
0x820: {  	v47 =	vshrl.u32 v35, $0x10;
	v6 =	vunpack.i.u.bf16.f32 v6;
	[tilespmem:v24+s3+$0x0] =	vst.idx.add.f32.msk $0xffff, v1  }
0x821: {  	v1 =	vshrl.u32 v17, $0x10;
	[tilespmem:v2+s3+$0x0] =	vst.idx.add.f32.msk $0xffff, v6;
	v2 =	vunpack.i.l.bf16.f32 v3  }
0x822: {  	[tilespmem:v26+s3+$0x0] =	vst.idx.add.f32.msk $0xffff, v2;
	v2 =	vadd.s32 $0x2718, v1  }
0x823: {  	v29 =	vadd.s32 $0x2718, v22;
	v59 =	vld [tilespmem:s22+$0xFFFFFFD0]  }
0x824: {  	v42 =	vld.idx.msk [tilespmem:v36+s16+$0x0], $0xffff;
	v50 =	vunpack.i.l.bf16.f32 v43;
	v7 =	vadd.s32 $0x7548, v7  }
0x825: {  	v31 =	vunpack.i.l.bf16.f32 v27;
	[tilespmem:v47+s3+$0x0] =	vst.idx.add.f32.msk $0xffff, v50;
	v51 =	vand.u32 $0xFFFF, v45  }
0x826: {  	v53 =	vand.u32 $0xFFFF, v49;
	v4 =	vunpack.i.u.bf16.f32 v27;
	[tilespmem:v1+s3+$0x0] =	vst.idx.add.f32.msk $0xffff, v31  }
0x827: {  	[tilespmem:v2+s3+$0x0] =	vst.idx.add.f32.msk $0xffff, v4  }
0x828: {  	v16 =	vand.u32 $0xFFFF, v59;
	v3 =	vunpack.i.u.bf16.f32 v3;
	v4 =	vld.idx.msk [tilespmem:v29+s16+$0x0], $0xffff  }
0x829: {  	[tilespmem:v7+s3+$0x0] =	vst.idx.add.f32.msk $0xffff, v3;
	v3 =	vadd.s32 $0x4E30, v1  }
0x82a: {  	v55 =	vld.idx.msk [tilespmem:v51+s16+$0x0], $0xffff;
	v1 =	vadd.s32 $0x7548, v1  }
0x82b: {  	v58 =	vld.idx.msk [tilespmem:v53+s16+$0x0], $0xffff  }
0x82c: {  	v20 =	vld [tilespmem:s22+$0xFFFFFFF0]  }
0x82d: {  	v22 =	vld.idx.msk [tilespmem:v16+s16+$0x0], $0xffff;
	v2 =	vadd.s32 $0x2718, v28;
	v40 =	vunpack.i.l.bf16.f32 v4  }
0x82e: {  	v4 =	vunpack.i.u.bf16.f32 v4;
	[tilespmem:v3+s3+$0x0] =	vst.idx.add.f32.msk $0xffff, v40;
	v3 =	vshrl.u32 v30, $0x10  }
0x82f: {  	[tilespmem:v1+s3+$0x0] =	vst.idx.add.f32.msk $0xffff, v4;
	v1 =	vadd.s32 $0x2718, v3  }
0x830: {  	v5 =	vadd.s32 $0x2718, v36;
	v17 =	vld [tilespmem:s22+$0xFFFFFFE0]  }
0x831: {  	v31 =	vld [tilespmem:s22+$0x0]  }
0x832: {  	v48 =	vadd.s32 $0x2718, v47;
	v46 =	vunpack.i.l.bf16.f32 v42;
	v2 =	vld.idx.msk [tilespmem:v2+s16+$0x0], $0xffff  }
0x833: {  	v11 =	vunpack.i.u.bf16.f32 v42;
	v7 =	vadd.s32 $0x2718, v39;
	[tilespmem:v3+s3+$0x0] =	vst.idx.add.f32.msk $0xffff, v46  }
0x834: {  	v41 =	vadd.s32 $0x4E30, v33;
	[tilespmem:v1+s3+$0x0] =	vst.idx.add.f32.msk $0xffff, v11  }
0x835: {  	v9 =	vadd.s32 $0x7548, v33;
	v1 =	vld.idx.msk [tilespmem:v5+s16+$0x0], $0xffff  }
0x836: {  	v24 =	vshrl.u32 v59, $0x10;
	v59 =	vld [tilespmem:s22+$0x40];
	v52 =	vadd.s32 $0x4E30, v3;
	v4 =	vunpack.i.u.bf16.f32 v43  }
0x837: {  	[tilespmem:v48+s3+$0x0] =	vst.idx.add.f32.msk $0xffff, v4;
	v3 =	vadd.s32 $0x7548, v3  }
0x838: {  	v23 =	vand.u32 $0xFFFF, v17;
	v44 =	vunpack.i.l.bf16.f32 v2;
	v4 =	vld.idx.msk [tilespmem:v7+s16+$0x0], $0xffff  }
0x839: {  	v36 =	vand.u32 $0xFFFF, v31;
	v2 =	vunpack.i.u.bf16.f32 v2;
	[tilespmem:v41+s3+$0x0] =	vst.idx.add.f32.msk $0xffff, v44  }
0x83a: {  	[tilespmem:v9+s3+$0x0] =	vst.idx.add.f32.msk $0xffff, v2;
	v2 =	vadd.s32 $0x4E30, v47;
	v54 =	vunpack.i.l.bf16.f32 v1  }
0x83b: {  	v56 =	vshrl.u32 v45, $0x10;
	v1 =	vunpack.i.u.bf16.f32 v1;
	[tilespmem:v52+s3+$0x0] =	vst.idx.add.f32.msk $0xffff, v54  }
0x83c: {  	[tilespmem:v3+s3+$0x0] =	vst.idx.add.f32.msk $0xffff, v1;
	v1 =	vadd.s32 $0x2718, v56  }
0x83d: {  	v42 =	vand.u32 $0xFFFF, v37;
	v26 =	vld.idx.msk [tilespmem:v23+s16+$0x0], $0xffff  }
0x83e: {  	v57 =	vadd.s32 $0x2718, v51;
	v41 =	vld.idx.msk [tilespmem:v36+s16+$0x0], $0xffff;
	v3 =	vunpack.i.l.bf16.f32 v4  }
0x83f: {  	[tilespmem:v2+s3+$0x0] =	vst.idx.add.f32.msk $0xffff, v3;
	v2 =	vshrl.u32 v49, $0x10;
	v3 =	vunpack.i.l.bf16.f32 v55  }
0x840: {  	v7 =	vunpack.i.u.bf16.f32 v55;
	[tilespmem:v56+s3+$0x0] =	vst.idx.add.f32.msk $0xffff, v3;
	v3 =	vadd.s32 $0x2718, v2  }
0x841: {  	[tilespmem:v1+s3+$0x0] =	vst.idx.add.f32.msk $0xffff, v7;
	v1 =	vadd.s32 $0x2718, v53  }
0x842: {  	v46 =	vld.idx.msk [tilespmem:v42+s16+$0x0], $0xffff  }
0x843: {  	v62 =	vadd.s32 $0x7548, v47;
	v61 =	vunpack.i.l.bf16.f32 v58;
	v47 =	vshrl.u32 v37, $0x10;
	v60 =	vld.idx.msk [tilespmem:v57+s16+$0x0], $0xffff  }
0x844: {  	v63 =	vunpack.i.u.bf16.f32 v58;
	[tilespmem:v2+s3+$0x0] =	vst.idx.add.f32.msk $0xffff, v61  }
0x845: {  	v18 =	vadd.s32 $0x4E30, v56;
	[tilespmem:v3+s3+$0x0] =	vst.idx.add.f32.msk $0xffff, v63  }
0x846: {  	v3 =	vadd.s32 $0x7548, v56;
	v1 =	vld.idx.msk [tilespmem:v1+s16+$0x0], $0xffff  }
0x847: {  	v44 =	vld [tilespmem:s22+$0x20];
	v51 =	vunpack.i.l.bf16.f32 v46;
	v19 =	vadd.s32 $0x4E30, v2  }
0x848: {  	[tilespmem:v47+s3+$0x0] =	vst.idx.add.f32.msk $0xffff, v51  }
0x849: {  	v51 =	vld [tilespmem:s22+$0xA0];
	v2 =	vadd.s32 $0x7548, v2;
	v21 =	vunpack.i.l.bf16.f32 v60  }
0x84a: {  	v5 =	vunpack.i.u.bf16.f32 v60;
	[tilespmem:v18+s3+$0x0] =	vst.idx.add.f32.msk $0xffff, v21  }
0x84b: {  	[tilespmem:v3+s3+$0x0] =	vst.idx.add.f32.msk $0xffff, v5;
	v3 =	vunpack.i.l.bf16.f32 v1  }
0x84c: {  	[tilespmem:v19+s3+$0x0] =	vst.idx.add.f32.msk $0xffff, v3;
	v3 =	vand.u32 $0xFFFF, v20  }
0x84d: {  	v25 =	vadd.s32 $0x2718, v24;
	v49 =	vld [tilespmem:s22+$0x30];
	v1 =	vunpack.i.u.bf16.f32 v1  }
0x84e: {  	[tilespmem:v2+s3+$0x0] =	vst.idx.add.f32.msk $0xffff, v1;
	v1 =	vadd.s32 $0x2718, v16;
	v2 =	vunpack.i.l.bf16.f32 v22  }
0x84f: {  	v4 =	vunpack.i.u.bf16.f32 v4;
	[tilespmem:v24+s3+$0x0] =	vst.idx.add.f32.msk $0xffff, v2;
	v2 =	vshrl.u32 v17, $0x10  }
0x850: {  	[tilespmem:v62+s3+$0x0] =	vst.idx.add.f32.msk $0xffff, v4;
	v27 =	vadd.s32 $0x2718, v2  }
0x851: {  	v8 =	vunpack.i.u.bf16.f32 v22;
	v28 =	vadd.s32 $0x2718, v23;
	v29 =	vld.idx.msk [tilespmem:v3+s16+$0x0], $0xffff  }
0x852: {  	v7 =	vshrl.u32 v20, $0x10;
	[tilespmem:v25+s3+$0x0] =	vst.idx.add.f32.msk $0xffff, v8  }
0x853: {  	v30 =	vunpack.i.l.bf16.f32 v26;
	v32 =	vadd.s32 $0x2718, v7;
	v1 =	vld.idx.msk [tilespmem:v1+s16+$0x0], $0xffff  }
0x854: {  	v6 =	vunpack.i.u.bf16.f32 v26;
	v3 =	vadd.s32 $0x2718, v3;
	[tilespmem:v2+s3+$0x0] =	vst.idx.add.f32.msk $0xffff, v30  }
0x855: {  	[tilespmem:v27+s3+$0x0] =	vst.idx.add.f32.msk $0xffff, v6  }
0x856: {  	v33 =	vadd.s32 $0x4E30, v24;
	v6 =	vld.idx.msk [tilespmem:v28+s16+$0x0], $0xffff;
	v34 =	vunpack.i.l.bf16.f32 v29  }
0x857: {  	v4 =	vadd.s32 $0x7548, v24;
	v35 =	vunpack.i.u.bf16.f32 v29;
	[tilespmem:v7+s3+$0x0] =	vst.idx.add.f32.msk $0xffff, v34  }
0x858: {  	v38 =	vadd.s32 $0x4E30, v2;
	[tilespmem:v32+s3+$0x0] =	vst.idx.add.f32.msk $0xffff, v35  }
0x859: {  	v2 =	vadd.s32 $0x7548, v2;
	v3 =	vld.idx.msk [tilespmem:v3+s16+$0x0], $0xffff  }
0x85a: {  	v40 =	vadd.s32 $0x4E30, v7;
	v63 =	vld [tilespmem:s22+$0x50];
	v39 =	vunpack.i.l.bf16.f32 v1  }
0x85b: {  	v48 =	vadd.s32 $0x2718, v47;
	v1 =	vunpack.i.u.bf16.f32 v1;
	[tilespmem:v33+s3+$0x0] =	vst.idx.add.f32.msk $0xffff, v39  }
0x85c: {  	v53 =	vand.u32 $0xFFFF, v49;
	[tilespmem:v4+s3+$0x0] =	vst.idx.add.f32.msk $0xffff, v1;
	v1 =	vunpack.i.l.bf16.f32 v6  }
0x85d: {  	v50 =	vand.u32 $0xFFFF, v44;
	v6 =	vunpack.i.u.bf16.f32 v6;
	[tilespmem:v38+s3+$0x0] =	vst.idx.add.f32.msk $0xffff, v1  }
0x85e: {  	v1 =	vshrl.u32 v31, $0x10;
	[tilespmem:v2+s3+$0x0] =	vst.idx.add.f32.msk $0xffff, v6;
	v2 =	vunpack.i.l.bf16.f32 v3  }
0x85f: {  	v52 =	vunpack.i.u.bf16.f32 v46;
	[tilespmem:v40+s3+$0x0] =	vst.idx.add.f32.msk $0xffff, v2;
	v2 =	vadd.s32 $0x2718, v1  }
0x860: {  	v43 =	vadd.s32 $0x2718, v36;
	[tilespmem:v48+s3+$0x0] =	vst.idx.add.f32.msk $0xffff, v52  }
0x861: {  	v57 =	vld.idx.msk [tilespmem:v53+s16+$0x0], $0xffff;
	v7 =	vadd.s32 $0x7548, v7  }
0x862: {  	v45 =	vunpack.i.l.bf16.f32 v41;
	v61 =	vshrl.u32 v49, $0x10;
	v56 =	vld.idx.msk [tilespmem:v50+s16+$0x0], $0xffff  }
0x863: {  	v19 =	vand.u32 $0xFFFF, v63;
	v4 =	vunpack.i.u.bf16.f32 v41;
	[tilespmem:v1+s3+$0x0] =	vst.idx.add.f32.msk $0xffff, v45  }
0x864: {  	[tilespmem:v2+s3+$0x0] =	vst.idx.add.f32.msk $0xffff, v4  }
0x865: {  	v17 =	vand.u32 $0xFFFF, v59;
	v3 =	vunpack.i.u.bf16.f32 v3;
	v4 =	vld.idx.msk [tilespmem:v43+s16+$0x0], $0xffff  }
0x866: {  	v16 =	vunpack.i.l.bf16.f32 v57;
	[tilespmem:v7+s3+$0x0] =	vst.idx.add.f32.msk $0xffff, v3;
	v3 =	vadd.s32 $0x4E30, v1  }
0x867: {  	[tilespmem:v61+s3+$0x0] =	vst.idx.add.f32.msk $0xffff, v16;
	v1 =	vadd.s32 $0x7548, v1  }
0x868: {  	v24 =	vld.idx.msk [tilespmem:v19+s16+$0x0], $0xffff  }
0x869: {  	v25 =	vld [tilespmem:s22+$0x60]  }
0x86a: {  	v21 =	vld.idx.msk [tilespmem:v17+s16+$0x0], $0xffff;
	v2 =	vadd.s32 $0x2718, v42;
	v54 =	vunpack.i.l.bf16.f32 v4  }
0x86b: {  	v4 =	vunpack.i.u.bf16.f32 v4;
	[tilespmem:v3+s3+$0x0] =	vst.idx.add.f32.msk $0xffff, v54;
	v3 =	vshrl.u32 v44, $0x10  }
0x86c: {  	[tilespmem:v1+s3+$0x0] =	vst.idx.add.f32.msk $0xffff, v4;
	v1 =	vadd.s32 $0x2718, v3  }
0x86d: {  	v5 =	vadd.s32 $0x2718, v50;
	v27 =	vunpack.i.l.bf16.f32 v24;
	v29 =	vunpack.i.u.bf16.f32 v24;
	v24 =	vld [tilespmem:s22+$0xD0]  }
0x86e: {  	v34 =	vld [tilespmem:s22+$0x80]  }
0x86f: {  	v62 =	vadd.s32 $0x2718, v61;
	v60 =	vunpack.i.l.bf16.f32 v56;
	v2 =	vld.idx.msk [tilespmem:v2+s16+$0x0], $0xffff  }
0x870: {  	v11 =	vunpack.i.u.bf16.f32 v56;
	v7 =	vadd.s32 $0x2718, v53;
	[tilespmem:v3+s3+$0x0] =	vst.idx.add.f32.msk $0xffff, v60  }
0x871: {  	v55 =	vadd.s32 $0x4E30, v47;
	[tilespmem:v1+s3+$0x0] =	vst.idx.add.f32.msk $0xffff, v11  }
0x872: {  	v9 =	vadd.s32 $0x7548, v47;
	v1 =	vld.idx.msk [tilespmem:v5+s16+$0x0], $0xffff  }
0x873: {  	v31 =	vld [tilespmem:s22+$0x70];
	v18 =	vadd.s32 $0x4E30, v3;
	v4 =	vunpack.i.u.bf16.f32 v57  }
0x874: {  	[tilespmem:v62+s3+$0x0] =	vst.idx.add.f32.msk $0xffff, v4;
	v3 =	vadd.s32 $0x7548, v3  }
0x875: {  	v58 =	vunpack.i.l.bf16.f32 v2;
	v4 =	vld.idx.msk [tilespmem:v7+s16+$0x0], $0xffff  }
0x876: {  	v30 =	vand.u32 $0xFFFF, v25;
	v2 =	vunpack.i.u.bf16.f32 v2;
	[tilespmem:v55+s3+$0x0] =	vst.idx.add.f32.msk $0xffff, v58  }
0x877: {  	[tilespmem:v9+s3+$0x0] =	vst.idx.add.f32.msk $0xffff, v2;
	v2 =	vadd.s32 $0x4E30, v61;
	v20 =	vunpack.i.l.bf16.f32 v1  }
0x878: {  	v22 =	vshrl.u32 v59, $0x10;
	v1 =	vunpack.i.u.bf16.f32 v1;
	[tilespmem:v18+s3+$0x0] =	vst.idx.add.f32.msk $0xffff, v20  }
0x879: {  	[tilespmem:v3+s3+$0x0] =	vst.idx.add.f32.msk $0xffff, v1;
	v1 =	vadd.s32 $0x2718, v22  }
0x87a: {  	v37 =	vand.u32 $0xFFFF, v31;
	v45 =	vld [tilespmem:s22+$0x90]  }
0x87b: {  	v23 =	vadd.s32 $0x2718, v17;
	v36 =	vld.idx.msk [tilespmem:v30+s16+$0x0], $0xffff;
	v3 =	vunpack.i.l.bf16.f32 v4  }
0x87c: {  	[tilespmem:v2+s3+$0x0] =	vst.idx.add.f32.msk $0xffff, v3;
	v2 =	vshrl.u32 v63, $0x10;
	v3 =	vunpack.i.l.bf16.f32 v21  }
0x87d: {  	v7 =	vunpack.i.u.bf16.f32 v21;
	[tilespmem:v22+s3+$0x0] =	vst.idx.add.f32.msk $0xffff, v3;
	v3 =	vadd.s32 $0x2718, v2  }
0x87e: {  	[tilespmem:v1+s3+$0x0] =	vst.idx.add.f32.msk $0xffff, v7;
	v1 =	vadd.s32 $0x2718, v19  }
0x87f: {  	v40 =	vld.idx.msk [tilespmem:v37+s16+$0x0], $0xffff;
	v50 =	vand.u32 $0xFFFF, v45  }
0x880: {  	v26 =	vld.idx.msk [tilespmem:v23+s16+$0x0], $0xffff  }
0x881: {  	v56 =	vand.u32 $0xFFFF, v51;
	[tilespmem:v2+s3+$0x0] =	vst.idx.add.f32.msk $0xffff, v27  }
0x882: {  	v32 =	vadd.s32 $0x4E30, v22;
	[tilespmem:v3+s3+$0x0] =	vst.idx.add.f32.msk $0xffff, v29  }
0x883: {  	v3 =	vadd.s32 $0x7548, v22;
	v1 =	vld.idx.msk [tilespmem:v1+s16+$0x0], $0xffff  }
0x884: {  	v55 =	vld.idx.msk [tilespmem:v50+s16+$0x0], $0xffff;
	v33 =	vadd.s32 $0x4E30, v2  }
0x885: {  	v58 =	vld [tilespmem:s22+$0xB0]  }
0x886: {  	v60 =	vld.idx.msk [tilespmem:v56+s16+$0x0], $0xffff;
	v2 =	vadd.s32 $0x7548, v2;
	v35 =	vunpack.i.l.bf16.f32 v26  }
0x887: {  	v38 =	vshrl.u32 v25, $0x10;
	v5 =	vunpack.i.u.bf16.f32 v26;
	[tilespmem:v32+s3+$0x0] =	vst.idx.add.f32.msk $0xffff, v35  }
0x888: {  	v28 =	vadd.s32 $0x7548, v61;
	[tilespmem:v3+s3+$0x0] =	vst.idx.add.f32.msk $0xffff, v5;
	v3 =	vunpack.i.l.bf16.f32 v1  }
0x889: {  	[tilespmem:v33+s3+$0x0] =	vst.idx.add.f32.msk $0xffff, v3;
	v3 =	vand.u32 $0xFFFF, v34  }
0x88a: {  	v39 =	vadd.s32 $0x2718, v38;
	v63 =	vld [tilespmem:s22+$0xC0];
	v1 =	vunpack.i.u.bf16.f32 v1  }
0x88b: {  	[tilespmem:v2+s3+$0x0] =	vst.idx.add.f32.msk $0xffff, v1;
	v1 =	vadd.s32 $0x2718, v30;
	v2 =	vunpack.i.l.bf16.f32 v36  }
0x88c: {  	v4 =	vunpack.i.u.bf16.f32 v4;
	[tilespmem:v38+s3+$0x0] =	vst.idx.add.f32.msk $0xffff, v2;
	v2 =	vshrl.u32 v31, $0x10  }
0x88d: {  	[tilespmem:v28+s3+$0x0] =	vst.idx.add.f32.msk $0xffff, v4;
	v41 =	vadd.s32 $0x2718, v2  }
0x88e: {  	v8 =	vunpack.i.u.bf16.f32 v36;
	v42 =	vadd.s32 $0x2718, v37;
	v43 =	vld.idx.msk [tilespmem:v3+s16+$0x0], $0xffff  }
0x88f: {  	v7 =	vshrl.u32 v34, $0x10;
	[tilespmem:v39+s3+$0x0] =	vst.idx.add.f32.msk $0xffff, v8  }
0x890: {  	v44 =	vunpack.i.l.bf16.f32 v40;
	v46 =	vadd.s32 $0x2718, v7;
	v1 =	vld.idx.msk [tilespmem:v1+s16+$0x0], $0xffff  }
0x891: {  	v6 =	vunpack.i.u.bf16.f32 v40;
	v3 =	vadd.s32 $0x2718, v3;
	[tilespmem:v2+s3+$0x0] =	vst.idx.add.f32.msk $0xffff, v44  }
0x892: {  	v61 =	vshrl.u32 v51, $0x10;
	[tilespmem:v41+s3+$0x0] =	vst.idx.add.f32.msk $0xffff, v6  }
0x893: {  	v47 =	vadd.s32 $0x4E30, v38;
	v6 =	vld.idx.msk [tilespmem:v42+s16+$0x0], $0xffff;
	v48 =	vunpack.i.l.bf16.f32 v43  }
0x894: {  	v4 =	vadd.s32 $0x7548, v38;
	v49 =	vunpack.i.u.bf16.f32 v43;
	[tilespmem:v7+s3+$0x0] =	vst.idx.add.f32.msk $0xffff, v48  }
0x895: {  	v52 =	vadd.s32 $0x4E30, v2;
	[tilespmem:v46+s3+$0x0] =	vst.idx.add.f32.msk $0xffff, v49  }
0x896: {  	v16 =	vunpack.i.l.bf16.f32 v60;
	v2 =	vadd.s32 $0x7548, v2;
	v3 =	vld.idx.msk [tilespmem:v3+s16+$0x0], $0xffff  }
0x897: {  	[tilespmem:v61+s3+$0x0] =	vst.idx.add.f32.msk $0xffff, v16;
	v54 =	vadd.s32 $0x4E30, v7;
	v53 =	vunpack.i.l.bf16.f32 v1  }
0x898: {  	v1 =	vunpack.i.u.bf16.f32 v1;
	[tilespmem:v47+s3+$0x0] =	vst.idx.add.f32.msk $0xffff, v53  }
0x899: {  	[tilespmem:v4+s3+$0x0] =	vst.idx.add.f32.msk $0xffff, v1;
	v1 =	vunpack.i.l.bf16.f32 v6  }
0x89a: {  	v18 =	vand.u32 $0xFFFF, v63;
	v6 =	vunpack.i.u.bf16.f32 v6;
	[tilespmem:v52+s3+$0x0] =	vst.idx.add.f32.msk $0xffff, v1  }
0x89b: {  	v1 =	vshrl.u32 v45, $0x10;
	[tilespmem:v2+s3+$0x0] =	vst.idx.add.f32.msk $0xffff, v6;
	v2 =	vunpack.i.l.bf16.f32 v3  }
0x89c: {  	[tilespmem:v54+s3+$0x0] =	vst.idx.add.f32.msk $0xffff, v2;
	v2 =	vadd.s32 $0x2718, v1  }
0x89d: {  	v57 =	vadd.s32 $0x2718, v50;
	v28 =	vld [tilespmem:s22+$0xE0]  }
0x89e: {  	v16 =	vld [tilespmem:s22+$0x130];
	v7 =	vadd.s32 $0x7548, v7  }
0x89f: {  	v62 =	vadd.s32 $0x2718, v61;
	v59 =	vunpack.i.l.bf16.f32 v55;
	v22 =	vld.idx.msk [tilespmem:v18+s16+$0x0], $0xffff  }
0x8a0: {  	v15 =	vand.u32 $0xFFFF, v58;
	v4 =	vunpack.i.u.bf16.f32 v55;
	[tilespmem:v1+s3+$0x0] =	vst.idx.add.f32.msk $0xffff, v59  }
0x8a1: {  	v26 =	vshrl.u32 v63, $0x10;
	[tilespmem:v2+s3+$0x0] =	vst.idx.add.f32.msk $0xffff, v4  }
0x8a2: {  	v32 =	vand.u32 $0xFFFF, v28;
	v3 =	vunpack.i.u.bf16.f32 v3;
	v4 =	vld.idx.msk [tilespmem:v57+s16+$0x0], $0xffff  }
0x8a3: {  	v17 =	vunpack.i.u.bf16.f32 v60;
	[tilespmem:v7+s3+$0x0] =	vst.idx.add.f32.msk $0xffff, v3;
	v3 =	vadd.s32 $0x4E30, v1  }
0x8a4: {  	[tilespmem:v62+s3+$0x0] =	vst.idx.add.f32.msk $0xffff, v17;
	v1 =	vadd.s32 $0x7548, v1  }
0x8a5: {  	v21 =	vld.idx.msk [tilespmem:v15+s16+$0x0], $0xffff;
	v29 =	vunpack.i.l.bf16.f32 v22  }
0x8a6: {  	v30 =	vand.u32 $0xFFFF, v24;
	[tilespmem:v26+s3+$0x0] =	vst.idx.add.f32.msk $0xffff, v29  }
0x8a7: {  	v37 =	vld.idx.msk [tilespmem:v32+s16+$0x0], $0xffff;
	v2 =	vadd.s32 $0x2718, v56;
	v19 =	vunpack.i.l.bf16.f32 v4  }
0x8a8: {  	v4 =	vunpack.i.u.bf16.f32 v4;
	[tilespmem:v3+s3+$0x0] =	vst.idx.add.f32.msk $0xffff, v19;
	v3 =	vshrl.u32 v58, $0x10  }
0x8a9: {  	[tilespmem:v1+s3+$0x0] =	vst.idx.add.f32.msk $0xffff, v4;
	v1 =	vadd.s32 $0x2718, v3  }
0x8aa: {  	v5 =	vadd.s32 $0x2718, v15;
	v38 =	vld [tilespmem:s22+$0xF0]  }
0x8ab: {  	v34 =	vld.idx.msk [tilespmem:v30+s16+$0x0], $0xffff  }
0x8ac: {  	v25 =	vunpack.i.l.bf16.f32 v21;
	v27 =	vadd.s32 $0x2718, v26;
	v2 =	vld.idx.msk [tilespmem:v2+s16+$0x0], $0xffff  }
0x8ad: {  	v11 =	vunpack.i.u.bf16.f32 v21;
	v7 =	vadd.s32 $0x2718, v18;
	[tilespmem:v3+s3+$0x0] =	vst.idx.add.f32.msk $0xffff, v25  }
0x8ae: {  	v20 =	vadd.s32 $0x4E30, v61;
	[tilespmem:v1+s3+$0x0] =	vst.idx.add.f32.msk $0xffff, v11  }
0x8af: {  	v9 =	vadd.s32 $0x7548, v61;
	v1 =	vld.idx.msk [tilespmem:v5+s16+$0x0], $0xffff  }
0x8b0: {  	v44 =	vld [tilespmem:s22+$0x100];
	v31 =	vadd.s32 $0x4E30, v3;
	v4 =	vunpack.i.u.bf16.f32 v22  }
0x8b1: {  	[tilespmem:v27+s3+$0x0] =	vst.idx.add.f32.msk $0xffff, v4;
	v3 =	vadd.s32 $0x7548, v3  }
0x8b2: {  	v23 =	vunpack.i.l.bf16.f32 v2;
	v4 =	vld.idx.msk [tilespmem:v7+s16+$0x0], $0xffff  }
0x8b3: {  	v43 =	vand.u32 $0xFFFF, v38;
	v2 =	vunpack.i.u.bf16.f32 v2;
	[tilespmem:v20+s3+$0x0] =	vst.idx.add.f32.msk $0xffff, v23  }
0x8b4: {  	[tilespmem:v9+s3+$0x0] =	vst.idx.add.f32.msk $0xffff, v2;
	v2 =	vadd.s32 $0x4E30, v26;
	v33 =	vunpack.i.l.bf16.f32 v1  }
0x8b5: {  	v35 =	vshrl.u32 v24, $0x10;
	v1 =	vunpack.i.u.bf16.f32 v1;
	[tilespmem:v31+s3+$0x0] =	vst.idx.add.f32.msk $0xffff, v33  }
0x8b6: {  	[tilespmem:v3+s3+$0x0] =	vst.idx.add.f32.msk $0xffff, v1;
	v1 =	vadd.s32 $0x2718, v35  }
0x8b7: {  	v47 =	vld [tilespmem:s22+$0x110]  }
0x8b8: {  	v36 =	vadd.s32 $0x2718, v30;
	v49 =	vld.idx.msk [tilespmem:v43+s16+$0x0], $0xffff;
	v3 =	vunpack.i.l.bf16.f32 v4  }
0x8b9: {  	[tilespmem:v2+s3+$0x0] =	vst.idx.add.f32.msk $0xffff, v3;
	v2 =	vshrl.u32 v28, $0x10;
	v3 =	vunpack.i.l.bf16.f32 v34  }
0x8ba: {  	v7 =	vunpack.i.u.bf16.f32 v34;
	[tilespmem:v35+s3+$0x0] =	vst.idx.add.f32.msk $0xffff, v3;
	v3 =	vadd.s32 $0x2718, v2  }
0x8bb: {  	[tilespmem:v1+s3+$0x0] =	vst.idx.add.f32.msk $0xffff, v7;
	v1 =	vadd.s32 $0x2718, v32  }
0x8bc: {  	v50 =	vand.u32 $0xFFFF, v44;
	v58 =	vld [tilespmem:s22+$0x120]  }
0x8bd: {  	v40 =	vunpack.i.l.bf16.f32 v37;
	v39 =	vld.idx.msk [tilespmem:v36+s16+$0x0], $0xffff  }
0x8be: {  	v21 =	vand.u32 $0xFFFF, v16;
	v42 =	vunpack.i.u.bf16.f32 v37;
	[tilespmem:v2+s3+$0x0] =	vst.idx.add.f32.msk $0xffff, v40  }
0x8bf: {  	v45 =	vadd.s32 $0x4E30, v35;
	[tilespmem:v3+s3+$0x0] =	vst.idx.add.f32.msk $0xffff, v42  }
0x8c0: {  	v3 =	vadd.s32 $0x7548, v35;
	v1 =	vld.idx.msk [tilespmem:v1+s16+$0x0], $0xffff  }
0x8c1: {  	v53 =	vld.idx.msk [tilespmem:v50+s16+$0x0], $0xffff;
	v46 =	vadd.s32 $0x4E30, v2  }
0x8c2: {  	v23 =	vld [tilespmem:s22+$0x140];
	v63 =	vand.u32 $0xFFFF, v58  }
0x8c3: {  	v25 =	vld.idx.msk [tilespmem:v21+s16+$0x0], $0xffff;
	v2 =	vadd.s32 $0x7548, v2;
	v48 =	vunpack.i.l.bf16.f32 v39  }
0x8c4: {  	v51 =	vshrl.u32 v38, $0x10;
	v5 =	vunpack.i.u.bf16.f32 v39;
	[tilespmem:v45+s3+$0x0] =	vst.idx.add.f32.msk $0xffff, v48  }
0x8c5: {  	v41 =	vadd.s32 $0x7548, v26;
	[tilespmem:v3+s3+$0x0] =	vst.idx.add.f32.msk $0xffff, v5;
	v3 =	vunpack.i.l.bf16.f32 v1  }
0x8c6: {  	[tilespmem:v46+s3+$0x0] =	vst.idx.add.f32.msk $0xffff, v3;
	v3 =	vand.u32 $0xFFFF, v47  }
0x8c7: {  	v52 =	vadd.s32 $0x2718, v51;
	v20 =	vld.idx.msk [tilespmem:v63+s16+$0x0], $0xffff;
	v1 =	vunpack.i.u.bf16.f32 v1  }
0x8c8: {  	[tilespmem:v2+s3+$0x0] =	vst.idx.add.f32.msk $0xffff, v1;
	v1 =	vadd.s32 $0x2718, v43;
	v2 =	vunpack.i.l.bf16.f32 v49  }
0x8c9: {  	v4 =	vunpack.i.u.bf16.f32 v4;
	[tilespmem:v51+s3+$0x0] =	vst.idx.add.f32.msk $0xffff, v2;
	v2 =	vshrl.u32 v44, $0x10  }
0x8ca: {  	[tilespmem:v41+s3+$0x0] =	vst.idx.add.f32.msk $0xffff, v4;
	v54 =	vadd.s32 $0x2718, v2  }
0x8cb: {  	v55 =	vadd.s32 $0x2718, v50;
	v8 =	vunpack.i.u.bf16.f32 v49;
	v56 =	vld.idx.msk [tilespmem:v3+s16+$0x0], $0xffff  }
0x8cc: {  	v7 =	vshrl.u32 v47, $0x10;
	[tilespmem:v52+s3+$0x0] =	vst.idx.add.f32.msk $0xffff, v8  }
0x8cd: {  	v57 =	vunpack.i.l.bf16.f32 v53;
	v59 =	vadd.s32 $0x2718, v7;
	v1 =	vld.idx.msk [tilespmem:v1+s16+$0x0], $0xffff  }
0x8ce: {  	v6 =	vunpack.i.u.bf16.f32 v53;
	v3 =	vadd.s32 $0x2718, v3;
	[tilespmem:v2+s3+$0x0] =	vst.idx.add.f32.msk $0xffff, v57  }
0x8cf: {  	[tilespmem:v54+s3+$0x0] =	vst.idx.add.f32.msk $0xffff, v6  }
0x8d0: {  	v60 =	vadd.s32 $0x4E30, v51;
	v6 =	vld.idx.msk [tilespmem:v55+s16+$0x0], $0xffff;
	v61 =	vunpack.i.l.bf16.f32 v56  }
0x8d1: {  	v4 =	vadd.s32 $0x7548, v51;
	v62 =	vunpack.i.u.bf16.f32 v56;
	[tilespmem:v7+s3+$0x0] =	vst.idx.add.f32.msk $0xffff, v61  }
0x8d2: {  	v17 =	vadd.s32 $0x4E30, v2;
	[tilespmem:v59+s3+$0x0] =	vst.idx.add.f32.msk $0xffff, v62  }
0x8d3: {  	v2 =	vadd.s32 $0x7548, v2;
	v3 =	vld.idx.msk [tilespmem:v3+s16+$0x0], $0xffff  }
0x8d4: {  	v28 =	vld [tilespmem:s22+$0x150];
	v19 =	vadd.s32 $0x4E30, v7;
	v18 =	vunpack.i.l.bf16.f32 v1  }
0x8d5: {  	v1 =	vunpack.i.u.bf16.f32 v1;
	[tilespmem:v60+s3+$0x0] =	vst.idx.add.f32.msk $0xffff, v18  }
0x8d6: {  	[tilespmem:v4+s3+$0x0] =	vst.idx.add.f32.msk $0xffff, v1;
	v1 =	vunpack.i.l.bf16.f32 v6  }
0x8d7: {  	v26 =	vshrl.u32 v16, $0x10;
	v6 =	vunpack.i.u.bf16.f32 v6;
	[tilespmem:v17+s3+$0x0] =	vst.idx.add.f32.msk $0xffff, v1  }
0x8d8: {  	v1 =	vshrl.u32 v58, $0x10;
	[tilespmem:v2+s3+$0x0] =	vst.idx.add.f32.msk $0xffff, v6;
	v2 =	vunpack.i.l.bf16.f32 v3  }
0x8d9: {  	[tilespmem:v19+s3+$0x0] =	vst.idx.add.f32.msk $0xffff, v2;
	v2 =	vadd.s32 $0x2718, v1  }
0x8da: {  	v22 =	vadd.s32 $0x2718, v63  }
0x8db: {  	v38 =	vld [tilespmem:s22+$0x160];
	v30 =	vunpack.i.l.bf16.f32 v25;
	v7 =	vadd.s32 $0x7548, v7  }
0x8dc: {  	[tilespmem:v26+s3+$0x0] =	vst.idx.add.f32.msk $0xffff, v30;
	v24 =	vunpack.i.l.bf16.f32 v20;
	v32 =	vand.u32 $0xFFFF, v28  }
0x8dd: {  	v27 =	vadd.s32 $0x2718, v26;
	v4 =	vunpack.i.u.bf16.f32 v20;
	[tilespmem:v1+s3+$0x0] =	vst.idx.add.f32.msk $0xffff, v24  }
0x8de: {  	v29 =	vand.u32 $0xFFFF, v23;
	[tilespmem:v2+s3+$0x0] =	vst.idx.add.f32.msk $0xffff, v4  }
0x8df: {  	v3 =	vunpack.i.u.bf16.f32 v3;
	v4 =	vld.idx.msk [tilespmem:v22+s16+$0x0], $0xffff  }
0x8e0: {  	[tilespmem:v7+s3+$0x0] =	vst.idx.add.f32.msk $0xffff, v3;
	v3 =	vadd.s32 $0x4E30, v1  }
0x8e1: {  	v31 =	vunpack.i.u.bf16.f32 v25;
	v36 =	vld.idx.msk [tilespmem:v32+s16+$0x0], $0xffff;
	v1 =	vadd.s32 $0x7548, v1  }
0x8e2: {  	[tilespmem:v27+s3+$0x0] =	vst.idx.add.f32.msk $0xffff, v31;
	v40 =	vshrl.u32 v28, $0x10  }
0x8e3: {  	v35 =	vld.idx.msk [tilespmem:v29+s16+$0x0], $0xffff  }
0x8e4: {  	v42 =	vld [tilespmem:s22+$0x170];
	v2 =	vadd.s32 $0x2718, v21;
	v33 =	vunpack.i.l.bf16.f32 v4  }
0x8e5: {  	v4 =	vunpack.i.u.bf16.f32 v4;
	[tilespmem:v3+s3+$0x0] =	vst.idx.add.f32.msk $0xffff, v33;
	v3 =	vshrl.u32 v23, $0x10  }
0x8e6: {  	v43 =	vunpack.i.l.bf16.f32 v36;
	[tilespmem:v1+s3+$0x0] =	vst.idx.add.f32.msk $0xffff, v4;
	v1 =	vadd.s32 $0x2718, v3  }
0x8e7: {  	v5 =	vadd.s32 $0x2718, v29;
	[tilespmem:v40+s3+$0x0] =	vst.idx.add.f32.msk $0xffff, v43  }
0x8e8: {  	v44 =	vand.u32 $0xFFFF, v38;
	v52 =	vld [tilespmem:s22+$0x180]  }
0x8e9: {  	v41 =	vadd.s32 $0x2718, v40;
	v39 =	vunpack.i.l.bf16.f32 v35;
	v2 =	vld.idx.msk [tilespmem:v2+s16+$0x0], $0xffff  }
0x8ea: {  	v11 =	vunpack.i.u.bf16.f32 v35;
	v7 =	vadd.s32 $0x2718, v32;
	[tilespmem:v3+s3+$0x0] =	vst.idx.add.f32.msk $0xffff, v39  }
0x8eb: {  	v34 =	vadd.s32 $0x4E30, v26;
	[tilespmem:v1+s3+$0x0] =	vst.idx.add.f32.msk $0xffff, v11  }
0x8ec: {  	v9 =	vadd.s32 $0x7548, v26;
	v1 =	vld.idx.msk [tilespmem:v5+s16+$0x0], $0xffff  }
0x8ed: {  	v48 =	vld.idx.msk [tilespmem:v44+s16+$0x0], $0xffff;
	v45 =	vadd.s32 $0x4E30, v3;
	v4 =	vunpack.i.u.bf16.f32 v36  }
0x8ee: {  	[tilespmem:v41+s3+$0x0] =	vst.idx.add.f32.msk $0xffff, v4;
	v3 =	vadd.s32 $0x7548, v3  }
0x8ef: {  	v46 =	vand.u32 $0xFFFF, v42;
	v37 =	vunpack.i.l.bf16.f32 v2;
	v4 =	vld.idx.msk [tilespmem:v7+s16+$0x0], $0xffff  }
0x8f0: {  	v2 =	vunpack.i.u.bf16.f32 v2;
	[tilespmem:v34+s3+$0x0] =	vst.idx.add.f32.msk $0xffff, v37  }
0x8f1: {  	[tilespmem:v9+s3+$0x0] =	vst.idx.add.f32.msk $0xffff, v2;
	v2 =	vadd.s32 $0x4E30, v40;
	v47 =	vunpack.i.l.bf16.f32 v1  }
0x8f2: {  	v49 =	vshrl.u32 v38, $0x10;
	v1 =	vunpack.i.u.bf16.f32 v1;
	[tilespmem:v45+s3+$0x0] =	vst.idx.add.f32.msk $0xffff, v47  }
0x8f3: {  	[tilespmem:v3+s3+$0x0] =	vst.idx.add.f32.msk $0xffff, v1;
	v1 =	vadd.s32 $0x2718, v49  }
0x8f4: {  	v51 =	vld.idx.msk [tilespmem:v46+s16+$0x0], $0xffff  }
0x8f5: {  	v57 =	vld [tilespmem:s22+$0x190];
	v3 =	vunpack.i.l.bf16.f32 v4  }
0x8f6: {  	[tilespmem:v2+s3+$0x0] =	vst.idx.add.f32.msk $0xffff, v3;
	v2 =	vshrl.u32 v42, $0x10;
	v3 =	vunpack.i.l.bf16.f32 v48  }
0x8f7: {  	v7 =	vunpack.i.u.bf16.f32 v48;
	[tilespmem:v49+s3+$0x0] =	vst.idx.add.f32.msk $0xffff, v3;
	v3 =	vadd.s32 $0x2718, v2  }
0x8f8: {  	[tilespmem:v1+s3+$0x0] =	vst.idx.add.f32.msk $0xffff, v7;
	v1 =	vadd.s32 $0x2718, v46  }
0x8f9: {  	v28 =	vld [tilespmem:s22+$0x1C0];
	v53 =	vadd.s32 $0x7548, v40  }
0x8fa: {  	v54 =	vunpack.i.l.bf16.f32 v51;
	v56 =	vand.u32 $0xFFFF, v52;
	v60 =	vld [tilespmem:s22+$0x1A0]  }
0x8fb: {  	v50 =	vadd.s32 $0x2718, v44;
	v55 =	vunpack.i.u.bf16.f32 v51;
	[tilespmem:v2+s3+$0x0] =	vst.idx.add.f32.msk $0xffff, v54  }
0x8fc: {  	v63 =	vand.u32 $0xFFFF, v57;
	[tilespmem:v3+s3+$0x0] =	vst.idx.add.f32.msk $0xffff, v55  }
0x8fd: {  	v3 =	vunpack.i.u.bf16.f32 v4;
	v1 =	vld.idx.msk [tilespmem:v1+s16+$0x0], $0xffff  }
0x8fe: {  	[tilespmem:v53+s3+$0x0] =	vst.idx.add.f32.msk $0xffff, v3;
	v3 =	vadd.s32 $0x4E30, v2  }
0x8ff: {  	v62 =	vld.idx.msk [tilespmem:v56+s16+$0x0], $0xffff;
	v2 =	vadd.s32 $0x7548, v2  }
0x900: {  	v7 =	vld.idx.msk [tilespmem:v50+s16+$0x0], $0xffff  }
0x901: {  	v58 =	vadd.s32 $0x4E30, v49;
	v19 =	vld.idx.msk [tilespmem:v63+s16+$0x0], $0xffff  }
0x902: {  	v16 =	vshrl.u32 v52, $0x10;
	v24 =	vld [tilespmem:s22+$0x1B0];
	v17 =	vunpack.i.l.bf16.f32 v1  }
0x903: {  	v59 =	vadd.s32 $0x7548, v49;
	v1 =	vunpack.i.u.bf16.f32 v1;
	[tilespmem:v3+s3+$0x0] =	vst.idx.add.f32.msk $0xffff, v17  }
0x904: {  	[tilespmem:v2+s3+$0x0] =	vst.idx.add.f32.msk $0xffff, v1;
	v1 =	vand.u32 $0xFFFF, v60  }
0x905: {  	v18 =	vadd.s32 $0x2718, v16;
	v45 =	vld [tilespmem:s22+$0x1F0];
	v61 =	vunpack.i.l.bf16.f32 v7  }
0x906: {  	[tilespmem:v58+s3+$0x0] =	vst.idx.add.f32.msk $0xffff, v61;
	v3 =	vadd.s32 $0x2718, v56;
	v2 =	vunpack.i.l.bf16.f32 v62  }
0x907: {  	v7 =	vunpack.i.u.bf16.f32 v7;
	[tilespmem:v16+s3+$0x0] =	vst.idx.add.f32.msk $0xffff, v2;
	v2 =	vshrl.u32 v57, $0x10  }
0x908: {  	[tilespmem:v59+s3+$0x0] =	vst.idx.add.f32.msk $0xffff, v7;
	v20 =	vadd.s32 $0x2718, v2  }
0x909: {  	v8 =	vunpack.i.u.bf16.f32 v62;
	v21 =	vadd.s32 $0x2718, v63;
	v22 =	vld.idx.msk [tilespmem:v1+s16+$0x0], $0xffff  }
0x90a: {  	v5 =	vshrl.u32 v60, $0x10;
	[tilespmem:v18+s3+$0x0] =	vst.idx.add.f32.msk $0xffff, v8  }
0x90b: {  	v23 =	vunpack.i.l.bf16.f32 v19;
	v25 =	vadd.s32 $0x2718, v5;
	v3 =	vld.idx.msk [tilespmem:v3+s16+$0x0], $0xffff  }
0x90c: {  	v4 =	vunpack.i.u.bf16.f32 v19;
	v1 =	vadd.s32 $0x2718, v1;
	[tilespmem:v2+s3+$0x0] =	vst.idx.add.f32.msk $0xffff, v23  }
0x90d: {  	v26 =	vadd.s32 $0x4E30, v16;
	[tilespmem:v20+s3+$0x0] =	vst.idx.add.f32.msk $0xffff, v4  }
0x90e: {  	v6 =	vadd.s32 $0x7548, v16;
	v7 =	vld.idx.msk [tilespmem:v21+s16+$0x0], $0xffff;
	v27 =	vunpack.i.l.bf16.f32 v22  }
0x90f: {  	v29 =	vand.u32 $0xFFFF, v24;
	v9 =	vunpack.i.u.bf16.f32 v22;
	[tilespmem:v5+s3+$0x0] =	vst.idx.add.f32.msk $0xffff, v27  }
0x910: {  	v30 =	vadd.s32 $0x4E30, v2;
	[tilespmem:v25+s3+$0x0] =	vst.idx.add.f32.msk $0xffff, v9  }
0x911: {  	v2 =	vadd.s32 $0x7548, v2;
	v31 =	vunpack.i.l.bf16.f32 v3;
	v1 =	vld.idx.msk [tilespmem:v1+s16+$0x0], $0xffff  }
0x912: {  	v32 =	vadd.s32 $0x4E30, v5;
	v3 =	vunpack.i.u.bf16.f32 v3;
	[tilespmem:v26+s3+$0x0] =	vst.idx.add.f32.msk $0xffff, v31  }
0x913: {  	[tilespmem:v6+s3+$0x0] =	vst.idx.add.f32.msk $0xffff, v3;
	v3 =	vand.u32 $0xFFFF, v28  }
0x914: {  	v34 =	vld.idx.msk [tilespmem:v29+s16+$0x0], $0xffff;
	v33 =	vunpack.i.l.bf16.f32 v7  }
0x915: {  	v7 =	vunpack.i.u.bf16.f32 v7;
	[tilespmem:v30+s3+$0x0] =	vst.idx.add.f32.msk $0xffff, v33  }
0x916: {  	v35 =	vshrl.u32 v24, $0x10;
	[tilespmem:v2+s3+$0x0] =	vst.idx.add.f32.msk $0xffff, v7;
	v2 =	vunpack.i.l.bf16.f32 v1  }
0x917: {  	[tilespmem:v32+s3+$0x0] =	vst.idx.add.f32.msk $0xffff, v2;
	v2 =	vadd.s32 $0x2718, v35  }
0x918: {  	v48 =	vand.u32 $0xFFFF, v45;
	v37 =	vld.idx.msk [tilespmem:v3+s16+$0x0], $0xffff  }
0x919: {  	v40 =	vshrl.u32 v28, $0x10;
	v42 =	vld [tilespmem:s22+$0x1E0]  }
0x91a: {  	v36 =	vadd.s32 $0x2718, v29;
	v39 =	vld [tilespmem:s22+$0x1D0];
	v38 =	vunpack.i.l.bf16.f32 v34  }
0x91b: {  	v41 =	vadd.s32 $0x2718, v40;
	[tilespmem:v35+s3+$0x0] =	vst.idx.add.f32.msk $0xffff, v38;
	v9 =	vunpack.i.u.bf16.f32 v34  }
0x91c: {  	[tilespmem:v2+s3+$0x0] =	vst.idx.add.f32.msk $0xffff, v9;
	v2 =	vadd.s32 $0x2718, v3  }
0x91d: {  	v53 =	vld.idx.msk [tilespmem:v48+s16+$0x0], $0xffff;
	v43 =	vunpack.i.l.bf16.f32 v37;
	v3 =	vadd.s32 $0x7548, v5  }
0x91e: {  	v46 =	vand.u32 $0xFFFF, v42;
	[tilespmem:v40+s3+$0x0] =	vst.idx.add.f32.msk $0xffff, v43  }
0x91f: {  	v44 =	vand.u32 $0xFFFF, v39;
	v7 =	vunpack.i.u.bf16.f32 v37;
	v4 =	vld.idx.msk [tilespmem:v36+s16+$0x0], $0xffff  }
0x920: {  	v14 =	vadd.s32 $0x4E30, v35;
	[tilespmem:v41+s3+$0x0] =	vst.idx.add.f32.msk $0xffff, v7  }
0x921: {  	v1 =	vunpack.i.u.bf16.f32 v1;
	v2 =	vld.idx.msk [tilespmem:v2+s16+$0x0], $0xffff  }
0x922: {  	[tilespmem:v3+s3+$0x0] =	vst.idx.add.f32.msk $0xffff, v1;
	v1 =	vadd.s32 $0x4E30, v40  }
0x923: {  	v55 =	vshrl.u32 v45, $0x10;
	v49 =	vld.idx.msk [tilespmem:v46+s16+$0x0], $0xffff  }
0x924: {  	v47 =	vld.idx.msk [tilespmem:v44+s16+$0x0], $0xffff;
	v51 =	vshrl.u32 v42, $0x10;
	v3 =	vunpack.i.l.bf16.f32 v4  }
0x925: {  	[tilespmem:v14+s3+$0x0] =	vst.idx.add.f32.msk $0xffff, v3;
	v3 =	vshrl.u32 v39, $0x10  }
0x926: {  	v10 =	vadd.s32 $0x2718, v3;
	v50 =	vunpack.i.l.bf16.f32 v2  }
0x927: {  	v59 =	vunpack.i.l.bf16.f32 v53;
	[tilespmem:v1+s3+$0x0] =	vst.idx.add.f32.msk $0xffff, v50;
	v1 =	vadd.s32 $0x2718, v51  }
0x928: {  	[tilespmem:v55+s3+$0x0] =	vst.idx.add.f32.msk $0xffff, v59;
	v56 =	vunpack.i.l.bf16.f32 v49;
	v9 =	vadd.s32 $0x2718, v44  }
0x929: {  	v52 =	vunpack.i.l.bf16.f32 v47;
	v58 =	vadd.s32 $0x2718, v55;
	[tilespmem:v51+s3+$0x0] =	vst.idx.add.f32.msk $0xffff, v56  }
0x92a: {  	v54 =	vunpack.i.u.bf16.f32 v47;
	v5 =	vadd.s32 $0x2718, v46;
	[tilespmem:v3+s3+$0x0] =	vst.idx.add.f32.msk $0xffff, v52  }
0x92b: {  	v57 =	vunpack.i.u.bf16.f32 v49;
	v6 =	vadd.s32 $0x7548, v35;
	[tilespmem:v10+s3+$0x0] =	vst.idx.add.f32.msk $0xffff, v54  }
0x92c: {  	[tilespmem:v1+s3+$0x0] =	vst.idx.add.f32.msk $0xffff, v57;
	v1 =	vadd.s32 $0x2718, v48  }
0x92d: {  	v61 =	vunpack.i.u.bf16.f32 v53;
	v8 =	vadd.s32 $0x7548, v40;
	v9 =	vld.idx.msk [tilespmem:v9+s16+$0x0], $0xffff  }
0x92e: {  	[tilespmem:v58+s3+$0x0] =	vst.idx.add.f32.msk $0xffff, v61;
	v60 =	vadd.s32 $0x4E30, v3  }
0x92f: {  	v4 =	vunpack.i.u.bf16.f32 v4;
	v3 =	vadd.s32 $0x7548, v3;
	v5 =	vld.idx.msk [tilespmem:v5+s16+$0x0], $0xffff  }
0x930: {  	v62 =	vadd.s32 $0x4E30, v51;
	[tilespmem:v6+s3+$0x0] =	vst.idx.add.f32.msk $0xffff, v4  }
0x931: {  	v6 =	vadd.s32 $0x7548, v51;
	v2 =	vunpack.i.u.bf16.f32 v2;
	v1 =	vld.idx.msk [tilespmem:v1+s16+$0x0], $0xffff  }
0x932: {  	s21 =	sadd.s32 $0x40, s21;
	v63 =	vadd.s32 $0x4E30, v55;
	[tilespmem:v8+s3+$0x0] =	vst.idx.add.f32.msk $0xffff, v2;
	v2 =	vunpack.i.l.bf16.f32 v9  }
0x933: {  	p1 =	slt.u32 s21, $0x1C0;
	v7 =	vadd.s32 $0x7548, v55;
	[tilespmem:v60+s3+$0x0] =	vst.idx.add.f32.msk $0xffff, v2;
	v2 =	vunpack.i.u.bf16.f32 v9  }
.Ltmp13:
0x934: {  	[tilespmem:v3+s3+$0x0] =	vst.idx.add.f32.msk $0xffff, v2;
	v2 =	vunpack.i.l.bf16.f32 v5;
	(pc) =	sbr.rel @p1 .LBB2_27-.Ltmp13, $4  }
0x935: {  	[tilespmem:v62+s3+$0x0] =	vst.idx.add.f32.msk $0xffff, v2;
	v2 =	vunpack.i.u.bf16.f32 v5  }
0x936: {  	[tilespmem:v6+s3+$0x0] =	vst.idx.add.f32.msk $0xffff, v2;
	v2 =	vunpack.i.l.bf16.f32 v1  }
0x937: {  	v1 =	vunpack.i.u.bf16.f32 v1;
	[tilespmem:v63+s3+$0x0] =	vst.idx.add.f32.msk $0xffff, v2  }
0x938: {  	s22 =	sadd.s32 $0x400, s22;
	[tilespmem:v7+s3+$0x0] =	vst.idx.add.f32.msk $0xffff, v1  }
.Ltmp14:
0x939: {  	(pc) =	sbr.rel @p0 .LBB2_30-.Ltmp14, $1  }
0x93a: {  	_ =	sdelay $0x3  }
.Ltmp15:
0x93b: {  	(pc) =	sbr.rel .LBB2_24-.Ltmp15, $3  }
0x93c: {  	_ =	sdelay $0x1  }
0x93d: {  	s20 =	sadd.s32 s20, s8;
	s19 =	sadd.s32 $0x1, s19  }
0x93e: {  	[tilespmem:s14], [sflag:$0x2] =	stream.linear.gather [hbm4b:s20+s3], $0x2000, $0x38;
	[tilespmem:$0x1A080] =	vst v63  }
.LBB2_30:
0x93f: {  	s19 =	simm.s32 $0x0  }
0x940: {  	v1 =	vld [tilespmem:s19+$0x139F0]  }
0x941: {  	v2 =	vld [tilespmem:s19+$0x7638]  }
0x942: {  	v3 =	vld [tilespmem:s19+$0x13900]  }
0x943: {  	v4 =	vld [tilespmem:s19+$0x0]  }
0x944: {  	v5 =	vld [tilespmem:s19+$0x2718]  }
0x945: {  	v6 =	vld [tilespmem:s19+$0x4E30]  }
0x946: {  	v7 =	vld [tilespmem:s19+$0x7548]  }
0x947: {  	v8 =	vld [tilespmem:s19+$0x13910]  }
0x948: {  	v9 =	vld [tilespmem:s19+$0x10]  }
0x949: {  	v10 =	vld [tilespmem:s19+$0x2728]  }
0x94a: {  	v11 =	vld [tilespmem:s19+$0x4E40]  }
0x94b: {  	v12 =	vld [tilespmem:s19+$0x7558]  }
0x94c: {  	v13 =	vld [tilespmem:s19+$0x13920]  }
0x94d: {  	v14 =	vld [tilespmem:s19+$0x20]  }
0x94e: {  	v15 =	vld [tilespmem:s19+$0x2738]  }
0x94f: {  	v16 =	vld [tilespmem:s19+$0x4E50]  }
0x950: {  	v17 =	vld [tilespmem:s19+$0x7568]  }
0x951: {  	v18 =	vld [tilespmem:s19+$0x13930]  }
0x952: {  	v19 =	vld [tilespmem:s19+$0x30]  }
0x953: {  	v20 =	vld [tilespmem:s19+$0x2748];
	v2 =	vmul.f32 v2, v1  }
0x954: {  	v21 =	vld [tilespmem:s19+$0x4E60];
	v4 =	vmul.f32 v4, v3  }
0x955: {  	v22 =	vld [tilespmem:s19+$0x7578];
	[tilespmem:s19+$0x7638] =	vst v2;
	v2 =	vmul.f32 v5, v3  }
0x956: {  	v52 =	vld [tilespmem:s19+$0x4E80];
	[tilespmem:s19+$0x0] =	vst v4;
	v4 =	vmul.f32 v6, v3  }
0x957: {  	v53 =	vld [tilespmem:s19+$0x7598];
	[tilespmem:s19+$0x2718] =	vst v2;
	v2 =	vmul.f32 v7, v3  }
0x958: {  	v54 =	vld [tilespmem:s19+$0x13960];
	[tilespmem:s19+$0x4E30] =	vst v4;
	v4 =	vmul.f32 v9, v8  }
0x959: {  	v55 =	vld [tilespmem:s19+$0x60];
	[tilespmem:s19+$0x7548] =	vst v2;
	v2 =	vmul.f32 v10, v8  }
0x95a: {  	v56 =	vld [tilespmem:s19+$0x2778];
	[tilespmem:s19+$0x10] =	vst v4;
	v4 =	vmul.f32 v11, v8  }
0x95b: {  	v57 =	vld [tilespmem:s19+$0x4E90];
	[tilespmem:s19+$0x2728] =	vst v2;
	v2 =	vmul.f32 v12, v8  }
0x95c: {  	v58 =	vld [tilespmem:s19+$0x75A8];
	[tilespmem:s19+$0x4E40] =	vst v4;
	v4 =	vmul.f32 v14, v13  }
0x95d: {  	v5 =	vld [tilespmem:s19+$0x13940];
	[tilespmem:s19+$0x7558] =	vst v2;
	v2 =	vmul.f32 v15, v13  }
0x95e: {  	v6 =	vld [tilespmem:s19+$0x40];
	[tilespmem:s19+$0x20] =	vst v4;
	v4 =	vmul.f32 v16, v13  }
0x95f: {  	v3 =	vld [tilespmem:s19+$0x2758];
	[tilespmem:s19+$0x2738] =	vst v2;
	v2 =	vmul.f32 v17, v13  }
0x960: {  	v7 =	vld [tilespmem:s19+$0x4E70];
	[tilespmem:s19+$0x4E50] =	vst v4;
	v4 =	vmul.f32 v19, v18  }
0x961: {  	v9 =	vld [tilespmem:s19+$0x7588];
	[tilespmem:s19+$0x7568] =	vst v2;
	v2 =	vmul.f32 v20, v18  }
0x962: {  	v10 =	vld [tilespmem:s19+$0x13950];
	[tilespmem:s19+$0x30] =	vst v4;
	v4 =	vmul.f32 v21, v18  }
0x963: {  	v8 =	vld [tilespmem:s19+$0x50];
	[tilespmem:s19+$0x2748] =	vst v2;
	v2 =	vmul.f32 v22, v18  }
0x964: {  	v11 =	vld [tilespmem:s19+$0x2768];
	[tilespmem:s19+$0x4E60] =	vst v4;
	v4 =	vmul.f32 v6, v5  }
0x965: {  	v6 =	vld [tilespmem:s19+$0x13970];
	[tilespmem:s19+$0x7578] =	vst v2;
	v2 =	vmul.f32 v3, v5  }
0x966: {  	v3 =	vld [tilespmem:s19+$0x70];
	[tilespmem:s19+$0x40] =	vst v4;
	v4 =	vmul.f32 v7, v5  }
0x967: {  	v59 =	vld [tilespmem:s19+$0x4EB0];
	[tilespmem:s19+$0x2758] =	vst v2;
	v2 =	vmul.f32 v9, v5  }
0x968: {  	v60 =	vld [tilespmem:s19+$0x75C8];
	[tilespmem:s19+$0x4E70] =	vst v4;
	v4 =	vmul.f32 v8, v10  }
0x969: {  	v61 =	vld [tilespmem:s19+$0x13990];
	[tilespmem:s19+$0x7588] =	vst v2;
	v2 =	vmul.f32 v11, v10  }
0x96a: {  	v5 =	vld [tilespmem:s19+$0x4EA0];
	[tilespmem:s19+$0x50] =	vst v4;
	v4 =	vmul.f32 v52, v10  }
0x96b: {  	v62 =	vld [tilespmem:s19+$0x90];
	v3 =	vmul.f32 v3, v6;
	[tilespmem:s19+$0x2768] =	vst v2  }
0x96c: {  	v7 =	vld [tilespmem:s19+$0x2788];
	v2 =	vmul.f32 v53, v10;
	[tilespmem:s19+$0x4E80] =	vst v4  }
0x96d: {  	v9 =	vld [tilespmem:s19+$0x13980];
	v4 =	vmul.f32 v55, v54;
	[tilespmem:s19+$0x70] =	vst v3  }
0x96e: {  	v11 =	vld [tilespmem:s19+$0x80];
	[tilespmem:s19+$0x7598] =	vst v2;
	v2 =	vmul.f32 v56, v54  }
0x96f: {  	v8 =	vld [tilespmem:s19+$0x75B8];
	v3 =	vmul.f32 v5, v6;
	[tilespmem:s19+$0x60] =	vst v4  }
0x970: {  	v63 =	vld [tilespmem:s19+$0x139B0];
	[tilespmem:s19+$0x2778] =	vst v2;
	v2 =	vmul.f32 v58, v54  }
0x971: {  	v10 =	vld [tilespmem:s19+$0x2798];
	v4 =	vmul.f32 v57, v54;
	[tilespmem:s19+$0x4EA0] =	vst v3  }
0x972: {  	v5 =	vld [tilespmem:s19+$0x75D8];
	[tilespmem:s19+$0x75A8] =	vst v2;
	v2 =	vmul.f32 v7, v6  }
0x973: {  	v3 =	vmul.f32 v11, v9;
	[tilespmem:s19+$0x4E90] =	vst v4;
	v4 =	vld [tilespmem:s19+$0x27A8]  }
0x974: {  	v7 =	vld [tilespmem:s19+$0x4EC0];
	[tilespmem:s19+$0x2788] =	vst v2;
	v2 =	vmul.f32 v8, v6  }
0x975: {  	[tilespmem:s19+$0x80] =	vst v3;
	v3 =	vmul.f32 v59, v9;
	v6 =	vld [tilespmem:s19+$0x139A0]  }
0x976: {  	v8 =	vld [tilespmem:s19+$0xA0];
	[tilespmem:s19+$0x75B8] =	vst v2;
	v2 =	vmul.f32 v10, v9  }
0x977: {  	v11 =	vld [tilespmem:s19+$0x4ED0];
	[tilespmem:s19+$0x4EB0] =	vst v3;
	v3 =	vmul.f32 v62, v61  }
0x978: {  	v10 =	vld [tilespmem:s19+$0x27B8];
	[tilespmem:s19+$0x2798] =	vst v2;
	v2 =	vmul.f32 v60, v9  }
0x979: {  	[tilespmem:s19+$0x90] =	vst v3;
	v3 =	vmul.f32 v7, v61;
	v7 =	vld [tilespmem:s19+$0x27C8]  }
0x97a: {  	[tilespmem:s19+$0x75C8] =	vst v2;
	v2 =	vmul.f32 v4, v61;
	v4 =	vld [tilespmem:s19+$0xB0]  }
0x97b: {  	v9 =	vld [tilespmem:s19+$0x75E8];
	[tilespmem:s19+$0x4EC0] =	vst v3;
	v3 =	vmul.f32 v8, v6  }
0x97c: {  	v8 =	vld [tilespmem:s19+$0x75F8];
	[tilespmem:s19+$0x27A8] =	vst v2;
	v2 =	vmul.f32 v5, v61  }
0x97d: {  	[tilespmem:s19+$0xA0] =	vst v3;
	v3 =	vmul.f32 v11, v6;
	v5 =	vld [tilespmem:s19+$0x4EE0]  }
0x97e: {  	v11 =	vld [tilespmem:s19+$0xC0];
	[tilespmem:s19+$0x75D8] =	vst v2;
	v2 =	vmul.f32 v10, v6  }
0x97f: {  	[tilespmem:s19+$0x4ED0] =	vst v3;
	v10 =	vld [tilespmem:s19+$0x139C0];
	v3 =	vmul.f32 v4, v63  }
0x980: {  	v4 =	vld [tilespmem:s19+$0x4EF0];
	[tilespmem:s19+$0x27B8] =	vst v2;
	v2 =	vmul.f32 v9, v6  }
0x981: {  	v6 =	vld [tilespmem:s19+$0x27D8];
	[tilespmem:s19+$0xB0] =	vst v3  }
0x982: {  	v3 =	vmul.f32 v5, v63;
	v5 =	vld [tilespmem:s19+$0x139D0];
	[tilespmem:s19+$0x75E8] =	vst v2;
	v2 =	vmul.f32 v7, v63  }
0x983: {  	v7 =	vld [tilespmem:s19+$0x7608]  }
0x984: {  	[tilespmem:s19+$0x27C8] =	vst v2;
	v2 =	vmul.f32 v8, v63;
	v8 =	vld [tilespmem:s19+$0xD0]  }
0x985: {  	v9 =	vld [tilespmem:s19+$0x27E8];
	[tilespmem:s19+$0x4EE0] =	vst v3;
	v3 =	vmul.f32 v11, v10  }
0x986: {  	[tilespmem:s19+$0x75F8] =	vst v2;
	v2 =	vmul.f32 v6, v10;
	v6 =	vld [tilespmem:s19+$0x4F00]  }
0x987: {  	v11 =	vld [tilespmem:s19+$0x7618];
	[tilespmem:s19+$0xC0] =	vst v3;
	v3 =	vmul.f32 v4, v10  }
0x988: {  	v4 =	vmul.f32 v7, v10;
	[tilespmem:s19+$0x27D8] =	vst v2;
	v2 =	vld [tilespmem:s19+$0x139E0]  }
0x989: {  	[tilespmem:s19+$0x4EF0] =	vst v3;
	v3 =	vmul.f32 v8, v5;
	v8 =	vld [tilespmem:s19+$0xE0]  }
0x98a: {  	v9 =	vmul.f32 v9, v5;
	v7 =	vld [tilespmem:s19+$0x27F8];
	[tilespmem:s19+$0x7608] =	vst v4  }
0x98b: {  	v4 =	vld [tilespmem:s19+$0x4F10];
	[tilespmem:s19+$0xD0] =	vst v3;
	v3 =	vmul.f32 v6, v5  }
0x98c: {  	[tilespmem:s19+$0x27E8] =	vst v9;
	v6 =	vmul.f32 v11, v5;
	v5 =	vld [tilespmem:s19+$0x7628]  }
0x98d: {  	[tilespmem:s19+$0x4F00] =	vst v3;
	v3 =	vld [tilespmem:s19+$0xF0]  }
0x98e: {  	s20 =	simm.s32 $0x0;
	s21 =	simm.s32 $0x400;
	[tilespmem:s19+$0x7618] =	vst v6;
	v6 =	vld [tilespmem:s19+$0x2808];
	v8 =	vmul.f32 v8, v2  }
.LBB2_31:
0x98f: {  	s22 =	sshra.s32 s21, $0x2;
	v7 =	vmul.f32 v7, v2;
	v9 =	vld [tilespmem:s19+$0x4F20]  }
0x990: {  	s20 =	sadd.s32 $0x10, s20;
	v10 =	vld [tilespmem:s22+$0x139F0];
	[tilespmem:s19+$0xE0] =	vst v8;
	v4 =	vmul.f32 v4, v2  }
0x991: {  	p0 =	slt.u32 s20, $0x260;
	v8 =	vld [tilespmem:s22+$0x7638];
	[tilespmem:s19+$0x27F8] =	vst v7;
	v2 =	vmul.f32 v5, v2  }
0x992: {  	v5 =	vld [tilespmem:s22+$0x13900];
	[tilespmem:s19+$0x4F10] =	vst v4;
	v3 =	vmul.f32 v3, v1  }
0x993: {  	v4 =	vld [tilespmem:s22+$0x0];
	[tilespmem:s19+$0x7628] =	vst v2;
	v2 =	vmul.f32 v6, v1  }
0x994: {  	v6 =	vld [tilespmem:s22+$0x2718];
	[tilespmem:s19+$0xF0] =	vst v3;
	v3 =	vmul.f32 v9, v1  }
0x995: {  	v7 =	vld [tilespmem:s22+$0x4E30];
	[tilespmem:s19+$0x2808] =	vst v2;
	v1 =	vmov v10  }
0x996: {  	v2 =	vld [tilespmem:s22+$0x7548];
	v8 =	vmul.f32 v8, v1;
	[tilespmem:s19+$0x4F20] =	vst v3;
	s19 =	smov.u32 s22  }
0x997: {  	v3 =	vld [tilespmem:s19+$0x13910]  }
0x998: {  	v4 =	vmul.f32 v4, v5;
	v9 =	vld [tilespmem:s19+$0x10];
	[tilespmem:s19+$0x7638] =	vst v8  }
0x999: {  	v6 =	vmul.f32 v6, v5;
	v8 =	vld [tilespmem:s19+$0x2728]  }
0x99a: {  	[tilespmem:s19+$0x0] =	vst v4;
	v4 =	vmul.f32 v7, v5;
	v7 =	vld [tilespmem:s19+$0x4E40]  }
0x99b: {  	[tilespmem:s19+$0x2718] =	vst v6;
	v2 =	vmul.f32 v2, v5;
	v5 =	vld [tilespmem:s19+$0x7558]  }
0x99c: {  	[tilespmem:s19+$0x4E30] =	vst v4;
	v4 =	vld [tilespmem:s19+$0x13920]  }
0x99d: {  	[tilespmem:s19+$0x7548] =	vst v2;
	v2 =	vmul.f32 v9, v3;
	v6 =	vld [tilespmem:s19+$0x20]  }
0x99e: {  	v8 =	vmul.f32 v8, v3;
	v9 =	vld [tilespmem:s19+$0x2738]  }
0x99f: {  	[tilespmem:s19+$0x10] =	vst v2;
	v2 =	vmul.f32 v7, v3;
	v7 =	vld [tilespmem:s19+$0x4E50]  }
0x9a0: {  	[tilespmem:s19+$0x2728] =	vst v8;
	v3 =	vmul.f32 v5, v3;
	v5 =	vld [tilespmem:s19+$0x7568]  }
0x9a1: {  	[tilespmem:s19+$0x4E40] =	vst v2;
	v2 =	vld [tilespmem:s19+$0x13930]  }
0x9a2: {  	[tilespmem:s19+$0x7558] =	vst v3;
	v3 =	vmul.f32 v6, v4;
	v6 =	vld [tilespmem:s19+$0x30]  }
0x9a3: {  	v8 =	vmul.f32 v9, v4;
	v9 =	vld [tilespmem:s19+$0x2748]  }
0x9a4: {  	[tilespmem:s19+$0x20] =	vst v3;
	v3 =	vmul.f32 v7, v4;
	v7 =	vld [tilespmem:s19+$0x4E60]  }
0x9a5: {  	[tilespmem:s19+$0x2738] =	vst v8;
	v4 =	vmul.f32 v5, v4;
	v5 =	vld [tilespmem:s19+$0x7578]  }
0x9a6: {  	[tilespmem:s19+$0x4E50] =	vst v3;
	v3 =	vld [tilespmem:s19+$0x13940]  }
0x9a7: {  	[tilespmem:s19+$0x7568] =	vst v4;
	v4 =	vmul.f32 v6, v2;
	v6 =	vld [tilespmem:s19+$0x40]  }
0x9a8: {  	v8 =	vmul.f32 v9, v2;
	v9 =	vld [tilespmem:s19+$0x2758]  }
0x9a9: {  	[tilespmem:s19+$0x30] =	vst v4;
	v4 =	vmul.f32 v7, v2;
	v7 =	vld [tilespmem:s19+$0x4E70]  }
0x9aa: {  	[tilespmem:s19+$0x2748] =	vst v8;
	v2 =	vmul.f32 v5, v2;
	v5 =	vld [tilespmem:s19+$0x7588]  }
0x9ab: {  	[tilespmem:s19+$0x4E60] =	vst v4;
	v4 =	vld [tilespmem:s19+$0x13950]  }
0x9ac: {  	[tilespmem:s19+$0x7578] =	vst v2;
	v2 =	vmul.f32 v6, v3;
	v6 =	vld [tilespmem:s19+$0x50]  }
0x9ad: {  	v8 =	vmul.f32 v9, v3;
	v9 =	vld [tilespmem:s19+$0x2768]  }
0x9ae: {  	[tilespmem:s19+$0x40] =	vst v2;
	v2 =	vmul.f32 v7, v3;
	v7 =	vld [tilespmem:s19+$0x4E80]  }
0x9af: {  	[tilespmem:s19+$0x2758] =	vst v8;
	v3 =	vmul.f32 v5, v3;
	v5 =	vld [tilespmem:s19+$0x7598]  }
0x9b0: {  	[tilespmem:s19+$0x4E70] =	vst v2;
	v2 =	vld [tilespmem:s19+$0x13960]  }
0x9b1: {  	[tilespmem:s19+$0x7588] =	vst v3;
	v3 =	vmul.f32 v6, v4;
	v6 =	vld [tilespmem:s19+$0x60]  }
0x9b2: {  	v8 =	vmul.f32 v9, v4;
	v9 =	vld [tilespmem:s19+$0x2778]  }
0x9b3: {  	[tilespmem:s19+$0x50] =	vst v3;
	v3 =	vmul.f32 v7, v4;
	v7 =	vld [tilespmem:s19+$0x4E90]  }
0x9b4: {  	[tilespmem:s19+$0x2768] =	vst v8;
	v4 =	vmul.f32 v5, v4;
	v5 =	vld [tilespmem:s19+$0x75A8]  }
0x9b5: {  	[tilespmem:s19+$0x4E80] =	vst v3;
	v3 =	vld [tilespmem:s19+$0x13970]  }
0x9b6: {  	[tilespmem:s19+$0x7598] =	vst v4;
	v4 =	vmul.f32 v6, v2;
	v6 =	vld [tilespmem:s19+$0x70]  }
0x9b7: {  	v8 =	vmul.f32 v9, v2;
	v9 =	vld [tilespmem:s19+$0x2788]  }
0x9b8: {  	[tilespmem:s19+$0x60] =	vst v4;
	v4 =	vmul.f32 v7, v2;
	v7 =	vld [tilespmem:s19+$0x4EA0]  }
0x9b9: {  	[tilespmem:s19+$0x2778] =	vst v8;
	v2 =	vmul.f32 v5, v2;
	v5 =	vld [tilespmem:s19+$0x75B8]  }
0x9ba: {  	[tilespmem:s19+$0x4E90] =	vst v4;
	v4 =	vld [tilespmem:s19+$0x13980]  }
0x9bb: {  	[tilespmem:s19+$0x75A8] =	vst v2;
	v2 =	vmul.f32 v6, v3;
	v6 =	vld [tilespmem:s19+$0x80]  }
0x9bc: {  	v8 =	vmul.f32 v9, v3;
	v9 =	vld [tilespmem:s19+$0x2798]  }
0x9bd: {  	[tilespmem:s19+$0x70] =	vst v2;
	v2 =	vmul.f32 v7, v3;
	v7 =	vld [tilespmem:s19+$0x4EB0]  }
0x9be: {  	[tilespmem:s19+$0x2788] =	vst v8;
	v3 =	vmul.f32 v5, v3;
	v5 =	vld [tilespmem:s19+$0x75C8]  }
0x9bf: {  	[tilespmem:s19+$0x4EA0] =	vst v2;
	v2 =	vld [tilespmem:s19+$0x13990]  }
0x9c0: {  	[tilespmem:s19+$0x75B8] =	vst v3;
	v3 =	vmul.f32 v6, v4;
	v6 =	vld [tilespmem:s19+$0x90]  }
0x9c1: {  	v8 =	vmul.f32 v9, v4;
	v9 =	vld [tilespmem:s19+$0x27A8]  }
0x9c2: {  	[tilespmem:s19+$0x80] =	vst v3;
	v3 =	vmul.f32 v7, v4;
	v7 =	vld [tilespmem:s19+$0x4EC0]  }
0x9c3: {  	[tilespmem:s19+$0x2798] =	vst v8;
	v4 =	vmul.f32 v5, v4;
	v5 =	vld [tilespmem:s19+$0x75D8]  }
0x9c4: {  	[tilespmem:s19+$0x4EB0] =	vst v3;
	v3 =	vld [tilespmem:s19+$0x139A0]  }
0x9c5: {  	[tilespmem:s19+$0x75C8] =	vst v4;
	v4 =	vmul.f32 v6, v2;
	v6 =	vld [tilespmem:s19+$0xA0]  }
0x9c6: {  	v8 =	vmul.f32 v9, v2;
	v9 =	vld [tilespmem:s19+$0x27B8]  }
0x9c7: {  	[tilespmem:s19+$0x90] =	vst v4;
	v4 =	vmul.f32 v7, v2;
	v7 =	vld [tilespmem:s19+$0x4ED0]  }
0x9c8: {  	[tilespmem:s19+$0x27A8] =	vst v8;
	v2 =	vmul.f32 v5, v2;
	v5 =	vld [tilespmem:s19+$0x75E8]  }
0x9c9: {  	[tilespmem:s19+$0x4EC0] =	vst v4;
	v4 =	vld [tilespmem:s19+$0x139B0]  }
0x9ca: {  	[tilespmem:s19+$0x75D8] =	vst v2;
	v2 =	vmul.f32 v6, v3;
	v6 =	vld [tilespmem:s19+$0xB0]  }
0x9cb: {  	v8 =	vmul.f32 v9, v3;
	v9 =	vld [tilespmem:s19+$0x27C8]  }
0x9cc: {  	[tilespmem:s19+$0xA0] =	vst v2;
	v2 =	vmul.f32 v7, v3;
	v7 =	vld [tilespmem:s19+$0x4EE0]  }
0x9cd: {  	[tilespmem:s19+$0x27B8] =	vst v8;
	v3 =	vmul.f32 v5, v3;
	v5 =	vld [tilespmem:s19+$0x75F8]  }
0x9ce: {  	[tilespmem:s19+$0x4ED0] =	vst v2;
	v2 =	vld [tilespmem:s19+$0x139C0]  }
0x9cf: {  	[tilespmem:s19+$0x75E8] =	vst v3;
	v3 =	vmul.f32 v6, v4;
	v6 =	vld [tilespmem:s19+$0xC0]  }
0x9d0: {  	v8 =	vmul.f32 v9, v4;
	v9 =	vld [tilespmem:s19+$0x27D8]  }
0x9d1: {  	[tilespmem:s19+$0xB0] =	vst v3;
	v3 =	vmul.f32 v7, v4;
	v7 =	vld [tilespmem:s19+$0x4EF0]  }
0x9d2: {  	[tilespmem:s19+$0x27C8] =	vst v8;
	v4 =	vmul.f32 v5, v4;
	v5 =	vld [tilespmem:s19+$0x7608]  }
0x9d3: {  	[tilespmem:s19+$0x4EE0] =	vst v3;
	v3 =	vld [tilespmem:s19+$0x139D0]  }
0x9d4: {  	[tilespmem:s19+$0x75F8] =	vst v4;
	v4 =	vmul.f32 v6, v2;
	v6 =	vld [tilespmem:s19+$0xD0]  }
0x9d5: {  	v8 =	vmul.f32 v9, v2;
	v9 =	vld [tilespmem:s19+$0x27E8]  }
0x9d6: {  	[tilespmem:s19+$0xC0] =	vst v4;
	v4 =	vmul.f32 v7, v2;
	v10 =	vld [tilespmem:s19+$0x4F00]  }
0x9d7: {  	[tilespmem:s19+$0x27D8] =	vst v8;
	v5 =	vmul.f32 v5, v2;
	v8 =	vld [tilespmem:s19+$0x7618]  }
0x9d8: {  	[tilespmem:s19+$0x4EF0] =	vst v4;
	v2 =	vld [tilespmem:s19+$0x139E0]  }
0x9d9: {  	[tilespmem:s19+$0x7608] =	vst v5;
	v4 =	vmul.f32 v6, v3;
	v6 =	vld [tilespmem:s19+$0xE0]  }
.Ltmp16:
0x9da: {  	v5 =	vmul.f32 v9, v3;
	v7 =	vld [tilespmem:s19+$0x27F8];
	(pc) =	sbr.rel @p0 .LBB2_31-.Ltmp16, $4  }
0x9db: {  	[tilespmem:s19+$0xD0] =	vst v4;
	v9 =	vmul.f32 v10, v3;
	v4 =	vld [tilespmem:s19+$0x4F10]  }
0x9dc: {  	[tilespmem:s19+$0x27E8] =	vst v5;
	v8 =	vmul.f32 v8, v3;
	v5 =	vld [tilespmem:s19+$0x7628]  }
0x9dd: {  	[tilespmem:s19+$0x4F00] =	vst v9;
	v3 =	vld [tilespmem:s19+$0xF0]  }
0x9de: {  	s21 =	sadd.s32 $0x400, s21;
	[tilespmem:s19+$0x7618] =	vst v8;
	v8 =	vmul.f32 v6, v2;
	v6 =	vld [tilespmem:s19+$0x2808]  }
0x9df: {  	v7 =	vmul.f32 v7, v2;
	v9 =	vld [tilespmem:s19+$0x4F20]  }
0x9e0: {  	[tilespmem:s19+$0xE0] =	vst v8;
	v4 =	vmul.f32 v4, v2  }
0x9e1: {  	[tilespmem:s19+$0x27F8] =	vst v7;
	v2 =	vmul.f32 v5, v2  }
0x9e2: {  	[tilespmem:s19+$0x4F10] =	vst v4;
	v3 =	vmul.f32 v3, v1  }
0x9e3: {  	[tilespmem:s19+$0x7628] =	vst v2;
	v2 =	vmul.f32 v6, v1  }
0x9e4: {  	[tilespmem:s19+$0xF0] =	vst v3;
	v1 =	vmul.f32 v9, v1  }
0x9e5: {  	[tilespmem:s19+$0x2808] =	vst v2  }
0x9e6: {  	[tilespmem:s19+$0x4F20] =	vst v1  }
0x9e7: {  	v1 =	vld [tilespmem:$0x16000]  }
0x9e8: {  	v2 =	vld [tilespmem:$0x2700]  }
0x9e9: {  	v3 =	vld [tilespmem:$0x4E18]  }
0x9ea: {  	v4 =	vld [tilespmem:$0x7530]  }
0x9eb: {  	v63 =	vld [tilespmem:$0x9C48];
	_ =	sdelay $0x1  }
0x9ec: {  	v2 =	vmul.f32 v2, v1  }
0x9ed: {  	v3 =	vmul.f32 v3, v1  }
0x9ee: {  	[tilespmem:$0x2700] =	vst v2;
	v2 =	vmul.f32 v4, v1  }
0x9ef: {  	s18 =	sadd.s32 $0x1, s18;
	[tilespmem:$0x4E18] =	vst v3;
	v1 =	vmul.f32 v63, v1  }
0x9f0: {  	p0 =	sne.s32 s18, s10;
	[tilespmem:$0x7530] =	vst v2  }
.Ltmp17:
0x9f1: {  	[tilespmem:$0x9C48] =	vst v1;
	(pc) =	sbr.rel @p0 .LBB2_1-.Ltmp17, $4  }
0x9f2: {  	[hbm4b:s9+s3] =	stream.linear.scatter [tilespmem:s3], [sflag:$0x3], $0x9C60, $0x38;
	[tilespmem:$0x1A080] =	vst v63  }
0x9f3: {  	_ =	swait.ge [sflag:s11], $0x9C60  }
0x9f4: {  	[sflag:s11] =	ssyncset.done $0x0  }
0x9f5: {  	[sflag:s11] =	ssyncadd.s32 $0xFFFF63A0  }
0x9f6: {  	_ =	sfence.sel $0x180000  }
0x9f7: {  	[bflag:$0x0] =	sbarrier.arrive $0xFFFF  }
0x9f8: {  	p0 =	sne.s32 s1, $0x0;
	_ =	strace $0x90000047  }
0x9f9: {  	s0 =	sadd.s32 @!p0 $0x100000, s0;
	[bflag:$0x2] =	sbarrier.arrive $0xFFFF  }
0x9fa: {  	[sflag:s0] =	ssyncadd.tile.s32 @!p0 $0x1;
	_ =	shalt  }
.Lfunc_end2:
_tile_overlayer_lowered:
.L_overlay_start_2:
0x9fb: {  	(tag) =	ssettag $0x2  }
0x9fc: {  	s0 =	rddreg [dreg:$0x0];
	s2 =	stileid.u32  }
0x9fd: {  	s1 =	rddreg [dreg:$0x1];
	p0 =	sne.s32 s2, $0x0  }
0x9fe: {  	s3 =	rddreg [dreg:$0x2];
	[bflag:$0x3] =	sbarrier.arrive $0xFFFF;
	s2 =	simm.s32 @!p0 $0x1C03  }
0x9ff: {  	[timem:s3], [sflag:s2] =	dma.local @!p0 [hbm:s0], s1  }
0xa00: {  	s0 =	simm.s32 @!p0 $0x3  }
0xa01: {  	_ =	swait.ge @!p0 [sflag:s0], s1  }
0xa02: {  	s1 =	ssub.s32 @!p0 $0x0, s1;
	[sflag:s0] =	ssyncset.done @!p0 $0x0  }
0xa03: {  	[sflag:s0] =	ssyncadd.s32 @!p0 s1  }
0xa04: {  	[bflag:$0x3] =	sbarrier.arrive $0xFFFF  }
0xa05: {  	_ =	shalt  }

</sc_bundles>
